<compile_context>
chip_gen: v7x
topology: tpu7x:2x2x1
jax: 0.10.2.dev20260603
libtpu: 0.0.44.dev20260713+nightly
codegen_flags: <defaults>
</compile_context>

<pallas_src>
import functools

import jax
import jax.numpy as jnp
from jax import lax
from jax.experimental import pallas as pl
from jax.experimental.pallas import tpu as pltpu
from jax.experimental.pallas import tpu_sc as plsc

_NC = 2
_NS = 16
_NW = _NC * _NS


def _silu(x):
    return x / (1.0 + jnp.exp(-x))


def _mlp_tail(h, w2, b2, g, be):
    y = jnp.dot(h, w2, preferred_element_type=jnp.float32) + b2
    mu = jnp.mean(y, axis=-1, keepdims=True)
    var = jnp.mean((y - mu) ** 2, axis=-1, keepdims=True)
    return (y - mu) * lax.rsqrt(var + 1e-5) * g + be


def _pre_body(grid_ref, mesh_ref, wg_ref, wm_ref, gc_ref, mc_ref):
    gc_ref[...] = jnp.dot(grid_ref[...], wg_ref[...],
                          preferred_element_type=jnp.float32)
    mc_ref[...] = jnp.dot(mesh_ref[...], wm_ref[...],
                          preferred_element_type=jnp.float32)


def _precompute(grid_feat, mesh_feat, w_grid, w_mesh):
    n_g, hid = grid_feat.shape
    n_m = mesh_feat.shape[0]
    return pl.pallas_call(
        _pre_body,
        out_shape=(
            jax.ShapeDtypeStruct((n_g, hid), jnp.float32),
            jax.ShapeDtypeStruct((n_m, hid), jnp.float32),
        ),
    )(grid_feat, mesh_feat, w_grid, w_mesh)


def _make_gather(e, hid, chunk):
    epw = e // _NW
    nch = epw // chunk
    quads = nch // 4
    tail = nch - 4 * quads
    mesh = plsc.VectorSubcoreMesh(core_axis_name="c", subcore_axis_name="s")
    slot_scratch = [
        pltpu.VMEM((chunk,), jnp.int32),
        pltpu.VMEM((chunk,), jnp.int32),
        pltpu.VMEM((chunk, hid), jnp.float32),
        pltpu.VMEM((chunk, hid), jnp.float32),
        pltpu.SemaphoreType.DMA,
        pltpu.SemaphoreType.DMA,
        pltpu.SemaphoreType.DMA,
        pltpu.SemaphoreType.DMA,
        pltpu.SemaphoreType.DMA,
        pltpu.VMEM((chunk, hid // 2), jnp.int32),
    ]

    @functools.partial(
        pl.kernel,
        out_type=jax.ShapeDtypeStruct((e, hid // 2), jnp.int32),
        mesh=mesh,
        scratch_types=slot_scratch * 4,
    )
    def gather(gc_hbm, mc_hbm, src_hbm, dst_hbm, el_hbm, *scr):
        wid = lax.axis_index("s") * _NC + lax.axis_index("c")
        slots = tuple(tuple(scr[10 * i:10 * i + 10]) for i in range(4))

        def fire_idx(slot, ci):
            base = wid * epw + ci * chunk
            pltpu.async_copy(src_hbm.at[pl.ds(base, chunk)], slot[0], slot[4])
            pltpu.async_copy(dst_hbm.at[pl.ds(base, chunk)], slot[1], slot[5])

        def wait_idx(slot):
            pltpu.make_async_copy(src_hbm.at[pl.ds(0, chunk)],
                                  slot[0], slot[4]).wait()
            pltpu.make_async_copy(dst_hbm.at[pl.ds(0, chunk)],
                                  slot[1], slot[5]).wait()

        def fire_gather(slot):
            pltpu.async_copy(gc_hbm.at[slot[0]], slot[2], slot[6])
            pltpu.async_copy(mc_hbm.at[slot[1]], slot[3], slot[7])

        def wait_gather(slot):
            pltpu.make_async_copy(gc_hbm.at[slot[0]], slot[2],
                                  slot[6]).wait()
            pltpu.make_async_copy(mc_hbm.at[slot[1]], slot[3],
                                  slot[7]).wait()

        def wait_out(slot):
            pltpu.make_async_copy(slot[9], el_hbm.at[pl.ds(0, chunk)],
                                  slot[8]).wait()

        def fire_out(slot, ci):
            base = wid * epw + ci * chunk
            pltpu.async_copy(slot[9], el_hbm.at[pl.ds(base, chunk)], slot[8])

        def vpu_pack(slot):
            buf_s, buf_d, buf_p = slot[2], slot[3], slot[9]
            half = hid // 2

            def row(r, carry):
                for j in range(half // 16):
                    sl = pl.ds(j * 16, 16)
                    sh = pl.ds(half + j * 16, 16)
                    a = buf_s[r, sl] + buf_d[r, sl]
                    b = buf_s[r, sh] + buf_d[r, sh]
                    au = lax.bitcast_convert_type(a, jnp.uint32)
                    bu = lax.bitcast_convert_type(b, jnp.uint32)
                    lo = (au + jnp.uint32(0x8000)) >> jnp.uint32(16)
                    hi = (bu + jnp.uint32(0x8000)) & jnp.uint32(0xFFFF0000)
                    buf_p[r, sl] = lax.bitcast_convert_type(lo | hi,
                                                            jnp.int32)
                return carry

            lax.fori_loop(0, chunk, row, 0)

        def finish(slot, ci):
            wait_gather(slot)
            vpu_pack(slot)
            fire_out(slot, ci)

        def start(slot, first):
            wait_idx(slot)

            @pl.when(jnp.logical_not(first))
            def _():
                wait_out(slot)
            fire_gather(slot)

        fire_idx(slots[0], 0)
        fire_idx(slots[1], 1)
        fire_idx(slots[2], 2)
        fire_idx(slots[3], 3)
        start(slots[0], True)
        start(slots[1], True)

        def step(m, carry):
            not_last = m + 1 < quads
            start(slots[2], m == 0)
            start(slots[3], m == 0)
            finish(slots[0], 4 * m)
            finish(slots[1], 4 * m + 1)

            @pl.when(not_last)
            def _():
                fire_idx(slots[0], 4 * m + 4)
                fire_idx(slots[1], 4 * m + 5)
            finish(slots[2], 4 * m + 2)
            finish(slots[3], 4 * m + 3)

            @pl.when(not_last)
            def _():
                start(slots[0], False)
                start(slots[1], False)
                fire_idx(slots[2], 4 * m + 6)
                fire_idx(slots[3], 4 * m + 7)
            return carry

        lax.fori_loop(0, quads, step, 0)
        for t in range(tail):
            ci = 4 * quads + t
            slot = slots[t]
            fire_idx(slot, ci)
            wait_idx(slot)
            wait_out(slot)
            fire_gather(slot)
            finish(slot, ci)
        for slot in slots:
            wait_out(slot)

    return gather


def _edge_body(g2m_ref, el_ref, w1_ref, b1_ref, w2_ref, b2_ref,
               g_ref, be_ref, out_ref):
    p = el_ref[...]
    lo = pltpu.unpack_elementwise(p, index=0, packed_dtype=jnp.bfloat16,
                                  unpacked_dtype=jnp.float32)
    hi = pltpu.unpack_elementwise(p, index=1, packed_dtype=jnp.bfloat16,
                                  unpacked_dtype=jnp.float32)
    el = jnp.concatenate([lo, hi], axis=-1)
    x = jnp.dot(g2m_ref[...], w1_ref[...], preferred_element_type=jnp.float32)
    x = x + el + b1_ref[...]
    out_ref[...] = _mlp_tail(_silu(x), w2_ref[...], b2_ref[...],
                             g_ref[...], be_ref[...])


def _edge_mlp(g2m, el, w1a, b1, w2, b2, g, be, block):
    e, hid = g2m.shape
    grid = (e // block,)
    row_spec = pl.BlockSpec((block, hid), lambda i: (i, 0))
    el_spec = pl.BlockSpec((block, hid // 2), lambda i: (i, 0))
    full = lambda shape: pl.BlockSpec(shape, lambda i: (0,) * len(shape))
    return pl.pallas_call(
        _edge_body,
        grid=grid,
        in_specs=[
            row_spec, el_spec,
            full((hid, hid)), full((1, hid)),
            full((hid, hid)), full((1, hid)),
            full((1, hid)), full((1, hid)),
        ],
        out_specs=row_spec,
        out_shape=jax.ShapeDtypeStruct((e, hid), jnp.float32),
    )(g2m, el, w1a, b1, w2, b2, g, be)


def _make_scatter(e, n_mesh, hid, chunk):
    epw = e // _NW
    nch = epw // chunk
    rpt = (n_mesh // _NS) // 8 * 8
    rem = n_mesh - rpt * _NS
    mesh = plsc.VectorSubcoreMesh(core_axis_name="c", subcore_axis_name="s")

    pairs = nch // 2
    slot_scratch = [
        pltpu.VMEM((chunk,), jnp.int32),
        pltpu.VMEM((chunk, hid), jnp.float32),
        pltpu.SemaphoreType.DMA,
        pltpu.SemaphoreType.DMA,
        pltpu.SemaphoreType.DMA,
    ]

    @functools.partial(
        pl.kernel,
        out_type=jax.ShapeDtypeStruct((_NC * n_mesh, hid), jnp.float32),
        mesh=mesh,
        scratch_types=slot_scratch + slot_scratch
        + [pltpu.VMEM_SHARED((n_mesh, hid), jnp.float32)],
    )
    def scatter(ef_hbm, dst_hbm, zeros_hbm, out_hbm,
                idx0, ebuf0, sem_i0, sem_e0, sem_s0,
                idx1, ebuf1, sem_i1, sem_e1, sem_s1, accum):
        cid = lax.axis_index("c")
        sid = lax.axis_index("s")
        wid = sid * _NC + cid
        slots = ((idx0, ebuf0, sem_i0, sem_e0, sem_s0),
                 (idx1, ebuf1, sem_i1, sem_e1, sem_s1))

        def fire_loads(slot, ci):
            base = wid * epw + ci * chunk
            pltpu.async_copy(dst_hbm.at[pl.ds(base, chunk)], slot[0], slot[2])
            pltpu.async_copy(ef_hbm.at[pl.ds(base, chunk)], slot[1], slot[3])

        pltpu.sync_copy(zeros_hbm.at[pl.ds(sid * rpt, rpt)],
                        accum.at[pl.ds(sid * rpt, rpt)])
        if rem:
            @pl.when(sid == 0)
            def _zero_tail():
                pltpu.sync_copy(zeros_hbm.at[pl.ds(_NS * rpt, rem)],
                                accum.at[pl.ds(_NS * rpt, rem)])
        plsc.subcore_barrier()

        fire_loads(slots[0], 0)
        fire_loads(slots[1], 1)

        def step(k, carry):
            for half, slot in enumerate(slots):
                pltpu.make_async_copy(dst_hbm.at[pl.ds(0, chunk)],
                                      slot[0], slot[2]).wait()
                pltpu.make_async_copy(ef_hbm.at[pl.ds(0, chunk)],
                                      slot[1], slot[3]).wait()

                @pl.when(k > 0)
                def _():
                    pltpu.make_async_copy(ebuf0, accum.at[pl.ds(0, chunk)],
                                          slot[4]).wait()

                pltpu.async_copy(slot[1], accum.at[slot[0]], slot[4],
                                 add=True)

            @pl.when(k + 1 < pairs)
            def _():
                fire_loads(slots[0], 2 * k + 2)
                fire_loads(slots[1], 2 * k + 3)
            return carry

        lax.fori_loop(0, pairs, step, 0)
        if nch % 2:
            ci = nch - 1
            slot = slots[0]
            fire_loads(slot, ci)
            pltpu.make_async_copy(dst_hbm.at[pl.ds(0, chunk)],
                                  slot[0], slot[2]).wait()
            pltpu.make_async_copy(ef_hbm.at[pl.ds(0, chunk)],
                                  slot[1], slot[3]).wait()
            pltpu.make_async_copy(ebuf0, accum.at[pl.ds(0, chunk)],
                                  slot[4]).wait()
            pltpu.async_copy(slot[1], accum.at[slot[0]], slot[4], add=True)
        for slot in slots:
            pltpu.make_async_copy(ebuf0, accum.at[pl.ds(0, chunk)],
                                  slot[4]).wait()
        plsc.subcore_barrier()
        pltpu.sync_copy(accum.at[pl.ds(sid * rpt, rpt)],
                        out_hbm.at[pl.ds(cid * n_mesh + sid * rpt, rpt)])
        if rem:
            @pl.when(sid == 0)
            def _copy_tail():
                pltpu.sync_copy(
                    accum.at[pl.ds(_NS * rpt, rem)],
                    out_hbm.at[pl.ds(cid * n_mesh + _NS * rpt, rem)])

    return scatter


def _mesh_body(p_ref, q_ref, mesh_ref,
               dw1a_ref, dw1b_ref, db1_ref, dw2_ref, db2_ref, dg_ref, dbe_ref,
               mesh_out):
    agg = (p_ref[0] + p_ref[1]) + (q_ref[0] + q_ref[1])
    x = (jnp.dot(agg, dw1a_ref[...], preferred_element_type=jnp.float32)
         + jnp.dot(mesh_ref[...], dw1b_ref[...],
                   preferred_element_type=jnp.float32)
         + db1_ref[...])
    mesh_out[...] = mesh_ref[...] + _mlp_tail(
        _silu(x), dw2_ref[...], db2_ref[...], dg_ref[...], dbe_ref[...])


def _final_mesh(partials_a, partials_b, mesh_feat,
                dw1a, dw1b, db1, dw2, db2, dgain, dbe, block):
    n, hid = mesh_feat.shape
    grid = (n // block,)
    row_spec = pl.BlockSpec((block, hid), lambda i: (i, 0))
    full = lambda shape: pl.BlockSpec(shape, lambda i: (0,) * len(shape))
    return pl.pallas_call(
        _mesh_body,
        grid=grid,
        in_specs=[
            pl.BlockSpec((2, block, hid), lambda i: (0, i, 0)),
            pl.BlockSpec((2, block, hid), lambda i: (0, i, 0)),
            row_spec,
            full((hid, hid)), full((hid, hid)), full((1, hid)),
            full((hid, hid)), full((1, hid)), full((1, hid)), full((1, hid)),
        ],
        out_specs=row_spec,
        out_shape=jax.ShapeDtypeStruct((n, hid), jnp.float32),
    )(partials_a, partials_b, mesh_feat,
      dw1a, dw1b, db1, dw2, db2, dgain, dbe)


def _grid_body(grid_ref, sw1_ref, sb1_ref, sw2_ref, sb2_ref, sg_ref, sbe_ref,
               grid_out):
    y = (jnp.dot(grid_ref[...], sw1_ref[...],
                 preferred_element_type=jnp.float32) + sb1_ref[...])
    grid_out[...] = grid_ref[...] + _mlp_tail(
        _silu(y), sw2_ref[...], sb2_ref[...], sg_ref[...], sbe_ref[...])


def _final_grid(grid_feat, sw1, sb1, sw2, sb2, sgain, sbe, block):
    n, hid = grid_feat.shape
    grid = (n // block,)
    row_spec = pl.BlockSpec((block, hid), lambda i: (i, 0))
    full = lambda shape: pl.BlockSpec(shape, lambda i: (0,) * len(shape))
    return pl.pallas_call(
        _grid_body,
        grid=grid,
        in_specs=[
            row_spec,
            full((hid, hid)), full((1, hid)),
            full((hid, hid)), full((1, hid)), full((1, hid)), full((1, hid)),
        ],
        out_specs=row_spec,
        out_shape=jax.ShapeDtypeStruct((n, hid), jnp.float32),
    )(grid_feat, sw1, sb1, sw2, sb2, sgain, sbe)


def kernel(g2m_efeat, grid_feat, mesh_feat, src_idx, dst_idx, num_dst_nodes,
           e_W1, e_b1, e_W2, e_b2, e_g, e_be,
           s_W1, s_b1, s_W2, s_b2, s_g, s_be,
           d_W1, d_b1, d_W2, d_b2, d_g, d_be):
    e, hid = g2m_efeat.shape
    n_mesh = mesh_feat.shape[0]
    chunk = 40

    w1a = e_W1[:hid]
    w_grid = e_W1[hid:2 * hid]
    w_mesh = e_W1[2 * hid:]
    row = lambda v: v.reshape(1, hid)

    grid_c, mesh_c = _precompute(grid_feat, mesh_feat, w_grid, w_mesh)

    eh = e // 2
    src32 = src_idx.astype(jnp.int32)
    dst32 = dst_idx.astype(jnp.int32)
    zeros = jnp.zeros((n_mesh, hid), dtype=jnp.float32)
    gather_fn = _make_gather(eh, hid, chunk)
    scatter_fn = _make_scatter(eh, n_mesh, hid, chunk)

    partials = []
    efeats = []
    for h in range(2):
        sl = slice(h * eh, (h + 1) * eh)
        el = gather_fn(grid_c, mesh_c, src32[sl], dst32[sl])
        efeats.append(
            _edge_mlp(g2m_efeat[sl], el, w1a, row(e_b1), e_W2, row(e_b2),
                      row(e_g), row(e_be), block=4000))
    for h in range(2):
        sl = slice(h * eh, (h + 1) * eh)
        partials.append(
            scatter_fn(efeats[h], dst32[sl], zeros).reshape(_NC, n_mesh, hid))

    grid_new = _final_grid(grid_feat, s_W1, row(s_b1), s_W2, row(s_b2),
                           row(s_g), row(s_be), block=2000)
    mesh_new = _final_mesh(
        partials[0], partials[1], mesh_feat,
        d_W1[:hid], d_W1[hid:], row(d_b1), d_W2, row(d_b2), row(d_g),
        row(d_be), block=2000)

    return grid_new, mesh_new

# --- scband reference (transcript-rebuilt; emitter-appended) ---
"""Pipeline reference for scband-encoder-20486994002518 (READ-ONLY COPY).

The authoritative reference and input builder live on the scoring server;
editing this copy changes nothing except your own understanding.
"""

import jax, jax.numpy as jnp
import numpy as np

HID = 128
N_GRID = 10000
N_MESH = 10000
E = 320000


def _mlp(x, W1, b1, W2, b2, g, be):
    h = x @ W1 + b1
    h = h * jax.nn.sigmoid(h)  # SiLU
    h = h @ W2 + b2
    mu = jnp.mean(h, axis=-1, keepdims=True)
    var = jnp.mean((h - mu) ** 2, axis=-1, keepdims=True)
    return (h - mu) / jnp.sqrt(var + 1e-5) * g + be


def setup_inputs(seed: int = 0) -> dict:
    key = jax.random.key(seed)
    ks = jax.random.split(key, 24)
    s = 0.02
    inp = {
        "g2m_efeat": jax.random.normal(ks[0], (E, HID), dtype=jnp.float32),
        "grid_feat": jax.random.normal(ks[1], (N_GRID, HID), dtype=jnp.float32),
        "mesh_feat": jax.random.normal(ks[2], (N_MESH, HID), dtype=jnp.float32),
        "src_idx": jax.random.randint(ks[3], (E,), 0, N_GRID, dtype=jnp.int32).astype(jnp.int64) if False else jax.random.randint(ks[3], (E,), 0, N_GRID),
        "dst_idx": jax.random.randint(ks[4], (E,), 0, N_MESH),
        "num_dst_nodes": N_MESH,
        # edge_mlp: MLP(in=3*HID, out=HID, hidden=HID)
        "e_W1": jax.random.normal(ks[5], (3 * HID, HID), dtype=jnp.float32) * s,
        "e_b1": jnp.zeros((HID,), dtype=jnp.float32),
        "e_W2": jax.random.normal(ks[6], (HID, HID), dtype=jnp.float32) * s,
        "e_b2": jnp.zeros((HID,), dtype=jnp.float32),
        "e_g": jnp.ones((HID,), dtype=jnp.float32),
        "e_be": jnp.zeros((HID,), dtype=jnp.float32),
        # src_mlp: MLP(HID, HID, HID)
        "s_W1": jax.random.normal(ks[7], (HID, HID), dtype=jnp.float32) * s,
        "s_b1": jnp.zeros((HID,), dtype=jnp.float32),
        "s_W2": jax.random.normal(ks[8], (HID, HID), dtype=jnp.float32) * s,
        "s_b2": jnp.zeros((HID,), dtype=jnp.float32),
        "s_g": jnp.ones((HID,), dtype=jnp.float32),
        "s_be": jnp.zeros((HID,), dtype=jnp.float32),
        # dst_mlp: MLP(2*HID, HID, HID)
        "d_W1": jax.random.normal(ks[9], (2 * HID, HID), dtype=jnp.float32) * s,
        "d_b1": jnp.zeros((HID,), dtype=jnp.float32),
        "d_W2": jax.random.normal(ks[10], (HID, HID), dtype=jnp.float32) * s,
        "d_b2": jnp.zeros((HID,), dtype=jnp.float32),
        "d_g": jnp.ones((HID,), dtype=jnp.float32),
        "d_be": jnp.zeros((HID,), dtype=jnp.float32),
    }
    return inp


def reference(g2m_efeat, grid_feat, mesh_feat, src_idx, dst_idx, num_dst_nodes,
              e_W1, e_b1, e_W2, e_b2, e_g, e_be,
              s_W1, s_b1, s_W2, s_b2, s_g, s_be,
              d_W1, d_b1, d_W2, d_b2, d_g, d_be):
    # EdgeMLP: concat [efeat, src_feat[src_idx], dst_feat[dst_idx]] then MLP
    cat_feat = jnp.concatenate([g2m_efeat, jnp.take(grid_feat, src_idx, axis=0), jnp.take(mesh_feat, dst_idx, axis=0)], axis=-1)
    efeat = _mlp(cat_feat, e_W1, e_b1, e_W2, e_b2, e_g, e_be)
    # aggregate_and_concat with agg='sum'
    aggregated = jnp.zeros((mesh_feat.shape[0], efeat.shape[1]), dtype=efeat.dtype).at[dst_idx].add(efeat) + (num_dst_nodes * 0)
    agg_feat = jnp.concatenate([aggregated, mesh_feat], axis=-1)
    mesh_feat_new = mesh_feat + _mlp(agg_feat, d_W1, d_b1, d_W2, d_b2, d_g, d_be)
    grid_feat_new = grid_feat + _mlp(grid_feat, s_W1, s_b1, s_W2, s_b2, s_g, s_be)
    return (grid_feat_new, mesh_feat_new)

if __name__ == "__main__":
    import jax
    _d = setup_inputs()
    print(jax.jit(kernel)(*tuple(_d.values())))

</pallas_src>

<mosaic_0001>
#map = affine_map<(d0, d1) -> (0, 0)>
#map1 = affine_map<(d0, d1) -> (0)>
module attributes {stable_mosaic.version = 14 : i64} {
  func.func @gather(%arg0: i32, %arg1: i32, %arg2: memref<10000x128xf32, #tpu.memory_space<hbm>>, %arg3: memref<10000x128xf32, #tpu.memory_space<hbm>>, %arg4: memref<160000xi32, #tpu.memory_space<hbm>>, %arg5: memref<160000xi32, #tpu.memory_space<hbm>>, %arg6: memref<160000x64xi32, #tpu.memory_space<hbm>>, %arg7: memref<40xi32, #tpu.memory_space<vmem>>, %arg8: memref<40xi32, #tpu.memory_space<vmem>>, %arg9: memref<40x128xf32, #tpu.memory_space<vmem>>, %arg10: memref<40x128xf32, #tpu.memory_space<vmem>>, %arg11: memref<!tpu.dma_semaphore, #tpu.memory_space<semaphore_mem>>, %arg12: memref<!tpu.dma_semaphore, #tpu.memory_space<semaphore_mem>>, %arg13: memref<!tpu.dma_semaphore, #tpu.memory_space<semaphore_mem>>, %arg14: memref<!tpu.dma_semaphore, #tpu.memory_space<semaphore_mem>>, %arg15: memref<!tpu.dma_semaphore, #tpu.memory_space<semaphore_mem>>, %arg16: memref<40x64xi32, #tpu.memory_space<vmem>>, %arg17: memref<40xi32, #tpu.memory_space<vmem>>, %arg18: memref<40xi32, #tpu.memory_space<vmem>>, %arg19: memref<40x128xf32, #tpu.memory_space<vmem>>, %arg20: memref<40x128xf32, #tpu.memory_space<vmem>>, %arg21: memref<!tpu.dma_semaphore, #tpu.memory_space<semaphore_mem>>, %arg22: memref<!tpu.dma_semaphore, #tpu.memory_space<semaphore_mem>>, %arg23: memref<!tpu.dma_semaphore, #tpu.memory_space<semaphore_mem>>, %arg24: memref<!tpu.dma_semaphore, #tpu.memory_space<semaphore_mem>>, %arg25: memref<!tpu.dma_semaphore, #tpu.memory_space<semaphore_mem>>, %arg26: memref<40x64xi32, #tpu.memory_space<vmem>>, %arg27: memref<40xi32, #tpu.memory_space<vmem>>, %arg28: memref<40xi32, #tpu.memory_space<vmem>>, %arg29: memref<40x128xf32, #tpu.memory_space<vmem>>, %arg30: memref<40x128xf32, #tpu.memory_space<vmem>>, %arg31: memref<!tpu.dma_semaphore, #tpu.memory_space<semaphore_mem>>, %arg32: memref<!tpu.dma_semaphore, #tpu.memory_space<semaphore_mem>>, %arg33: memref<!tpu.dma_semaphore, #tpu.memory_space<semaphore_mem>>, %arg34: memref<!tpu.dma_semaphore, #tpu.memory_space<semaphore_mem>>, %arg35: memref<!tpu.dma_semaphore, #tpu.memory_space<semaphore_mem>>, %arg36: memref<40x64xi32, #tpu.memory_space<vmem>>, %arg37: memref<40xi32, #tpu.memory_space<vmem>>, %arg38: memref<40xi32, #tpu.memory_space<vmem>>, %arg39: memref<40x128xf32, #tpu.memory_space<vmem>>, %arg40: memref<40x128xf32, #tpu.memory_space<vmem>>, %arg41: memref<!tpu.dma_semaphore, #tpu.memory_space<semaphore_mem>>, %arg42: memref<!tpu.dma_semaphore, #tpu.memory_space<semaphore_mem>>, %arg43: memref<!tpu.dma_semaphore, #tpu.memory_space<semaphore_mem>>, %arg44: memref<!tpu.dma_semaphore, #tpu.memory_space<semaphore_mem>>, %arg45: memref<!tpu.dma_semaphore, #tpu.memory_space<semaphore_mem>>, %arg46: memref<40x64xi32, #tpu.memory_space<vmem>>) attributes {dimension_semantics = [#tpu.dimension_semantics<core_parallel>, #tpu.dimension_semantics<subcore_parallel>], iteration_bounds = array<i64: 2, 16>, scalar_prefetch = 0 : i64, scratch_operands = 40 : i64, tpu.core_type = #tpu.core_type<sc_vector_subcore>, window_params = [{transform_indices = #map}, {transform_indices = #map}, {transform_indices = #map1}, {transform_indices = #map1}, {transform_indices = #map}]} {
    %mul3A = arith.constant 2 : i32
    %mul3A_0 = arith.muli %arg1, %mul3A : i32
    %add3A = arith.addi %mul3A_0, %arg0 : i32
    %mul3A_1 = arith.constant 5000 : i32
    %mul3A_2 = arith.muli %add3A, %mul3A_1 : i32
    %add3A_3 = arith.constant 0 : i32
    %add3A_4 = arith.addi %mul3A_2, %add3A_3 : i32
    %dma_start3A = tpu.memref_slice %arg4[%add3A_4] : memref<160000xi32, #tpu.memory_space<hbm>> -> memref<40xi32, #tpu.memory_space<hbm>>
    %dma_start3A_5 = tpu.memref_slice %arg4[%add3A_4] : memref<160000xi32, #tpu.memory_space<hbm>> -> memref<40xi32, #tpu.memory_space<hbm>>
    tpu.enqueue_dma source(%dma_start3A_5 : memref<40xi32, #tpu.memory_space<hbm>>) target(%arg7 : memref<40xi32, #tpu.memory_space<vmem>>) target_semaphore(%arg11 : memref<!tpu.dma_semaphore, #tpu.memory_space<semaphore_mem>>)
    %dma_start3A_6 = tpu.memref_slice %arg5[%add3A_4] : memref<160000xi32, #tpu.memory_space<hbm>> -> memref<40xi32, #tpu.memory_space<hbm>>
    %dma_start3A_7 = tpu.memref_slice %arg5[%add3A_4] : memref<160000xi32, #tpu.memory_space<hbm>> -> memref<40xi32, #tpu.memory_space<hbm>>
    tpu.enqueue_dma source(%dma_start3A_7 : memref<40xi32, #tpu.memory_space<hbm>>) target(%arg8 : memref<40xi32, #tpu.memory_space<vmem>>) target_semaphore(%arg12 : memref<!tpu.dma_semaphore, #tpu.memory_space<semaphore_mem>>)
    %mul3A_8 = arith.constant 5000 : i32
    %mul3A_9 = arith.muli %add3A, %mul3A_8 : i32
    %add3A_10 = arith.constant 40 : i32
    %add3A_11 = arith.addi %mul3A_9, %add3A_10 : i32
    %dma_start3A_12 = tpu.memref_slice %arg4[%add3A_11] : memref<160000xi32, #tpu.memory_space<hbm>> -> memref<40xi32, #tpu.memory_space<hbm>>
    %dma_start3A_13 = tpu.memref_slice %arg4[%add3A_11] : memref<160000xi32, #tpu.memory_space<hbm>> -> memref<40xi32, #tpu.memory_space<hbm>>
    tpu.enqueue_dma source(%dma_start3A_13 : memref<40xi32, #tpu.memory_space<hbm>>) target(%arg17 : memref<40xi32, #tpu.memory_space<vmem>>) target_semaphore(%arg21 : memref<!tpu.dma_semaphore, #tpu.memory_space<semaphore_mem>>)
    %dma_start3A_14 = tpu.memref_slice %arg5[%add3A_11] : memref<160000xi32, #tpu.memory_space<hbm>> -> memref<40xi32, #tpu.memory_space<hbm>>
    %dma_start3A_15 = tpu.memref_slice %arg5[%add3A_11] : memref<160000xi32, #tpu.memory_space<hbm>> -> memref<40xi32, #tpu.memory_space<hbm>>
    tpu.enqueue_dma source(%dma_start3A_15 : memref<40xi32, #tpu.memory_space<hbm>>) target(%arg18 : memref<40xi32, #tpu.memory_space<vmem>>) target_semaphore(%arg22 : memref<!tpu.dma_semaphore, #tpu.memory_space<semaphore_mem>>)
    %mul3A_16 = arith.constant 5000 : i32
    %mul3A_17 = arith.muli %add3A, %mul3A_16 : i32
    %add3A_18 = arith.constant 80 : i32
    %add3A_19 = arith.addi %mul3A_17, %add3A_18 : i32
    %dma_start3A_20 = tpu.memref_slice %arg4[%add3A_19] : memref<160000xi32, #tpu.memory_space<hbm>> -> memref<40xi32, #tpu.memory_space<hbm>>
    %dma_start3A_21 = tpu.memref_slice %arg4[%add3A_19] : memref<160000xi32, #tpu.memory_space<hbm>> -> memref<40xi32, #tpu.memory_space<hbm>>
    tpu.enqueue_dma source(%dma_start3A_21 : memref<40xi32, #tpu.memory_space<hbm>>) target(%arg27 : memref<40xi32, #tpu.memory_space<vmem>>) target_semaphore(%arg31 : memref<!tpu.dma_semaphore, #tpu.memory_space<semaphore_mem>>)
    %dma_start3A_22 = tpu.memref_slice %arg5[%add3A_19] : memref<160000xi32, #tpu.memory_space<hbm>> -> memref<40xi32, #tpu.memory_space<hbm>>
    %dma_start3A_23 = tpu.memref_slice %arg5[%add3A_19] : memref<160000xi32, #tpu.memory_space<hbm>> -> memref<40xi32, #tpu.memory_space<hbm>>
    tpu.enqueue_dma source(%dma_start3A_23 : memref<40xi32, #tpu.memory_space<hbm>>) target(%arg28 : memref<40xi32, #tpu.memory_space<vmem>>) target_semaphore(%arg32 : memref<!tpu.dma_semaphore, #tpu.memory_space<semaphore_mem>>)
    %mul3A_24 = arith.constant 5000 : i32
    %mul3A_25 = arith.muli %add3A, %mul3A_24 : i32
    %add3A_26 = arith.constant 120 : i32
    %add3A_27 = arith.addi %mul3A_25, %add3A_26 : i32
    %dma_start3A_28 = tpu.memref_slice %arg4[%add3A_27] : memref<160000xi32, #tpu.memory_space<hbm>> -> memref<40xi32, #tpu.memory_space<hbm>>
    %dma_start3A_29 = tpu.memref_slice %arg4[%add3A_27] : memref<160000xi32, #tpu.memory_space<hbm>> -> memref<40xi32, #tpu.memory_space<hbm>>
    tpu.enqueue_dma source(%dma_start3A_29 : memref<40xi32, #tpu.memory_space<hbm>>) target(%arg37 : memref<40xi32, #tpu.memory_space<vmem>>) target_semaphore(%arg41 : memref<!tpu.dma_semaphore, #tpu.memory_space<semaphore_mem>>)
    %dma_start3A_30 = tpu.memref_slice %arg5[%add3A_27] : memref<160000xi32, #tpu.memory_space<hbm>> -> memref<40xi32, #tpu.memory_space<hbm>>
    %dma_start3A_31 = tpu.memref_slice %arg5[%add3A_27] : memref<160000xi32, #tpu.memory_space<hbm>> -> memref<40xi32, #tpu.memory_space<hbm>>
    tpu.enqueue_dma source(%dma_start3A_31 : memref<40xi32, #tpu.memory_space<hbm>>) target(%arg38 : memref<40xi32, #tpu.memory_space<vmem>>) target_semaphore(%arg42 : memref<!tpu.dma_semaphore, #tpu.memory_space<semaphore_mem>>)
    %dma_wait3A = arith.constant 0 : i32
    %dma_wait3A_32 = tpu.memref_slice %arg4[%dma_wait3A] : memref<160000xi32, #tpu.memory_space<hbm>> -> memref<40xi32, #tpu.memory_space<hbm>>
    %dma_wait3A_33 = arith.constant 0 : i32
    %dma_wait3A_34 = tpu.memref_slice %arg4[%dma_wait3A_33] : memref<160000xi32, #tpu.memory_space<hbm>> -> memref<40xi32, #tpu.memory_space<hbm>>
    tpu.wait_dma2 semaphore(%arg11 : memref<!tpu.dma_semaphore, #tpu.memory_space<semaphore_mem>>) src(%dma_wait3A_34 : memref<40xi32, #tpu.memory_space<hbm>>) dst(%arg7 : memref<40xi32, #tpu.memory_space<vmem>>)
    %dma_wait3A_35 = arith.constant 0 : i32
    %dma_wait3A_36 = tpu.memref_slice %arg5[%dma_wait3A_35] : memref<160000xi32, #tpu.memory_space<hbm>> -> memref<40xi32, #tpu.memory_space<hbm>>
    %dma_wait3A_37 = arith.constant 0 : i32
    %dma_wait3A_38 = tpu.memref_slice %arg5[%dma_wait3A_37] : memref<160000xi32, #tpu.memory_space<hbm>> -> memref<40xi32, #tpu.memory_space<hbm>>
    tpu.wait_dma2 semaphore(%arg12 : memref<!tpu.dma_semaphore, #tpu.memory_space<semaphore_mem>>) src(%dma_wait3A_38 : memref<40xi32, #tpu.memory_space<hbm>>) dst(%arg8 : memref<40xi32, #tpu.memory_space<vmem>>)
    %not3A = arith.constant true
    %not3A_39 = arith.constant true
    %not3A_40 = arith.xori %not3A, %not3A_39 : i1
    %convert_element_type3A = arith.extui %not3A_40 : i1 to i32
    %cond3A = arith.constant 0 : i32
    %cond3A_41 = arith.cmpi ne, %convert_element_type3A, %cond3A : i32
    scf.if %cond3A_41 {
      %dma_wait3A_145 = arith.constant 0 : i32
      %dma_wait3A_146 = arith.constant 0 : i32
      %dma_wait3A_147 = tpu.memref_slice %arg6[%dma_wait3A_145, %dma_wait3A_146] : memref<160000x64xi32, #tpu.memory_space<hbm>> -> memref<40x64xi32, #tpu.memory_space<hbm>>
      %dma_wait3A_148 = arith.constant 0 : i32
      %dma_wait3A_149 = arith.constant 0 : i32
      %dma_wait3A_150 = tpu.memref_slice %arg6[%dma_wait3A_148, %dma_wait3A_149] : memref<160000x64xi32, #tpu.memory_space<hbm>> -> memref<40x64xi32, #tpu.memory_space<hbm>>
      tpu.wait_dma2 semaphore(%arg15 : memref<!tpu.dma_semaphore, #tpu.memory_space<semaphore_mem>>) src(%arg16 : memref<40x64xi32, #tpu.memory_space<vmem>>) dst(%dma_wait3A_150 : memref<40x64xi32, #tpu.memory_space<hbm>>)
    } else {
    }
    %dma_start3A_42 = arith.constant 0 : i32
    %dma_start3A_43 = arith.constant 0 : i32
    %dma_start3A_44 = tpu.memref_slice %arg2[%dma_start3A_42, %dma_start3A_43] : memref<10000x128xf32, #tpu.memory_space<hbm>> -> memref<10000x128xf32, #tpu.memory_space<hbm>>
    tpu.enqueue_indirect_dma source(%dma_start3A_44 : memref<10000x128xf32, #tpu.memory_space<hbm>>) target(%arg9 : memref<40x128xf32, #tpu.memory_space<vmem>>) offsets(%arg7 : memref<40xi32, #tpu.memory_space<vmem>>) semaphore(%arg13 : memref<!tpu.dma_semaphore, #tpu.memory_space<semaphore_mem>>)
    %dma_start3A_45 = arith.constant 0 : i32
    %dma_start3A_46 = arith.constant 0 : i32
    %dma_start3A_47 = tpu.memref_slice %arg3[%dma_start3A_45, %dma_start3A_46] : memref<10000x128xf32, #tpu.memory_space<hbm>> -> memref<10000x128xf32, #tpu.memory_space<hbm>>
    tpu.enqueue_indirect_dma source(%dma_start3A_47 : memref<10000x128xf32, #tpu.memory_space<hbm>>) target(%arg10 : memref<40x128xf32, #tpu.memory_space<vmem>>) offsets(%arg8 : memref<40xi32, #tpu.memory_space<vmem>>) semaphore(%arg14 : memref<!tpu.dma_semaphore, #tpu.memory_space<semaphore_mem>>)
    %dma_wait3A_48 = arith.constant 0 : i32
    %dma_wait3A_49 = tpu.memref_slice %arg4[%dma_wait3A_48] : memref<160000xi32, #tpu.memory_space<hbm>> -> memref<40xi32, #tpu.memory_space<hbm>>
    %dma_wait3A_50 = arith.constant 0 : i32
    %dma_wait3A_51 = tpu.memref_slice %arg4[%dma_wait3A_50] : memref<160000xi32, #tpu.memory_space<hbm>> -> memref<40xi32, #tpu.memory_space<hbm>>
    tpu.wait_dma2 semaphore(%arg21 : memref<!tpu.dma_semaphore, #tpu.memory_space<semaphore_mem>>) src(%dma_wait3A_51 : memref<40xi32, #tpu.memory_space<hbm>>) dst(%arg17 : memref<40xi32, #tpu.memory_space<vmem>>)
    %dma_wait3A_52 = arith.constant 0 : i32
    %dma_wait3A_53 = tpu.memref_slice %arg5[%dma_wait3A_52] : memref<160000xi32, #tpu.memory_space<hbm>> -> memref<40xi32, #tpu.memory_space<hbm>>
    %dma_wait3A_54 = arith.constant 0 : i32
    %dma_wait3A_55 = tpu.memref_slice %arg5[%dma_wait3A_54] : memref<160000xi32, #tpu.memory_space<hbm>> -> memref<40xi32, #tpu.memory_space<hbm>>
    tpu.wait_dma2 semaphore(%arg22 : memref<!tpu.dma_semaphore, #tpu.memory_space<semaphore_mem>>) src(%dma_wait3A_55 : memref<40xi32, #tpu.memory_space<hbm>>) dst(%arg18 : memref<40xi32, #tpu.memory_space<vmem>>)
    %not3A_56 = arith.constant true
    %not3A_57 = arith.constant true
    %not3A_58 = arith.xori %not3A_56, %not3A_57 : i1
    %convert_element_type3A_59 = arith.extui %not3A_58 : i1 to i32
    %cond3A_60 = arith.constant 0 : i32
    %cond3A_61 = arith.cmpi ne, %convert_element_type3A_59, %cond3A_60 : i32
    scf.if %cond3A_61 {
      %dma_wait3A_145 = arith.constant 0 : i32
      %dma_wait3A_146 = arith.constant 0 : i32
      %dma_wait3A_147 = tpu.memref_slice %arg6[%dma_wait3A_145, %dma_wait3A_146] : memref<160000x64xi32, #tpu.memory_space<hbm>> -> memref<40x64xi32, #tpu.memory_space<hbm>>
      %dma_wait3A_148 = arith.constant 0 : i32
      %dma_wait3A_149 = arith.constant 0 : i32
      %dma_wait3A_150 = tpu.memref_slice %arg6[%dma_wait3A_148, %dma_wait3A_149] : memref<160000x64xi32, #tpu.memory_space<hbm>> -> memref<40x64xi32, #tpu.memory_space<hbm>>
      tpu.wait_dma2 semaphore(%arg25 : memref<!tpu.dma_semaphore, #tpu.memory_space<semaphore_mem>>) src(%arg26 : memref<40x64xi32, #tpu.memory_space<vmem>>) dst(%dma_wait3A_150 : memref<40x64xi32, #tpu.memory_space<hbm>>)
    } else {
    }
    %dma_start3A_62 = arith.constant 0 : i32
    %dma_start3A_63 = arith.constant 0 : i32
    %dma_start3A_64 = tpu.memref_slice %arg2[%dma_start3A_62, %dma_start3A_63] : memref<10000x128xf32, #tpu.memory_space<hbm>> -> memref<10000x128xf32, #tpu.memory_space<hbm>>
    tpu.enqueue_indirect_dma source(%dma_start3A_64 : memref<10000x128xf32, #tpu.memory_space<hbm>>) target(%arg19 : memref<40x128xf32, #tpu.memory_space<vmem>>) offsets(%arg17 : memref<40xi32, #tpu.memory_space<vmem>>) semaphore(%arg23 : memref<!tpu.dma_semaphore, #tpu.memory_space<semaphore_mem>>)
    %dma_start3A_65 = arith.constant 0 : i32
    %dma_start3A_66 = arith.constant 0 : i32
    %dma_start3A_67 = tpu.memref_slice %arg3[%dma_start3A_65, %dma_start3A_66] : memref<10000x128xf32, #tpu.memory_space<hbm>> -> memref<10000x128xf32, #tpu.memory_space<hbm>>
    tpu.enqueue_indirect_dma source(%dma_start3A_67 : memref<10000x128xf32, #tpu.memory_space<hbm>>) target(%arg20 : memref<40x128xf32, #tpu.memory_space<vmem>>) offsets(%arg18 : memref<40xi32, #tpu.memory_space<vmem>>) semaphore(%arg24 : memref<!tpu.dma_semaphore, #tpu.memory_space<semaphore_mem>>)
    %scan3A = arith.constant 0 : i32
    %scan3A_68 = arith.constant 0 : i32
    %scan3A_69 = arith.constant 31 : i32
    %scan3A_70 = arith.addi %scan3A_68, %scan3A_69 : i32
    %scan3A_71 = arith.constant 1 : i32
    scf.for %scan3A_145 = %scan3A_68 to %scan3A_70 step %scan3A_71  : i32 {
      %add3A_146 = arith.constant 1 : i32
      %add3A_147 = arith.addi %scan3A_145, %add3A_146 : i32
      %lt3A = arith.constant 31 : i32
      %lt3A_148 = arith.cmpi slt, %add3A_147, %lt3A : i32
      %eq3A = arith.constant 0 : i32
      %eq3A_149 = arith.cmpi eq, %scan3A_145, %eq3A : i32
      %dma_wait3A_150 = arith.constant 0 : i32
      %dma_wait3A_151 = tpu.memref_slice %arg4[%dma_wait3A_150] : memref<160000xi32, #tpu.memory_space<hbm>> -> memref<40xi32, #tpu.memory_space<hbm>>
      %dma_wait3A_152 = arith.constant 0 : i32
      %dma_wait3A_153 = tpu.memref_slice %arg4[%dma_wait3A_152] : memref<160000xi32, #tpu.memory_space<hbm>> -> memref<40xi32, #tpu.memory_space<hbm>>
      tpu.wait_dma2 semaphore(%arg31 : memref<!tpu.dma_semaphore, #tpu.memory_space<semaphore_mem>>) src(%dma_wait3A_153 : memref<40xi32, #tpu.memory_space<hbm>>) dst(%arg27 : memref<40xi32, #tpu.memory_space<vmem>>)
      %dma_wait3A_154 = arith.constant 0 : i32
      %dma_wait3A_155 = tpu.memref_slice %arg5[%dma_wait3A_154] : memref<160000xi32, #tpu.memory_space<hbm>> -> memref<40xi32, #tpu.memory_space<hbm>>
      %dma_wait3A_156 = arith.constant 0 : i32
      %dma_wait3A_157 = tpu.memref_slice %arg5[%dma_wait3A_156] : memref<160000xi32, #tpu.memory_space<hbm>> -> memref<40xi32, #tpu.memory_space<hbm>>
      tpu.wait_dma2 semaphore(%arg32 : memref<!tpu.dma_semaphore, #tpu.memory_space<semaphore_mem>>) src(%dma_wait3A_157 : memref<40xi32, #tpu.memory_space<hbm>>) dst(%arg28 : memref<40xi32, #tpu.memory_space<vmem>>)
      %not3A_158 = arith.constant true
      %not3A_159 = arith.xori %eq3A_149, %not3A_158 : i1
      %convert_element_type3A_160 = arith.extui %not3A_159 : i1 to i32
      %cond3A_161 = arith.constant 0 : i32
      %cond3A_162 = arith.cmpi ne, %convert_element_type3A_160, %cond3A_161 : i32
      scf.if %cond3A_162 {
        %dma_wait3A_294 = arith.constant 0 : i32
        %dma_wait3A_295 = arith.constant 0 : i32
        %dma_wait3A_296 = tpu.memref_slice %arg6[%dma_wait3A_294, %dma_wait3A_295] : memref<160000x64xi32, #tpu.memory_space<hbm>> -> memref<40x64xi32, #tpu.memory_space<hbm>>
        %dma_wait3A_297 = arith.constant 0 : i32
        %dma_wait3A_298 = arith.constant 0 : i32
        %dma_wait3A_299 = tpu.memref_slice %arg6[%dma_wait3A_297, %dma_wait3A_298] : memref<160000x64xi32, #tpu.memory_space<hbm>> -> memref<40x64xi32, #tpu.memory_space<hbm>>
        tpu.wait_dma2 semaphore(%arg35 : memref<!tpu.dma_semaphore, #tpu.memory_space<semaphore_mem>>) src(%arg36 : memref<40x64xi32, #tpu.memory_space<vmem>>) dst(%dma_wait3A_299 : memref<40x64xi32, #tpu.memory_space<hbm>>)
      } else {
      }
      %dma_start3A_163 = arith.constant 0 : i32
      %dma_start3A_164 = arith.constant 0 : i32
      %dma_start3A_165 = tpu.memref_slice %arg2[%dma_start3A_163, %dma_start3A_164] : memref<10000x128xf32, #tpu.memory_space<hbm>> -> memref<10000x128xf32, #tpu.memory_space<hbm>>
      tpu.enqueue_indirect_dma source(%dma_start3A_165 : memref<10000x128xf32, #tpu.memory_space<hbm>>) target(%arg29 : memref<40x128xf32, #tpu.memory_space<vmem>>) offsets(%arg27 : memref<40xi32, #tpu.memory_space<vmem>>) semaphore(%arg33 : memref<!tpu.dma_semaphore, #tpu.memory_space<semaphore_mem>>)
      %dma_start3A_166 = arith.constant 0 : i32
      %dma_start3A_167 = arith.constant 0 : i32
      %dma_start3A_168 = tpu.memref_slice %arg3[%dma_start3A_166, %dma_start3A_167] : memref<10000x128xf32, #tpu.memory_space<hbm>> -> memref<10000x128xf32, #tpu.memory_space<hbm>>
      tpu.enqueue_indirect_dma source(%dma_start3A_168 : memref<10000x128xf32, #tpu.memory_space<hbm>>) target(%arg30 : memref<40x128xf32, #tpu.memory_space<vmem>>) offsets(%arg28 : memref<40xi32, #tpu.memory_space<vmem>>) semaphore(%arg34 : memref<!tpu.dma_semaphore, #tpu.memory_space<semaphore_mem>>)
      %eq3A_169 = arith.constant 0 : i32
      %eq3A_170 = arith.cmpi eq, %scan3A_145, %eq3A_169 : i32
      %dma_wait3A_171 = arith.constant 0 : i32
      %dma_wait3A_172 = tpu.memref_slice %arg4[%dma_wait3A_171] : memref<160000xi32, #tpu.memory_space<hbm>> -> memref<40xi32, #tpu.memory_space<hbm>>
      %dma_wait3A_173 = arith.constant 0 : i32
      %dma_wait3A_174 = tpu.memref_slice %arg4[%dma_wait3A_173] : memref<160000xi32, #tpu.memory_space<hbm>> -> memref<40xi32, #tpu.memory_space<hbm>>
      tpu.wait_dma2 semaphore(%arg41 : memref<!tpu.dma_semaphore, #tpu.memory_space<semaphore_mem>>) src(%dma_wait3A_174 : memref<40xi32, #tpu.memory_space<hbm>>) dst(%arg37 : memref<40xi32, #tpu.memory_space<vmem>>)
      %dma_wait3A_175 = arith.constant 0 : i32
      %dma_wait3A_176 = tpu.memref_slice %arg5[%dma_wait3A_175] : memref<160000xi32, #tpu.memory_space<hbm>> -> memref<40xi32, #tpu.memory_space<hbm>>
      %dma_wait3A_177 = arith.constant 0 : i32
      %dma_wait3A_178 = tpu.memref_slice %arg5[%dma_wait3A_177] : memref<160000xi32, #tpu.memory_space<hbm>> -> memref<40xi32, #tpu.memory_space<hbm>>
      tpu.wait_dma2 semaphore(%arg42 : memref<!tpu.dma_semaphore, #tpu.memory_space<semaphore_mem>>) src(%dma_wait3A_178 : memref<40xi32, #tpu.memory_space<hbm>>) dst(%arg38 : memref<40xi32, #tpu.memory_space<vmem>>)
      %not3A_179 = arith.constant true
      %not3A_180 = arith.xori %eq3A_170, %not3A_179 : i1
      %convert_element_type3A_181 = arith.extui %not3A_180 : i1 to i32
      %cond3A_182 = arith.constant 0 : i32
      %cond3A_183 = arith.cmpi ne, %convert_element_type3A_181, %cond3A_182 : i32
      scf.if %cond3A_183 {
        %dma_wait3A_294 = arith.constant 0 : i32
        %dma_wait3A_295 = arith.constant 0 : i32
        %dma_wait3A_296 = tpu.memref_slice %arg6[%dma_wait3A_294, %dma_wait3A_295] : memref<160000x64xi32, #tpu.memory_space<hbm>> -> memref<40x64xi32, #tpu.memory_space<hbm>>
        %dma_wait3A_297 = arith.constant 0 : i32
        %dma_wait3A_298 = arith.constant 0 : i32
        %dma_wait3A_299 = tpu.memref_slice %arg6[%dma_wait3A_297, %dma_wait3A_298] : memref<160000x64xi32, #tpu.memory_space<hbm>> -> memref<40x64xi32, #tpu.memory_space<hbm>>
        tpu.wait_dma2 semaphore(%arg45 : memref<!tpu.dma_semaphore, #tpu.memory_space<semaphore_mem>>) src(%arg46 : memref<40x64xi32, #tpu.memory_space<vmem>>) dst(%dma_wait3A_299 : memref<40x64xi32, #tpu.memory_space<hbm>>)
      } else {
      }
      %dma_start3A_184 = arith.constant 0 : i32
      %dma_start3A_185 = arith.constant 0 : i32
      %dma_start3A_186 = tpu.memref_slice %arg2[%dma_start3A_184, %dma_start3A_185] : memref<10000x128xf32, #tpu.memory_space<hbm>> -> memref<10000x128xf32, #tpu.memory_space<hbm>>
      tpu.enqueue_indirect_dma source(%dma_start3A_186 : memref<10000x128xf32, #tpu.memory_space<hbm>>) target(%arg39 : memref<40x128xf32, #tpu.memory_space<vmem>>) offsets(%arg37 : memref<40xi32, #tpu.memory_space<vmem>>) semaphore(%arg43 : memref<!tpu.dma_semaphore, #tpu.memory_space<semaphore_mem>>)
      %dma_start3A_187 = arith.constant 0 : i32
      %dma_start3A_188 = arith.constant 0 : i32
      %dma_start3A_189 = tpu.memref_slice %arg3[%dma_start3A_187, %dma_start3A_188] : memref<10000x128xf32, #tpu.memory_space<hbm>> -> memref<10000x128xf32, #tpu.memory_space<hbm>>
      tpu.enqueue_indirect_dma source(%dma_start3A_189 : memref<10000x128xf32, #tpu.memory_space<hbm>>) target(%arg40 : memref<40x128xf32, #tpu.memory_space<vmem>>) offsets(%arg38 : memref<40xi32, #tpu.memory_space<vmem>>) semaphore(%arg44 : memref<!tpu.dma_semaphore, #tpu.memory_space<semaphore_mem>>)
      %mul3A_190 = arith.constant 4 : i32
      %mul3A_191 = arith.muli %mul3A_190, %scan3A_145 : i32
      %dma_wait3A_192 = arith.constant 0 : i32
      %dma_wait3A_193 = arith.constant 0 : i32
      %dma_wait3A_194 = tpu.memref_slice %arg2[%dma_wait3A_192, %dma_wait3A_193] : memref<10000x128xf32, #tpu.memory_space<hbm>> -> memref<10000x128xf32, #tpu.memory_space<hbm>>
      tpu.wait_indirect_dma semaphore(%arg13 : memref<!tpu.dma_semaphore, #tpu.memory_space<semaphore_mem>>) src(%dma_wait3A_194 : memref<10000x128xf32, #tpu.memory_space<hbm>>) dst(%arg9 : memref<40x128xf32, #tpu.memory_space<vmem>>)
      %dma_wait3A_195 = arith.constant 0 : i32
      %dma_wait3A_196 = arith.constant 0 : i32
      %dma_wait3A_197 = tpu.memref_slice %arg3[%dma_wait3A_195, %dma_wait3A_196] : memref<10000x128xf32, #tpu.memory_space<hbm>> -> memref<10000x128xf32, #tpu.memory_space<hbm>>
      tpu.wait_indirect_dma semaphore(%arg14 : memref<!tpu.dma_semaphore, #tpu.memory_space<semaphore_mem>>) src(%dma_wait3A_197 : memref<10000x128xf32, #tpu.memory_space<hbm>>) dst(%arg10 : memref<40x128xf32, #tpu.memory_space<vmem>>)
      %scan3A_198 = arith.constant 0 : i32
      %scan3A_199 = arith.constant 0 : i32
      %scan3A_200 = arith.constant 40 : i32
      %scan3A_201 = arith.addi %scan3A_199, %scan3A_200 : i32
      %scan3A_202 = arith.constant 1 : i32
      scf.for %scan3A_294 = %scan3A_199 to %scan3A_201 step %scan3A_202  : i32 {
        %get3A = arith.index_cast %scan3A_294 : i32 to index
        %get3A_295 = arith.constant 0 : index
        %get3A_296 = tpu.vector_load %arg9[%get3A, %get3A_295] {strides = array<i32>} : memref<40x128xf32, #tpu.memory_space<vmem>>, vector<1x16xf32>,
        %get3A_297 = vector.shape_cast %get3A_296 : vector<1x16xf32> to vector<16xf32>
        %get3A_298 = arith.index_cast %scan3A_294 : i32 to index
        %get3A_299 = arith.constant 0 : index
        %get3A_300 = tpu.vector_load %arg10[%get3A_298, %get3A_299] {strides = array<i32>} : memref<40x128xf32, #tpu.memory_space<vmem>>, vector<1x16xf32>,
        %get3A_301 = vector.shape_cast %get3A_300 : vector<1x16xf32> to vector<16xf32>
        %add3A_302 = arith.addf %get3A_297, %get3A_301 : vector<16xf32>
        %get3A_303 = arith.index_cast %scan3A_294 : i32 to index
        %get3A_304 = arith.constant 64 : index
        %get3A_305 = tpu.vector_load %arg9[%get3A_303, %get3A_304] {strides = array<i32>} : memref<40x128xf32, #tpu.memory_space<vmem>>, vector<1x16xf32>,
        %get3A_306 = vector.shape_cast %get3A_305 : vector<1x16xf32> to vector<16xf32>
        %get3A_307 = arith.index_cast %scan3A_294 : i32 to index
        %get3A_308 = arith.constant 64 : index
        %get3A_309 = tpu.vector_load %arg10[%get3A_307, %get3A_308] {strides = array<i32>} : memref<40x128xf32, #tpu.memory_space<vmem>>, vector<1x16xf32>,
        %get3A_310 = vector.shape_cast %get3A_309 : vector<1x16xf32> to vector<16xf32>
        %add3A_311 = arith.addf %get3A_306, %get3A_310 : vector<16xf32>
        %bitcast_convert_type3A = tpu.bitcast %add3A_302 : vector<16xf32> -> vector<16xi32>
        %bitcast_convert_type3A_312 = tpu.bitcast %add3A_311 : vector<16xf32> -> vector<16xi32>
        %add3A_313 = arith.constant 32768 : i32
        %add3A_314 = vector.broadcast %add3A_313 : i32 to vector<16xi32>
        %add3A_315 = arith.addi %bitcast_convert_type3A, %add3A_314 : vector<16xi32>
        %shift_right_logical3A = arith.constant 16 : i32
        %shift_right_logical3A_316 = vector.broadcast %shift_right_logical3A : i32 to vector<16xi32>
        %shift_right_logical3A_317 = arith.shrui %add3A_315, %shift_right_logical3A_316 : vector<16xi32>
        %add3A_318 = arith.constant 32768 : i32
        %add3A_319 = vector.broadcast %add3A_318 : i32 to vector<16xi32>
        %add3A_320 = arith.addi %bitcast_convert_type3A_312, %add3A_319 : vector<16xi32>
        %and3A = arith.constant -65536 : i32
        %and3A_321 = vector.broadcast %and3A : i32 to vector<16xi32>
        %and3A_322 = arith.andi %add3A_320, %and3A_321 : vector<16xi32>
        %or3A = arith.ori %shift_right_logical3A_317, %and3A_322 : vector<16xi32>
        %bitcast_convert_type3A_323 = tpu.bitcast %or3A : vector<16xi32> -> vector<16xi32>
        %swap3A = arith.index_cast %scan3A_294 : i32 to index
        %swap3A_324 = arith.constant 0 : index
        %swap3A_325 = tpu.vector_load %arg16[%swap3A, %swap3A_324] {strides = array<i32>} : memref<40x64xi32, #tpu.memory_space<vmem>>, vector<1x16xi32>,
        %swap3A_326 = vector.shape_cast %swap3A_325 : vector<1x16xi32> to vector<16xi32>
        %swap3A_327 = vector.shape_cast %bitcast_convert_type3A_323 : vector<16xi32> to vector<1x16xi32>
        tpu.vector_store %arg16[%swap3A, %swap3A_324], %swap3A_327 {strides = array<i32>} : memref<40x64xi32, #tpu.memory_space<vmem>>, vector<1x16xi32>,
        %get3A_328 = arith.index_cast %scan3A_294 : i32 to index
        %get3A_329 = arith.constant 16 : index
        %get3A_330 = tpu.vector_load %arg9[%get3A_328, %get3A_329] {strides = array<i32>} : memref<40x128xf32, #tpu.memory_space<vmem>>, vector<1x16xf32>,
        %get3A_331 = vector.shape_cast %get3A_330 : vector<1x16xf32> to vector<16xf32>
        %get3A_332 = arith.index_cast %scan3A_294 : i32 to index
        %get3A_333 = arith.constant 16 : index
        %get3A_334 = tpu.vector_load %arg10[%get3A_332, %get3A_333] {strides = array<i32>} : memref<40x128xf32, #tpu.memory_space<vmem>>, vector<1x16xf32>,
        %get3A_335 = vector.shape_cast %get3A_334 : vector<1x16xf32> to vector<16xf32>
        %add3A_336 = arith.addf %get3A_331, %get3A_335 : vector<16xf32>
        %get3A_337 = arith.index_cast %scan3A_294 : i32 to index
        %get3A_338 = arith.constant 80 : index
        %get3A_339 = tpu.vector_load %arg9[%get3A_337, %get3A_338] {strides = array<i32>} : memref<40x128xf32, #tpu.memory_space<vmem>>, vector<1x16xf32>,
        %get3A_340 = vector.shape_cast %get3A_339 : vector<1x16xf32> to vector<16xf32>
        %get3A_341 = arith.index_cast %scan3A_294 : i32 to index
        %get3A_342 = arith.constant 80 : index
        %get3A_343 = tpu.vector_load %arg10[%get3A_341, %get3A_342] {strides = array<i32>} : memref<40x128xf32, #tpu.memory_space<vmem>>, vector<1x16xf32>,
        %get3A_344 = vector.shape_cast %get3A_343 : vector<1x16xf32> to vector<16xf32>
        %add3A_345 = arith.addf %get3A_340, %get3A_344 : vector<16xf32>
        %bitcast_convert_type3A_346 = tpu.bitcast %add3A_336 : vector<16xf32> -> vector<16xi32>
        %bitcast_convert_type3A_347 = tpu.bitcast %add3A_345 : vector<16xf32> -> vector<16xi32>
        %add3A_348 = arith.constant 32768 : i32
        %add3A_349 = vector.broadcast %add3A_348 : i32 to vector<16xi32>
        %add3A_350 = arith.addi %bitcast_convert_type3A_346, %add3A_349 : vector<16xi32>
        %shift_right_logical3A_351 = arith.constant 16 : i32
        %shift_right_logical3A_352 = vector.broadcast %shift_right_logical3A_351 : i32 to vector<16xi32>
        %shift_right_logical3A_353 = arith.shrui %add3A_350, %shift_right_logical3A_352 : vector<16xi32>
        %add3A_354 = arith.constant 32768 : i32
        %add3A_355 = vector.broadcast %add3A_354 : i32 to vector<16xi32>
        %add3A_356 = arith.addi %bitcast_convert_type3A_347, %add3A_355 : vector<16xi32>
        %and3A_357 = arith.constant -65536 : i32
        %and3A_358 = vector.broadcast %and3A_357 : i32 to vector<16xi32>
        %and3A_359 = arith.andi %add3A_356, %and3A_358 : vector<16xi32>
        %or3A_360 = arith.ori %shift_right_logical3A_353, %and3A_359 : vector<16xi32>
        %bitcast_convert_type3A_361 = tpu.bitcast %or3A_360 : vector<16xi32> -> vector<16xi32>
        %swap3A_362 = arith.index_cast %scan3A_294 : i32 to index
        %swap3A_363 = arith.constant 16 : index
        %swap3A_364 = tpu.vector_load %arg16[%swap3A_362, %swap3A_363] {strides = array<i32>} : memref<40x64xi32, #tpu.memory_space<vmem>>, vector<1x16xi32>,
        %swap3A_365 = vector.shape_cast %swap3A_364 : vector<1x16xi32> to vector<16xi32>
        %swap3A_366 = vector.shape_cast %bitcast_convert_type3A_361 : vector<16xi32> to vector<1x16xi32>
        tpu.vector_store %arg16[%swap3A_362, %swap3A_363], %swap3A_366 {strides = array<i32>} : memref<40x64xi32, #tpu.memory_space<vmem>>, vector<1x16xi32>,
        %get3A_367 = arith.index_cast %scan3A_294 : i32 to index
        %get3A_368 = arith.constant 32 : index
        %get3A_369 = tpu.vector_load %arg9[%get3A_367, %get3A_368] {strides = array<i32>} : memref<40x128xf32, #tpu.memory_space<vmem>>, vector<1x16xf32>,
        %get3A_370 = vector.shape_cast %get3A_369 : vector<1x16xf32> to vector<16xf32>
        %get3A_371 = arith.index_cast %scan3A_294 : i32 to index
        %get3A_372 = arith.constant 32 : index
        %get3A_373 = tpu.vector_load %arg10[%get3A_371, %get3A_372] {strides = array<i32>} : memref<40x128xf32, #tpu.memory_space<vmem>>, vector<1x16xf32>,
        %get3A_374 = vector.shape_cast %get3A_373 : vector<1x16xf32> to vector<16xf32>
        %add3A_375 = arith.addf %get3A_370, %get3A_374 : vector<16xf32>
        %get3A_376 = arith.index_cast %scan3A_294 : i32 to index
        %get3A_377 = arith.constant 96 : index
        %get3A_378 = tpu.vector_load %arg9[%get3A_376, %get3A_377] {strides = array<i32>} : memref<40x128xf32, #tpu.memory_space<vmem>>, vector<1x16xf32>,
        %get3A_379 = vector.shape_cast %get3A_378 : vector<1x16xf32> to vector<16xf32>
        %get3A_380 = arith.index_cast %scan3A_294 : i32 to index
        %get3A_381 = arith.constant 96 : index
        %get3A_382 = tpu.vector_load %arg10[%get3A_380, %get3A_381] {strides = array<i32>} : memref<40x128xf32, #tpu.memory_space<vmem>>, vector<1x16xf32>,
        %get3A_383 = vector.shape_cast %get3A_382 : vector<1x16xf32> to vector<16xf32>
        %add3A_384 = arith.addf %get3A_379, %get3A_383 : vector<16xf32>
        %bitcast_convert_type3A_385 = tpu.bitcast %add3A_375 : vector<16xf32> -> vector<16xi32>
        %bitcast_convert_type3A_386 = tpu.bitcast %add3A_384 : vector<16xf32> -> vector<16xi32>
        %add3A_387 = arith.constant 32768 : i32
        %add3A_388 = vector.broadcast %add3A_387 : i32 to vector<16xi32>
        %add3A_389 = arith.addi %bitcast_convert_type3A_385, %add3A_388 : vector<16xi32>
        %shift_right_logical3A_390 = arith.constant 16 : i32
        %shift_right_logical3A_391 = vector.broadcast %shift_right_logical3A_390 : i32 to vector<16xi32>
        %shift_right_logical3A_392 = arith.shrui %add3A_389, %shift_right_logical3A_391 : vector<16xi32>
        %add3A_393 = arith.constant 32768 : i32
        %add3A_394 = vector.broadcast %add3A_393 : i32 to vector<16xi32>
        %add3A_395 = arith.addi %bitcast_convert_type3A_386, %add3A_394 : vector<16xi32>
        %and3A_396 = arith.constant -65536 : i32
        %and3A_397 = vector.broadcast %and3A_396 : i32 to vector<16xi32>
        %and3A_398 = arith.andi %add3A_395, %and3A_397 : vector<16xi32>
        %or3A_399 = arith.ori %shift_right_logical3A_392, %and3A_398 : vector<16xi32>
        %bitcast_convert_type3A_400 = tpu.bitcast %or3A_399 : vector<16xi32> -> vector<16xi32>
        %swap3A_401 = arith.index_cast %scan3A_294 : i32 to index
        %swap3A_402 = arith.constant 32 : index
        %swap3A_403 = tpu.vector_load %arg16[%swap3A_401, %swap3A_402] {strides = array<i32>} : memref<40x64xi32, #tpu.memory_space<vmem>>, vector<1x16xi32>,
        %swap3A_404 = vector.shape_cast %swap3A_403 : vector<1x16xi32> to vector<16xi32>
        %swap3A_405 = vector.shape_cast %bitcast_convert_type3A_400 : vector<16xi32> to vector<1x16xi32>
        tpu.vector_store %arg16[%swap3A_401, %swap3A_402], %swap3A_405 {strides = array<i32>} : memref<40x64xi32, #tpu.memory_space<vmem>>, vector<1x16xi32>,
        %get3A_406 = arith.index_cast %scan3A_294 : i32 to index
        %get3A_407 = arith.constant 48 : index
        %get3A_408 = tpu.vector_load %arg9[%get3A_406, %get3A_407] {strides = array<i32>} : memref<40x128xf32, #tpu.memory_space<vmem>>, vector<1x16xf32>,
        %get3A_409 = vector.shape_cast %get3A_408 : vector<1x16xf32> to vector<16xf32>
        %get3A_410 = arith.index_cast %scan3A_294 : i32 to index
        %get3A_411 = arith.constant 48 : index
        %get3A_412 = tpu.vector_load %arg10[%get3A_410, %get3A_411] {strides = array<i32>} : memref<40x128xf32, #tpu.memory_space<vmem>>, vector<1x16xf32>,
        %get3A_413 = vector.shape_cast %get3A_412 : vector<1x16xf32> to vector<16xf32>
        %add3A_414 = arith.addf %get3A_409, %get3A_413 : vector<16xf32>
        %get3A_415 = arith.index_cast %scan3A_294 : i32 to index
        %get3A_416 = arith.constant 112 : index
        %get3A_417 = tpu.vector_load %arg9[%get3A_415, %get3A_416] {strides = array<i32>} : memref<40x128xf32, #tpu.memory_space<vmem>>, vector<1x16xf32>,
        %get3A_418 = vector.shape_cast %get3A_417 : vector<1x16xf32> to vector<16xf32>
        %get3A_419 = arith.index_cast %scan3A_294 : i32 to index
        %get3A_420 = arith.constant 112 : index
        %get3A_421 = tpu.vector_load %arg10[%get3A_419, %get3A_420] {strides = array<i32>} : memref<40x128xf32, #tpu.memory_space<vmem>>, vector<1x16xf32>,
        %get3A_422 = vector.shape_cast %get3A_421 : vector<1x16xf32> to vector<16xf32>
        %add3A_423 = arith.addf %get3A_418, %get3A_422 : vector<16xf32>
        %bitcast_convert_type3A_424 = tpu.bitcast %add3A_414 : vector<16xf32> -> vector<16xi32>
        %bitcast_convert_type3A_425 = tpu.bitcast %add3A_423 : vector<16xf32> -> vector<16xi32>
        %add3A_426 = arith.constant 32768 : i32
        %add3A_427 = vector.broadcast %add3A_426 : i32 to vector<16xi32>
        %add3A_428 = arith.addi %bitcast_convert_type3A_424, %add3A_427 : vector<16xi32>
        %shift_right_logical3A_429 = arith.constant 16 : i32
        %shift_right_logical3A_430 = vector.broadcast %shift_right_logical3A_429 : i32 to vector<16xi32>
        %shift_right_logical3A_431 = arith.shrui %add3A_428, %shift_right_logical3A_430 : vector<16xi32>
        %add3A_432 = arith.constant 32768 : i32
        %add3A_433 = vector.broadcast %add3A_432 : i32 to vector<16xi32>
        %add3A_434 = arith.addi %bitcast_convert_type3A_425, %add3A_433 : vector<16xi32>
        %and3A_435 = arith.constant -65536 : i32
        %and3A_436 = vector.broadcast %and3A_435 : i32 to vector<16xi32>
        %and3A_437 = arith.andi %add3A_434, %and3A_436 : vector<16xi32>
        %or3A_438 = arith.ori %shift_right_logical3A_431, %and3A_437 : vector<16xi32>
        %bitcast_convert_type3A_439 = tpu.bitcast %or3A_438 : vector<16xi32> -> vector<16xi32>
        %swap3A_440 = arith.index_cast %scan3A_294 : i32 to index
        %swap3A_441 = arith.constant 48 : index
        %swap3A_442 = tpu.vector_load %arg16[%swap3A_440, %swap3A_441] {strides = array<i32>} : memref<40x64xi32, #tpu.memory_space<vmem>>, vector<1x16xi32>,
        %swap3A_443 = vector.shape_cast %swap3A_442 : vector<1x16xi32> to vector<16xi32>
        %swap3A_444 = vector.shape_cast %bitcast_convert_type3A_439 : vector<16xi32> to vector<1x16xi32>
        tpu.vector_store %arg16[%swap3A_440, %swap3A_441], %swap3A_444 {strides = array<i32>} : memref<40x64xi32, #tpu.memory_space<vmem>>, vector<1x16xi32>,
      }
      %scan3A_203 = arith.constant 40 : i32
      %mul3A_204 = arith.constant 5000 : i32
      %mul3A_205 = arith.muli %add3A, %mul3A_204 : i32
      %mul3A_206 = arith.constant 40 : i32
      %mul3A_207 = arith.muli %mul3A_191, %mul3A_206 : i32
      %add3A_208 = arith.addi %mul3A_205, %mul3A_207 : i32
      %dma_start3A_209 = arith.constant 0 : i32
      %dma_start3A_210 = tpu.memref_slice %arg6[%add3A_208, %dma_start3A_209] : memref<160000x64xi32, #tpu.memory_space<hbm>> -> memref<40x64xi32, #tpu.memory_space<hbm>>
      %dma_start3A_211 = arith.constant 0 : i32
      %dma_start3A_212 = tpu.memref_slice %arg6[%add3A_208, %dma_start3A_211] : memref<160000x64xi32, #tpu.memory_space<hbm>> -> memref<40x64xi32, #tpu.memory_space<hbm>>
      tpu.enqueue_dma source(%arg16 : memref<40x64xi32, #tpu.memory_space<vmem>>) target(%dma_start3A_212 : memref<40x64xi32, #tpu.memory_space<hbm>>) target_semaphore(%arg15 : memref<!tpu.dma_semaphore, #tpu.memory_space<semaphore_mem>>)
      %mul3A_213 = arith.constant 4 : i32
      %mul3A_214 = arith.muli %mul3A_213, %scan3A_145 : i32
      %add3A_215 = arith.constant 1 : i32
      %add3A_216 = arith.addi %mul3A_214, %add3A_215 : i32
      %dma_wait3A_217 = arith.constant 0 : i32
      %dma_wait3A_218 = arith.constant 0 : i32
      %dma_wait3A_219 = tpu.memref_slice %arg2[%dma_wait3A_217, %dma_wait3A_218] : memref<10000x128xf32, #tpu.memory_space<hbm>> -> memref<10000x128xf32, #tpu.memory_space<hbm>>
      tpu.wait_indirect_dma semaphore(%arg23 : memref<!tpu.dma_semaphore, #tpu.memory_space<semaphore_mem>>) src(%dma_wait3A_219 : memref<10000x128xf32, #tpu.memory_space<hbm>>) dst(%arg19 : memref<40x128xf32, #tpu.memory_space<vmem>>)
      %dma_wait3A_220 = arith.constant 0 : i32
      %dma_wait3A_221 = arith.constant 0 : i32
      %dma_wait3A_222 = tpu.memref_slice %arg3[%dma_wait3A_220, %dma_wait3A_221] : memref<10000x128xf32, #tpu.memory_space<hbm>> -> memref<10000x128xf32, #tpu.memory_space<hbm>>
      tpu.wait_indirect_dma semaphore(%arg24 : memref<!tpu.dma_semaphore, #tpu.memory_space<semaphore_mem>>) src(%dma_wait3A_222 : memref<10000x128xf32, #tpu.memory_space<hbm>>) dst(%arg20 : memref<40x128xf32, #tpu.memory_space<vmem>>)
      %scan3A_223 = arith.constant 0 : i32
      %scan3A_224 = arith.constant 0 : i32
      %scan3A_225 = arith.constant 40 : i32
      %scan3A_226 = arith.addi %scan3A_224, %scan3A_225 : i32
      %scan3A_227 = arith.constant 1 : i32
      scf.for %scan3A_294 = %scan3A_224 to %scan3A_226 step %scan3A_227  : i32 {
        %get3A = arith.index_cast %scan3A_294 : i32 to index
        %get3A_295 = arith.constant 0 : index
        %get3A_296 = tpu.vector_load %arg19[%get3A, %get3A_295] {strides = array<i32>} : memref<40x128xf32, #tpu.memory_space<vmem>>, vector<1x16xf32>,
        %get3A_297 = vector.shape_cast %get3A_296 : vector<1x16xf32> to vector<16xf32>
        %get3A_298 = arith.index_cast %scan3A_294 : i32 to index
        %get3A_299 = arith.constant 0 : index
        %get3A_300 = tpu.vector_load %arg20[%get3A_298, %get3A_299] {strides = array<i32>} : memref<40x128xf32, #tpu.memory_space<vmem>>, vector<1x16xf32>,
        %get3A_301 = vector.shape_cast %get3A_300 : vector<1x16xf32> to vector<16xf32>
        %add3A_302 = arith.addf %get3A_297, %get3A_301 : vector<16xf32>
        %get3A_303 = arith.index_cast %scan3A_294 : i32 to index
        %get3A_304 = arith.constant 64 : index
        %get3A_305 = tpu.vector_load %arg19[%get3A_303, %get3A_304] {strides = array<i32>} : memref<40x128xf32, #tpu.memory_space<vmem>>, vector<1x16xf32>,
        %get3A_306 = vector.shape_cast %get3A_305 : vector<1x16xf32> to vector<16xf32>
        %get3A_307 = arith.index_cast %scan3A_294 : i32 to index
        %get3A_308 = arith.constant 64 : index
        %get3A_309 = tpu.vector_load %arg20[%get3A_307, %get3A_308] {strides = array<i32>} : memref<40x128xf32, #tpu.memory_space<vmem>>, vector<1x16xf32>,
        %get3A_310 = vector.shape_cast %get3A_309 : vector<1x16xf32> to vector<16xf32>
        %add3A_311 = arith.addf %get3A_306, %get3A_310 : vector<16xf32>
        %bitcast_convert_type3A = tpu.bitcast %add3A_302 : vector<16xf32> -> vector<16xi32>
        %bitcast_convert_type3A_312 = tpu.bitcast %add3A_311 : vector<16xf32> -> vector<16xi32>
        %add3A_313 = arith.constant 32768 : i32
        %add3A_314 = vector.broadcast %add3A_313 : i32 to vector<16xi32>
        %add3A_315 = arith.addi %bitcast_convert_type3A, %add3A_314 : vector<16xi32>
        %shift_right_logical3A = arith.constant 16 : i32
        %shift_right_logical3A_316 = vector.broadcast %shift_right_logical3A : i32 to vector<16xi32>
        %shift_right_logical3A_317 = arith.shrui %add3A_315, %shift_right_logical3A_316 : vector<16xi32>
        %add3A_318 = arith.constant 32768 : i32
        %add3A_319 = vector.broadcast %add3A_318 : i32 to vector<16xi32>
        %add3A_320 = arith.addi %bitcast_convert_type3A_312, %add3A_319 : vector<16xi32>
        %and3A = arith.constant -65536 : i32
        %and3A_321 = vector.broadcast %and3A : i32 to vector<16xi32>
        %and3A_322 = arith.andi %add3A_320, %and3A_321 : vector<16xi32>
        %or3A = arith.ori %shift_right_logical3A_317, %and3A_322 : vector<16xi32>
        %bitcast_convert_type3A_323 = tpu.bitcast %or3A : vector<16xi32> -> vector<16xi32>
        %swap3A = arith.index_cast %scan3A_294 : i32 to index
        %swap3A_324 = arith.constant 0 : index
        %swap3A_325 = tpu.vector_load %arg26[%swap3A, %swap3A_324] {strides = array<i32>} : memref<40x64xi32, #tpu.memory_space<vmem>>, vector<1x16xi32>,
        %swap3A_326 = vector.shape_cast %swap3A_325 : vector<1x16xi32> to vector<16xi32>
        %swap3A_327 = vector.shape_cast %bitcast_convert_type3A_323 : vector<16xi32> to vector<1x16xi32>
        tpu.vector_store %arg26[%swap3A, %swap3A_324], %swap3A_327 {strides = array<i32>} : memref<40x64xi32, #tpu.memory_space<vmem>>, vector<1x16xi32>,
        %get3A_328 = arith.index_cast %scan3A_294 : i32 to index
        %get3A_329 = arith.constant 16 : index
        %get3A_330 = tpu.vector_load %arg19[%get3A_328, %get3A_329] {strides = array<i32>} : memref<40x128xf32, #tpu.memory_space<vmem>>, vector<1x16xf32>,
        %get3A_331 = vector.shape_cast %get3A_330 : vector<1x16xf32> to vector<16xf32>
        %get3A_332 = arith.index_cast %scan3A_294 : i32 to index
        %get3A_333 = arith.constant 16 : index
        %get3A_334 = tpu.vector_load %arg20[%get3A_332, %get3A_333] {strides = array<i32>} : memref<40x128xf32, #tpu.memory_space<vmem>>, vector<1x16xf32>,
        %get3A_335 = vector.shape_cast %get3A_334 : vector<1x16xf32> to vector<16xf32>
        %add3A_336 = arith.addf %get3A_331, %get3A_335 : vector<16xf32>
        %get3A_337 = arith.index_cast %scan3A_294 : i32 to index
        %get3A_338 = arith.constant 80 : index
        %get3A_339 = tpu.vector_load %arg19[%get3A_337, %get3A_338] {strides = array<i32>} : memref<40x128xf32, #tpu.memory_space<vmem>>, vector<1x16xf32>,
        %get3A_340 = vector.shape_cast %get3A_339 : vector<1x16xf32> to vector<16xf32>
        %get3A_341 = arith.index_cast %scan3A_294 : i32 to index
        %get3A_342 = arith.constant 80 : index
        %get3A_343 = tpu.vector_load %arg20[%get3A_341, %get3A_342] {strides = array<i32>} : memref<40x128xf32, #tpu.memory_space<vmem>>, vector<1x16xf32>,
        %get3A_344 = vector.shape_cast %get3A_343 : vector<1x16xf32> to vector<16xf32>
        %add3A_345 = arith.addf %get3A_340, %get3A_344 : vector<16xf32>
        %bitcast_convert_type3A_346 = tpu.bitcast %add3A_336 : vector<16xf32> -> vector<16xi32>
        %bitcast_convert_type3A_347 = tpu.bitcast %add3A_345 : vector<16xf32> -> vector<16xi32>
        %add3A_348 = arith.constant 32768 : i32
        %add3A_349 = vector.broadcast %add3A_348 : i32 to vector<16xi32>
        %add3A_350 = arith.addi %bitcast_convert_type3A_346, %add3A_349 : vector<16xi32>
        %shift_right_logical3A_351 = arith.constant 16 : i32
        %shift_right_logical3A_352 = vector.broadcast %shift_right_logical3A_351 : i32 to vector<16xi32>
        %shift_right_logical3A_353 = arith.shrui %add3A_350, %shift_right_logical3A_352 : vector<16xi32>
        %add3A_354 = arith.constant 32768 : i32
        %add3A_355 = vector.broadcast %add3A_354 : i32 to vector<16xi32>
        %add3A_356 = arith.addi %bitcast_convert_type3A_347, %add3A_355 : vector<16xi32>
        %and3A_357 = arith.constant -65536 : i32
        %and3A_358 = vector.broadcast %and3A_357 : i32 to vector<16xi32>
        %and3A_359 = arith.andi %add3A_356, %and3A_358 : vector<16xi32>
        %or3A_360 = arith.ori %shift_right_logical3A_353, %and3A_359 : vector<16xi32>
        %bitcast_convert_type3A_361 = tpu.bitcast %or3A_360 : vector<16xi32> -> vector<16xi32>
        %swap3A_362 = arith.index_cast %scan3A_294 : i32 to index
        %swap3A_363 = arith.constant 16 : index
        %swap3A_364 = tpu.vector_load %arg26[%swap3A_362, %swap3A_363] {strides = array<i32>} : memref<40x64xi32, #tpu.memory_space<vmem>>, vector<1x16xi32>,
        %swap3A_365 = vector.shape_cast %swap3A_364 : vector<1x16xi32> to vector<16xi32>
        %swap3A_366 = vector.shape_cast %bitcast_convert_type3A_361 : vector<16xi32> to vector<1x16xi32>
        tpu.vector_store %arg26[%swap3A_362, %swap3A_363], %swap3A_366 {strides = array<i32>} : memref<40x64xi32, #tpu.memory_space<vmem>>, vector<1x16xi32>,
        %get3A_367 = arith.index_cast %scan3A_294 : i32 to index
        %get3A_368 = arith.constant 32 : index
        %get3A_369 = tpu.vector_load %arg19[%get3A_367, %get3A_368] {strides = array<i32>} : memref<40x128xf32, #tpu.memory_space<vmem>>, vector<1x16xf32>,
        %get3A_370 = vector.shape_cast %get3A_369 : vector<1x16xf32> to vector<16xf32>
        %get3A_371 = arith.index_cast %scan3A_294 : i32 to index
        %get3A_372 = arith.constant 32 : index
        %get3A_373 = tpu.vector_load %arg20[%get3A_371, %get3A_372] {strides = array<i32>} : memref<40x128xf32, #tpu.memory_space<vmem>>, vector<1x16xf32>,
        %get3A_374 = vector.shape_cast %get3A_373 : vector<1x16xf32> to vector<16xf32>
        %add3A_375 = arith.addf %get3A_370, %get3A_374 : vector<16xf32>
        %get3A_376 = arith.index_cast %scan3A_294 : i32 to index
        %get3A_377 = arith.constant 96 : index
        %get3A_378 = tpu.vector_load %arg19[%get3A_376, %get3A_377] {strides = array<i32>} : memref<40x128xf32, #tpu.memory_space<vmem>>, vector<1x16xf32>,
        %get3A_379 = vector.shape_cast %get3A_378 : vector<1x16xf32> to vector<16xf32>
        %get3A_380 = arith.index_cast %scan3A_294 : i32 to index
        %get3A_381 = arith.constant 96 : index
        %get3A_382 = tpu.vector_load %arg20[%get3A_380, %get3A_381] {strides = array<i32>} : memref<40x128xf32, #tpu.memory_space<vmem>>, vector<1x16xf32>,
        %get3A_383 = vector.shape_cast %get3A_382 : vector<1x16xf32> to vector<16xf32>
        %add3A_384 = arith.addf %get3A_379, %get3A_383 : vector<16xf32>
        %bitcast_convert_type3A_385 = tpu.bitcast %add3A_375 : vector<16xf32> -> vector<16xi32>
        %bitcast_convert_type3A_386 = tpu.bitcast %add3A_384 : vector<16xf32> -> vector<16xi32>
        %add3A_387 = arith.constant 32768 : i32
        %add3A_388 = vector.broadcast %add3A_387 : i32 to vector<16xi32>
        %add3A_389 = arith.addi %bitcast_convert_type3A_385, %add3A_388 : vector<16xi32>
        %shift_right_logical3A_390 = arith.constant 16 : i32
        %shift_right_logical3A_391 = vector.broadcast %shift_right_logical3A_390 : i32 to vector<16xi32>
        %shift_right_logical3A_392 = arith.shrui %add3A_389, %shift_right_logical3A_391 : vector<16xi32>
        %add3A_393 = arith.constant 32768 : i32
        %add3A_394 = vector.broadcast %add3A_393 : i32 to vector<16xi32>
        %add3A_395 = arith.addi %bitcast_convert_type3A_386, %add3A_394 : vector<16xi32>
        %and3A_396 = arith.constant -65536 : i32
        %and3A_397 = vector.broadcast %and3A_396 : i32 to vector<16xi32>
        %and3A_398 = arith.andi %add3A_395, %and3A_397 : vector<16xi32>
        %or3A_399 = arith.ori %shift_right_logical3A_392, %and3A_398 : vector<16xi32>
        %bitcast_convert_type3A_400 = tpu.bitcast %or3A_399 : vector<16xi32> -> vector<16xi32>
        %swap3A_401 = arith.index_cast %scan3A_294 : i32 to index
        %swap3A_402 = arith.constant 32 : index
        %swap3A_403 = tpu.vector_load %arg26[%swap3A_401, %swap3A_402] {strides = array<i32>} : memref<40x64xi32, #tpu.memory_space<vmem>>, vector<1x16xi32>,
        %swap3A_404 = vector.shape_cast %swap3A_403 : vector<1x16xi32> to vector<16xi32>
        %swap3A_405 = vector.shape_cast %bitcast_convert_type3A_400 : vector<16xi32> to vector<1x16xi32>
        tpu.vector_store %arg26[%swap3A_401, %swap3A_402], %swap3A_405 {strides = array<i32>} : memref<40x64xi32, #tpu.memory_space<vmem>>, vector<1x16xi32>,
        %get3A_406 = arith.index_cast %scan3A_294 : i32 to index
        %get3A_407 = arith.constant 48 : index
        %get3A_408 = tpu.vector_load %arg19[%get3A_406, %get3A_407] {strides = array<i32>} : memref<40x128xf32, #tpu.memory_space<vmem>>, vector<1x16xf32>,
        %get3A_409 = vector.shape_cast %get3A_408 : vector<1x16xf32> to vector<16xf32>
        %get3A_410 = arith.index_cast %scan3A_294 : i32 to index
        %get3A_411 = arith.constant 48 : index
        %get3A_412 = tpu.vector_load %arg20[%get3A_410, %get3A_411] {strides = array<i32>} : memref<40x128xf32, #tpu.memory_space<vmem>>, vector<1x16xf32>,
        %get3A_413 = vector.shape_cast %get3A_412 : vector<1x16xf32> to vector<16xf32>
        %add3A_414 = arith.addf %get3A_409, %get3A_413 : vector<16xf32>
        %get3A_415 = arith.index_cast %scan3A_294 : i32 to index
        %get3A_416 = arith.constant 112 : index
        %get3A_417 = tpu.vector_load %arg19[%get3A_415, %get3A_416] {strides = array<i32>} : memref<40x128xf32, #tpu.memory_space<vmem>>, vector<1x16xf32>,
        %get3A_418 = vector.shape_cast %get3A_417 : vector<1x16xf32> to vector<16xf32>
        %get3A_419 = arith.index_cast %scan3A_294 : i32 to index
        %get3A_420 = arith.constant 112 : index
        %get3A_421 = tpu.vector_load %arg20[%get3A_419, %get3A_420] {strides = array<i32>} : memref<40x128xf32, #tpu.memory_space<vmem>>, vector<1x16xf32>,
        %get3A_422 = vector.shape_cast %get3A_421 : vector<1x16xf32> to vector<16xf32>
        %add3A_423 = arith.addf %get3A_418, %get3A_422 : vector<16xf32>
        %bitcast_convert_type3A_424 = tpu.bitcast %add3A_414 : vector<16xf32> -> vector<16xi32>
        %bitcast_convert_type3A_425 = tpu.bitcast %add3A_423 : vector<16xf32> -> vector<16xi32>
        %add3A_426 = arith.constant 32768 : i32
        %add3A_427 = vector.broadcast %add3A_426 : i32 to vector<16xi32>
        %add3A_428 = arith.addi %bitcast_convert_type3A_424, %add3A_427 : vector<16xi32>
        %shift_right_logical3A_429 = arith.constant 16 : i32
        %shift_right_logical3A_430 = vector.broadcast %shift_right_logical3A_429 : i32 to vector<16xi32>
        %shift_right_logical3A_431 = arith.shrui %add3A_428, %shift_right_logical3A_430 : vector<16xi32>
        %add3A_432 = arith.constant 32768 : i32
        %add3A_433 = vector.broadcast %add3A_432 : i32 to vector<16xi32>
        %add3A_434 = arith.addi %bitcast_convert_type3A_425, %add3A_433 : vector<16xi32>
        %and3A_435 = arith.constant -65536 : i32
        %and3A_436 = vector.broadcast %and3A_435 : i32 to vector<16xi32>
        %and3A_437 = arith.andi %add3A_434, %and3A_436 : vector<16xi32>
        %or3A_438 = arith.ori %shift_right_logical3A_431, %and3A_437 : vector<16xi32>
        %bitcast_convert_type3A_439 = tpu.bitcast %or3A_438 : vector<16xi32> -> vector<16xi32>
        %swap3A_440 = arith.index_cast %scan3A_294 : i32 to index
        %swap3A_441 = arith.constant 48 : index
        %swap3A_442 = tpu.vector_load %arg26[%swap3A_440, %swap3A_441] {strides = array<i32>} : memref<40x64xi32, #tpu.memory_space<vmem>>, vector<1x16xi32>,
        %swap3A_443 = vector.shape_cast %swap3A_442 : vector<1x16xi32> to vector<16xi32>
        %swap3A_444 = vector.shape_cast %bitcast_convert_type3A_439 : vector<16xi32> to vector<1x16xi32>
        tpu.vector_store %arg26[%swap3A_440, %swap3A_441], %swap3A_444 {strides = array<i32>} : memref<40x64xi32, #tpu.memory_space<vmem>>, vector<1x16xi32>,
      }
      %scan3A_228 = arith.constant 40 : i32
      %mul3A_229 = arith.constant 5000 : i32
      %mul3A_230 = arith.muli %add3A, %mul3A_229 : i32
      %mul3A_231 = arith.constant 40 : i32
      %mul3A_232 = arith.muli %add3A_216, %mul3A_231 : i32
      %add3A_233 = arith.addi %mul3A_230, %mul3A_232 : i32
      %dma_start3A_234 = arith.constant 0 : i32
      %dma_start3A_235 = tpu.memref_slice %arg6[%add3A_233, %dma_start3A_234] : memref<160000x64xi32, #tpu.memory_space<hbm>> -> memref<40x64xi32, #tpu.memory_space<hbm>>
      %dma_start3A_236 = arith.constant 0 : i32
      %dma_start3A_237 = tpu.memref_slice %arg6[%add3A_233, %dma_start3A_236] : memref<160000x64xi32, #tpu.memory_space<hbm>> -> memref<40x64xi32, #tpu.memory_space<hbm>>
      tpu.enqueue_dma source(%arg26 : memref<40x64xi32, #tpu.memory_space<vmem>>) target(%dma_start3A_237 : memref<40x64xi32, #tpu.memory_space<hbm>>) target_semaphore(%arg25 : memref<!tpu.dma_semaphore, #tpu.memory_space<semaphore_mem>>)
      %convert_element_type3A_238 = arith.extui %lt3A_148 : i1 to i32
      %cond3A_239 = arith.constant 0 : i32
      %cond3A_240 = arith.cmpi ne, %convert_element_type3A_238, %cond3A_239 : i32
      scf.if %cond3A_240 {
        %mul3A_294 = arith.constant 4 : i32
        %mul3A_295 = arith.muli %mul3A_294, %scan3A_145 : i32
        %add3A_296 = arith.constant 4 : i32
        %add3A_297 = arith.addi %mul3A_295, %add3A_296 : i32
        %mul3A_298 = arith.constant 5000 : i32
        %mul3A_299 = arith.muli %add3A, %mul3A_298 : i32
        %mul3A_300 = arith.constant 40 : i32
        %mul3A_301 = arith.muli %add3A_297, %mul3A_300 : i32
        %add3A_302 = arith.addi %mul3A_299, %mul3A_301 : i32
        %dma_start3A_303 = tpu.memref_slice %arg4[%add3A_302] : memref<160000xi32, #tpu.memory_space<hbm>> -> memref<40xi32, #tpu.memory_space<hbm>>
        %dma_start3A_304 = tpu.memref_slice %arg4[%add3A_302] : memref<160000xi32, #tpu.memory_space<hbm>> -> memref<40xi32, #tpu.memory_space<hbm>>
        tpu.enqueue_dma source(%dma_start3A_304 : memref<40xi32, #tpu.memory_space<hbm>>) target(%arg7 : memref<40xi32, #tpu.memory_space<vmem>>) target_semaphore(%arg11 : memref<!tpu.dma_semaphore, #tpu.memory_space<semaphore_mem>>)
        %dma_start3A_305 = tpu.memref_slice %arg5[%add3A_302] : memref<160000xi32, #tpu.memory_space<hbm>> -> memref<40xi32, #tpu.memory_space<hbm>>
        %dma_start3A_306 = tpu.memref_slice %arg5[%add3A_302] : memref<160000xi32, #tpu.memory_space<hbm>> -> memref<40xi32, #tpu.memory_space<hbm>>
        tpu.enqueue_dma source(%dma_start3A_306 : memref<40xi32, #tpu.memory_space<hbm>>) target(%arg8 : memref<40xi32, #tpu.memory_space<vmem>>) target_semaphore(%arg12 : memref<!tpu.dma_semaphore, #tpu.memory_space<semaphore_mem>>)
        %mul3A_307 = arith.constant 4 : i32
        %mul3A_308 = arith.muli %mul3A_307, %scan3A_145 : i32
        %add3A_309 = arith.constant 5 : i32
        %add3A_310 = arith.addi %mul3A_308, %add3A_309 : i32
        %mul3A_311 = arith.constant 5000 : i32
        %mul3A_312 = arith.muli %add3A, %mul3A_311 : i32
        %mul3A_313 = arith.constant 40 : i32
        %mul3A_314 = arith.muli %add3A_310, %mul3A_313 : i32
        %add3A_315 = arith.addi %mul3A_312, %mul3A_314 : i32
        %dma_start3A_316 = tpu.memref_slice %arg4[%add3A_315] : memref<160000xi32, #tpu.memory_space<hbm>> -> memref<40xi32, #tpu.memory_space<hbm>>
        %dma_start3A_317 = tpu.memref_slice %arg4[%add3A_315] : memref<160000xi32, #tpu.memory_space<hbm>> -> memref<40xi32, #tpu.memory_space<hbm>>
        tpu.enqueue_dma source(%dma_start3A_317 : memref<40xi32, #tpu.memory_space<hbm>>) target(%arg17 : memref<40xi32, #tpu.memory_space<vmem>>) target_semaphore(%arg21 : memref<!tpu.dma_semaphore, #tpu.memory_space<semaphore_mem>>)
        %dma_start3A_318 = tpu.memref_slice %arg5[%add3A_315] : memref<160000xi32, #tpu.memory_space<hbm>> -> memref<40xi32, #tpu.memory_space<hbm>>
        %dma_start3A_319 = tpu.memref_slice %arg5[%add3A_315] : memref<160000xi32, #tpu.memory_space<hbm>> -> memref<40xi32, #tpu.memory_space<hbm>>
        tpu.enqueue_dma source(%dma_start3A_319 : memref<40xi32, #tpu.memory_space<hbm>>) target(%arg18 : memref<40xi32, #tpu.memory_space<vmem>>) target_semaphore(%arg22 : memref<!tpu.dma_semaphore, #tpu.memory_space<semaphore_mem>>)
      } else {
      }
      %mul3A_241 = arith.constant 4 : i32
      %mul3A_242 = arith.muli %mul3A_241, %scan3A_145 : i32
      %add3A_243 = arith.constant 2 : i32
      %add3A_244 = arith.addi %mul3A_242, %add3A_243 : i32
      %dma_wait3A_245 = arith.constant 0 : i32
      %dma_wait3A_246 = arith.constant 0 : i32
      %dma_wait3A_247 = tpu.memref_slice %arg2[%dma_wait3A_245, %dma_wait3A_246] : memref<10000x128xf32, #tpu.memory_space<hbm>> -> memref<10000x128xf32, #tpu.memory_space<hbm>>
      tpu.wait_indirect_dma semaphore(%arg33 : memref<!tpu.dma_semaphore, #tpu.memory_space<semaphore_mem>>) src(%dma_wait3A_247 : memref<10000x128xf32, #tpu.memory_space<hbm>>) dst(%arg29 : memref<40x128xf32, #tpu.memory_space<vmem>>)
      %dma_wait3A_248 = arith.constant 0 : i32
      %dma_wait3A_249 = arith.constant 0 : i32
      %dma_wait3A_250 = tpu.memref_slice %arg3[%dma_wait3A_248, %dma_wait3A_249] : memref<10000x128xf32, #tpu.memory_space<hbm>> -> memref<10000x128xf32, #tpu.memory_space<hbm>>
      tpu.wait_indirect_dma semaphore(%arg34 : memref<!tpu.dma_semaphore, #tpu.memory_space<semaphore_mem>>) src(%dma_wait3A_250 : memref<10000x128xf32, #tpu.memory_space<hbm>>) dst(%arg30 : memref<40x128xf32, #tpu.memory_space<vmem>>)
      %scan3A_251 = arith.constant 0 : i32
      %scan3A_252 = arith.constant 0 : i32
      %scan3A_253 = arith.constant 40 : i32
      %scan3A_254 = arith.addi %scan3A_252, %scan3A_253 : i32
      %scan3A_255 = arith.constant 1 : i32
      scf.for %scan3A_294 = %scan3A_252 to %scan3A_254 step %scan3A_255  : i32 {
        %get3A = arith.index_cast %scan3A_294 : i32 to index
        %get3A_295 = arith.constant 0 : index
        %get3A_296 = tpu.vector_load %arg29[%get3A, %get3A_295] {strides = array<i32>} : memref<40x128xf32, #tpu.memory_space<vmem>>, vector<1x16xf32>,
        %get3A_297 = vector.shape_cast %get3A_296 : vector<1x16xf32> to vector<16xf32>
        %get3A_298 = arith.index_cast %scan3A_294 : i32 to index
        %get3A_299 = arith.constant 0 : index
        %get3A_300 = tpu.vector_load %arg30[%get3A_298, %get3A_299] {strides = array<i32>} : memref<40x128xf32, #tpu.memory_space<vmem>>, vector<1x16xf32>,
        %get3A_301 = vector.shape_cast %get3A_300 : vector<1x16xf32> to vector<16xf32>
        %add3A_302 = arith.addf %get3A_297, %get3A_301 : vector<16xf32>
        %get3A_303 = arith.index_cast %scan3A_294 : i32 to index
        %get3A_304 = arith.constant 64 : index
        %get3A_305 = tpu.vector_load %arg29[%get3A_303, %get3A_304] {strides = array<i32>} : memref<40x128xf32, #tpu.memory_space<vmem>>, vector<1x16xf32>,
        %get3A_306 = vector.shape_cast %get3A_305 : vector<1x16xf32> to vector<16xf32>
        %get3A_307 = arith.index_cast %scan3A_294 : i32 to index
        %get3A_308 = arith.constant 64 : index
        %get3A_309 = tpu.vector_load %arg30[%get3A_307, %get3A_308] {strides = array<i32>} : memref<40x128xf32, #tpu.memory_space<vmem>>, vector<1x16xf32>,
        %get3A_310 = vector.shape_cast %get3A_309 : vector<1x16xf32> to vector<16xf32>
        %add3A_311 = arith.addf %get3A_306, %get3A_310 : vector<16xf32>
        %bitcast_convert_type3A = tpu.bitcast %add3A_302 : vector<16xf32> -> vector<16xi32>
        %bitcast_convert_type3A_312 = tpu.bitcast %add3A_311 : vector<16xf32> -> vector<16xi32>
        %add3A_313 = arith.constant 32768 : i32
        %add3A_314 = vector.broadcast %add3A_313 : i32 to vector<16xi32>
        %add3A_315 = arith.addi %bitcast_convert_type3A, %add3A_314 : vector<16xi32>
        %shift_right_logical3A = arith.constant 16 : i32
        %shift_right_logical3A_316 = vector.broadcast %shift_right_logical3A : i32 to vector<16xi32>
        %shift_right_logical3A_317 = arith.shrui %add3A_315, %shift_right_logical3A_316 : vector<16xi32>
        %add3A_318 = arith.constant 32768 : i32
        %add3A_319 = vector.broadcast %add3A_318 : i32 to vector<16xi32>
        %add3A_320 = arith.addi %bitcast_convert_type3A_312, %add3A_319 : vector<16xi32>
        %and3A = arith.constant -65536 : i32
        %and3A_321 = vector.broadcast %and3A : i32 to vector<16xi32>
        %and3A_322 = arith.andi %add3A_320, %and3A_321 : vector<16xi32>
        %or3A = arith.ori %shift_right_logical3A_317, %and3A_322 : vector<16xi32>
        %bitcast_convert_type3A_323 = tpu.bitcast %or3A : vector<16xi32> -> vector<16xi32>
        %swap3A = arith.index_cast %scan3A_294 : i32 to index
        %swap3A_324 = arith.constant 0 : index
        %swap3A_325 = tpu.vector_load %arg36[%swap3A, %swap3A_324] {strides = array<i32>} : memref<40x64xi32, #tpu.memory_space<vmem>>, vector<1x16xi32>,
        %swap3A_326 = vector.shape_cast %swap3A_325 : vector<1x16xi32> to vector<16xi32>
        %swap3A_327 = vector.shape_cast %bitcast_convert_type3A_323 : vector<16xi32> to vector<1x16xi32>
        tpu.vector_store %arg36[%swap3A, %swap3A_324], %swap3A_327 {strides = array<i32>} : memref<40x64xi32, #tpu.memory_space<vmem>>, vector<1x16xi32>,
        %get3A_328 = arith.index_cast %scan3A_294 : i32 to index
        %get3A_329 = arith.constant 16 : index
        %get3A_330 = tpu.vector_load %arg29[%get3A_328, %get3A_329] {strides = array<i32>} : memref<40x128xf32, #tpu.memory_space<vmem>>, vector<1x16xf32>,
        %get3A_331 = vector.shape_cast %get3A_330 : vector<1x16xf32> to vector<16xf32>
        %get3A_332 = arith.index_cast %scan3A_294 : i32 to index
        %get3A_333 = arith.constant 16 : index
        %get3A_334 = tpu.vector_load %arg30[%get3A_332, %get3A_333] {strides = array<i32>} : memref<40x128xf32, #tpu.memory_space<vmem>>, vector<1x16xf32>,
        %get3A_335 = vector.shape_cast %get3A_334 : vector<1x16xf32> to vector<16xf32>
        %add3A_336 = arith.addf %get3A_331, %get3A_335 : vector<16xf32>
        %get3A_337 = arith.index_cast %scan3A_294 : i32 to index
        %get3A_338 = arith.constant 80 : index
        %get3A_339 = tpu.vector_load %arg29[%get3A_337, %get3A_338] {strides = array<i32>} : memref<40x128xf32, #tpu.memory_space<vmem>>, vector<1x16xf32>,
        %get3A_340 = vector.shape_cast %get3A_339 : vector<1x16xf32> to vector<16xf32>
        %get3A_341 = arith.index_cast %scan3A_294 : i32 to index
        %get3A_342 = arith.constant 80 : index
        %get3A_343 = tpu.vector_load %arg30[%get3A_341, %get3A_342] {strides = array<i32>} : memref<40x128xf32, #tpu.memory_space<vmem>>, vector<1x16xf32>,
        %get3A_344 = vector.shape_cast %get3A_343 : vector<1x16xf32> to vector<16xf32>
        %add3A_345 = arith.addf %get3A_340, %get3A_344 : vector<16xf32>
        %bitcast_convert_type3A_346 = tpu.bitcast %add3A_336 : vector<16xf32> -> vector<16xi32>
        %bitcast_convert_type3A_347 = tpu.bitcast %add3A_345 : vector<16xf32> -> vector<16xi32>
        %add3A_348 = arith.constant 32768 : i32
        %add3A_349 = vector.broadcast %add3A_348 : i32 to vector<16xi32>
        %add3A_350 = arith.addi %bitcast_convert_type3A_346, %add3A_349 : vector<16xi32>
        %shift_right_logical3A_351 = arith.constant 16 : i32
        %shift_right_logical3A_352 = vector.broadcast %shift_right_logical3A_351 : i32 to vector<16xi32>
        %shift_right_logical3A_353 = arith.shrui %add3A_350, %shift_right_logical3A_352 : vector<16xi32>
        %add3A_354 = arith.constant 32768 : i32
        %add3A_355 = vector.broadcast %add3A_354 : i32 to vector<16xi32>
        %add3A_356 = arith.addi %bitcast_convert_type3A_347, %add3A_355 : vector<16xi32>
        %and3A_357 = arith.constant -65536 : i32
        %and3A_358 = vector.broadcast %and3A_357 : i32 to vector<16xi32>
        %and3A_359 = arith.andi %add3A_356, %and3A_358 : vector<16xi32>
        %or3A_360 = arith.ori %shift_right_logical3A_353, %and3A_359 : vector<16xi32>
        %bitcast_convert_type3A_361 = tpu.bitcast %or3A_360 : vector<16xi32> -> vector<16xi32>
        %swap3A_362 = arith.index_cast %scan3A_294 : i32 to index
        %swap3A_363 = arith.constant 16 : index
        %swap3A_364 = tpu.vector_load %arg36[%swap3A_362, %swap3A_363] {strides = array<i32>} : memref<40x64xi32, #tpu.memory_space<vmem>>, vector<1x16xi32>,
        %swap3A_365 = vector.shape_cast %swap3A_364 : vector<1x16xi32> to vector<16xi32>
        %swap3A_366 = vector.shape_cast %bitcast_convert_type3A_361 : vector<16xi32> to vector<1x16xi32>
        tpu.vector_store %arg36[%swap3A_362, %swap3A_363], %swap3A_366 {strides = array<i32>} : memref<40x64xi32, #tpu.memory_space<vmem>>, vector<1x16xi32>,
        %get3A_367 = arith.index_cast %scan3A_294 : i32 to index
        %get3A_368 = arith.constant 32 : index
        %get3A_369 = tpu.vector_load %arg29[%get3A_367, %get3A_368] {strides = array<i32>} : memref<40x128xf32, #tpu.memory_space<vmem>>, vector<1x16xf32>,
        %get3A_370 = vector.shape_cast %get3A_369 : vector<1x16xf32> to vector<16xf32>
        %get3A_371 = arith.index_cast %scan3A_294 : i32 to index
        %get3A_372 = arith.constant 32 : index
        %get3A_373 = tpu.vector_load %arg30[%get3A_371, %get3A_372] {strides = array<i32>} : memref<40x128xf32, #tpu.memory_space<vmem>>, vector<1x16xf32>,
        %get3A_374 = vector.shape_cast %get3A_373 : vector<1x16xf32> to vector<16xf32>
        %add3A_375 = arith.addf %get3A_370, %get3A_374 : vector<16xf32>
        %get3A_376 = arith.index_cast %scan3A_294 : i32 to index
        %get3A_377 = arith.constant 96 : index
        %get3A_378 = tpu.vector_load %arg29[%get3A_376, %get3A_377] {strides = array<i32>} : memref<40x128xf32, #tpu.memory_space<vmem>>, vector<1x16xf32>,
        %get3A_379 = vector.shape_cast %get3A_378 : vector<1x16xf32> to vector<16xf32>
        %get3A_380 = arith.index_cast %scan3A_294 : i32 to index
        %get3A_381 = arith.constant 96 : index
        %get3A_382 = tpu.vector_load %arg30[%get3A_380, %get3A_381] {strides = array<i32>} : memref<40x128xf32, #tpu.memory_space<vmem>>, vector<1x16xf32>,
        %get3A_383 = vector.shape_cast %get3A_382 : vector<1x16xf32> to vector<16xf32>
        %add3A_384 = arith.addf %get3A_379, %get3A_383 : vector<16xf32>
        %bitcast_convert_type3A_385 = tpu.bitcast %add3A_375 : vector<16xf32> -> vector<16xi32>
        %bitcast_convert_type3A_386 = tpu.bitcast %add3A_384 : vector<16xf32> -> vector<16xi32>
        %add3A_387 = arith.constant 32768 : i32
        %add3A_388 = vector.broadcast %add3A_387 : i32 to vector<16xi32>
        %add3A_389 = arith.addi %bitcast_convert_type3A_385, %add3A_388 : vector<16xi32>
        %shift_right_logical3A_390 = arith.constant 16 : i32
        %shift_right_logical3A_391 = vector.broadcast %shift_right_logical3A_390 : i32 to vector<16xi32>
        %shift_right_logical3A_392 = arith.shrui %add3A_389, %shift_right_logical3A_391 : vector<16xi32>
        %add3A_393 = arith.constant 32768 : i32
        %add3A_394 = vector.broadcast %add3A_393 : i32 to vector<16xi32>
        %add3A_395 = arith.addi %bitcast_convert_type3A_386, %add3A_394 : vector<16xi32>
        %and3A_396 = arith.constant -65536 : i32
        %and3A_397 = vector.broadcast %and3A_396 : i32 to vector<16xi32>
        %and3A_398 = arith.andi %add3A_395, %and3A_397 : vector<16xi32>
        %or3A_399 = arith.ori %shift_right_logical3A_392, %and3A_398 : vector<16xi32>
        %bitcast_convert_type3A_400 = tpu.bitcast %or3A_399 : vector<16xi32> -> vector<16xi32>
        %swap3A_401 = arith.index_cast %scan3A_294 : i32 to index
        %swap3A_402 = arith.constant 32 : index
        %swap3A_403 = tpu.vector_load %arg36[%swap3A_401, %swap3A_402] {strides = array<i32>} : memref<40x64xi32, #tpu.memory_space<vmem>>, vector<1x16xi32>,
        %swap3A_404 = vector.shape_cast %swap3A_403 : vector<1x16xi32> to vector<16xi32>
        %swap3A_405 = vector.shape_cast %bitcast_convert_type3A_400 : vector<16xi32> to vector<1x16xi32>
        tpu.vector_store %arg36[%swap3A_401, %swap3A_402], %swap3A_405 {strides = array<i32>} : memref<40x64xi32, #tpu.memory_space<vmem>>, vector<1x16xi32>,
        %get3A_406 = arith.index_cast %scan3A_294 : i32 to index
        %get3A_407 = arith.constant 48 : index
        %get3A_408 = tpu.vector_load %arg29[%get3A_406, %get3A_407] {strides = array<i32>} : memref<40x128xf32, #tpu.memory_space<vmem>>, vector<1x16xf32>,
        %get3A_409 = vector.shape_cast %get3A_408 : vector<1x16xf32> to vector<16xf32>
        %get3A_410 = arith.index_cast %scan3A_294 : i32 to index
        %get3A_411 = arith.constant 48 : index
        %get3A_412 = tpu.vector_load %arg30[%get3A_410, %get3A_411] {strides = array<i32>} : memref<40x128xf32, #tpu.memory_space<vmem>>, vector<1x16xf32>,
        %get3A_413 = vector.shape_cast %get3A_412 : vector<1x16xf32> to vector<16xf32>
        %add3A_414 = arith.addf %get3A_409, %get3A_413 : vector<16xf32>
        %get3A_415 = arith.index_cast %scan3A_294 : i32 to index
        %get3A_416 = arith.constant 112 : index
        %get3A_417 = tpu.vector_load %arg29[%get3A_415, %get3A_416] {strides = array<i32>} : memref<40x128xf32, #tpu.memory_space<vmem>>, vector<1x16xf32>,
        %get3A_418 = vector.shape_cast %get3A_417 : vector<1x16xf32> to vector<16xf32>
        %get3A_419 = arith.index_cast %scan3A_294 : i32 to index
        %get3A_420 = arith.constant 112 : index
        %get3A_421 = tpu.vector_load %arg30[%get3A_419, %get3A_420] {strides = array<i32>} : memref<40x128xf32, #tpu.memory_space<vmem>>, vector<1x16xf32>,
        %get3A_422 = vector.shape_cast %get3A_421 : vector<1x16xf32> to vector<16xf32>
        %add3A_423 = arith.addf %get3A_418, %get3A_422 : vector<16xf32>
        %bitcast_convert_type3A_424 = tpu.bitcast %add3A_414 : vector<16xf32> -> vector<16xi32>
        %bitcast_convert_type3A_425 = tpu.bitcast %add3A_423 : vector<16xf32> -> vector<16xi32>
        %add3A_426 = arith.constant 32768 : i32
        %add3A_427 = vector.broadcast %add3A_426 : i32 to vector<16xi32>
        %add3A_428 = arith.addi %bitcast_convert_type3A_424, %add3A_427 : vector<16xi32>
        %shift_right_logical3A_429 = arith.constant 16 : i32
        %shift_right_logical3A_430 = vector.broadcast %shift_right_logical3A_429 : i32 to vector<16xi32>
        %shift_right_logical3A_431 = arith.shrui %add3A_428, %shift_right_logical3A_430 : vector<16xi32>
        %add3A_432 = arith.constant 32768 : i32
        %add3A_433 = vector.broadcast %add3A_432 : i32 to vector<16xi32>
        %add3A_434 = arith.addi %bitcast_convert_type3A_425, %add3A_433 : vector<16xi32>
        %and3A_435 = arith.constant -65536 : i32
        %and3A_436 = vector.broadcast %and3A_435 : i32 to vector<16xi32>
        %and3A_437 = arith.andi %add3A_434, %and3A_436 : vector<16xi32>
        %or3A_438 = arith.ori %shift_right_logical3A_431, %and3A_437 : vector<16xi32>
        %bitcast_convert_type3A_439 = tpu.bitcast %or3A_438 : vector<16xi32> -> vector<16xi32>
        %swap3A_440 = arith.index_cast %scan3A_294 : i32 to index
        %swap3A_441 = arith.constant 48 : index
        %swap3A_442 = tpu.vector_load %arg36[%swap3A_440, %swap3A_441] {strides = array<i32>} : memref<40x64xi32, #tpu.memory_space<vmem>>, vector<1x16xi32>,
        %swap3A_443 = vector.shape_cast %swap3A_442 : vector<1x16xi32> to vector<16xi32>
        %swap3A_444 = vector.shape_cast %bitcast_convert_type3A_439 : vector<16xi32> to vector<1x16xi32>
        tpu.vector_store %arg36[%swap3A_440, %swap3A_441], %swap3A_444 {strides = array<i32>} : memref<40x64xi32, #tpu.memory_space<vmem>>, vector<1x16xi32>,
      }
      %scan3A_256 = arith.constant 40 : i32
      %mul3A_257 = arith.constant 5000 : i32
      %mul3A_258 = arith.muli %add3A, %mul3A_257 : i32
      %mul3A_259 = arith.constant 40 : i32
      %mul3A_260 = arith.muli %add3A_244, %mul3A_259 : i32
      %add3A_261 = arith.addi %mul3A_258, %mul3A_260 : i32
      %dma_start3A_262 = arith.constant 0 : i32
      %dma_start3A_263 = tpu.memref_slice %arg6[%add3A_261, %dma_start3A_262] : memref<160000x64xi32, #tpu.memory_space<hbm>> -> memref<40x64xi32, #tpu.memory_space<hbm>>
      %dma_start3A_264 = arith.constant 0 : i32
      %dma_start3A_265 = tpu.memref_slice %arg6[%add3A_261, %dma_start3A_264] : memref<160000x64xi32, #tpu.memory_space<hbm>> -> memref<40x64xi32, #tpu.memory_space<hbm>>
      tpu.enqueue_dma source(%arg36 : memref<40x64xi32, #tpu.memory_space<vmem>>) target(%dma_start3A_265 : memref<40x64xi32, #tpu.memory_space<hbm>>) target_semaphore(%arg35 : memref<!tpu.dma_semaphore, #tpu.memory_space<semaphore_mem>>)
      %mul3A_266 = arith.constant 4 : i32
      %mul3A_267 = arith.muli %mul3A_266, %scan3A_145 : i32
      %add3A_268 = arith.constant 3 : i32
      %add3A_269 = arith.addi %mul3A_267, %add3A_268 : i32
      %dma_wait3A_270 = arith.constant 0 : i32
      %dma_wait3A_271 = arith.constant 0 : i32
      %dma_wait3A_272 = tpu.memref_slice %arg2[%dma_wait3A_270, %dma_wait3A_271] : memref<10000x128xf32, #tpu.memory_space<hbm>> -> memref<10000x128xf32, #tpu.memory_space<hbm>>
      tpu.wait_indirect_dma semaphore(%arg43 : memref<!tpu.dma_semaphore, #tpu.memory_space<semaphore_mem>>) src(%dma_wait3A_272 : memref<10000x128xf32, #tpu.memory_space<hbm>>) dst(%arg39 : memref<40x128xf32, #tpu.memory_space<vmem>>)
      %dma_wait3A_273 = arith.constant 0 : i32
      %dma_wait3A_274 = arith.constant 0 : i32
      %dma_wait3A_275 = tpu.memref_slice %arg3[%dma_wait3A_273, %dma_wait3A_274] : memref<10000x128xf32, #tpu.memory_space<hbm>> -> memref<10000x128xf32, #tpu.memory_space<hbm>>
      tpu.wait_indirect_dma semaphore(%arg44 : memref<!tpu.dma_semaphore, #tpu.memory_space<semaphore_mem>>) src(%dma_wait3A_275 : memref<10000x128xf32, #tpu.memory_space<hbm>>) dst(%arg40 : memref<40x128xf32, #tpu.memory_space<vmem>>)
      %scan3A_276 = arith.constant 0 : i32
      %scan3A_277 = arith.constant 0 : i32
      %scan3A_278 = arith.constant 40 : i32
      %scan3A_279 = arith.addi %scan3A_277, %scan3A_278 : i32
      %scan3A_280 = arith.constant 1 : i32
      scf.for %scan3A_294 = %scan3A_277 to %scan3A_279 step %scan3A_280  : i32 {
        %get3A = arith.index_cast %scan3A_294 : i32 to index
        %get3A_295 = arith.constant 0 : index
        %get3A_296 = tpu.vector_load %arg39[%get3A, %get3A_295] {strides = array<i32>} : memref<40x128xf32, #tpu.memory_space<vmem>>, vector<1x16xf32>,
        %get3A_297 = vector.shape_cast %get3A_296 : vector<1x16xf32> to vector<16xf32>
        %get3A_298 = arith.index_cast %scan3A_294 : i32 to index
        %get3A_299 = arith.constant 0 : index
        %get3A_300 = tpu.vector_load %arg40[%get3A_298, %get3A_299] {strides = array<i32>} : memref<40x128xf32, #tpu.memory_space<vmem>>, vector<1x16xf32>,
        %get3A_301 = vector.shape_cast %get3A_300 : vector<1x16xf32> to vector<16xf32>
        %add3A_302 = arith.addf %get3A_297, %get3A_301 : vector<16xf32>
        %get3A_303 = arith.index_cast %scan3A_294 : i32 to index
        %get3A_304 = arith.constant 64 : index
        %get3A_305 = tpu.vector_load %arg39[%get3A_303, %get3A_304] {strides = array<i32>} : memref<40x128xf32, #tpu.memory_space<vmem>>, vector<1x16xf32>,
        %get3A_306 = vector.shape_cast %get3A_305 : vector<1x16xf32> to vector<16xf32>
        %get3A_307 = arith.index_cast %scan3A_294 : i32 to index
        %get3A_308 = arith.constant 64 : index
        %get3A_309 = tpu.vector_load %arg40[%get3A_307, %get3A_308] {strides = array<i32>} : memref<40x128xf32, #tpu.memory_space<vmem>>, vector<1x16xf32>,
        %get3A_310 = vector.shape_cast %get3A_309 : vector<1x16xf32> to vector<16xf32>
        %add3A_311 = arith.addf %get3A_306, %get3A_310 : vector<16xf32>
        %bitcast_convert_type3A = tpu.bitcast %add3A_302 : vector<16xf32> -> vector<16xi32>
        %bitcast_convert_type3A_312 = tpu.bitcast %add3A_311 : vector<16xf32> -> vector<16xi32>
        %add3A_313 = arith.constant 32768 : i32
        %add3A_314 = vector.broadcast %add3A_313 : i32 to vector<16xi32>
        %add3A_315 = arith.addi %bitcast_convert_type3A, %add3A_314 : vector<16xi32>
        %shift_right_logical3A = arith.constant 16 : i32
        %shift_right_logical3A_316 = vector.broadcast %shift_right_logical3A : i32 to vector<16xi32>
        %shift_right_logical3A_317 = arith.shrui %add3A_315, %shift_right_logical3A_316 : vector<16xi32>
        %add3A_318 = arith.constant 32768 : i32
        %add3A_319 = vector.broadcast %add3A_318 : i32 to vector<16xi32>
        %add3A_320 = arith.addi %bitcast_convert_type3A_312, %add3A_319 : vector<16xi32>
        %and3A = arith.constant -65536 : i32
        %and3A_321 = vector.broadcast %and3A : i32 to vector<16xi32>
        %and3A_322 = arith.andi %add3A_320, %and3A_321 : vector<16xi32>
        %or3A = arith.ori %shift_right_logical3A_317, %and3A_322 : vector<16xi32>
        %bitcast_convert_type3A_323 = tpu.bitcast %or3A : vector<16xi32> -> vector<16xi32>
        %swap3A = arith.index_cast %scan3A_294 : i32 to index
        %swap3A_324 = arith.constant 0 : index
        %swap3A_325 = tpu.vector_load %arg46[%swap3A, %swap3A_324] {strides = array<i32>} : memref<40x64xi32, #tpu.memory_space<vmem>>, vector<1x16xi32>,
        %swap3A_326 = vector.shape_cast %swap3A_325 : vector<1x16xi32> to vector<16xi32>
        %swap3A_327 = vector.shape_cast %bitcast_convert_type3A_323 : vector<16xi32> to vector<1x16xi32>
        tpu.vector_store %arg46[%swap3A, %swap3A_324], %swap3A_327 {strides = array<i32>} : memref<40x64xi32, #tpu.memory_space<vmem>>, vector<1x16xi32>,
        %get3A_328 = arith.index_cast %scan3A_294 : i32 to index
        %get3A_329 = arith.constant 16 : index
        %get3A_330 = tpu.vector_load %arg39[%get3A_328, %get3A_329] {strides = array<i32>} : memref<40x128xf32, #tpu.memory_space<vmem>>, vector<1x16xf32>,
        %get3A_331 = vector.shape_cast %get3A_330 : vector<1x16xf32> to vector<16xf32>
        %get3A_332 = arith.index_cast %scan3A_294 : i32 to index
        %get3A_333 = arith.constant 16 : index
        %get3A_334 = tpu.vector_load %arg40[%get3A_332, %get3A_333] {strides = array<i32>} : memref<40x128xf32, #tpu.memory_space<vmem>>, vector<1x16xf32>,
        %get3A_335 = vector.shape_cast %get3A_334 : vector<1x16xf32> to vector<16xf32>
        %add3A_336 = arith.addf %get3A_331, %get3A_335 : vector<16xf32>
        %get3A_337 = arith.index_cast %scan3A_294 : i32 to index
        %get3A_338 = arith.constant 80 : index
        %get3A_339 = tpu.vector_load %arg39[%get3A_337, %get3A_338] {strides = array<i32>} : memref<40x128xf32, #tpu.memory_space<vmem>>, vector<1x16xf32>,
        %get3A_340 = vector.shape_cast %get3A_339 : vector<1x16xf32> to vector<16xf32>
        %get3A_341 = arith.index_cast %scan3A_294 : i32 to index
        %get3A_342 = arith.constant 80 : index
        %get3A_343 = tpu.vector_load %arg40[%get3A_341, %get3A_342] {strides = array<i32>} : memref<40x128xf32, #tpu.memory_space<vmem>>, vector<1x16xf32>,
        %get3A_344 = vector.shape_cast %get3A_343 : vector<1x16xf32> to vector<16xf32>
        %add3A_345 = arith.addf %get3A_340, %get3A_344 : vector<16xf32>
        %bitcast_convert_type3A_346 = tpu.bitcast %add3A_336 : vector<16xf32> -> vector<16xi32>
        %bitcast_convert_type3A_347 = tpu.bitcast %add3A_345 : vector<16xf32> -> vector<16xi32>
        %add3A_348 = arith.constant 32768 : i32
        %add3A_349 = vector.broadcast %add3A_348 : i32 to vector<16xi32>
        %add3A_350 = arith.addi %bitcast_convert_type3A_346, %add3A_349 : vector<16xi32>
        %shift_right_logical3A_351 = arith.constant 16 : i32
        %shift_right_logical3A_352 = vector.broadcast %shift_right_logical3A_351 : i32 to vector<16xi32>
        %shift_right_logical3A_353 = arith.shrui %add3A_350, %shift_right_logical3A_352 : vector<16xi32>
        %add3A_354 = arith.constant 32768 : i32
        %add3A_355 = vector.broadcast %add3A_354 : i32 to vector<16xi32>
        %add3A_356 = arith.addi %bitcast_convert_type3A_347, %add3A_355 : vector<16xi32>
        %and3A_357 = arith.constant -65536 : i32
        %and3A_358 = vector.broadcast %and3A_357 : i32 to vector<16xi32>
        %and3A_359 = arith.andi %add3A_356, %and3A_358 : vector<16xi32>
        %or3A_360 = arith.ori %shift_right_logical3A_353, %and3A_359 : vector<16xi32>
        %bitcast_convert_type3A_361 = tpu.bitcast %or3A_360 : vector<16xi32> -> vector<16xi32>
        %swap3A_362 = arith.index_cast %scan3A_294 : i32 to index
        %swap3A_363 = arith.constant 16 : index
        %swap3A_364 = tpu.vector_load %arg46[%swap3A_362, %swap3A_363] {strides = array<i32>} : memref<40x64xi32, #tpu.memory_space<vmem>>, vector<1x16xi32>,
        %swap3A_365 = vector.shape_cast %swap3A_364 : vector<1x16xi32> to vector<16xi32>
        %swap3A_366 = vector.shape_cast %bitcast_convert_type3A_361 : vector<16xi32> to vector<1x16xi32>
        tpu.vector_store %arg46[%swap3A_362, %swap3A_363], %swap3A_366 {strides = array<i32>} : memref<40x64xi32, #tpu.memory_space<vmem>>, vector<1x16xi32>,
        %get3A_367 = arith.index_cast %scan3A_294 : i32 to index
        %get3A_368 = arith.constant 32 : index
        %get3A_369 = tpu.vector_load %arg39[%get3A_367, %get3A_368] {strides = array<i32>} : memref<40x128xf32, #tpu.memory_space<vmem>>, vector<1x16xf32>,
        %get3A_370 = vector.shape_cast %get3A_369 : vector<1x16xf32> to vector<16xf32>
        %get3A_371 = arith.index_cast %scan3A_294 : i32 to index
        %get3A_372 = arith.constant 32 : index
        %get3A_373 = tpu.vector_load %arg40[%get3A_371, %get3A_372] {strides = array<i32>} : memref<40x128xf32, #tpu.memory_space<vmem>>, vector<1x16xf32>,
        %get3A_374 = vector.shape_cast %get3A_373 : vector<1x16xf32> to vector<16xf32>
        %add3A_375 = arith.addf %get3A_370, %get3A_374 : vector<16xf32>
        %get3A_376 = arith.index_cast %scan3A_294 : i32 to index
        %get3A_377 = arith.constant 96 : index
        %get3A_378 = tpu.vector_load %arg39[%get3A_376, %get3A_377] {strides = array<i32>} : memref<40x128xf32, #tpu.memory_space<vmem>>, vector<1x16xf32>,
        %get3A_379 = vector.shape_cast %get3A_378 : vector<1x16xf32> to vector<16xf32>
        %get3A_380 = arith.index_cast %scan3A_294 : i32 to index
        %get3A_381 = arith.constant 96 : index
        %get3A_382 = tpu.vector_load %arg40[%get3A_380, %get3A_381] {strides = array<i32>} : memref<40x128xf32, #tpu.memory_space<vmem>>, vector<1x16xf32>,
        %get3A_383 = vector.shape_cast %get3A_382 : vector<1x16xf32> to vector<16xf32>
        %add3A_384 = arith.addf %get3A_379, %get3A_383 : vector<16xf32>
        %bitcast_convert_type3A_385 = tpu.bitcast %add3A_375 : vector<16xf32> -> vector<16xi32>
        %bitcast_convert_type3A_386 = tpu.bitcast %add3A_384 : vector<16xf32> -> vector<16xi32>
        %add3A_387 = arith.constant 32768 : i32
        %add3A_388 = vector.broadcast %add3A_387 : i32 to vector<16xi32>
        %add3A_389 = arith.addi %bitcast_convert_type3A_385, %add3A_388 : vector<16xi32>
        %shift_right_logical3A_390 = arith.constant 16 : i32
        %shift_right_logical3A_391 = vector.broadcast %shift_right_logical3A_390 : i32 to vector<16xi32>
        %shift_right_logical3A_392 = arith.shrui %add3A_389, %shift_right_logical3A_391 : vector<16xi32>
        %add3A_393 = arith.constant 32768 : i32
        %add3A_394 = vector.broadcast %add3A_393 : i32 to vector<16xi32>
        %add3A_395 = arith.addi %bitcast_convert_type3A_386, %add3A_394 : vector<16xi32>
        %and3A_396 = arith.constant -65536 : i32
        %and3A_397 = vector.broadcast %and3A_396 : i32 to vector<16xi32>
        %and3A_398 = arith.andi %add3A_395, %and3A_397 : vector<16xi32>
        %or3A_399 = arith.ori %shift_right_logical3A_392, %and3A_398 : vector<16xi32>
        %bitcast_convert_type3A_400 = tpu.bitcast %or3A_399 : vector<16xi32> -> vector<16xi32>
        %swap3A_401 = arith.index_cast %scan3A_294 : i32 to index
        %swap3A_402 = arith.constant 32 : index
        %swap3A_403 = tpu.vector_load %arg46[%swap3A_401, %swap3A_402] {strides = array<i32>} : memref<40x64xi32, #tpu.memory_space<vmem>>, vector<1x16xi32>,
        %swap3A_404 = vector.shape_cast %swap3A_403 : vector<1x16xi32> to vector<16xi32>
        %swap3A_405 = vector.shape_cast %bitcast_convert_type3A_400 : vector<16xi32> to vector<1x16xi32>
        tpu.vector_store %arg46[%swap3A_401, %swap3A_402], %swap3A_405 {strides = array<i32>} : memref<40x64xi32, #tpu.memory_space<vmem>>, vector<1x16xi32>,
        %get3A_406 = arith.index_cast %scan3A_294 : i32 to index
        %get3A_407 = arith.constant 48 : index
        %get3A_408 = tpu.vector_load %arg39[%get3A_406, %get3A_407] {strides = array<i32>} : memref<40x128xf32, #tpu.memory_space<vmem>>, vector<1x16xf32>,
        %get3A_409 = vector.shape_cast %get3A_408 : vector<1x16xf32> to vector<16xf32>
        %get3A_410 = arith.index_cast %scan3A_294 : i32 to index
        %get3A_411 = arith.constant 48 : index
        %get3A_412 = tpu.vector_load %arg40[%get3A_410, %get3A_411] {strides = array<i32>} : memref<40x128xf32, #tpu.memory_space<vmem>>, vector<1x16xf32>,
        %get3A_413 = vector.shape_cast %get3A_412 : vector<1x16xf32> to vector<16xf32>
        %add3A_414 = arith.addf %get3A_409, %get3A_413 : vector<16xf32>
        %get3A_415 = arith.index_cast %scan3A_294 : i32 to index
        %get3A_416 = arith.constant 112 : index
        %get3A_417 = tpu.vector_load %arg39[%get3A_415, %get3A_416] {strides = array<i32>} : memref<40x128xf32, #tpu.memory_space<vmem>>, vector<1x16xf32>,
        %get3A_418 = vector.shape_cast %get3A_417 : vector<1x16xf32> to vector<16xf32>
        %get3A_419 = arith.index_cast %scan3A_294 : i32 to index
        %get3A_420 = arith.constant 112 : index
        %get3A_421 = tpu.vector_load %arg40[%get3A_419, %get3A_420] {strides = array<i32>} : memref<40x128xf32, #tpu.memory_space<vmem>>, vector<1x16xf32>,
        %get3A_422 = vector.shape_cast %get3A_421 : vector<1x16xf32> to vector<16xf32>
        %add3A_423 = arith.addf %get3A_418, %get3A_422 : vector<16xf32>
        %bitcast_convert_type3A_424 = tpu.bitcast %add3A_414 : vector<16xf32> -> vector<16xi32>
        %bitcast_convert_type3A_425 = tpu.bitcast %add3A_423 : vector<16xf32> -> vector<16xi32>
        %add3A_426 = arith.constant 32768 : i32
        %add3A_427 = vector.broadcast %add3A_426 : i32 to vector<16xi32>
        %add3A_428 = arith.addi %bitcast_convert_type3A_424, %add3A_427 : vector<16xi32>
        %shift_right_logical3A_429 = arith.constant 16 : i32
        %shift_right_logical3A_430 = vector.broadcast %shift_right_logical3A_429 : i32 to vector<16xi32>
        %shift_right_logical3A_431 = arith.shrui %add3A_428, %shift_right_logical3A_430 : vector<16xi32>
        %add3A_432 = arith.constant 32768 : i32
        %add3A_433 = vector.broadcast %add3A_432 : i32 to vector<16xi32>
        %add3A_434 = arith.addi %bitcast_convert_type3A_425, %add3A_433 : vector<16xi32>
        %and3A_435 = arith.constant -65536 : i32
        %and3A_436 = vector.broadcast %and3A_435 : i32 to vector<16xi32>
        %and3A_437 = arith.andi %add3A_434, %and3A_436 : vector<16xi32>
        %or3A_438 = arith.ori %shift_right_logical3A_431, %and3A_437 : vector<16xi32>
        %bitcast_convert_type3A_439 = tpu.bitcast %or3A_438 : vector<16xi32> -> vector<16xi32>
        %swap3A_440 = arith.index_cast %scan3A_294 : i32 to index
        %swap3A_441 = arith.constant 48 : index
        %swap3A_442 = tpu.vector_load %arg46[%swap3A_440, %swap3A_441] {strides = array<i32>} : memref<40x64xi32, #tpu.memory_space<vmem>>, vector<1x16xi32>,
        %swap3A_443 = vector.shape_cast %swap3A_442 : vector<1x16xi32> to vector<16xi32>
        %swap3A_444 = vector.shape_cast %bitcast_convert_type3A_439 : vector<16xi32> to vector<1x16xi32>
        tpu.vector_store %arg46[%swap3A_440, %swap3A_441], %swap3A_444 {strides = array<i32>} : memref<40x64xi32, #tpu.memory_space<vmem>>, vector<1x16xi32>,
      }
      %scan3A_281 = arith.constant 40 : i32
      %mul3A_282 = arith.constant 5000 : i32
      %mul3A_283 = arith.muli %add3A, %mul3A_282 : i32
      %mul3A_284 = arith.constant 40 : i32
      %mul3A_285 = arith.muli %add3A_269, %mul3A_284 : i32
      %add3A_286 = arith.addi %mul3A_283, %mul3A_285 : i32
      %dma_start3A_287 = arith.constant 0 : i32
      %dma_start3A_288 = tpu.memref_slice %arg6[%add3A_286, %dma_start3A_287] : memref<160000x64xi32, #tpu.memory_space<hbm>> -> memref<40x64xi32, #tpu.memory_space<hbm>>
      %dma_start3A_289 = arith.constant 0 : i32
      %dma_start3A_290 = tpu.memref_slice %arg6[%add3A_286, %dma_start3A_289] : memref<160000x64xi32, #tpu.memory_space<hbm>> -> memref<40x64xi32, #tpu.memory_space<hbm>>
      tpu.enqueue_dma source(%arg46 : memref<40x64xi32, #tpu.memory_space<vmem>>) target(%dma_start3A_290 : memref<40x64xi32, #tpu.memory_space<hbm>>) target_semaphore(%arg45 : memref<!tpu.dma_semaphore, #tpu.memory_space<semaphore_mem>>)
      %convert_element_type3A_291 = arith.extui %lt3A_148 : i1 to i32
      %cond3A_292 = arith.constant 0 : i32
      %cond3A_293 = arith.cmpi ne, %convert_element_type3A_291, %cond3A_292 : i32
      scf.if %cond3A_293 {
        %dma_wait3A_294 = arith.constant 0 : i32
        %dma_wait3A_295 = tpu.memref_slice %arg4[%dma_wait3A_294] : memref<160000xi32, #tpu.memory_space<hbm>> -> memref<40xi32, #tpu.memory_space<hbm>>
        %dma_wait3A_296 = arith.constant 0 : i32
        %dma_wait3A_297 = tpu.memref_slice %arg4[%dma_wait3A_296] : memref<160000xi32, #tpu.memory_space<hbm>> -> memref<40xi32, #tpu.memory_space<hbm>>
        tpu.wait_dma2 semaphore(%arg11 : memref<!tpu.dma_semaphore, #tpu.memory_space<semaphore_mem>>) src(%dma_wait3A_297 : memref<40xi32, #tpu.memory_space<hbm>>) dst(%arg7 : memref<40xi32, #tpu.memory_space<vmem>>)
        %dma_wait3A_298 = arith.constant 0 : i32
        %dma_wait3A_299 = tpu.memref_slice %arg5[%dma_wait3A_298] : memref<160000xi32, #tpu.memory_space<hbm>> -> memref<40xi32, #tpu.memory_space<hbm>>
        %dma_wait3A_300 = arith.constant 0 : i32
        %dma_wait3A_301 = tpu.memref_slice %arg5[%dma_wait3A_300] : memref<160000xi32, #tpu.memory_space<hbm>> -> memref<40xi32, #tpu.memory_space<hbm>>
        tpu.wait_dma2 semaphore(%arg12 : memref<!tpu.dma_semaphore, #tpu.memory_space<semaphore_mem>>) src(%dma_wait3A_301 : memref<40xi32, #tpu.memory_space<hbm>>) dst(%arg8 : memref<40xi32, #tpu.memory_space<vmem>>)
        %not3A_302 = arith.constant false
        %not3A_303 = arith.constant true
        %not3A_304 = arith.xori %not3A_302, %not3A_303 : i1
        %convert_element_type3A_305 = arith.extui %not3A_304 : i1 to i32
        %cond3A_306 = arith.constant 0 : i32
        %cond3A_307 = arith.cmpi ne, %convert_element_type3A_305, %cond3A_306 : i32
        scf.if %cond3A_307 {
          %dma_wait3A_360 = arith.constant 0 : i32
          %dma_wait3A_361 = arith.constant 0 : i32
          %dma_wait3A_362 = tpu.memref_slice %arg6[%dma_wait3A_360, %dma_wait3A_361] : memref<160000x64xi32, #tpu.memory_space<hbm>> -> memref<40x64xi32, #tpu.memory_space<hbm>>
          %dma_wait3A_363 = arith.constant 0 : i32
          %dma_wait3A_364 = arith.constant 0 : i32
          %dma_wait3A_365 = tpu.memref_slice %arg6[%dma_wait3A_363, %dma_wait3A_364] : memref<160000x64xi32, #tpu.memory_space<hbm>> -> memref<40x64xi32, #tpu.memory_space<hbm>>
          tpu.wait_dma2 semaphore(%arg15 : memref<!tpu.dma_semaphore, #tpu.memory_space<semaphore_mem>>) src(%arg16 : memref<40x64xi32, #tpu.memory_space<vmem>>) dst(%dma_wait3A_365 : memref<40x64xi32, #tpu.memory_space<hbm>>)
        } else {
        }
        %dma_start3A_308 = arith.constant 0 : i32
        %dma_start3A_309 = arith.constant 0 : i32
        %dma_start3A_310 = tpu.memref_slice %arg2[%dma_start3A_308, %dma_start3A_309] : memref<10000x128xf32, #tpu.memory_space<hbm>> -> memref<10000x128xf32, #tpu.memory_space<hbm>>
        tpu.enqueue_indirect_dma source(%dma_start3A_310 : memref<10000x128xf32, #tpu.memory_space<hbm>>) target(%arg9 : memref<40x128xf32, #tpu.memory_space<vmem>>) offsets(%arg7 : memref<40xi32, #tpu.memory_space<vmem>>) semaphore(%arg13 : memref<!tpu.dma_semaphore, #tpu.memory_space<semaphore_mem>>)
        %dma_start3A_311 = arith.constant 0 : i32
        %dma_start3A_312 = arith.constant 0 : i32
        %dma_start3A_313 = tpu.memref_slice %arg3[%dma_start3A_311, %dma_start3A_312] : memref<10000x128xf32, #tpu.memory_space<hbm>> -> memref<10000x128xf32, #tpu.memory_space<hbm>>
        tpu.enqueue_indirect_dma source(%dma_start3A_313 : memref<10000x128xf32, #tpu.memory_space<hbm>>) target(%arg10 : memref<40x128xf32, #tpu.memory_space<vmem>>) offsets(%arg8 : memref<40xi32, #tpu.memory_space<vmem>>) semaphore(%arg14 : memref<!tpu.dma_semaphore, #tpu.memory_space<semaphore_mem>>)
        %dma_wait3A_314 = arith.constant 0 : i32
        %dma_wait3A_315 = tpu.memref_slice %arg4[%dma_wait3A_314] : memref<160000xi32, #tpu.memory_space<hbm>> -> memref<40xi32, #tpu.memory_space<hbm>>
        %dma_wait3A_316 = arith.constant 0 : i32
        %dma_wait3A_317 = tpu.memref_slice %arg4[%dma_wait3A_316] : memref<160000xi32, #tpu.memory_space<hbm>> -> memref<40xi32, #tpu.memory_space<hbm>>
        tpu.wait_dma2 semaphore(%arg21 : memref<!tpu.dma_semaphore, #tpu.memory_space<semaphore_mem>>) src(%dma_wait3A_317 : memref<40xi32, #tpu.memory_space<hbm>>) dst(%arg17 : memref<40xi32, #tpu.memory_space<vmem>>)
        %dma_wait3A_318 = arith.constant 0 : i32
        %dma_wait3A_319 = tpu.memref_slice %arg5[%dma_wait3A_318] : memref<160000xi32, #tpu.memory_space<hbm>> -> memref<40xi32, #tpu.memory_space<hbm>>
        %dma_wait3A_320 = arith.constant 0 : i32
        %dma_wait3A_321 = tpu.memref_slice %arg5[%dma_wait3A_320] : memref<160000xi32, #tpu.memory_space<hbm>> -> memref<40xi32, #tpu.memory_space<hbm>>
        tpu.wait_dma2 semaphore(%arg22 : memref<!tpu.dma_semaphore, #tpu.memory_space<semaphore_mem>>) src(%dma_wait3A_321 : memref<40xi32, #tpu.memory_space<hbm>>) dst(%arg18 : memref<40xi32, #tpu.memory_space<vmem>>)
        %not3A_322 = arith.constant false
        %not3A_323 = arith.constant true
        %not3A_324 = arith.xori %not3A_322, %not3A_323 : i1
        %convert_element_type3A_325 = arith.extui %not3A_324 : i1 to i32
        %cond3A_326 = arith.constant 0 : i32
        %cond3A_327 = arith.cmpi ne, %convert_element_type3A_325, %cond3A_326 : i32
        scf.if %cond3A_327 {
          %dma_wait3A_360 = arith.constant 0 : i32
          %dma_wait3A_361 = arith.constant 0 : i32
          %dma_wait3A_362 = tpu.memref_slice %arg6[%dma_wait3A_360, %dma_wait3A_361] : memref<160000x64xi32, #tpu.memory_space<hbm>> -> memref<40x64xi32, #tpu.memory_space<hbm>>
          %dma_wait3A_363 = arith.constant 0 : i32
          %dma_wait3A_364 = arith.constant 0 : i32
          %dma_wait3A_365 = tpu.memref_slice %arg6[%dma_wait3A_363, %dma_wait3A_364] : memref<160000x64xi32, #tpu.memory_space<hbm>> -> memref<40x64xi32, #tpu.memory_space<hbm>>
          tpu.wait_dma2 semaphore(%arg25 : memref<!tpu.dma_semaphore, #tpu.memory_space<semaphore_mem>>) src(%arg26 : memref<40x64xi32, #tpu.memory_space<vmem>>) dst(%dma_wait3A_365 : memref<40x64xi32, #tpu.memory_space<hbm>>)
        } else {
        }
        %dma_start3A_328 = arith.constant 0 : i32
        %dma_start3A_329 = arith.constant 0 : i32
        %dma_start3A_330 = tpu.memref_slice %arg2[%dma_start3A_328, %dma_start3A_329] : memref<10000x128xf32, #tpu.memory_space<hbm>> -> memref<10000x128xf32, #tpu.memory_space<hbm>>
        tpu.enqueue_indirect_dma source(%dma_start3A_330 : memref<10000x128xf32, #tpu.memory_space<hbm>>) target(%arg19 : memref<40x128xf32, #tpu.memory_space<vmem>>) offsets(%arg17 : memref<40xi32, #tpu.memory_space<vmem>>) semaphore(%arg23 : memref<!tpu.dma_semaphore, #tpu.memory_space<semaphore_mem>>)
        %dma_start3A_331 = arith.constant 0 : i32
        %dma_start3A_332 = arith.constant 0 : i32
        %dma_start3A_333 = tpu.memref_slice %arg3[%dma_start3A_331, %dma_start3A_332] : memref<10000x128xf32, #tpu.memory_space<hbm>> -> memref<10000x128xf32, #tpu.memory_space<hbm>>
        tpu.enqueue_indirect_dma source(%dma_start3A_333 : memref<10000x128xf32, #tpu.memory_space<hbm>>) target(%arg20 : memref<40x128xf32, #tpu.memory_space<vmem>>) offsets(%arg18 : memref<40xi32, #tpu.memory_space<vmem>>) semaphore(%arg24 : memref<!tpu.dma_semaphore, #tpu.memory_space<semaphore_mem>>)
        %mul3A_334 = arith.constant 4 : i32
        %mul3A_335 = arith.muli %mul3A_334, %scan3A_145 : i32
        %add3A_336 = arith.constant 6 : i32
        %add3A_337 = arith.addi %mul3A_335, %add3A_336 : i32
        %mul3A_338 = arith.constant 5000 : i32
        %mul3A_339 = arith.muli %add3A, %mul3A_338 : i32
        %mul3A_340 = arith.constant 40 : i32
        %mul3A_341 = arith.muli %add3A_337, %mul3A_340 : i32
        %add3A_342 = arith.addi %mul3A_339, %mul3A_341 : i32
        %dma_start3A_343 = tpu.memref_slice %arg4[%add3A_342] : memref<160000xi32, #tpu.memory_space<hbm>> -> memref<40xi32, #tpu.memory_space<hbm>>
        %dma_start3A_344 = tpu.memref_slice %arg4[%add3A_342] : memref<160000xi32, #tpu.memory_space<hbm>> -> memref<40xi32, #tpu.memory_space<hbm>>
        tpu.enqueue_dma source(%dma_start3A_344 : memref<40xi32, #tpu.memory_space<hbm>>) target(%arg27 : memref<40xi32, #tpu.memory_space<vmem>>) target_semaphore(%arg31 : memref<!tpu.dma_semaphore, #tpu.memory_space<semaphore_mem>>)
        %dma_start3A_345 = tpu.memref_slice %arg5[%add3A_342] : memref<160000xi32, #tpu.memory_space<hbm>> -> memref<40xi32, #tpu.memory_space<hbm>>
        %dma_start3A_346 = tpu.memref_slice %arg5[%add3A_342] : memref<160000xi32, #tpu.memory_space<hbm>> -> memref<40xi32, #tpu.memory_space<hbm>>
        tpu.enqueue_dma source(%dma_start3A_346 : memref<40xi32, #tpu.memory_space<hbm>>) target(%arg28 : memref<40xi32, #tpu.memory_space<vmem>>) target_semaphore(%arg32 : memref<!tpu.dma_semaphore, #tpu.memory_space<semaphore_mem>>)
        %mul3A_347 = arith.constant 4 : i32
        %mul3A_348 = arith.muli %mul3A_347, %scan3A_145 : i32
        %add3A_349 = arith.constant 7 : i32
        %add3A_350 = arith.addi %mul3A_348, %add3A_349 : i32
        %mul3A_351 = arith.constant 5000 : i32
        %mul3A_352 = arith.muli %add3A, %mul3A_351 : i32
        %mul3A_353 = arith.constant 40 : i32
        %mul3A_354 = arith.muli %add3A_350, %mul3A_353 : i32
        %add3A_355 = arith.addi %mul3A_352, %mul3A_354 : i32
        %dma_start3A_356 = tpu.memref_slice %arg4[%add3A_355] : memref<160000xi32, #tpu.memory_space<hbm>> -> memref<40xi32, #tpu.memory_space<hbm>>
        %dma_start3A_357 = tpu.memref_slice %arg4[%add3A_355] : memref<160000xi32, #tpu.memory_space<hbm>> -> memref<40xi32, #tpu.memory_space<hbm>>
        tpu.enqueue_dma source(%dma_start3A_357 : memref<40xi32, #tpu.memory_space<hbm>>) target(%arg37 : memref<40xi32, #tpu.memory_space<vmem>>) target_semaphore(%arg41 : memref<!tpu.dma_semaphore, #tpu.memory_space<semaphore_mem>>)
        %dma_start3A_358 = tpu.memref_slice %arg5[%add3A_355] : memref<160000xi32, #tpu.memory_space<hbm>> -> memref<40xi32, #tpu.memory_space<hbm>>
        %dma_start3A_359 = tpu.memref_slice %arg5[%add3A_355] : memref<160000xi32, #tpu.memory_space<hbm>> -> memref<40xi32, #tpu.memory_space<hbm>>
        tpu.enqueue_dma source(%dma_start3A_359 : memref<40xi32, #tpu.memory_space<hbm>>) target(%arg38 : memref<40xi32, #tpu.memory_space<vmem>>) target_semaphore(%arg42 : memref<!tpu.dma_semaphore, #tpu.memory_space<semaphore_mem>>)
      } else {
      }
    }
    %scan3A_72 = arith.constant 31 : i32
    %mul3A_73 = arith.constant 5000 : i32
    %mul3A_74 = arith.muli %add3A, %mul3A_73 : i32
    %add3A_75 = arith.constant 4960 : i32
    %add3A_76 = arith.addi %mul3A_74, %add3A_75 : i32
    %dma_start3A_77 = tpu.memref_slice %arg4[%add3A_76] : memref<160000xi32, #tpu.memory_space<hbm>> -> memref<40xi32, #tpu.memory_space<hbm>>
    %dma_start3A_78 = tpu.memref_slice %arg4[%add3A_76] : memref<160000xi32, #tpu.memory_space<hbm>> -> memref<40xi32, #tpu.memory_space<hbm>>
    tpu.enqueue_dma source(%dma_start3A_78 : memref<40xi32, #tpu.memory_space<hbm>>) target(%arg7 : memref<40xi32, #tpu.memory_space<vmem>>) target_semaphore(%arg11 : memref<!tpu.dma_semaphore, #tpu.memory_space<semaphore_mem>>)
    %dma_start3A_79 = tpu.memref_slice %arg5[%add3A_76] : memref<160000xi32, #tpu.memory_space<hbm>> -> memref<40xi32, #tpu.memory_space<hbm>>
    %dma_start3A_80 = tpu.memref_slice %arg5[%add3A_76] : memref<160000xi32, #tpu.memory_space<hbm>> -> memref<40xi32, #tpu.memory_space<hbm>>
    tpu.enqueue_dma source(%dma_start3A_80 : memref<40xi32, #tpu.memory_space<hbm>>) target(%arg8 : memref<40xi32, #tpu.memory_space<vmem>>) target_semaphore(%arg12 : memref<!tpu.dma_semaphore, #tpu.memory_space<semaphore_mem>>)
    %dma_wait3A_81 = arith.constant 0 : i32
    %dma_wait3A_82 = tpu.memref_slice %arg4[%dma_wait3A_81] : memref<160000xi32, #tpu.memory_space<hbm>> -> memref<40xi32, #tpu.memory_space<hbm>>
    %dma_wait3A_83 = arith.constant 0 : i32
    %dma_wait3A_84 = tpu.memref_slice %arg4[%dma_wait3A_83] : memref<160000xi32, #tpu.memory_space<hbm>> -> memref<40xi32, #tpu.memory_space<hbm>>
    tpu.wait_dma2 semaphore(%arg11 : memref<!tpu.dma_semaphore, #tpu.memory_space<semaphore_mem>>) src(%dma_wait3A_84 : memref<40xi32, #tpu.memory_space<hbm>>) dst(%arg7 : memref<40xi32, #tpu.memory_space<vmem>>)
    %dma_wait3A_85 = arith.constant 0 : i32
    %dma_wait3A_86 = tpu.memref_slice %arg5[%dma_wait3A_85] : memref<160000xi32, #tpu.memory_space<hbm>> -> memref<40xi32, #tpu.memory_space<hbm>>
    %dma_wait3A_87 = arith.constant 0 : i32
    %dma_wait3A_88 = tpu.memref_slice %arg5[%dma_wait3A_87] : memref<160000xi32, #tpu.memory_space<hbm>> -> memref<40xi32, #tpu.memory_space<hbm>>
    tpu.wait_dma2 semaphore(%arg12 : memref<!tpu.dma_semaphore, #tpu.memory_space<semaphore_mem>>) src(%dma_wait3A_88 : memref<40xi32, #tpu.memory_space<hbm>>) dst(%arg8 : memref<40xi32, #tpu.memory_space<vmem>>)
    %dma_wait3A_89 = arith.constant 0 : i32
    %dma_wait3A_90 = arith.constant 0 : i32
    %dma_wait3A_91 = tpu.memref_slice %arg6[%dma_wait3A_89, %dma_wait3A_90] : memref<160000x64xi32, #tpu.memory_space<hbm>> -> memref<40x64xi32, #tpu.memory_space<hbm>>
    %dma_wait3A_92 = arith.constant 0 : i32
    %dma_wait3A_93 = arith.constant 0 : i32
    %dma_wait3A_94 = tpu.memref_slice %arg6[%dma_wait3A_92, %dma_wait3A_93] : memref<160000x64xi32, #tpu.memory_space<hbm>> -> memref<40x64xi32, #tpu.memory_space<hbm>>
    tpu.wait_dma2 semaphore(%arg15 : memref<!tpu.dma_semaphore, #tpu.memory_space<semaphore_mem>>) src(%arg16 : memref<40x64xi32, #tpu.memory_space<vmem>>) dst(%dma_wait3A_94 : memref<40x64xi32, #tpu.memory_space<hbm>>)
    %dma_start3A_95 = arith.constant 0 : i32
    %dma_start3A_96 = arith.constant 0 : i32
    %dma_start3A_97 = tpu.memref_slice %arg2[%dma_start3A_95, %dma_start3A_96] : memref<10000x128xf32, #tpu.memory_space<hbm>> -> memref<10000x128xf32, #tpu.memory_space<hbm>>
    tpu.enqueue_indirect_dma source(%dma_start3A_97 : memref<10000x128xf32, #tpu.memory_space<hbm>>) target(%arg9 : memref<40x128xf32, #tpu.memory_space<vmem>>) offsets(%arg7 : memref<40xi32, #tpu.memory_space<vmem>>) semaphore(%arg13 : memref<!tpu.dma_semaphore, #tpu.memory_space<semaphore_mem>>)
    %dma_start3A_98 = arith.constant 0 : i32
    %dma_start3A_99 = arith.constant 0 : i32
    %dma_start3A_100 = tpu.memref_slice %arg3[%dma_start3A_98, %dma_start3A_99] : memref<10000x128xf32, #tpu.memory_space<hbm>> -> memref<10000x128xf32, #tpu.memory_space<hbm>>
    tpu.enqueue_indirect_dma source(%dma_start3A_100 : memref<10000x128xf32, #tpu.memory_space<hbm>>) target(%arg10 : memref<40x128xf32, #tpu.memory_space<vmem>>) offsets(%arg8 : memref<40xi32, #tpu.memory_space<vmem>>) semaphore(%arg14 : memref<!tpu.dma_semaphore, #tpu.memory_space<semaphore_mem>>)
    %dma_wait3A_101 = arith.constant 0 : i32
    %dma_wait3A_102 = arith.constant 0 : i32
    %dma_wait3A_103 = tpu.memref_slice %arg2[%dma_wait3A_101, %dma_wait3A_102] : memref<10000x128xf32, #tpu.memory_space<hbm>> -> memref<10000x128xf32, #tpu.memory_space<hbm>>
    tpu.wait_indirect_dma semaphore(%arg13 : memref<!tpu.dma_semaphore, #tpu.memory_space<semaphore_mem>>) src(%dma_wait3A_103 : memref<10000x128xf32, #tpu.memory_space<hbm>>) dst(%arg9 : memref<40x128xf32, #tpu.memory_space<vmem>>)
    %dma_wait3A_104 = arith.constant 0 : i32
    %dma_wait3A_105 = arith.constant 0 : i32
    %dma_wait3A_106 = tpu.memref_slice %arg3[%dma_wait3A_104, %dma_wait3A_105] : memref<10000x128xf32, #tpu.memory_space<hbm>> -> memref<10000x128xf32, #tpu.memory_space<hbm>>
    tpu.wait_indirect_dma semaphore(%arg14 : memref<!tpu.dma_semaphore, #tpu.memory_space<semaphore_mem>>) src(%dma_wait3A_106 : memref<10000x128xf32, #tpu.memory_space<hbm>>) dst(%arg10 : memref<40x128xf32, #tpu.memory_space<vmem>>)
    %scan3A_107 = arith.constant 0 : i32
    %scan3A_108 = arith.constant 0 : i32
    %scan3A_109 = arith.constant 40 : i32
    %scan3A_110 = arith.addi %scan3A_108, %scan3A_109 : i32
    %scan3A_111 = arith.constant 1 : i32
    scf.for %scan3A_145 = %scan3A_108 to %scan3A_110 step %scan3A_111  : i32 {
      %get3A = arith.index_cast %scan3A_145 : i32 to index
      %get3A_146 = arith.constant 0 : index
      %get3A_147 = tpu.vector_load %arg9[%get3A, %get3A_146] {strides = array<i32>} : memref<40x128xf32, #tpu.memory_space<vmem>>, vector<1x16xf32>,
      %get3A_148 = vector.shape_cast %get3A_147 : vector<1x16xf32> to vector<16xf32>
      %get3A_149 = arith.index_cast %scan3A_145 : i32 to index
      %get3A_150 = arith.constant 0 : index
      %get3A_151 = tpu.vector_load %arg10[%get3A_149, %get3A_150] {strides = array<i32>} : memref<40x128xf32, #tpu.memory_space<vmem>>, vector<1x16xf32>,
      %get3A_152 = vector.shape_cast %get3A_151 : vector<1x16xf32> to vector<16xf32>
      %add3A_153 = arith.addf %get3A_148, %get3A_152 : vector<16xf32>
      %get3A_154 = arith.index_cast %scan3A_145 : i32 to index
      %get3A_155 = arith.constant 64 : index
      %get3A_156 = tpu.vector_load %arg9[%get3A_154, %get3A_155] {strides = array<i32>} : memref<40x128xf32, #tpu.memory_space<vmem>>, vector<1x16xf32>,
      %get3A_157 = vector.shape_cast %get3A_156 : vector<1x16xf32> to vector<16xf32>
      %get3A_158 = arith.index_cast %scan3A_145 : i32 to index
      %get3A_159 = arith.constant 64 : index
      %get3A_160 = tpu.vector_load %arg10[%get3A_158, %get3A_159] {strides = array<i32>} : memref<40x128xf32, #tpu.memory_space<vmem>>, vector<1x16xf32>,
      %get3A_161 = vector.shape_cast %get3A_160 : vector<1x16xf32> to vector<16xf32>
      %add3A_162 = arith.addf %get3A_157, %get3A_161 : vector<16xf32>
      %bitcast_convert_type3A = tpu.bitcast %add3A_153 : vector<16xf32> -> vector<16xi32>
      %bitcast_convert_type3A_163 = tpu.bitcast %add3A_162 : vector<16xf32> -> vector<16xi32>
      %add3A_164 = arith.constant 32768 : i32
      %add3A_165 = vector.broadcast %add3A_164 : i32 to vector<16xi32>
      %add3A_166 = arith.addi %bitcast_convert_type3A, %add3A_165 : vector<16xi32>
      %shift_right_logical3A = arith.constant 16 : i32
      %shift_right_logical3A_167 = vector.broadcast %shift_right_logical3A : i32 to vector<16xi32>
      %shift_right_logical3A_168 = arith.shrui %add3A_166, %shift_right_logical3A_167 : vector<16xi32>
      %add3A_169 = arith.constant 32768 : i32
      %add3A_170 = vector.broadcast %add3A_169 : i32 to vector<16xi32>
      %add3A_171 = arith.addi %bitcast_convert_type3A_163, %add3A_170 : vector<16xi32>
      %and3A = arith.constant -65536 : i32
      %and3A_172 = vector.broadcast %and3A : i32 to vector<16xi32>
      %and3A_173 = arith.andi %add3A_171, %and3A_172 : vector<16xi32>
      %or3A = arith.ori %shift_right_logical3A_168, %and3A_173 : vector<16xi32>
      %bitcast_convert_type3A_174 = tpu.bitcast %or3A : vector<16xi32> -> vector<16xi32>
      %swap3A = arith.index_cast %scan3A_145 : i32 to index
      %swap3A_175 = arith.constant 0 : index
      %swap3A_176 = tpu.vector_load %arg16[%swap3A, %swap3A_175] {strides = array<i32>} : memref<40x64xi32, #tpu.memory_space<vmem>>, vector<1x16xi32>,
      %swap3A_177 = vector.shape_cast %swap3A_176 : vector<1x16xi32> to vector<16xi32>
      %swap3A_178 = vector.shape_cast %bitcast_convert_type3A_174 : vector<16xi32> to vector<1x16xi32>
      tpu.vector_store %arg16[%swap3A, %swap3A_175], %swap3A_178 {strides = array<i32>} : memref<40x64xi32, #tpu.memory_space<vmem>>, vector<1x16xi32>,
      %get3A_179 = arith.index_cast %scan3A_145 : i32 to index
      %get3A_180 = arith.constant 16 : index
      %get3A_181 = tpu.vector_load %arg9[%get3A_179, %get3A_180] {strides = array<i32>} : memref<40x128xf32, #tpu.memory_space<vmem>>, vector<1x16xf32>,
      %get3A_182 = vector.shape_cast %get3A_181 : vector<1x16xf32> to vector<16xf32>
      %get3A_183 = arith.index_cast %scan3A_145 : i32 to index
      %get3A_184 = arith.constant 16 : index
      %get3A_185 = tpu.vector_load %arg10[%get3A_183, %get3A_184] {strides = array<i32>} : memref<40x128xf32, #tpu.memory_space<vmem>>, vector<1x16xf32>,
      %get3A_186 = vector.shape_cast %get3A_185 : vector<1x16xf32> to vector<16xf32>
      %add3A_187 = arith.addf %get3A_182, %get3A_186 : vector<16xf32>
      %get3A_188 = arith.index_cast %scan3A_145 : i32 to index
      %get3A_189 = arith.constant 80 : index
      %get3A_190 = tpu.vector_load %arg9[%get3A_188, %get3A_189] {strides = array<i32>} : memref<40x128xf32, #tpu.memory_space<vmem>>, vector<1x16xf32>,
      %get3A_191 = vector.shape_cast %get3A_190 : vector<1x16xf32> to vector<16xf32>
      %get3A_192 = arith.index_cast %scan3A_145 : i32 to index
      %get3A_193 = arith.constant 80 : index
      %get3A_194 = tpu.vector_load %arg10[%get3A_192, %get3A_193] {strides = array<i32>} : memref<40x128xf32, #tpu.memory_space<vmem>>, vector<1x16xf32>,
      %get3A_195 = vector.shape_cast %get3A_194 : vector<1x16xf32> to vector<16xf32>
      %add3A_196 = arith.addf %get3A_191, %get3A_195 : vector<16xf32>
      %bitcast_convert_type3A_197 = tpu.bitcast %add3A_187 : vector<16xf32> -> vector<16xi32>
      %bitcast_convert_type3A_198 = tpu.bitcast %add3A_196 : vector<16xf32> -> vector<16xi32>
      %add3A_199 = arith.constant 32768 : i32
      %add3A_200 = vector.broadcast %add3A_199 : i32 to vector<16xi32>
      %add3A_201 = arith.addi %bitcast_convert_type3A_197, %add3A_200 : vector<16xi32>
      %shift_right_logical3A_202 = arith.constant 16 : i32
      %shift_right_logical3A_203 = vector.broadcast %shift_right_logical3A_202 : i32 to vector<16xi32>
      %shift_right_logical3A_204 = arith.shrui %add3A_201, %shift_right_logical3A_203 : vector<16xi32>
      %add3A_205 = arith.constant 32768 : i32
      %add3A_206 = vector.broadcast %add3A_205 : i32 to vector<16xi32>
      %add3A_207 = arith.addi %bitcast_convert_type3A_198, %add3A_206 : vector<16xi32>
      %and3A_208 = arith.constant -65536 : i32
      %and3A_209 = vector.broadcast %and3A_208 : i32 to vector<16xi32>
      %and3A_210 = arith.andi %add3A_207, %and3A_209 : vector<16xi32>
      %or3A_211 = arith.ori %shift_right_logical3A_204, %and3A_210 : vector<16xi32>
      %bitcast_convert_type3A_212 = tpu.bitcast %or3A_211 : vector<16xi32> -> vector<16xi32>
      %swap3A_213 = arith.index_cast %scan3A_145 : i32 to index
      %swap3A_214 = arith.constant 16 : index
      %swap3A_215 = tpu.vector_load %arg16[%swap3A_213, %swap3A_214] {strides = array<i32>} : memref<40x64xi32, #tpu.memory_space<vmem>>, vector<1x16xi32>,
      %swap3A_216 = vector.shape_cast %swap3A_215 : vector<1x16xi32> to vector<16xi32>
      %swap3A_217 = vector.shape_cast %bitcast_convert_type3A_212 : vector<16xi32> to vector<1x16xi32>
      tpu.vector_store %arg16[%swap3A_213, %swap3A_214], %swap3A_217 {strides = array<i32>} : memref<40x64xi32, #tpu.memory_space<vmem>>, vector<1x16xi32>,
      %get3A_218 = arith.index_cast %scan3A_145 : i32 to index
      %get3A_219 = arith.constant 32 : index
      %get3A_220 = tpu.vector_load %arg9[%get3A_218, %get3A_219] {strides = array<i32>} : memref<40x128xf32, #tpu.memory_space<vmem>>, vector<1x16xf32>,
      %get3A_221 = vector.shape_cast %get3A_220 : vector<1x16xf32> to vector<16xf32>
      %get3A_222 = arith.index_cast %scan3A_145 : i32 to index
      %get3A_223 = arith.constant 32 : index
      %get3A_224 = tpu.vector_load %arg10[%get3A_222, %get3A_223] {strides = array<i32>} : memref<40x128xf32, #tpu.memory_space<vmem>>, vector<1x16xf32>,
      %get3A_225 = vector.shape_cast %get3A_224 : vector<1x16xf32> to vector<16xf32>
      %add3A_226 = arith.addf %get3A_221, %get3A_225 : vector<16xf32>
      %get3A_227 = arith.index_cast %scan3A_145 : i32 to index
      %get3A_228 = arith.constant 96 : index
      %get3A_229 = tpu.vector_load %arg9[%get3A_227, %get3A_228] {strides = array<i32>} : memref<40x128xf32, #tpu.memory_space<vmem>>, vector<1x16xf32>,
      %get3A_230 = vector.shape_cast %get3A_229 : vector<1x16xf32> to vector<16xf32>
      %get3A_231 = arith.index_cast %scan3A_145 : i32 to index
      %get3A_232 = arith.constant 96 : index
      %get3A_233 = tpu.vector_load %arg10[%get3A_231, %get3A_232] {strides = array<i32>} : memref<40x128xf32, #tpu.memory_space<vmem>>, vector<1x16xf32>,
      %get3A_234 = vector.shape_cast %get3A_233 : vector<1x16xf32> to vector<16xf32>
      %add3A_235 = arith.addf %get3A_230, %get3A_234 : vector<16xf32>
      %bitcast_convert_type3A_236 = tpu.bitcast %add3A_226 : vector<16xf32> -> vector<16xi32>
      %bitcast_convert_type3A_237 = tpu.bitcast %add3A_235 : vector<16xf32> -> vector<16xi32>
      %add3A_238 = arith.constant 32768 : i32
      %add3A_239 = vector.broadcast %add3A_238 : i32 to vector<16xi32>
      %add3A_240 = arith.addi %bitcast_convert_type3A_236, %add3A_239 : vector<16xi32>
      %shift_right_logical3A_241 = arith.constant 16 : i32
      %shift_right_logical3A_242 = vector.broadcast %shift_right_logical3A_241 : i32 to vector<16xi32>
      %shift_right_logical3A_243 = arith.shrui %add3A_240, %shift_right_logical3A_242 : vector<16xi32>
      %add3A_244 = arith.constant 32768 : i32
      %add3A_245 = vector.broadcast %add3A_244 : i32 to vector<16xi32>
      %add3A_246 = arith.addi %bitcast_convert_type3A_237, %add3A_245 : vector<16xi32>
      %and3A_247 = arith.constant -65536 : i32
      %and3A_248 = vector.broadcast %and3A_247 : i32 to vector<16xi32>
      %and3A_249 = arith.andi %add3A_246, %and3A_248 : vector<16xi32>
      %or3A_250 = arith.ori %shift_right_logical3A_243, %and3A_249 : vector<16xi32>
      %bitcast_convert_type3A_251 = tpu.bitcast %or3A_250 : vector<16xi32> -> vector<16xi32>
      %swap3A_252 = arith.index_cast %scan3A_145 : i32 to index
      %swap3A_253 = arith.constant 32 : index
      %swap3A_254 = tpu.vector_load %arg16[%swap3A_252, %swap3A_253] {strides = array<i32>} : memref<40x64xi32, #tpu.memory_space<vmem>>, vector<1x16xi32>,
      %swap3A_255 = vector.shape_cast %swap3A_254 : vector<1x16xi32> to vector<16xi32>
      %swap3A_256 = vector.shape_cast %bitcast_convert_type3A_251 : vector<16xi32> to vector<1x16xi32>
      tpu.vector_store %arg16[%swap3A_252, %swap3A_253], %swap3A_256 {strides = array<i32>} : memref<40x64xi32, #tpu.memory_space<vmem>>, vector<1x16xi32>,
      %get3A_257 = arith.index_cast %scan3A_145 : i32 to index
      %get3A_258 = arith.constant 48 : index
      %get3A_259 = tpu.vector_load %arg9[%get3A_257, %get3A_258] {strides = array<i32>} : memref<40x128xf32, #tpu.memory_space<vmem>>, vector<1x16xf32>,
      %get3A_260 = vector.shape_cast %get3A_259 : vector<1x16xf32> to vector<16xf32>
      %get3A_261 = arith.index_cast %scan3A_145 : i32 to index
      %get3A_262 = arith.constant 48 : index
      %get3A_263 = tpu.vector_load %arg10[%get3A_261, %get3A_262] {strides = array<i32>} : memref<40x128xf32, #tpu.memory_space<vmem>>, vector<1x16xf32>,
      %get3A_264 = vector.shape_cast %get3A_263 : vector<1x16xf32> to vector<16xf32>
      %add3A_265 = arith.addf %get3A_260, %get3A_264 : vector<16xf32>
      %get3A_266 = arith.index_cast %scan3A_145 : i32 to index
      %get3A_267 = arith.constant 112 : index
      %get3A_268 = tpu.vector_load %arg9[%get3A_266, %get3A_267] {strides = array<i32>} : memref<40x128xf32, #tpu.memory_space<vmem>>, vector<1x16xf32>,
      %get3A_269 = vector.shape_cast %get3A_268 : vector<1x16xf32> to vector<16xf32>
      %get3A_270 = arith.index_cast %scan3A_145 : i32 to index
      %get3A_271 = arith.constant 112 : index
      %get3A_272 = tpu.vector_load %arg10[%get3A_270, %get3A_271] {strides = array<i32>} : memref<40x128xf32, #tpu.memory_space<vmem>>, vector<1x16xf32>,
      %get3A_273 = vector.shape_cast %get3A_272 : vector<1x16xf32> to vector<16xf32>
      %add3A_274 = arith.addf %get3A_269, %get3A_273 : vector<16xf32>
      %bitcast_convert_type3A_275 = tpu.bitcast %add3A_265 : vector<16xf32> -> vector<16xi32>
      %bitcast_convert_type3A_276 = tpu.bitcast %add3A_274 : vector<16xf32> -> vector<16xi32>
      %add3A_277 = arith.constant 32768 : i32
      %add3A_278 = vector.broadcast %add3A_277 : i32 to vector<16xi32>
      %add3A_279 = arith.addi %bitcast_convert_type3A_275, %add3A_278 : vector<16xi32>
      %shift_right_logical3A_280 = arith.constant 16 : i32
      %shift_right_logical3A_281 = vector.broadcast %shift_right_logical3A_280 : i32 to vector<16xi32>
      %shift_right_logical3A_282 = arith.shrui %add3A_279, %shift_right_logical3A_281 : vector<16xi32>
      %add3A_283 = arith.constant 32768 : i32
      %add3A_284 = vector.broadcast %add3A_283 : i32 to vector<16xi32>
      %add3A_285 = arith.addi %bitcast_convert_type3A_276, %add3A_284 : vector<16xi32>
      %and3A_286 = arith.constant -65536 : i32
      %and3A_287 = vector.broadcast %and3A_286 : i32 to vector<16xi32>
      %and3A_288 = arith.andi %add3A_285, %and3A_287 : vector<16xi32>
      %or3A_289 = arith.ori %shift_right_logical3A_282, %and3A_288 : vector<16xi32>
      %bitcast_convert_type3A_290 = tpu.bitcast %or3A_289 : vector<16xi32> -> vector<16xi32>
      %swap3A_291 = arith.index_cast %scan3A_145 : i32 to index
      %swap3A_292 = arith.constant 48 : index
      %swap3A_293 = tpu.vector_load %arg16[%swap3A_291, %swap3A_292] {strides = array<i32>} : memref<40x64xi32, #tpu.memory_space<vmem>>, vector<1x16xi32>,
      %swap3A_294 = vector.shape_cast %swap3A_293 : vector<1x16xi32> to vector<16xi32>
      %swap3A_295 = vector.shape_cast %bitcast_convert_type3A_290 : vector<16xi32> to vector<1x16xi32>
      tpu.vector_store %arg16[%swap3A_291, %swap3A_292], %swap3A_295 {strides = array<i32>} : memref<40x64xi32, #tpu.memory_space<vmem>>, vector<1x16xi32>,
    }
    %scan3A_112 = arith.constant 40 : i32
    %mul3A_113 = arith.constant 5000 : i32
    %mul3A_114 = arith.muli %add3A, %mul3A_113 : i32
    %add3A_115 = arith.constant 4960 : i32
    %add3A_116 = arith.addi %mul3A_114, %add3A_115 : i32
    %dma_start3A_117 = arith.constant 0 : i32
    %dma_start3A_118 = tpu.memref_slice %arg6[%add3A_116, %dma_start3A_117] : memref<160000x64xi32, #tpu.memory_space<hbm>> -> memref<40x64xi32, #tpu.memory_space<hbm>>
    %dma_start3A_119 = arith.constant 0 : i32
    %dma_start3A_120 = tpu.memref_slice %arg6[%add3A_116, %dma_start3A_119] : memref<160000x64xi32, #tpu.memory_space<hbm>> -> memref<40x64xi32, #tpu.memory_space<hbm>>
    tpu.enqueue_dma source(%arg16 : memref<40x64xi32, #tpu.memory_space<vmem>>) target(%dma_start3A_120 : memref<40x64xi32, #tpu.memory_space<hbm>>) target_semaphore(%arg15 : memref<!tpu.dma_semaphore, #tpu.memory_space<semaphore_mem>>)
    %dma_wait3A_121 = arith.constant 0 : i32
    %dma_wait3A_122 = arith.constant 0 : i32
    %dma_wait3A_123 = tpu.memref_slice %arg6[%dma_wait3A_121, %dma_wait3A_122] : memref<160000x64xi32, #tpu.memory_space<hbm>> -> memref<40x64xi32, #tpu.memory_space<hbm>>
    %dma_wait3A_124 = arith.constant 0 : i32
    %dma_wait3A_125 = arith.constant 0 : i32
    %dma_wait3A_126 = tpu.memref_slice %arg6[%dma_wait3A_124, %dma_wait3A_125] : memref<160000x64xi32, #tpu.memory_space<hbm>> -> memref<40x64xi32, #tpu.memory_space<hbm>>
    tpu.wait_dma2 semaphore(%arg15 : memref<!tpu.dma_semaphore, #tpu.memory_space<semaphore_mem>>) src(%arg16 : memref<40x64xi32, #tpu.memory_space<vmem>>) dst(%dma_wait3A_126 : memref<40x64xi32, #tpu.memory_space<hbm>>)
    %dma_wait3A_127 = arith.constant 0 : i32
    %dma_wait3A_128 = arith.constant 0 : i32
    %dma_wait3A_129 = tpu.memref_slice %arg6[%dma_wait3A_127, %dma_wait3A_128] : memref<160000x64xi32, #tpu.memory_space<hbm>> -> memref<40x64xi32, #tpu.memory_space<hbm>>
    %dma_wait3A_130 = arith.constant 0 : i32
    %dma_wait3A_131 = arith.constant 0 : i32
    %dma_wait3A_132 = tpu.memref_slice %arg6[%dma_wait3A_130, %dma_wait3A_131] : memref<160000x64xi32, #tpu.memory_space<hbm>> -> memref<40x64xi32, #tpu.memory_space<hbm>>
    tpu.wait_dma2 semaphore(%arg25 : memref<!tpu.dma_semaphore, #tpu.memory_space<semaphore_mem>>) src(%arg26 : memref<40x64xi32, #tpu.memory_space<vmem>>) dst(%dma_wait3A_132 : memref<40x64xi32, #tpu.memory_space<hbm>>)
    %dma_wait3A_133 = arith.constant 0 : i32
    %dma_wait3A_134 = arith.constant 0 : i32
    %dma_wait3A_135 = tpu.memref_slice %arg6[%dma_wait3A_133, %dma_wait3A_134] : memref<160000x64xi32, #tpu.memory_space<hbm>> -> memref<40x64xi32, #tpu.memory_space<hbm>>
    %dma_wait3A_136 = arith.constant 0 : i32
    %dma_wait3A_137 = arith.constant 0 : i32
    %dma_wait3A_138 = tpu.memref_slice %arg6[%dma_wait3A_136, %dma_wait3A_137] : memref<160000x64xi32, #tpu.memory_space<hbm>> -> memref<40x64xi32, #tpu.memory_space<hbm>>
    tpu.wait_dma2 semaphore(%arg35 : memref<!tpu.dma_semaphore, #tpu.memory_space<semaphore_mem>>) src(%arg36 : memref<40x64xi32, #tpu.memory_space<vmem>>) dst(%dma_wait3A_138 : memref<40x64xi32, #tpu.memory_space<hbm>>)
    %dma_wait3A_139 = arith.constant 0 : i32
    %dma_wait3A_140 = arith.constant 0 : i32
    %dma_wait3A_141 = tpu.memref_slice %arg6[%dma_wait3A_139, %dma_wait3A_140] : memref<160000x64xi32, #tpu.memory_space<hbm>> -> memref<40x64xi32, #tpu.memory_space<hbm>>
    %dma_wait3A_142 = arith.constant 0 : i32
    %dma_wait3A_143 = arith.constant 0 : i32
    %dma_wait3A_144 = tpu.memref_slice %arg6[%dma_wait3A_142, %dma_wait3A_143] : memref<160000x64xi32, #tpu.memory_space<hbm>> -> memref<40x64xi32, #tpu.memory_space<hbm>>
    tpu.wait_dma2 semaphore(%arg45 : memref<!tpu.dma_semaphore, #tpu.memory_space<semaphore_mem>>) src(%arg46 : memref<40x64xi32, #tpu.memory_space<vmem>>) dst(%dma_wait3A_144 : memref<40x64xi32, #tpu.memory_space<hbm>>)
    return
  }
}

#map = affine_map<(d0, d1) -> (0, 0)>
#map1 = affine_map<(d0, d1) -> (0)>
module attributes {stable_mosaic.version = 14 : i64} {
  func.func @scatter(%arg0: i32, %arg1: i32, %arg2: memref<160000x128xf32, #tpu.memory_space<hbm>>, %arg3: memref<160000xi32, #tpu.memory_space<hbm>>, %arg4: memref<10000x128xf32, #tpu.memory_space<hbm>>, %arg5: memref<20000x128xf32, #tpu.memory_space<hbm>>, %arg6: memref<40xi32, #tpu.memory_space<vmem>>, %arg7: memref<40x128xf32, #tpu.memory_space<vmem>>, %arg8: memref<!tpu.dma_semaphore, #tpu.memory_space<semaphore_mem>>, %arg9: memref<!tpu.dma_semaphore, #tpu.memory_space<semaphore_mem>>, %arg10: memref<!tpu.dma_semaphore, #tpu.memory_space<semaphore_mem>>, %arg11: memref<40xi32, #tpu.memory_space<vmem>>, %arg12: memref<40x128xf32, #tpu.memory_space<vmem>>, %arg13: memref<!tpu.dma_semaphore, #tpu.memory_space<semaphore_mem>>, %arg14: memref<!tpu.dma_semaphore, #tpu.memory_space<semaphore_mem>>, %arg15: memref<!tpu.dma_semaphore, #tpu.memory_space<semaphore_mem>>, %arg16: memref<10000x128xf32, #tpu.memory_space<vmem_shared>>) attributes {dimension_semantics = [#tpu.dimension_semantics<core_parallel>, #tpu.dimension_semantics<subcore_parallel>], iteration_bounds = array<i64: 2, 16>, scalar_prefetch = 0 : i64, scratch_operands = 11 : i64, tpu.core_type = #tpu.core_type<sc_vector_subcore>, window_params = [{transform_indices = #map}, {transform_indices = #map1}, {transform_indices = #map}, {transform_indices = #map}]} {
    %mul3A = arith.constant 2 : i32
    %mul3A_0 = arith.muli %arg1, %mul3A : i32
    %add3A = arith.addi %mul3A_0, %arg0 : i32
    %mul3A_1 = arith.constant 624 : i32
    %mul3A_2 = arith.muli %arg1, %mul3A_1 : i32
    %mul3A_3 = arith.constant 624 : i32
    %mul3A_4 = arith.muli %arg1, %mul3A_3 : i32
    "tpu.region"() ({
      %run_scoped3A = tpu.sem_alloc : memref<!tpu.dma_semaphore, #tpu.memory_space<semaphore_mem>>
      %dma_start3A_84 = arith.constant 0 : i32
      %dma_start3A_85 = tpu.memref_slice %arg16[%mul3A_4, %dma_start3A_84] : memref<10000x128xf32, #tpu.memory_space<vmem_shared>> -> memref<624x128xf32, #tpu.memory_space<vmem_shared>>
      %dma_start3A_86 = arith.constant 0 : i32
      %dma_start3A_87 = tpu.memref_slice %arg4[%mul3A_2, %dma_start3A_86] : memref<10000x128xf32, #tpu.memory_space<hbm>> -> memref<624x128xf32, #tpu.memory_space<hbm>>
      tpu.enqueue_dma source(%dma_start3A_87 : memref<624x128xf32, #tpu.memory_space<hbm>>) target(%dma_start3A_85 : memref<624x128xf32, #tpu.memory_space<vmem_shared>>) target_semaphore(%run_scoped3A : memref<!tpu.dma_semaphore, #tpu.memory_space<semaphore_mem>>)
      %dma_wait3A_88 = arith.constant 0 : i32
      %dma_wait3A_89 = tpu.memref_slice %arg16[%mul3A_4, %dma_wait3A_88] : memref<10000x128xf32, #tpu.memory_space<vmem_shared>> -> memref<624x128xf32, #tpu.memory_space<vmem_shared>>
      %dma_wait3A_90 = arith.constant 0 : i32
      %dma_wait3A_91 = tpu.memref_slice %arg4[%mul3A_2, %dma_wait3A_90] : memref<10000x128xf32, #tpu.memory_space<hbm>> -> memref<624x128xf32, #tpu.memory_space<hbm>>
      tpu.wait_dma2 semaphore(%run_scoped3A : memref<!tpu.dma_semaphore, #tpu.memory_space<semaphore_mem>>) src(%dma_wait3A_91 : memref<624x128xf32, #tpu.memory_space<hbm>>) dst(%dma_wait3A_89 : memref<624x128xf32, #tpu.memory_space<vmem_shared>>)
      tpu.yield
    }) : () -> ()
    %eq3A = arith.constant 0 : i32
    %eq3A_5 = arith.cmpi eq, %arg1, %eq3A : i32
    %convert_element_type3A = arith.extui %eq3A_5 : i1 to i32
    %cond3A = arith.constant 0 : i32
    %cond3A_6 = arith.cmpi ne, %convert_element_type3A, %cond3A : i32
    scf.if %cond3A_6 {
      "tpu.region"() ({
        %run_scoped3A = tpu.sem_alloc : memref<!tpu.dma_semaphore, #tpu.memory_space<semaphore_mem>>
        %dma_start3A_84 = arith.constant 9984 : i32
        %dma_start3A_85 = arith.constant 0 : i32
        %dma_start3A_86 = tpu.memref_slice %arg16[%dma_start3A_84, %dma_start3A_85] : memref<10000x128xf32, #tpu.memory_space<vmem_shared>> -> memref<16x128xf32, #tpu.memory_space<vmem_shared>>
        %dma_start3A_87 = arith.constant 9984 : i32
        %dma_start3A_88 = arith.constant 0 : i32
        %dma_start3A_89 = tpu.memref_slice %arg4[%dma_start3A_87, %dma_start3A_88] : memref<10000x128xf32, #tpu.memory_space<hbm>> -> memref<16x128xf32, #tpu.memory_space<hbm>>
        tpu.enqueue_dma source(%dma_start3A_89 : memref<16x128xf32, #tpu.memory_space<hbm>>) target(%dma_start3A_86 : memref<16x128xf32, #tpu.memory_space<vmem_shared>>) target_semaphore(%run_scoped3A : memref<!tpu.dma_semaphore, #tpu.memory_space<semaphore_mem>>)
        %dma_wait3A_90 = arith.constant 9984 : i32
        %dma_wait3A_91 = arith.constant 0 : i32
        %dma_wait3A_92 = tpu.memref_slice %arg16[%dma_wait3A_90, %dma_wait3A_91] : memref<10000x128xf32, #tpu.memory_space<vmem_shared>> -> memref<16x128xf32, #tpu.memory_space<vmem_shared>>
        %dma_wait3A_93 = arith.constant 9984 : i32
        %dma_wait3A_94 = arith.constant 0 : i32
        %dma_wait3A_95 = tpu.memref_slice %arg4[%dma_wait3A_93, %dma_wait3A_94] : memref<10000x128xf32, #tpu.memory_space<hbm>> -> memref<16x128xf32, #tpu.memory_space<hbm>>
        tpu.wait_dma2 semaphore(%run_scoped3A : memref<!tpu.dma_semaphore, #tpu.memory_space<semaphore_mem>>) src(%dma_wait3A_95 : memref<16x128xf32, #tpu.memory_space<hbm>>) dst(%dma_wait3A_92 : memref<16x128xf32, #tpu.memory_space<vmem_shared>>)
        tpu.yield
      }) : () -> ()
    } else {
    }
    %barrier3A = arith.constant 0 : index
    tpu.barrier barrier_id(%barrier3A)
    %mul3A_7 = arith.constant 5000 : i32
    %mul3A_8 = arith.muli %add3A, %mul3A_7 : i32
    %add3A_9 = arith.constant 0 : i32
    %add3A_10 = arith.addi %mul3A_8, %add3A_9 : i32
    %dma_start3A = tpu.memref_slice %arg3[%add3A_10] : memref<160000xi32, #tpu.memory_space<hbm>> -> memref<40xi32, #tpu.memory_space<hbm>>
    %dma_start3A_11 = tpu.memref_slice %arg3[%add3A_10] : memref<160000xi32, #tpu.memory_space<hbm>> -> memref<40xi32, #tpu.memory_space<hbm>>
    tpu.enqueue_dma source(%dma_start3A_11 : memref<40xi32, #tpu.memory_space<hbm>>) target(%arg6 : memref<40xi32, #tpu.memory_space<vmem>>) target_semaphore(%arg8 : memref<!tpu.dma_semaphore, #tpu.memory_space<semaphore_mem>>)
    %dma_start3A_12 = arith.constant 0 : i32
    %dma_start3A_13 = tpu.memref_slice %arg2[%add3A_10, %dma_start3A_12] : memref<160000x128xf32, #tpu.memory_space<hbm>> -> memref<40x128xf32, #tpu.memory_space<hbm>>
    %dma_start3A_14 = arith.constant 0 : i32
    %dma_start3A_15 = tpu.memref_slice %arg2[%add3A_10, %dma_start3A_14] : memref<160000x128xf32, #tpu.memory_space<hbm>> -> memref<40x128xf32, #tpu.memory_space<hbm>>
    tpu.enqueue_dma source(%dma_start3A_15 : memref<40x128xf32, #tpu.memory_space<hbm>>) target(%arg7 : memref<40x128xf32, #tpu.memory_space<vmem>>) target_semaphore(%arg9 : memref<!tpu.dma_semaphore, #tpu.memory_space<semaphore_mem>>)
    %mul3A_16 = arith.constant 5000 : i32
    %mul3A_17 = arith.muli %add3A, %mul3A_16 : i32
    %add3A_18 = arith.constant 40 : i32
    %add3A_19 = arith.addi %mul3A_17, %add3A_18 : i32
    %dma_start3A_20 = tpu.memref_slice %arg3[%add3A_19] : memref<160000xi32, #tpu.memory_space<hbm>> -> memref<40xi32, #tpu.memory_space<hbm>>
    %dma_start3A_21 = tpu.memref_slice %arg3[%add3A_19] : memref<160000xi32, #tpu.memory_space<hbm>> -> memref<40xi32, #tpu.memory_space<hbm>>
    tpu.enqueue_dma source(%dma_start3A_21 : memref<40xi32, #tpu.memory_space<hbm>>) target(%arg11 : memref<40xi32, #tpu.memory_space<vmem>>) target_semaphore(%arg13 : memref<!tpu.dma_semaphore, #tpu.memory_space<semaphore_mem>>)
    %dma_start3A_22 = arith.constant 0 : i32
    %dma_start3A_23 = tpu.memref_slice %arg2[%add3A_19, %dma_start3A_22] : memref<160000x128xf32, #tpu.memory_space<hbm>> -> memref<40x128xf32, #tpu.memory_space<hbm>>
    %dma_start3A_24 = arith.constant 0 : i32
    %dma_start3A_25 = tpu.memref_slice %arg2[%add3A_19, %dma_start3A_24] : memref<160000x128xf32, #tpu.memory_space<hbm>> -> memref<40x128xf32, #tpu.memory_space<hbm>>
    tpu.enqueue_dma source(%dma_start3A_25 : memref<40x128xf32, #tpu.memory_space<hbm>>) target(%arg12 : memref<40x128xf32, #tpu.memory_space<vmem>>) target_semaphore(%arg14 : memref<!tpu.dma_semaphore, #tpu.memory_space<semaphore_mem>>)
    %scan3A = arith.constant 0 : i32
    %scan3A_26 = arith.constant 0 : i32
    %scan3A_27 = arith.constant 62 : i32
    %scan3A_28 = arith.addi %scan3A_26, %scan3A_27 : i32
    %scan3A_29 = arith.constant 1 : i32
    scf.for %scan3A_84 = %scan3A_26 to %scan3A_28 step %scan3A_29  : i32 {
      %dma_wait3A_85 = arith.constant 0 : i32
      %dma_wait3A_86 = tpu.memref_slice %arg3[%dma_wait3A_85] : memref<160000xi32, #tpu.memory_space<hbm>> -> memref<40xi32, #tpu.memory_space<hbm>>
      %dma_wait3A_87 = arith.constant 0 : i32
      %dma_wait3A_88 = tpu.memref_slice %arg3[%dma_wait3A_87] : memref<160000xi32, #tpu.memory_space<hbm>> -> memref<40xi32, #tpu.memory_space<hbm>>
      tpu.wait_dma2 semaphore(%arg8 : memref<!tpu.dma_semaphore, #tpu.memory_space<semaphore_mem>>) src(%dma_wait3A_88 : memref<40xi32, #tpu.memory_space<hbm>>) dst(%arg6 : memref<40xi32, #tpu.memory_space<vmem>>)
      %dma_wait3A_89 = arith.constant 0 : i32
      %dma_wait3A_90 = arith.constant 0 : i32
      %dma_wait3A_91 = tpu.memref_slice %arg2[%dma_wait3A_89, %dma_wait3A_90] : memref<160000x128xf32, #tpu.memory_space<hbm>> -> memref<40x128xf32, #tpu.memory_space<hbm>>
      %dma_wait3A_92 = arith.constant 0 : i32
      %dma_wait3A_93 = arith.constant 0 : i32
      %dma_wait3A_94 = tpu.memref_slice %arg2[%dma_wait3A_92, %dma_wait3A_93] : memref<160000x128xf32, #tpu.memory_space<hbm>> -> memref<40x128xf32, #tpu.memory_space<hbm>>
      tpu.wait_dma2 semaphore(%arg9 : memref<!tpu.dma_semaphore, #tpu.memory_space<semaphore_mem>>) src(%dma_wait3A_94 : memref<40x128xf32, #tpu.memory_space<hbm>>) dst(%arg7 : memref<40x128xf32, #tpu.memory_space<vmem>>)
      %gt3A = arith.constant 0 : i32
      %gt3A_95 = arith.cmpi sgt, %scan3A_84, %gt3A : i32
      %convert_element_type3A_96 = arith.extui %gt3A_95 : i1 to i32
      %cond3A_97 = arith.constant 0 : i32
      %cond3A_98 = arith.cmpi ne, %convert_element_type3A_96, %cond3A_97 : i32
      scf.if %cond3A_98 {
        %dma_wait3A_126 = arith.constant 0 : i32
        %dma_wait3A_127 = arith.constant 0 : i32
        %dma_wait3A_128 = tpu.memref_slice %arg16[%dma_wait3A_126, %dma_wait3A_127] : memref<10000x128xf32, #tpu.memory_space<vmem_shared>> -> memref<40x128xf32, #tpu.memory_space<vmem_shared>>
        %dma_wait3A_129 = arith.constant 0 : i32
        %dma_wait3A_130 = arith.constant 0 : i32
        %dma_wait3A_131 = tpu.memref_slice %arg16[%dma_wait3A_129, %dma_wait3A_130] : memref<10000x128xf32, #tpu.memory_space<vmem_shared>> -> memref<40x128xf32, #tpu.memory_space<vmem_shared>>
        tpu.wait_dma2 semaphore(%arg10 : memref<!tpu.dma_semaphore, #tpu.memory_space<semaphore_mem>>) src(%arg7 : memref<40x128xf32, #tpu.memory_space<vmem>>) dst(%dma_wait3A_131 : memref<40x128xf32, #tpu.memory_space<vmem_shared>>)
      } else {
      }
      %dma_start3A_99 = arith.constant 0 : i32
      %dma_start3A_100 = arith.constant 0 : i32
      %dma_start3A_101 = tpu.memref_slice %arg16[%dma_start3A_99, %dma_start3A_100] : memref<10000x128xf32, #tpu.memory_space<vmem_shared>> -> memref<10000x128xf32, #tpu.memory_space<vmem_shared>>
      tpu.enqueue_indirect_dma source(%arg7 : memref<40x128xf32, #tpu.memory_space<vmem>>) target(%dma_start3A_101 : memref<10000x128xf32, #tpu.memory_space<vmem_shared>>) offsets(%arg6 : memref<40xi32, #tpu.memory_space<vmem>>) semaphore(%arg10 : memref<!tpu.dma_semaphore, #tpu.memory_space<semaphore_mem>>) {add = true}
      %dma_wait3A_102 = arith.constant 0 : i32
      %dma_wait3A_103 = tpu.memref_slice %arg3[%dma_wait3A_102] : memref<160000xi32, #tpu.memory_space<hbm>> -> memref<40xi32, #tpu.memory_space<hbm>>
      %dma_wait3A_104 = arith.constant 0 : i32
      %dma_wait3A_105 = tpu.memref_slice %arg3[%dma_wait3A_104] : memref<160000xi32, #tpu.memory_space<hbm>> -> memref<40xi32, #tpu.memory_space<hbm>>
      tpu.wait_dma2 semaphore(%arg13 : memref<!tpu.dma_semaphore, #tpu.memory_space<semaphore_mem>>) src(%dma_wait3A_105 : memref<40xi32, #tpu.memory_space<hbm>>) dst(%arg11 : memref<40xi32, #tpu.memory_space<vmem>>)
      %dma_wait3A_106 = arith.constant 0 : i32
      %dma_wait3A_107 = arith.constant 0 : i32
      %dma_wait3A_108 = tpu.memref_slice %arg2[%dma_wait3A_106, %dma_wait3A_107] : memref<160000x128xf32, #tpu.memory_space<hbm>> -> memref<40x128xf32, #tpu.memory_space<hbm>>
      %dma_wait3A_109 = arith.constant 0 : i32
      %dma_wait3A_110 = arith.constant 0 : i32
      %dma_wait3A_111 = tpu.memref_slice %arg2[%dma_wait3A_109, %dma_wait3A_110] : memref<160000x128xf32, #tpu.memory_space<hbm>> -> memref<40x128xf32, #tpu.memory_space<hbm>>
      tpu.wait_dma2 semaphore(%arg14 : memref<!tpu.dma_semaphore, #tpu.memory_space<semaphore_mem>>) src(%dma_wait3A_111 : memref<40x128xf32, #tpu.memory_space<hbm>>) dst(%arg12 : memref<40x128xf32, #tpu.memory_space<vmem>>)
      %gt3A_112 = arith.constant 0 : i32
      %gt3A_113 = arith.cmpi sgt, %scan3A_84, %gt3A_112 : i32
      %convert_element_type3A_114 = arith.extui %gt3A_113 : i1 to i32
      %cond3A_115 = arith.constant 0 : i32
      %cond3A_116 = arith.cmpi ne, %convert_element_type3A_114, %cond3A_115 : i32
      scf.if %cond3A_116 {
        %dma_wait3A_126 = arith.constant 0 : i32
        %dma_wait3A_127 = arith.constant 0 : i32
        %dma_wait3A_128 = tpu.memref_slice %arg16[%dma_wait3A_126, %dma_wait3A_127] : memref<10000x128xf32, #tpu.memory_space<vmem_shared>> -> memref<40x128xf32, #tpu.memory_space<vmem_shared>>
        %dma_wait3A_129 = arith.constant 0 : i32
        %dma_wait3A_130 = arith.constant 0 : i32
        %dma_wait3A_131 = tpu.memref_slice %arg16[%dma_wait3A_129, %dma_wait3A_130] : memref<10000x128xf32, #tpu.memory_space<vmem_shared>> -> memref<40x128xf32, #tpu.memory_space<vmem_shared>>
        tpu.wait_dma2 semaphore(%arg15 : memref<!tpu.dma_semaphore, #tpu.memory_space<semaphore_mem>>) src(%arg7 : memref<40x128xf32, #tpu.memory_space<vmem>>) dst(%dma_wait3A_131 : memref<40x128xf32, #tpu.memory_space<vmem_shared>>)
      } else {
      }
      %dma_start3A_117 = arith.constant 0 : i32
      %dma_start3A_118 = arith.constant 0 : i32
      %dma_start3A_119 = tpu.memref_slice %arg16[%dma_start3A_117, %dma_start3A_118] : memref<10000x128xf32, #tpu.memory_space<vmem_shared>> -> memref<10000x128xf32, #tpu.memory_space<vmem_shared>>
      tpu.enqueue_indirect_dma source(%arg12 : memref<40x128xf32, #tpu.memory_space<vmem>>) target(%dma_start3A_119 : memref<10000x128xf32, #tpu.memory_space<vmem_shared>>) offsets(%arg11 : memref<40xi32, #tpu.memory_space<vmem>>) semaphore(%arg15 : memref<!tpu.dma_semaphore, #tpu.memory_space<semaphore_mem>>) {add = true}
      %add3A_120 = arith.constant 1 : i32
      %add3A_121 = arith.addi %scan3A_84, %add3A_120 : i32
      %lt3A = arith.constant 62 : i32
      %lt3A_122 = arith.cmpi slt, %add3A_121, %lt3A : i32
      %convert_element_type3A_123 = arith.extui %lt3A_122 : i1 to i32
      %cond3A_124 = arith.constant 0 : i32
      %cond3A_125 = arith.cmpi ne, %convert_element_type3A_123, %cond3A_124 : i32
      scf.if %cond3A_125 {
        %mul3A_126 = arith.constant 2 : i32
        %mul3A_127 = arith.muli %mul3A_126, %scan3A_84 : i32
        %add3A_128 = arith.constant 2 : i32
        %add3A_129 = arith.addi %mul3A_127, %add3A_128 : i32
        %mul3A_130 = arith.constant 5000 : i32
        %mul3A_131 = arith.muli %add3A, %mul3A_130 : i32
        %mul3A_132 = arith.constant 40 : i32
        %mul3A_133 = arith.muli %add3A_129, %mul3A_132 : i32
        %add3A_134 = arith.addi %mul3A_131, %mul3A_133 : i32
        %dma_start3A_135 = tpu.memref_slice %arg3[%add3A_134] : memref<160000xi32, #tpu.memory_space<hbm>> -> memref<40xi32, #tpu.memory_space<hbm>>
        %dma_start3A_136 = tpu.memref_slice %arg3[%add3A_134] : memref<160000xi32, #tpu.memory_space<hbm>> -> memref<40xi32, #tpu.memory_space<hbm>>
        tpu.enqueue_dma source(%dma_start3A_136 : memref<40xi32, #tpu.memory_space<hbm>>) target(%arg6 : memref<40xi32, #tpu.memory_space<vmem>>) target_semaphore(%arg8 : memref<!tpu.dma_semaphore, #tpu.memory_space<semaphore_mem>>)
        %dma_start3A_137 = arith.constant 0 : i32
        %dma_start3A_138 = tpu.memref_slice %arg2[%add3A_134, %dma_start3A_137] : memref<160000x128xf32, #tpu.memory_space<hbm>> -> memref<40x128xf32, #tpu.memory_space<hbm>>
        %dma_start3A_139 = arith.constant 0 : i32
        %dma_start3A_140 = tpu.memref_slice %arg2[%add3A_134, %dma_start3A_139] : memref<160000x128xf32, #tpu.memory_space<hbm>> -> memref<40x128xf32, #tpu.memory_space<hbm>>
        tpu.enqueue_dma source(%dma_start3A_140 : memref<40x128xf32, #tpu.memory_space<hbm>>) target(%arg7 : memref<40x128xf32, #tpu.memory_space<vmem>>) target_semaphore(%arg9 : memref<!tpu.dma_semaphore, #tpu.memory_space<semaphore_mem>>)
        %mul3A_141 = arith.constant 2 : i32
        %mul3A_142 = arith.muli %mul3A_141, %scan3A_84 : i32
        %add3A_143 = arith.constant 3 : i32
        %add3A_144 = arith.addi %mul3A_142, %add3A_143 : i32
        %mul3A_145 = arith.constant 5000 : i32
        %mul3A_146 = arith.muli %add3A, %mul3A_145 : i32
        %mul3A_147 = arith.constant 40 : i32
        %mul3A_148 = arith.muli %add3A_144, %mul3A_147 : i32
        %add3A_149 = arith.addi %mul3A_146, %mul3A_148 : i32
        %dma_start3A_150 = tpu.memref_slice %arg3[%add3A_149] : memref<160000xi32, #tpu.memory_space<hbm>> -> memref<40xi32, #tpu.memory_space<hbm>>
        %dma_start3A_151 = tpu.memref_slice %arg3[%add3A_149] : memref<160000xi32, #tpu.memory_space<hbm>> -> memref<40xi32, #tpu.memory_space<hbm>>
        tpu.enqueue_dma source(%dma_start3A_151 : memref<40xi32, #tpu.memory_space<hbm>>) target(%arg11 : memref<40xi32, #tpu.memory_space<vmem>>) target_semaphore(%arg13 : memref<!tpu.dma_semaphore, #tpu.memory_space<semaphore_mem>>)
        %dma_start3A_152 = arith.constant 0 : i32
        %dma_start3A_153 = tpu.memref_slice %arg2[%add3A_149, %dma_start3A_152] : memref<160000x128xf32, #tpu.memory_space<hbm>> -> memref<40x128xf32, #tpu.memory_space<hbm>>
        %dma_start3A_154 = arith.constant 0 : i32
        %dma_start3A_155 = tpu.memref_slice %arg2[%add3A_149, %dma_start3A_154] : memref<160000x128xf32, #tpu.memory_space<hbm>> -> memref<40x128xf32, #tpu.memory_space<hbm>>
        tpu.enqueue_dma source(%dma_start3A_155 : memref<40x128xf32, #tpu.memory_space<hbm>>) target(%arg12 : memref<40x128xf32, #tpu.memory_space<vmem>>) target_semaphore(%arg14 : memref<!tpu.dma_semaphore, #tpu.memory_space<semaphore_mem>>)
      } else {
      }
    }
    %scan3A_30 = arith.constant 62 : i32
    %mul3A_31 = arith.constant 5000 : i32
    %mul3A_32 = arith.muli %add3A, %mul3A_31 : i32
    %add3A_33 = arith.constant 4960 : i32
    %add3A_34 = arith.addi %mul3A_32, %add3A_33 : i32
    %dma_start3A_35 = tpu.memref_slice %arg3[%add3A_34] : memref<160000xi32, #tpu.memory_space<hbm>> -> memref<40xi32, #tpu.memory_space<hbm>>
    %dma_start3A_36 = tpu.memref_slice %arg3[%add3A_34] : memref<160000xi32, #tpu.memory_space<hbm>> -> memref<40xi32, #tpu.memory_space<hbm>>
    tpu.enqueue_dma source(%dma_start3A_36 : memref<40xi32, #tpu.memory_space<hbm>>) target(%arg6 : memref<40xi32, #tpu.memory_space<vmem>>) target_semaphore(%arg8 : memref<!tpu.dma_semaphore, #tpu.memory_space<semaphore_mem>>)
    %dma_start3A_37 = arith.constant 0 : i32
    %dma_start3A_38 = tpu.memref_slice %arg2[%add3A_34, %dma_start3A_37] : memref<160000x128xf32, #tpu.memory_space<hbm>> -> memref<40x128xf32, #tpu.memory_space<hbm>>
    %dma_start3A_39 = arith.constant 0 : i32
    %dma_start3A_40 = tpu.memref_slice %arg2[%add3A_34, %dma_start3A_39] : memref<160000x128xf32, #tpu.memory_space<hbm>> -> memref<40x128xf32, #tpu.memory_space<hbm>>
    tpu.enqueue_dma source(%dma_start3A_40 : memref<40x128xf32, #tpu.memory_space<hbm>>) target(%arg7 : memref<40x128xf32, #tpu.memory_space<vmem>>) target_semaphore(%arg9 : memref<!tpu.dma_semaphore, #tpu.memory_space<semaphore_mem>>)
    %dma_wait3A = arith.constant 0 : i32
    %dma_wait3A_41 = tpu.memref_slice %arg3[%dma_wait3A] : memref<160000xi32, #tpu.memory_space<hbm>> -> memref<40xi32, #tpu.memory_space<hbm>>
    %dma_wait3A_42 = arith.constant 0 : i32
    %dma_wait3A_43 = tpu.memref_slice %arg3[%dma_wait3A_42] : memref<160000xi32, #tpu.memory_space<hbm>> -> memref<40xi32, #tpu.memory_space<hbm>>
    tpu.wait_dma2 semaphore(%arg8 : memref<!tpu.dma_semaphore, #tpu.memory_space<semaphore_mem>>) src(%dma_wait3A_43 : memref<40xi32, #tpu.memory_space<hbm>>) dst(%arg6 : memref<40xi32, #tpu.memory_space<vmem>>)
    %dma_wait3A_44 = arith.constant 0 : i32
    %dma_wait3A_45 = arith.constant 0 : i32
    %dma_wait3A_46 = tpu.memref_slice %arg2[%dma_wait3A_44, %dma_wait3A_45] : memref<160000x128xf32, #tpu.memory_space<hbm>> -> memref<40x128xf32, #tpu.memory_space<hbm>>
    %dma_wait3A_47 = arith.constant 0 : i32
    %dma_wait3A_48 = arith.constant 0 : i32
    %dma_wait3A_49 = tpu.memref_slice %arg2[%dma_wait3A_47, %dma_wait3A_48] : memref<160000x128xf32, #tpu.memory_space<hbm>> -> memref<40x128xf32, #tpu.memory_space<hbm>>
    tpu.wait_dma2 semaphore(%arg9 : memref<!tpu.dma_semaphore, #tpu.memory_space<semaphore_mem>>) src(%dma_wait3A_49 : memref<40x128xf32, #tpu.memory_space<hbm>>) dst(%arg7 : memref<40x128xf32, #tpu.memory_space<vmem>>)
    %dma_wait3A_50 = arith.constant 0 : i32
    %dma_wait3A_51 = arith.constant 0 : i32
    %dma_wait3A_52 = tpu.memref_slice %arg16[%dma_wait3A_50, %dma_wait3A_51] : memref<10000x128xf32, #tpu.memory_space<vmem_shared>> -> memref<40x128xf32, #tpu.memory_space<vmem_shared>>
    %dma_wait3A_53 = arith.constant 0 : i32
    %dma_wait3A_54 = arith.constant 0 : i32
    %dma_wait3A_55 = tpu.memref_slice %arg16[%dma_wait3A_53, %dma_wait3A_54] : memref<10000x128xf32, #tpu.memory_space<vmem_shared>> -> memref<40x128xf32, #tpu.memory_space<vmem_shared>>
    tpu.wait_dma2 semaphore(%arg10 : memref<!tpu.dma_semaphore, #tpu.memory_space<semaphore_mem>>) src(%arg7 : memref<40x128xf32, #tpu.memory_space<vmem>>) dst(%dma_wait3A_55 : memref<40x128xf32, #tpu.memory_space<vmem_shared>>)
    %dma_start3A_56 = arith.constant 0 : i32
    %dma_start3A_57 = arith.constant 0 : i32
    %dma_start3A_58 = tpu.memref_slice %arg16[%dma_start3A_56, %dma_start3A_57] : memref<10000x128xf32, #tpu.memory_space<vmem_shared>> -> memref<10000x128xf32, #tpu.memory_space<vmem_shared>>
    tpu.enqueue_indirect_dma source(%arg7 : memref<40x128xf32, #tpu.memory_space<vmem>>) target(%dma_start3A_58 : memref<10000x128xf32, #tpu.memory_space<vmem_shared>>) offsets(%arg6 : memref<40xi32, #tpu.memory_space<vmem>>) semaphore(%arg10 : memref<!tpu.dma_semaphore, #tpu.memory_space<semaphore_mem>>) {add = true}
    %dma_wait3A_59 = arith.constant 0 : i32
    %dma_wait3A_60 = arith.constant 0 : i32
    %dma_wait3A_61 = tpu.memref_slice %arg16[%dma_wait3A_59, %dma_wait3A_60] : memref<10000x128xf32, #tpu.memory_space<vmem_shared>> -> memref<40x128xf32, #tpu.memory_space<vmem_shared>>
    %dma_wait3A_62 = arith.constant 0 : i32
    %dma_wait3A_63 = arith.constant 0 : i32
    %dma_wait3A_64 = tpu.memref_slice %arg16[%dma_wait3A_62, %dma_wait3A_63] : memref<10000x128xf32, #tpu.memory_space<vmem_shared>> -> memref<40x128xf32, #tpu.memory_space<vmem_shared>>
    tpu.wait_dma2 semaphore(%arg10 : memref<!tpu.dma_semaphore, #tpu.memory_space<semaphore_mem>>) src(%arg7 : memref<40x128xf32, #tpu.memory_space<vmem>>) dst(%dma_wait3A_64 : memref<40x128xf32, #tpu.memory_space<vmem_shared>>)
    %dma_wait3A_65 = arith.constant 0 : i32
    %dma_wait3A_66 = arith.constant 0 : i32
    %dma_wait3A_67 = tpu.memref_slice %arg16[%dma_wait3A_65, %dma_wait3A_66] : memref<10000x128xf32, #tpu.memory_space<vmem_shared>> -> memref<40x128xf32, #tpu.memory_space<vmem_shared>>
    %dma_wait3A_68 = arith.constant 0 : i32
    %dma_wait3A_69 = arith.constant 0 : i32
    %dma_wait3A_70 = tpu.memref_slice %arg16[%dma_wait3A_68, %dma_wait3A_69] : memref<10000x128xf32, #tpu.memory_space<vmem_shared>> -> memref<40x128xf32, #tpu.memory_space<vmem_shared>>
    tpu.wait_dma2 semaphore(%arg15 : memref<!tpu.dma_semaphore, #tpu.memory_space<semaphore_mem>>) src(%arg7 : memref<40x128xf32, #tpu.memory_space<vmem>>) dst(%dma_wait3A_70 : memref<40x128xf32, #tpu.memory_space<vmem_shared>>)
    %barrier3A_71 = arith.constant 0 : index
    tpu.barrier barrier_id(%barrier3A_71)
    %mul3A_72 = arith.constant 624 : i32
    %mul3A_73 = arith.muli %arg1, %mul3A_72 : i32
    %mul3A_74 = arith.constant 10000 : i32
    %mul3A_75 = arith.muli %arg0, %mul3A_74 : i32
    %mul3A_76 = arith.constant 624 : i32
    %mul3A_77 = arith.muli %arg1, %mul3A_76 : i32
    %add3A_78 = arith.addi %mul3A_75, %mul3A_77 : i32
    "tpu.region"() ({
      %run_scoped3A = tpu.sem_alloc : memref<!tpu.dma_semaphore, #tpu.memory_space<semaphore_mem>>
      %dma_start3A_84 = arith.constant 0 : i32
      %dma_start3A_85 = tpu.memref_slice %arg5[%add3A_78, %dma_start3A_84] : memref<20000x128xf32, #tpu.memory_space<hbm>> -> memref<624x128xf32, #tpu.memory_space<hbm>>
      %dma_start3A_86 = arith.constant 0 : i32
      %dma_start3A_87 = tpu.memref_slice %arg16[%mul3A_73, %dma_start3A_86] : memref<10000x128xf32, #tpu.memory_space<vmem_shared>> -> memref<624x128xf32, #tpu.memory_space<vmem_shared>>
      tpu.enqueue_dma source(%dma_start3A_87 : memref<624x128xf32, #tpu.memory_space<vmem_shared>>) target(%dma_start3A_85 : memref<624x128xf32, #tpu.memory_space<hbm>>) target_semaphore(%run_scoped3A : memref<!tpu.dma_semaphore, #tpu.memory_space<semaphore_mem>>)
      %dma_wait3A_88 = arith.constant 0 : i32
      %dma_wait3A_89 = tpu.memref_slice %arg5[%add3A_78, %dma_wait3A_88] : memref<20000x128xf32, #tpu.memory_space<hbm>> -> memref<624x128xf32, #tpu.memory_space<hbm>>
      %dma_wait3A_90 = arith.constant 0 : i32
      %dma_wait3A_91 = tpu.memref_slice %arg16[%mul3A_73, %dma_wait3A_90] : memref<10000x128xf32, #tpu.memory_space<vmem_shared>> -> memref<624x128xf32, #tpu.memory_space<vmem_shared>>
      tpu.wait_dma2 semaphore(%run_scoped3A : memref<!tpu.dma_semaphore, #tpu.memory_space<semaphore_mem>>) src(%dma_wait3A_91 : memref<624x128xf32, #tpu.memory_space<vmem_shared>>) dst(%dma_wait3A_89 : memref<624x128xf32, #tpu.memory_space<hbm>>)
      tpu.yield
    }) : () -> ()
    %eq3A_79 = arith.constant 0 : i32
    %eq3A_80 = arith.cmpi eq, %arg1, %eq3A_79 : i32
    %convert_element_type3A_81 = arith.extui %eq3A_80 : i1 to i32
    %cond3A_82 = arith.constant 0 : i32
    %cond3A_83 = arith.cmpi ne, %convert_element_type3A_81, %cond3A_82 : i32
    scf.if %cond3A_83 {
      %mul3A_84 = arith.constant 10000 : i32
      %mul3A_85 = arith.muli %arg0, %mul3A_84 : i32
      %add3A_86 = arith.constant 9984 : i32
      %add3A_87 = arith.addi %mul3A_85, %add3A_86 : i32
      "tpu.region"() ({
        %run_scoped3A = tpu.sem_alloc : memref<!tpu.dma_semaphore, #tpu.memory_space<semaphore_mem>>
        %dma_start3A_88 = arith.constant 0 : i32
        %dma_start3A_89 = tpu.memref_slice %arg5[%add3A_87, %dma_start3A_88] : memref<20000x128xf32, #tpu.memory_space<hbm>> -> memref<16x128xf32, #tpu.memory_space<hbm>>
        %dma_start3A_90 = arith.constant 9984 : i32
        %dma_start3A_91 = arith.constant 0 : i32
        %dma_start3A_92 = tpu.memref_slice %arg16[%dma_start3A_90, %dma_start3A_91] : memref<10000x128xf32, #tpu.memory_space<vmem_shared>> -> memref<16x128xf32, #tpu.memory_space<vmem_shared>>
        tpu.enqueue_dma source(%dma_start3A_92 : memref<16x128xf32, #tpu.memory_space<vmem_shared>>) target(%dma_start3A_89 : memref<16x128xf32, #tpu.memory_space<hbm>>) target_semaphore(%run_scoped3A : memref<!tpu.dma_semaphore, #tpu.memory_space<semaphore_mem>>)
        %dma_wait3A_93 = arith.constant 0 : i32
        %dma_wait3A_94 = tpu.memref_slice %arg5[%add3A_87, %dma_wait3A_93] : memref<20000x128xf32, #tpu.memory_space<hbm>> -> memref<16x128xf32, #tpu.memory_space<hbm>>
        %dma_wait3A_95 = arith.constant 9984 : i32
        %dma_wait3A_96 = arith.constant 0 : i32
        %dma_wait3A_97 = tpu.memref_slice %arg16[%dma_wait3A_95, %dma_wait3A_96] : memref<10000x128xf32, #tpu.memory_space<vmem_shared>> -> memref<16x128xf32, #tpu.memory_space<vmem_shared>>
        tpu.wait_dma2 semaphore(%run_scoped3A : memref<!tpu.dma_semaphore, #tpu.memory_space<semaphore_mem>>) src(%dma_wait3A_97 : memref<16x128xf32, #tpu.memory_space<vmem_shared>>) dst(%dma_wait3A_94 : memref<16x128xf32, #tpu.memory_space<hbm>>)
        tpu.yield
      }) : () -> ()
    } else {
    }
    return
  }
}

#map = affine_map<(d0, d1) -> (0, 0)>
#map1 = affine_map<(d0, d1) -> (0)>
module attributes {stable_mosaic.version = 14 : i64} {
  func.func @gather(%arg0: i32, %arg1: i32, %arg2: memref<10000x128xf32, #tpu.memory_space<hbm>>, %arg3: memref<10000x128xf32, #tpu.memory_space<hbm>>, %arg4: memref<160000xi32, #tpu.memory_space<hbm>>, %arg5: memref<160000xi32, #tpu.memory_space<hbm>>, %arg6: memref<160000x64xi32, #tpu.memory_space<hbm>>, %arg7: memref<40xi32, #tpu.memory_space<vmem>>, %arg8: memref<40xi32, #tpu.memory_space<vmem>>, %arg9: memref<40x128xf32, #tpu.memory_space<vmem>>, %arg10: memref<40x128xf32, #tpu.memory_space<vmem>>, %arg11: memref<!tpu.dma_semaphore, #tpu.memory_space<semaphore_mem>>, %arg12: memref<!tpu.dma_semaphore, #tpu.memory_space<semaphore_mem>>, %arg13: memref<!tpu.dma_semaphore, #tpu.memory_space<semaphore_mem>>, %arg14: memref<!tpu.dma_semaphore, #tpu.memory_space<semaphore_mem>>, %arg15: memref<!tpu.dma_semaphore, #tpu.memory_space<semaphore_mem>>, %arg16: memref<40x64xi32, #tpu.memory_space<vmem>>, %arg17: memref<40xi32, #tpu.memory_space<vmem>>, %arg18: memref<40xi32, #tpu.memory_space<vmem>>, %arg19: memref<40x128xf32, #tpu.memory_space<vmem>>, %arg20: memref<40x128xf32, #tpu.memory_space<vmem>>, %arg21: memref<!tpu.dma_semaphore, #tpu.memory_space<semaphore_mem>>, %arg22: memref<!tpu.dma_semaphore, #tpu.memory_space<semaphore_mem>>, %arg23: memref<!tpu.dma_semaphore, #tpu.memory_space<semaphore_mem>>, %arg24: memref<!tpu.dma_semaphore, #tpu.memory_space<semaphore_mem>>, %arg25: memref<!tpu.dma_semaphore, #tpu.memory_space<semaphore_mem>>, %arg26: memref<40x64xi32, #tpu.memory_space<vmem>>, %arg27: memref<40xi32, #tpu.memory_space<vmem>>, %arg28: memref<40xi32, #tpu.memory_space<vmem>>, %arg29: memref<40x128xf32, #tpu.memory_space<vmem>>, %arg30: memref<40x128xf32, #tpu.memory_space<vmem>>, %arg31: memref<!tpu.dma_semaphore, #tpu.memory_space<semaphore_mem>>, %arg32: memref<!tpu.dma_semaphore, #tpu.memory_space<semaphore_mem>>, %arg33: memref<!tpu.dma_semaphore, #tpu.memory_space<semaphore_mem>>, %arg34: memref<!tpu.dma_semaphore, #tpu.memory_space<semaphore_mem>>, %arg35: memref<!tpu.dma_semaphore, #tpu.memory_space<semaphore_mem>>, %arg36: memref<40x64xi32, #tpu.memory_space<vmem>>, %arg37: memref<40xi32, #tpu.memory_space<vmem>>, %arg38: memref<40xi32, #tpu.memory_space<vmem>>, %arg39: memref<40x128xf32, #tpu.memory_space<vmem>>, %arg40: memref<40x128xf32, #tpu.memory_space<vmem>>, %arg41: memref<!tpu.dma_semaphore, #tpu.memory_space<semaphore_mem>>, %arg42: memref<!tpu.dma_semaphore, #tpu.memory_space<semaphore_mem>>, %arg43: memref<!tpu.dma_semaphore, #tpu.memory_space<semaphore_mem>>, %arg44: memref<!tpu.dma_semaphore, #tpu.memory_space<semaphore_mem>>, %arg45: memref<!tpu.dma_semaphore, #tpu.memory_space<semaphore_mem>>, %arg46: memref<40x64xi32, #tpu.memory_space<vmem>>) attributes {dimension_semantics = [#tpu.dimension_semantics<core_parallel>, #tpu.dimension_semantics<subcore_parallel>], iteration_bounds = array<i64: 2, 16>, scalar_prefetch = 0 : i64, scratch_operands = 40 : i64, tpu.core_type = #tpu.core_type<sc_vector_subcore>, window_params = [{transform_indices = #map}, {transform_indices = #map}, {transform_indices = #map1}, {transform_indices = #map1}, {transform_indices = #map}]} {
    %mul3A = arith.constant 2 : i32
    %mul3A_0 = arith.muli %arg1, %mul3A : i32
    %add3A = arith.addi %mul3A_0, %arg0 : i32
    %mul3A_1 = arith.constant 5000 : i32
    %mul3A_2 = arith.muli %add3A, %mul3A_1 : i32
    %add3A_3 = arith.constant 0 : i32
    %add3A_4 = arith.addi %mul3A_2, %add3A_3 : i32
    %dma_start3A = tpu.memref_slice %arg4[%add3A_4] : memref<160000xi32, #tpu.memory_space<hbm>> -> memref<40xi32, #tpu.memory_space<hbm>>
    %dma_start3A_5 = tpu.memref_slice %arg4[%add3A_4] : memref<160000xi32, #tpu.memory_space<hbm>> -> memref<40xi32, #tpu.memory_space<hbm>>
    tpu.enqueue_dma source(%dma_start3A_5 : memref<40xi32, #tpu.memory_space<hbm>>) target(%arg7 : memref<40xi32, #tpu.memory_space<vmem>>) target_semaphore(%arg11 : memref<!tpu.dma_semaphore, #tpu.memory_space<semaphore_mem>>)
    %dma_start3A_6 = tpu.memref_slice %arg5[%add3A_4] : memref<160000xi32, #tpu.memory_space<hbm>> -> memref<40xi32, #tpu.memory_space<hbm>>
    %dma_start3A_7 = tpu.memref_slice %arg5[%add3A_4] : memref<160000xi32, #tpu.memory_space<hbm>> -> memref<40xi32, #tpu.memory_space<hbm>>
    tpu.enqueue_dma source(%dma_start3A_7 : memref<40xi32, #tpu.memory_space<hbm>>) target(%arg8 : memref<40xi32, #tpu.memory_space<vmem>>) target_semaphore(%arg12 : memref<!tpu.dma_semaphore, #tpu.memory_space<semaphore_mem>>)
    %mul3A_8 = arith.constant 5000 : i32
    %mul3A_9 = arith.muli %add3A, %mul3A_8 : i32
    %add3A_10 = arith.constant 40 : i32
    %add3A_11 = arith.addi %mul3A_9, %add3A_10 : i32
    %dma_start3A_12 = tpu.memref_slice %arg4[%add3A_11] : memref<160000xi32, #tpu.memory_space<hbm>> -> memref<40xi32, #tpu.memory_space<hbm>>
    %dma_start3A_13 = tpu.memref_slice %arg4[%add3A_11] : memref<160000xi32, #tpu.memory_space<hbm>> -> memref<40xi32, #tpu.memory_space<hbm>>
    tpu.enqueue_dma source(%dma_start3A_13 : memref<40xi32, #tpu.memory_space<hbm>>) target(%arg17 : memref<40xi32, #tpu.memory_space<vmem>>) target_semaphore(%arg21 : memref<!tpu.dma_semaphore, #tpu.memory_space<semaphore_mem>>)
    %dma_start3A_14 = tpu.memref_slice %arg5[%add3A_11] : memref<160000xi32, #tpu.memory_space<hbm>> -> memref<40xi32, #tpu.memory_space<hbm>>
    %dma_start3A_15 = tpu.memref_slice %arg5[%add3A_11] : memref<160000xi32, #tpu.memory_space<hbm>> -> memref<40xi32, #tpu.memory_space<hbm>>
    tpu.enqueue_dma source(%dma_start3A_15 : memref<40xi32, #tpu.memory_space<hbm>>) target(%arg18 : memref<40xi32, #tpu.memory_space<vmem>>) target_semaphore(%arg22 : memref<!tpu.dma_semaphore, #tpu.memory_space<semaphore_mem>>)
    %mul3A_16 = arith.constant 5000 : i32
    %mul3A_17 = arith.muli %add3A, %mul3A_16 : i32
    %add3A_18 = arith.constant 80 : i32
    %add3A_19 = arith.addi %mul3A_17, %add3A_18 : i32
    %dma_start3A_20 = tpu.memref_slice %arg4[%add3A_19] : memref<160000xi32, #tpu.memory_space<hbm>> -> memref<40xi32, #tpu.memory_space<hbm>>
    %dma_start3A_21 = tpu.memref_slice %arg4[%add3A_19] : memref<160000xi32, #tpu.memory_space<hbm>> -> memref<40xi32, #tpu.memory_space<hbm>>
    tpu.enqueue_dma source(%dma_start3A_21 : memref<40xi32, #tpu.memory_space<hbm>>) target(%arg27 : memref<40xi32, #tpu.memory_space<vmem>>) target_semaphore(%arg31 : memref<!tpu.dma_semaphore, #tpu.memory_space<semaphore_mem>>)
    %dma_start3A_22 = tpu.memref_slice %arg5[%add3A_19] : memref<160000xi32, #tpu.memory_space<hbm>> -> memref<40xi32, #tpu.memory_space<hbm>>
    %dma_start3A_23 = tpu.memref_slice %arg5[%add3A_19] : memref<160000xi32, #tpu.memory_space<hbm>> -> memref<40xi32, #tpu.memory_space<hbm>>
    tpu.enqueue_dma source(%dma_start3A_23 : memref<40xi32, #tpu.memory_space<hbm>>) target(%arg28 : memref<40xi32, #tpu.memory_space<vmem>>) target_semaphore(%arg32 : memref<!tpu.dma_semaphore, #tpu.memory_space<semaphore_mem>>)
    %mul3A_24 = arith.constant 5000 : i32
    %mul3A_25 = arith.muli %add3A, %mul3A_24 : i32
    %add3A_26 = arith.constant 120 : i32
    %add3A_27 = arith.addi %mul3A_25, %add3A_26 : i32
    %dma_start3A_28 = tpu.memref_slice %arg4[%add3A_27] : memref<160000xi32, #tpu.memory_space<hbm>> -> memref<40xi32, #tpu.memory_space<hbm>>
    %dma_start3A_29 = tpu.memref_slice %arg4[%add3A_27] : memref<160000xi32, #tpu.memory_space<hbm>> -> memref<40xi32, #tpu.memory_space<hbm>>
    tpu.enqueue_dma source(%dma_start3A_29 : memref<40xi32, #tpu.memory_space<hbm>>) target(%arg37 : memref<40xi32, #tpu.memory_space<vmem>>) target_semaphore(%arg41 : memref<!tpu.dma_semaphore, #tpu.memory_space<semaphore_mem>>)
    %dma_start3A_30 = tpu.memref_slice %arg5[%add3A_27] : memref<160000xi32, #tpu.memory_space<hbm>> -> memref<40xi32, #tpu.memory_space<hbm>>
    %dma_start3A_31 = tpu.memref_slice %arg5[%add3A_27] : memref<160000xi32, #tpu.memory_space<hbm>> -> memref<40xi32, #tpu.memory_space<hbm>>
    tpu.enqueue_dma source(%dma_start3A_31 : memref<40xi32, #tpu.memory_space<hbm>>) target(%arg38 : memref<40xi32, #tpu.memory_space<vmem>>) target_semaphore(%arg42 : memref<!tpu.dma_semaphore, #tpu.memory_space<semaphore_mem>>)
    %dma_wait3A = arith.constant 0 : i32
    %dma_wait3A_32 = tpu.memref_slice %arg4[%dma_wait3A] : memref<160000xi32, #tpu.memory_space<hbm>> -> memref<40xi32, #tpu.memory_space<hbm>>
    %dma_wait3A_33 = arith.constant 0 : i32
    %dma_wait3A_34 = tpu.memref_slice %arg4[%dma_wait3A_33] : memref<160000xi32, #tpu.memory_space<hbm>> -> memref<40xi32, #tpu.memory_space<hbm>>
    tpu.wait_dma2 semaphore(%arg11 : memref<!tpu.dma_semaphore, #tpu.memory_space<semaphore_mem>>) src(%dma_wait3A_34 : memref<40xi32, #tpu.memory_space<hbm>>) dst(%arg7 : memref<40xi32, #tpu.memory_space<vmem>>)
    %dma_wait3A_35 = arith.constant 0 : i32
    %dma_wait3A_36 = tpu.memref_slice %arg5[%dma_wait3A_35] : memref<160000xi32, #tpu.memory_space<hbm>> -> memref<40xi32, #tpu.memory_space<hbm>>
    %dma_wait3A_37 = arith.constant 0 : i32
    %dma_wait3A_38 = tpu.memref_slice %arg5[%dma_wait3A_37] : memref<160000xi32, #tpu.memory_space<hbm>> -> memref<40xi32, #tpu.memory_space<hbm>>
    tpu.wait_dma2 semaphore(%arg12 : memref<!tpu.dma_semaphore, #tpu.memory_space<semaphore_mem>>) src(%dma_wait3A_38 : memref<40xi32, #tpu.memory_space<hbm>>) dst(%arg8 : memref<40xi32, #tpu.memory_space<vmem>>)
    %not3A = arith.constant true
    %not3A_39 = arith.constant true
    %not3A_40 = arith.xori %not3A, %not3A_39 : i1
    %convert_element_type3A = arith.extui %not3A_40 : i1 to i32
    %cond3A = arith.constant 0 : i32
    %cond3A_41 = arith.cmpi ne, %convert_element_type3A, %cond3A : i32
    scf.if %cond3A_41 {
      %dma_wait3A_145 = arith.constant 0 : i32
      %dma_wait3A_146 = arith.constant 0 : i32
      %dma_wait3A_147 = tpu.memref_slice %arg6[%dma_wait3A_145, %dma_wait3A_146] : memref<160000x64xi32, #tpu.memory_space<hbm>> -> memref<40x64xi32, #tpu.memory_space<hbm>>
      %dma_wait3A_148 = arith.constant 0 : i32
      %dma_wait3A_149 = arith.constant 0 : i32
      %dma_wait3A_150 = tpu.memref_slice %arg6[%dma_wait3A_148, %dma_wait3A_149] : memref<160000x64xi32, #tpu.memory_space<hbm>> -> memref<40x64xi32, #tpu.memory_space<hbm>>
      tpu.wait_dma2 semaphore(%arg15 : memref<!tpu.dma_semaphore, #tpu.memory_space<semaphore_mem>>) src(%arg16 : memref<40x64xi32, #tpu.memory_space<vmem>>) dst(%dma_wait3A_150 : memref<40x64xi32, #tpu.memory_space<hbm>>)
    } else {
    }
    %dma_start3A_42 = arith.constant 0 : i32
    %dma_start3A_43 = arith.constant 0 : i32
    %dma_start3A_44 = tpu.memref_slice %arg2[%dma_start3A_42, %dma_start3A_43] : memref<10000x128xf32, #tpu.memory_space<hbm>> -> memref<10000x128xf32, #tpu.memory_space<hbm>>
    tpu.enqueue_indirect_dma source(%dma_start3A_44 : memref<10000x128xf32, #tpu.memory_space<hbm>>) target(%arg9 : memref<40x128xf32, #tpu.memory_space<vmem>>) offsets(%arg7 : memref<40xi32, #tpu.memory_space<vmem>>) semaphore(%arg13 : memref<!tpu.dma_semaphore, #tpu.memory_space<semaphore_mem>>)
    %dma_start3A_45 = arith.constant 0 : i32
    %dma_start3A_46 = arith.constant 0 : i32
    %dma_start3A_47 = tpu.memref_slice %arg3[%dma_start3A_45, %dma_start3A_46] : memref<10000x128xf32, #tpu.memory_space<hbm>> -> memref<10000x128xf32, #tpu.memory_space<hbm>>
    tpu.enqueue_indirect_dma source(%dma_start3A_47 : memref<10000x128xf32, #tpu.memory_space<hbm>>) target(%arg10 : memref<40x128xf32, #tpu.memory_space<vmem>>) offsets(%arg8 : memref<40xi32, #tpu.memory_space<vmem>>) semaphore(%arg14 : memref<!tpu.dma_semaphore, #tpu.memory_space<semaphore_mem>>)
    %dma_wait3A_48 = arith.constant 0 : i32
    %dma_wait3A_49 = tpu.memref_slice %arg4[%dma_wait3A_48] : memref<160000xi32, #tpu.memory_space<hbm>> -> memref<40xi32, #tpu.memory_space<hbm>>
    %dma_wait3A_50 = arith.constant 0 : i32
    %dma_wait3A_51 = tpu.memref_slice %arg4[%dma_wait3A_50] : memref<160000xi32, #tpu.memory_space<hbm>> -> memref<40xi32, #tpu.memory_space<hbm>>
    tpu.wait_dma2 semaphore(%arg21 : memref<!tpu.dma_semaphore, #tpu.memory_space<semaphore_mem>>) src(%dma_wait3A_51 : memref<40xi32, #tpu.memory_space<hbm>>) dst(%arg17 : memref<40xi32, #tpu.memory_space<vmem>>)
    %dma_wait3A_52 = arith.constant 0 : i32
    %dma_wait3A_53 = tpu.memref_slice %arg5[%dma_wait3A_52] : memref<160000xi32, #tpu.memory_space<hbm>> -> memref<40xi32, #tpu.memory_space<hbm>>
    %dma_wait3A_54 = arith.constant 0 : i32
    %dma_wait3A_55 = tpu.memref_slice %arg5[%dma_wait3A_54] : memref<160000xi32, #tpu.memory_space<hbm>> -> memref<40xi32, #tpu.memory_space<hbm>>
    tpu.wait_dma2 semaphore(%arg22 : memref<!tpu.dma_semaphore, #tpu.memory_space<semaphore_mem>>) src(%dma_wait3A_55 : memref<40xi32, #tpu.memory_space<hbm>>) dst(%arg18 : memref<40xi32, #tpu.memory_space<vmem>>)
    %not3A_56 = arith.constant true
    %not3A_57 = arith.constant true
    %not3A_58 = arith.xori %not3A_56, %not3A_57 : i1
    %convert_element_type3A_59 = arith.extui %not3A_58 : i1 to i32
    %cond3A_60 = arith.constant 0 : i32
    %cond3A_61 = arith.cmpi ne, %convert_element_type3A_59, %cond3A_60 : i32
    scf.if %cond3A_61 {
      %dma_wait3A_145 = arith.constant 0 : i32
      %dma_wait3A_146 = arith.constant 0 : i32
      %dma_wait3A_147 = tpu.memref_slice %arg6[%dma_wait3A_145, %dma_wait3A_146] : memref<160000x64xi32, #tpu.memory_space<hbm>> -> memref<40x64xi32, #tpu.memory_space<hbm>>
      %dma_wait3A_148 = arith.constant 0 : i32
      %dma_wait3A_149 = arith.constant 0 : i32
      %dma_wait3A_150 = tpu.memref_slice %arg6[%dma_wait3A_148, %dma_wait3A_149] : memref<160000x64xi32, #tpu.memory_space<hbm>> -> memref<40x64xi32, #tpu.memory_space<hbm>>
      tpu.wait_dma2 semaphore(%arg25 : memref<!tpu.dma_semaphore, #tpu.memory_space<semaphore_mem>>) src(%arg26 : memref<40x64xi32, #tpu.memory_space<vmem>>) dst(%dma_wait3A_150 : memref<40x64xi32, #tpu.memory_space<hbm>>)
    } else {
    }
    %dma_start3A_62 = arith.constant 0 : i32
    %dma_start3A_63 = arith.constant 0 : i32
    %dma_start3A_64 = tpu.memref_slice %arg2[%dma_start3A_62, %dma_start3A_63] : memref<10000x128xf32, #tpu.memory_space<hbm>> -> memref<10000x128xf32, #tpu.memory_space<hbm>>
    tpu.enqueue_indirect_dma source(%dma_start3A_64 : memref<10000x128xf32, #tpu.memory_space<hbm>>) target(%arg19 : memref<40x128xf32, #tpu.memory_space<vmem>>) offsets(%arg17 : memref<40xi32, #tpu.memory_space<vmem>>) semaphore(%arg23 : memref<!tpu.dma_semaphore, #tpu.memory_space<semaphore_mem>>)
    %dma_start3A_65 = arith.constant 0 : i32
    %dma_start3A_66 = arith.constant 0 : i32
    %dma_start3A_67 = tpu.memref_slice %arg3[%dma_start3A_65, %dma_start3A_66] : memref<10000x128xf32, #tpu.memory_space<hbm>> -> memref<10000x128xf32, #tpu.memory_space<hbm>>
    tpu.enqueue_indirect_dma source(%dma_start3A_67 : memref<10000x128xf32, #tpu.memory_space<hbm>>) target(%arg20 : memref<40x128xf32, #tpu.memory_space<vmem>>) offsets(%arg18 : memref<40xi32, #tpu.memory_space<vmem>>) semaphore(%arg24 : memref<!tpu.dma_semaphore, #tpu.memory_space<semaphore_mem>>)
    %scan3A = arith.constant 0 : i32
    %scan3A_68 = arith.constant 0 : i32
    %scan3A_69 = arith.constant 31 : i32
    %scan3A_70 = arith.addi %scan3A_68, %scan3A_69 : i32
    %scan3A_71 = arith.constant 1 : i32
    scf.for %scan3A_145 = %scan3A_68 to %scan3A_70 step %scan3A_71  : i32 {
      %add3A_146 = arith.constant 1 : i32
      %add3A_147 = arith.addi %scan3A_145, %add3A_146 : i32
      %lt3A = arith.constant 31 : i32
      %lt3A_148 = arith.cmpi slt, %add3A_147, %lt3A : i32
      %eq3A = arith.constant 0 : i32
      %eq3A_149 = arith.cmpi eq, %scan3A_145, %eq3A : i32
      %dma_wait3A_150 = arith.constant 0 : i32
      %dma_wait3A_151 = tpu.memref_slice %arg4[%dma_wait3A_150] : memref<160000xi32, #tpu.memory_space<hbm>> -> memref<40xi32, #tpu.memory_space<hbm>>
      %dma_wait3A_152 = arith.constant 0 : i32
      %dma_wait3A_153 = tpu.memref_slice %arg4[%dma_wait3A_152] : memref<160000xi32, #tpu.memory_space<hbm>> -> memref<40xi32, #tpu.memory_space<hbm>>
      tpu.wait_dma2 semaphore(%arg31 : memref<!tpu.dma_semaphore, #tpu.memory_space<semaphore_mem>>) src(%dma_wait3A_153 : memref<40xi32, #tpu.memory_space<hbm>>) dst(%arg27 : memref<40xi32, #tpu.memory_space<vmem>>)
      %dma_wait3A_154 = arith.constant 0 : i32
      %dma_wait3A_155 = tpu.memref_slice %arg5[%dma_wait3A_154] : memref<160000xi32, #tpu.memory_space<hbm>> -> memref<40xi32, #tpu.memory_space<hbm>>
      %dma_wait3A_156 = arith.constant 0 : i32
      %dma_wait3A_157 = tpu.memref_slice %arg5[%dma_wait3A_156] : memref<160000xi32, #tpu.memory_space<hbm>> -> memref<40xi32, #tpu.memory_space<hbm>>
      tpu.wait_dma2 semaphore(%arg32 : memref<!tpu.dma_semaphore, #tpu.memory_space<semaphore_mem>>) src(%dma_wait3A_157 : memref<40xi32, #tpu.memory_space<hbm>>) dst(%arg28 : memref<40xi32, #tpu.memory_space<vmem>>)
      %not3A_158 = arith.constant true
      %not3A_159 = arith.xori %eq3A_149, %not3A_158 : i1
      %convert_element_type3A_160 = arith.extui %not3A_159 : i1 to i32
      %cond3A_161 = arith.constant 0 : i32
      %cond3A_162 = arith.cmpi ne, %convert_element_type3A_160, %cond3A_161 : i32
      scf.if %cond3A_162 {
        %dma_wait3A_294 = arith.constant 0 : i32
        %dma_wait3A_295 = arith.constant 0 : i32
        %dma_wait3A_296 = tpu.memref_slice %arg6[%dma_wait3A_294, %dma_wait3A_295] : memref<160000x64xi32, #tpu.memory_space<hbm>> -> memref<40x64xi32, #tpu.memory_space<hbm>>
        %dma_wait3A_297 = arith.constant 0 : i32
        %dma_wait3A_298 = arith.constant 0 : i32
        %dma_wait3A_299 = tpu.memref_slice %arg6[%dma_wait3A_297, %dma_wait3A_298] : memref<160000x64xi32, #tpu.memory_space<hbm>> -> memref<40x64xi32, #tpu.memory_space<hbm>>
        tpu.wait_dma2 semaphore(%arg35 : memref<!tpu.dma_semaphore, #tpu.memory_space<semaphore_mem>>) src(%arg36 : memref<40x64xi32, #tpu.memory_space<vmem>>) dst(%dma_wait3A_299 : memref<40x64xi32, #tpu.memory_space<hbm>>)
      } else {
      }
      %dma_start3A_163 = arith.constant 0 : i32
      %dma_start3A_164 = arith.constant 0 : i32
      %dma_start3A_165 = tpu.memref_slice %arg2[%dma_start3A_163, %dma_start3A_164] : memref<10000x128xf32, #tpu.memory_space<hbm>> -> memref<10000x128xf32, #tpu.memory_space<hbm>>
      tpu.enqueue_indirect_dma source(%dma_start3A_165 : memref<10000x128xf32, #tpu.memory_space<hbm>>) target(%arg29 : memref<40x128xf32, #tpu.memory_space<vmem>>) offsets(%arg27 : memref<40xi32, #tpu.memory_space<vmem>>) semaphore(%arg33 : memref<!tpu.dma_semaphore, #tpu.memory_space<semaphore_mem>>)
      %dma_start3A_166 = arith.constant 0 : i32
      %dma_start3A_167 = arith.constant 0 : i32
      %dma_start3A_168 = tpu.memref_slice %arg3[%dma_start3A_166, %dma_start3A_167] : memref<10000x128xf32, #tpu.memory_space<hbm>> -> memref<10000x128xf32, #tpu.memory_space<hbm>>
      tpu.enqueue_indirect_dma source(%dma_start3A_168 : memref<10000x128xf32, #tpu.memory_space<hbm>>) target(%arg30 : memref<40x128xf32, #tpu.memory_space<vmem>>) offsets(%arg28 : memref<40xi32, #tpu.memory_space<vmem>>) semaphore(%arg34 : memref<!tpu.dma_semaphore, #tpu.memory_space<semaphore_mem>>)
      %eq3A_169 = arith.constant 0 : i32
      %eq3A_170 = arith.cmpi eq, %scan3A_145, %eq3A_169 : i32
      %dma_wait3A_171 = arith.constant 0 : i32
      %dma_wait3A_172 = tpu.memref_slice %arg4[%dma_wait3A_171] : memref<160000xi32, #tpu.memory_space<hbm>> -> memref<40xi32, #tpu.memory_space<hbm>>
      %dma_wait3A_173 = arith.constant 0 : i32
      %dma_wait3A_174 = tpu.memref_slice %arg4[%dma_wait3A_173] : memref<160000xi32, #tpu.memory_space<hbm>> -> memref<40xi32, #tpu.memory_space<hbm>>
      tpu.wait_dma2 semaphore(%arg41 : memref<!tpu.dma_semaphore, #tpu.memory_space<semaphore_mem>>) src(%dma_wait3A_174 : memref<40xi32, #tpu.memory_space<hbm>>) dst(%arg37 : memref<40xi32, #tpu.memory_space<vmem>>)
      %dma_wait3A_175 = arith.constant 0 : i32
      %dma_wait3A_176 = tpu.memref_slice %arg5[%dma_wait3A_175] : memref<160000xi32, #tpu.memory_space<hbm>> -> memref<40xi32, #tpu.memory_space<hbm>>
      %dma_wait3A_177 = arith.constant 0 : i32
      %dma_wait3A_178 = tpu.memref_slice %arg5[%dma_wait3A_177] : memref<160000xi32, #tpu.memory_space<hbm>> -> memref<40xi32, #tpu.memory_space<hbm>>
      tpu.wait_dma2 semaphore(%arg42 : memref<!tpu.dma_semaphore, #tpu.memory_space<semaphore_mem>>) src(%dma_wait3A_178 : memref<40xi32, #tpu.memory_space<hbm>>) dst(%arg38 : memref<40xi32, #tpu.memory_space<vmem>>)
      %not3A_179 = arith.constant true
      %not3A_180 = arith.xori %eq3A_170, %not3A_179 : i1
      %convert_element_type3A_181 = arith.extui %not3A_180 : i1 to i32
      %cond3A_182 = arith.constant 0 : i32
      %cond3A_183 = arith.cmpi ne, %convert_element_type3A_181, %cond3A_182 : i32
      scf.if %cond3A_183 {
        %dma_wait3A_294 = arith.constant 0 : i32
        %dma_wait3A_295 = arith.constant 0 : i32
        %dma_wait3A_296 = tpu.memref_slice %arg6[%dma_wait3A_294, %dma_wait3A_295] : memref<160000x64xi32, #tpu.memory_space<hbm>> -> memref<40x64xi32, #tpu.memory_space<hbm>>
        %dma_wait3A_297 = arith.constant 0 : i32
        %dma_wait3A_298 = arith.constant 0 : i32
        %dma_wait3A_299 = tpu.memref_slice %arg6[%dma_wait3A_297, %dma_wait3A_298] : memref<160000x64xi32, #tpu.memory_space<hbm>> -> memref<40x64xi32, #tpu.memory_space<hbm>>
        tpu.wait_dma2 semaphore(%arg45 : memref<!tpu.dma_semaphore, #tpu.memory_space<semaphore_mem>>) src(%arg46 : memref<40x64xi32, #tpu.memory_space<vmem>>) dst(%dma_wait3A_299 : memref<40x64xi32, #tpu.memory_space<hbm>>)
      } else {
      }
      %dma_start3A_184 = arith.constant 0 : i32
      %dma_start3A_185 = arith.constant 0 : i32
      %dma_start3A_186 = tpu.memref_slice %arg2[%dma_start3A_184, %dma_start3A_185] : memref<10000x128xf32, #tpu.memory_space<hbm>> -> memref<10000x128xf32, #tpu.memory_space<hbm>>
      tpu.enqueue_indirect_dma source(%dma_start3A_186 : memref<10000x128xf32, #tpu.memory_space<hbm>>) target(%arg39 : memref<40x128xf32, #tpu.memory_space<vmem>>) offsets(%arg37 : memref<40xi32, #tpu.memory_space<vmem>>) semaphore(%arg43 : memref<!tpu.dma_semaphore, #tpu.memory_space<semaphore_mem>>)
      %dma_start3A_187 = arith.constant 0 : i32
      %dma_start3A_188 = arith.constant 0 : i32
      %dma_start3A_189 = tpu.memref_slice %arg3[%dma_start3A_187, %dma_start3A_188] : memref<10000x128xf32, #tpu.memory_space<hbm>> -> memref<10000x128xf32, #tpu.memory_space<hbm>>
      tpu.enqueue_indirect_dma source(%dma_start3A_189 : memref<10000x128xf32, #tpu.memory_space<hbm>>) target(%arg40 : memref<40x128xf32, #tpu.memory_space<vmem>>) offsets(%arg38 : memref<40xi32, #tpu.memory_space<vmem>>) semaphore(%arg44 : memref<!tpu.dma_semaphore, #tpu.memory_space<semaphore_mem>>)
      %mul3A_190 = arith.constant 4 : i32
      %mul3A_191 = arith.muli %mul3A_190, %scan3A_145 : i32
      %dma_wait3A_192 = arith.constant 0 : i32
      %dma_wait3A_193 = arith.constant 0 : i32
      %dma_wait3A_194 = tpu.memref_slice %arg2[%dma_wait3A_192, %dma_wait3A_193] : memref<10000x128xf32, #tpu.memory_space<hbm>> -> memref<10000x128xf32, #tpu.memory_space<hbm>>
      tpu.wait_indirect_dma semaphore(%arg13 : memref<!tpu.dma_semaphore, #tpu.memory_space<semaphore_mem>>) src(%dma_wait3A_194 : memref<10000x128xf32, #tpu.memory_space<hbm>>) dst(%arg9 : memref<40x128xf32, #tpu.memory_space<vmem>>)
      %dma_wait3A_195 = arith.constant 0 : i32
      %dma_wait3A_196 = arith.constant 0 : i32
      %dma_wait3A_197 = tpu.memref_slice %arg3[%dma_wait3A_195, %dma_wait3A_196] : memref<10000x128xf32, #tpu.memory_space<hbm>> -> memref<10000x128xf32, #tpu.memory_space<hbm>>
      tpu.wait_indirect_dma semaphore(%arg14 : memref<!tpu.dma_semaphore, #tpu.memory_space<semaphore_mem>>) src(%dma_wait3A_197 : memref<10000x128xf32, #tpu.memory_space<hbm>>) dst(%arg10 : memref<40x128xf32, #tpu.memory_space<vmem>>)
      %scan3A_198 = arith.constant 0 : i32
      %scan3A_199 = arith.constant 0 : i32
      %scan3A_200 = arith.constant 40 : i32
      %scan3A_201 = arith.addi %scan3A_199, %scan3A_200 : i32
      %scan3A_202 = arith.constant 1 : i32
      scf.for %scan3A_294 = %scan3A_199 to %scan3A_201 step %scan3A_202  : i32 {
        %get3A = arith.index_cast %scan3A_294 : i32 to index
        %get3A_295 = arith.constant 0 : index
        %get3A_296 = tpu.vector_load %arg9[%get3A, %get3A_295] {strides = array<i32>} : memref<40x128xf32, #tpu.memory_space<vmem>>, vector<1x16xf32>,
        %get3A_297 = vector.shape_cast %get3A_296 : vector<1x16xf32> to vector<16xf32>
        %get3A_298 = arith.index_cast %scan3A_294 : i32 to index
        %get3A_299 = arith.constant 0 : index
        %get3A_300 = tpu.vector_load %arg10[%get3A_298, %get3A_299] {strides = array<i32>} : memref<40x128xf32, #tpu.memory_space<vmem>>, vector<1x16xf32>,
        %get3A_301 = vector.shape_cast %get3A_300 : vector<1x16xf32> to vector<16xf32>
        %add3A_302 = arith.addf %get3A_297, %get3A_301 : vector<16xf32>
        %get3A_303 = arith.index_cast %scan3A_294 : i32 to index
        %get3A_304 = arith.constant 64 : index
        %get3A_305 = tpu.vector_load %arg9[%get3A_303, %get3A_304] {strides = array<i32>} : memref<40x128xf32, #tpu.memory_space<vmem>>, vector<1x16xf32>,
        %get3A_306 = vector.shape_cast %get3A_305 : vector<1x16xf32> to vector<16xf32>
        %get3A_307 = arith.index_cast %scan3A_294 : i32 to index
        %get3A_308 = arith.constant 64 : index
        %get3A_309 = tpu.vector_load %arg10[%get3A_307, %get3A_308] {strides = array<i32>} : memref<40x128xf32, #tpu.memory_space<vmem>>, vector<1x16xf32>,
        %get3A_310 = vector.shape_cast %get3A_309 : vector<1x16xf32> to vector<16xf32>
        %add3A_311 = arith.addf %get3A_306, %get3A_310 : vector<16xf32>
        %bitcast_convert_type3A = tpu.bitcast %add3A_302 : vector<16xf32> -> vector<16xi32>
        %bitcast_convert_type3A_312 = tpu.bitcast %add3A_311 : vector<16xf32> -> vector<16xi32>
        %add3A_313 = arith.constant 32768 : i32
        %add3A_314 = vector.broadcast %add3A_313 : i32 to vector<16xi32>
        %add3A_315 = arith.addi %bitcast_convert_type3A, %add3A_314 : vector<16xi32>
        %shift_right_logical3A = arith.constant 16 : i32
        %shift_right_logical3A_316 = vector.broadcast %shift_right_logical3A : i32 to vector<16xi32>
        %shift_right_logical3A_317 = arith.shrui %add3A_315, %shift_right_logical3A_316 : vector<16xi32>
        %add3A_318 = arith.constant 32768 : i32
        %add3A_319 = vector.broadcast %add3A_318 : i32 to vector<16xi32>
        %add3A_320 = arith.addi %bitcast_convert_type3A_312, %add3A_319 : vector<16xi32>
        %and3A = arith.constant -65536 : i32
        %and3A_321 = vector.broadcast %and3A : i32 to vector<16xi32>
        %and3A_322 = arith.andi %add3A_320, %and3A_321 : vector<16xi32>
        %or3A = arith.ori %shift_right_logical3A_317, %and3A_322 : vector<16xi32>
        %bitcast_convert_type3A_323 = tpu.bitcast %or3A : vector<16xi32> -> vector<16xi32>
        %swap3A = arith.index_cast %scan3A_294 : i32 to index
        %swap3A_324 = arith.constant 0 : index
        %swap3A_325 = tpu.vector_load %arg16[%swap3A, %swap3A_324] {strides = array<i32>} : memref<40x64xi32, #tpu.memory_space<vmem>>, vector<1x16xi32>,
        %swap3A_326 = vector.shape_cast %swap3A_325 : vector<1x16xi32> to vector<16xi32>
        %swap3A_327 = vector.shape_cast %bitcast_convert_type3A_323 : vector<16xi32> to vector<1x16xi32>
        tpu.vector_store %arg16[%swap3A, %swap3A_324], %swap3A_327 {strides = array<i32>} : memref<40x64xi32, #tpu.memory_space<vmem>>, vector<1x16xi32>,
        %get3A_328 = arith.index_cast %scan3A_294 : i32 to index
        %get3A_329 = arith.constant 16 : index
        %get3A_330 = tpu.vector_load %arg9[%get3A_328, %get3A_329] {strides = array<i32>} : memref<40x128xf32, #tpu.memory_space<vmem>>, vector<1x16xf32>,
        %get3A_331 = vector.shape_cast %get3A_330 : vector<1x16xf32> to vector<16xf32>
        %get3A_332 = arith.index_cast %scan3A_294 : i32 to index
        %get3A_333 = arith.constant 16 : index
        %get3A_334 = tpu.vector_load %arg10[%get3A_332, %get3A_333] {strides = array<i32>} : memref<40x128xf32, #tpu.memory_space<vmem>>, vector<1x16xf32>,
        %get3A_335 = vector.shape_cast %get3A_334 : vector<1x16xf32> to vector<16xf32>
        %add3A_336 = arith.addf %get3A_331, %get3A_335 : vector<16xf32>
        %get3A_337 = arith.index_cast %scan3A_294 : i32 to index
        %get3A_338 = arith.constant 80 : index
        %get3A_339 = tpu.vector_load %arg9[%get3A_337, %get3A_338] {strides = array<i32>} : memref<40x128xf32, #tpu.memory_space<vmem>>, vector<1x16xf32>,
        %get3A_340 = vector.shape_cast %get3A_339 : vector<1x16xf32> to vector<16xf32>
        %get3A_341 = arith.index_cast %scan3A_294 : i32 to index
        %get3A_342 = arith.constant 80 : index
        %get3A_343 = tpu.vector_load %arg10[%get3A_341, %get3A_342] {strides = array<i32>} : memref<40x128xf32, #tpu.memory_space<vmem>>, vector<1x16xf32>,
        %get3A_344 = vector.shape_cast %get3A_343 : vector<1x16xf32> to vector<16xf32>
        %add3A_345 = arith.addf %get3A_340, %get3A_344 : vector<16xf32>
        %bitcast_convert_type3A_346 = tpu.bitcast %add3A_336 : vector<16xf32> -> vector<16xi32>
        %bitcast_convert_type3A_347 = tpu.bitcast %add3A_345 : vector<16xf32> -> vector<16xi32>
        %add3A_348 = arith.constant 32768 : i32
        %add3A_349 = vector.broadcast %add3A_348 : i32 to vector<16xi32>
        %add3A_350 = arith.addi %bitcast_convert_type3A_346, %add3A_349 : vector<16xi32>
        %shift_right_logical3A_351 = arith.constant 16 : i32
        %shift_right_logical3A_352 = vector.broadcast %shift_right_logical3A_351 : i32 to vector<16xi32>
        %shift_right_logical3A_353 = arith.shrui %add3A_350, %shift_right_logical3A_352 : vector<16xi32>
        %add3A_354 = arith.constant 32768 : i32
        %add3A_355 = vector.broadcast %add3A_354 : i32 to vector<16xi32>
        %add3A_356 = arith.addi %bitcast_convert_type3A_347, %add3A_355 : vector<16xi32>
        %and3A_357 = arith.constant -65536 : i32
        %and3A_358 = vector.broadcast %and3A_357 : i32 to vector<16xi32>
        %and3A_359 = arith.andi %add3A_356, %and3A_358 : vector<16xi32>
        %or3A_360 = arith.ori %shift_right_logical3A_353, %and3A_359 : vector<16xi32>
        %bitcast_convert_type3A_361 = tpu.bitcast %or3A_360 : vector<16xi32> -> vector<16xi32>
        %swap3A_362 = arith.index_cast %scan3A_294 : i32 to index
        %swap3A_363 = arith.constant 16 : index
        %swap3A_364 = tpu.vector_load %arg16[%swap3A_362, %swap3A_363] {strides = array<i32>} : memref<40x64xi32, #tpu.memory_space<vmem>>, vector<1x16xi32>,
        %swap3A_365 = vector.shape_cast %swap3A_364 : vector<1x16xi32> to vector<16xi32>
        %swap3A_366 = vector.shape_cast %bitcast_convert_type3A_361 : vector<16xi32> to vector<1x16xi32>
        tpu.vector_store %arg16[%swap3A_362, %swap3A_363], %swap3A_366 {strides = array<i32>} : memref<40x64xi32, #tpu.memory_space<vmem>>, vector<1x16xi32>,
        %get3A_367 = arith.index_cast %scan3A_294 : i32 to index
        %get3A_368 = arith.constant 32 : index
        %get3A_369 = tpu.vector_load %arg9[%get3A_367, %get3A_368] {strides = array<i32>} : memref<40x128xf32, #tpu.memory_space<vmem>>, vector<1x16xf32>,
        %get3A_370 = vector.shape_cast %get3A_369 : vector<1x16xf32> to vector<16xf32>
        %get3A_371 = arith.index_cast %scan3A_294 : i32 to index
        %get3A_372 = arith.constant 32 : index
        %get3A_373 = tpu.vector_load %arg10[%get3A_371, %get3A_372] {strides = array<i32>} : memref<40x128xf32, #tpu.memory_space<vmem>>, vector<1x16xf32>,
        %get3A_374 = vector.shape_cast %get3A_373 : vector<1x16xf32> to vector<16xf32>
        %add3A_375 = arith.addf %get3A_370, %get3A_374 : vector<16xf32>
        %get3A_376 = arith.index_cast %scan3A_294 : i32 to index
        %get3A_377 = arith.constant 96 : index
        %get3A_378 = tpu.vector_load %arg9[%get3A_376, %get3A_377] {strides = array<i32>} : memref<40x128xf32, #tpu.memory_space<vmem>>, vector<1x16xf32>,
        %get3A_379 = vector.shape_cast %get3A_378 : vector<1x16xf32> to vector<16xf32>
        %get3A_380 = arith.index_cast %scan3A_294 : i32 to index
        %get3A_381 = arith.constant 96 : index
        %get3A_382 = tpu.vector_load %arg10[%get3A_380, %get3A_381] {strides = array<i32>} : memref<40x128xf32, #tpu.memory_space<vmem>>, vector<1x16xf32>,
        %get3A_383 = vector.shape_cast %get3A_382 : vector<1x16xf32> to vector<16xf32>
        %add3A_384 = arith.addf %get3A_379, %get3A_383 : vector<16xf32>
        %bitcast_convert_type3A_385 = tpu.bitcast %add3A_375 : vector<16xf32> -> vector<16xi32>
        %bitcast_convert_type3A_386 = tpu.bitcast %add3A_384 : vector<16xf32> -> vector<16xi32>
        %add3A_387 = arith.constant 32768 : i32
        %add3A_388 = vector.broadcast %add3A_387 : i32 to vector<16xi32>
        %add3A_389 = arith.addi %bitcast_convert_type3A_385, %add3A_388 : vector<16xi32>
        %shift_right_logical3A_390 = arith.constant 16 : i32
        %shift_right_logical3A_391 = vector.broadcast %shift_right_logical3A_390 : i32 to vector<16xi32>
        %shift_right_logical3A_392 = arith.shrui %add3A_389, %shift_right_logical3A_391 : vector<16xi32>
        %add3A_393 = arith.constant 32768 : i32
        %add3A_394 = vector.broadcast %add3A_393 : i32 to vector<16xi32>
        %add3A_395 = arith.addi %bitcast_convert_type3A_386, %add3A_394 : vector<16xi32>
        %and3A_396 = arith.constant -65536 : i32
        %and3A_397 = vector.broadcast %and3A_396 : i32 to vector<16xi32>
        %and3A_398 = arith.andi %add3A_395, %and3A_397 : vector<16xi32>
        %or3A_399 = arith.ori %shift_right_logical3A_392, %and3A_398 : vector<16xi32>
        %bitcast_convert_type3A_400 = tpu.bitcast %or3A_399 : vector<16xi32> -> vector<16xi32>
        %swap3A_401 = arith.index_cast %scan3A_294 : i32 to index
        %swap3A_402 = arith.constant 32 : index
        %swap3A_403 = tpu.vector_load %arg16[%swap3A_401, %swap3A_402] {strides = array<i32>} : memref<40x64xi32, #tpu.memory_space<vmem>>, vector<1x16xi32>,
        %swap3A_404 = vector.shape_cast %swap3A_403 : vector<1x16xi32> to vector<16xi32>
        %swap3A_405 = vector.shape_cast %bitcast_convert_type3A_400 : vector<16xi32> to vector<1x16xi32>
        tpu.vector_store %arg16[%swap3A_401, %swap3A_402], %swap3A_405 {strides = array<i32>} : memref<40x64xi32, #tpu.memory_space<vmem>>, vector<1x16xi32>,
        %get3A_406 = arith.index_cast %scan3A_294 : i32 to index
        %get3A_407 = arith.constant 48 : index
        %get3A_408 = tpu.vector_load %arg9[%get3A_406, %get3A_407] {strides = array<i32>} : memref<40x128xf32, #tpu.memory_space<vmem>>, vector<1x16xf32>,
        %get3A_409 = vector.shape_cast %get3A_408 : vector<1x16xf32> to vector<16xf32>
        %get3A_410 = arith.index_cast %scan3A_294 : i32 to index
        %get3A_411 = arith.constant 48 : index
        %get3A_412 = tpu.vector_load %arg10[%get3A_410, %get3A_411] {strides = array<i32>} : memref<40x128xf32, #tpu.memory_space<vmem>>, vector<1x16xf32>,
        %get3A_413 = vector.shape_cast %get3A_412 : vector<1x16xf32> to vector<16xf32>
        %add3A_414 = arith.addf %get3A_409, %get3A_413 : vector<16xf32>
        %get3A_415 = arith.index_cast %scan3A_294 : i32 to index
        %get3A_416 = arith.constant 112 : index
        %get3A_417 = tpu.vector_load %arg9[%get3A_415, %get3A_416] {strides = array<i32>} : memref<40x128xf32, #tpu.memory_space<vmem>>, vector<1x16xf32>,
        %get3A_418 = vector.shape_cast %get3A_417 : vector<1x16xf32> to vector<16xf32>
        %get3A_419 = arith.index_cast %scan3A_294 : i32 to index
        %get3A_420 = arith.constant 112 : index
        %get3A_421 = tpu.vector_load %arg10[%get3A_419, %get3A_420] {strides = array<i32>} : memref<40x128xf32, #tpu.memory_space<vmem>>, vector<1x16xf32>,
        %get3A_422 = vector.shape_cast %get3A_421 : vector<1x16xf32> to vector<16xf32>
        %add3A_423 = arith.addf %get3A_418, %get3A_422 : vector<16xf32>
        %bitcast_convert_type3A_424 = tpu.bitcast %add3A_414 : vector<16xf32> -> vector<16xi32>
        %bitcast_convert_type3A_425 = tpu.bitcast %add3A_423 : vector<16xf32> -> vector<16xi32>
        %add3A_426 = arith.constant 32768 : i32
        %add3A_427 = vector.broadcast %add3A_426 : i32 to vector<16xi32>
        %add3A_428 = arith.addi %bitcast_convert_type3A_424, %add3A_427 : vector<16xi32>
        %shift_right_logical3A_429 = arith.constant 16 : i32
        %shift_right_logical3A_430 = vector.broadcast %shift_right_logical3A_429 : i32 to vector<16xi32>
        %shift_right_logical3A_431 = arith.shrui %add3A_428, %shift_right_logical3A_430 : vector<16xi32>
        %add3A_432 = arith.constant 32768 : i32
        %add3A_433 = vector.broadcast %add3A_432 : i32 to vector<16xi32>
        %add3A_434 = arith.addi %bitcast_convert_type3A_425, %add3A_433 : vector<16xi32>
        %and3A_435 = arith.constant -65536 : i32
        %and3A_436 = vector.broadcast %and3A_435 : i32 to vector<16xi32>
        %and3A_437 = arith.andi %add3A_434, %and3A_436 : vector<16xi32>
        %or3A_438 = arith.ori %shift_right_logical3A_431, %and3A_437 : vector<16xi32>
        %bitcast_convert_type3A_439 = tpu.bitcast %or3A_438 : vector<16xi32> -> vector<16xi32>
        %swap3A_440 = arith.index_cast %scan3A_294 : i32 to index
        %swap3A_441 = arith.constant 48 : index
        %swap3A_442 = tpu.vector_load %arg16[%swap3A_440, %swap3A_441] {strides = array<i32>} : memref<40x64xi32, #tpu.memory_space<vmem>>, vector<1x16xi32>,
        %swap3A_443 = vector.shape_cast %swap3A_442 : vector<1x16xi32> to vector<16xi32>
        %swap3A_444 = vector.shape_cast %bitcast_convert_type3A_439 : vector<16xi32> to vector<1x16xi32>
        tpu.vector_store %arg16[%swap3A_440, %swap3A_441], %swap3A_444 {strides = array<i32>} : memref<40x64xi32, #tpu.memory_space<vmem>>, vector<1x16xi32>,
      }
      %scan3A_203 = arith.constant 40 : i32
      %mul3A_204 = arith.constant 5000 : i32
      %mul3A_205 = arith.muli %add3A, %mul3A_204 : i32
      %mul3A_206 = arith.constant 40 : i32
      %mul3A_207 = arith.muli %mul3A_191, %mul3A_206 : i32
      %add3A_208 = arith.addi %mul3A_205, %mul3A_207 : i32
      %dma_start3A_209 = arith.constant 0 : i32
      %dma_start3A_210 = tpu.memref_slice %arg6[%add3A_208, %dma_start3A_209] : memref<160000x64xi32, #tpu.memory_space<hbm>> -> memref<40x64xi32, #tpu.memory_space<hbm>>
      %dma_start3A_211 = arith.constant 0 : i32
      %dma_start3A_212 = tpu.memref_slice %arg6[%add3A_208, %dma_start3A_211] : memref<160000x64xi32, #tpu.memory_space<hbm>> -> memref<40x64xi32, #tpu.memory_space<hbm>>
      tpu.enqueue_dma source(%arg16 : memref<40x64xi32, #tpu.memory_space<vmem>>) target(%dma_start3A_212 : memref<40x64xi32, #tpu.memory_space<hbm>>) target_semaphore(%arg15 : memref<!tpu.dma_semaphore, #tpu.memory_space<semaphore_mem>>)
      %mul3A_213 = arith.constant 4 : i32
      %mul3A_214 = arith.muli %mul3A_213, %scan3A_145 : i32
      %add3A_215 = arith.constant 1 : i32
      %add3A_216 = arith.addi %mul3A_214, %add3A_215 : i32
      %dma_wait3A_217 = arith.constant 0 : i32
      %dma_wait3A_218 = arith.constant 0 : i32
      %dma_wait3A_219 = tpu.memref_slice %arg2[%dma_wait3A_217, %dma_wait3A_218] : memref<10000x128xf32, #tpu.memory_space<hbm>> -> memref<10000x128xf32, #tpu.memory_space<hbm>>
      tpu.wait_indirect_dma semaphore(%arg23 : memref<!tpu.dma_semaphore, #tpu.memory_space<semaphore_mem>>) src(%dma_wait3A_219 : memref<10000x128xf32, #tpu.memory_space<hbm>>) dst(%arg19 : memref<40x128xf32, #tpu.memory_space<vmem>>)
      %dma_wait3A_220 = arith.constant 0 : i32
      %dma_wait3A_221 = arith.constant 0 : i32
      %dma_wait3A_222 = tpu.memref_slice %arg3[%dma_wait3A_220, %dma_wait3A_221] : memref<10000x128xf32, #tpu.memory_space<hbm>> -> memref<10000x128xf32, #tpu.memory_space<hbm>>
      tpu.wait_indirect_dma semaphore(%arg24 : memref<!tpu.dma_semaphore, #tpu.memory_space<semaphore_mem>>) src(%dma_wait3A_222 : memref<10000x128xf32, #tpu.memory_space<hbm>>) dst(%arg20 : memref<40x128xf32, #tpu.memory_space<vmem>>)
      %scan3A_223 = arith.constant 0 : i32
      %scan3A_224 = arith.constant 0 : i32
      %scan3A_225 = arith.constant 40 : i32
      %scan3A_226 = arith.addi %scan3A_224, %scan3A_225 : i32
      %scan3A_227 = arith.constant 1 : i32
      scf.for %scan3A_294 = %scan3A_224 to %scan3A_226 step %scan3A_227  : i32 {
        %get3A = arith.index_cast %scan3A_294 : i32 to index
        %get3A_295 = arith.constant 0 : index
        %get3A_296 = tpu.vector_load %arg19[%get3A, %get3A_295] {strides = array<i32>} : memref<40x128xf32, #tpu.memory_space<vmem>>, vector<1x16xf32>,
        %get3A_297 = vector.shape_cast %get3A_296 : vector<1x16xf32> to vector<16xf32>
        %get3A_298 = arith.index_cast %scan3A_294 : i32 to index
        %get3A_299 = arith.constant 0 : index
        %get3A_300 = tpu.vector_load %arg20[%get3A_298, %get3A_299] {strides = array<i32>} : memref<40x128xf32, #tpu.memory_space<vmem>>, vector<1x16xf32>,
        %get3A_301 = vector.shape_cast %get3A_300 : vector<1x16xf32> to vector<16xf32>
        %add3A_302 = arith.addf %get3A_297, %get3A_301 : vector<16xf32>
        %get3A_303 = arith.index_cast %scan3A_294 : i32 to index
        %get3A_304 = arith.constant 64 : index
        %get3A_305 = tpu.vector_load %arg19[%get3A_303, %get3A_304] {strides = array<i32>} : memref<40x128xf32, #tpu.memory_space<vmem>>, vector<1x16xf32>,
        %get3A_306 = vector.shape_cast %get3A_305 : vector<1x16xf32> to vector<16xf32>
        %get3A_307 = arith.index_cast %scan3A_294 : i32 to index
        %get3A_308 = arith.constant 64 : index
        %get3A_309 = tpu.vector_load %arg20[%get3A_307, %get3A_308] {strides = array<i32>} : memref<40x128xf32, #tpu.memory_space<vmem>>, vector<1x16xf32>,
        %get3A_310 = vector.shape_cast %get3A_309 : vector<1x16xf32> to vector<16xf32>
        %add3A_311 = arith.addf %get3A_306, %get3A_310 : vector<16xf32>
        %bitcast_convert_type3A = tpu.bitcast %add3A_302 : vector<16xf32> -> vector<16xi32>
        %bitcast_convert_type3A_312 = tpu.bitcast %add3A_311 : vector<16xf32> -> vector<16xi32>
        %add3A_313 = arith.constant 32768 : i32
        %add3A_314 = vector.broadcast %add3A_313 : i32 to vector<16xi32>
        %add3A_315 = arith.addi %bitcast_convert_type3A, %add3A_314 : vector<16xi32>
        %shift_right_logical3A = arith.constant 16 : i32
        %shift_right_logical3A_316 = vector.broadcast %shift_right_logical3A : i32 to vector<16xi32>
        %shift_right_logical3A_317 = arith.shrui %add3A_315, %shift_right_logical3A_316 : vector<16xi32>
        %add3A_318 = arith.constant 32768 : i32
        %add3A_319 = vector.broadcast %add3A_318 : i32 to vector<16xi32>
        %add3A_320 = arith.addi %bitcast_convert_type3A_312, %add3A_319 : vector<16xi32>
        %and3A = arith.constant -65536 : i32
        %and3A_321 = vector.broadcast %and3A : i32 to vector<16xi32>
        %and3A_322 = arith.andi %add3A_320, %and3A_321 : vector<16xi32>
        %or3A = arith.ori %shift_right_logical3A_317, %and3A_322 : vector<16xi32>
        %bitcast_convert_type3A_323 = tpu.bitcast %or3A : vector<16xi32> -> vector<16xi32>
        %swap3A = arith.index_cast %scan3A_294 : i32 to index
        %swap3A_324 = arith.constant 0 : index
        %swap3A_325 = tpu.vector_load %arg26[%swap3A, %swap3A_324] {strides = array<i32>} : memref<40x64xi32, #tpu.memory_space<vmem>>, vector<1x16xi32>,
        %swap3A_326 = vector.shape_cast %swap3A_325 : vector<1x16xi32> to vector<16xi32>
        %swap3A_327 = vector.shape_cast %bitcast_convert_type3A_323 : vector<16xi32> to vector<1x16xi32>
        tpu.vector_store %arg26[%swap3A, %swap3A_324], %swap3A_327 {strides = array<i32>} : memref<40x64xi32, #tpu.memory_space<vmem>>, vector<1x16xi32>,
        %get3A_328 = arith.index_cast %scan3A_294 : i32 to index
        %get3A_329 = arith.constant 16 : index
        %get3A_330 = tpu.vector_load %arg19[%get3A_328, %get3A_329] {strides = array<i32>} : memref<40x128xf32, #tpu.memory_space<vmem>>, vector<1x16xf32>,
        %get3A_331 = vector.shape_cast %get3A_330 : vector<1x16xf32> to vector<16xf32>
        %get3A_332 = arith.index_cast %scan3A_294 : i32 to index
        %get3A_333 = arith.constant 16 : index
        %get3A_334 = tpu.vector_load %arg20[%get3A_332, %get3A_333] {strides = array<i32>} : memref<40x128xf32, #tpu.memory_space<vmem>>, vector<1x16xf32>,
        %get3A_335 = vector.shape_cast %get3A_334 : vector<1x16xf32> to vector<16xf32>
        %add3A_336 = arith.addf %get3A_331, %get3A_335 : vector<16xf32>
        %get3A_337 = arith.index_cast %scan3A_294 : i32 to index
        %get3A_338 = arith.constant 80 : index
        %get3A_339 = tpu.vector_load %arg19[%get3A_337, %get3A_338] {strides = array<i32>} : memref<40x128xf32, #tpu.memory_space<vmem>>, vector<1x16xf32>,
        %get3A_340 = vector.shape_cast %get3A_339 : vector<1x16xf32> to vector<16xf32>
        %get3A_341 = arith.index_cast %scan3A_294 : i32 to index
        %get3A_342 = arith.constant 80 : index
        %get3A_343 = tpu.vector_load %arg20[%get3A_341, %get3A_342] {strides = array<i32>} : memref<40x128xf32, #tpu.memory_space<vmem>>, vector<1x16xf32>,
        %get3A_344 = vector.shape_cast %get3A_343 : vector<1x16xf32> to vector<16xf32>
        %add3A_345 = arith.addf %get3A_340, %get3A_344 : vector<16xf32>
        %bitcast_convert_type3A_346 = tpu.bitcast %add3A_336 : vector<16xf32> -> vector<16xi32>
        %bitcast_convert_type3A_347 = tpu.bitcast %add3A_345 : vector<16xf32> -> vector<16xi32>
        %add3A_348 = arith.constant 32768 : i32
        %add3A_349 = vector.broadcast %add3A_348 : i32 to vector<16xi32>
        %add3A_350 = arith.addi %bitcast_convert_type3A_346, %add3A_349 : vector<16xi32>
        %shift_right_logical3A_351 = arith.constant 16 : i32
        %shift_right_logical3A_352 = vector.broadcast %shift_right_logical3A_351 : i32 to vector<16xi32>
        %shift_right_logical3A_353 = arith.shrui %add3A_350, %shift_right_logical3A_352 : vector<16xi32>
        %add3A_354 = arith.constant 32768 : i32
        %add3A_355 = vector.broadcast %add3A_354 : i32 to vector<16xi32>
        %add3A_356 = arith.addi %bitcast_convert_type3A_347, %add3A_355 : vector<16xi32>
        %and3A_357 = arith.constant -65536 : i32
        %and3A_358 = vector.broadcast %and3A_357 : i32 to vector<16xi32>
        %and3A_359 = arith.andi %add3A_356, %and3A_358 : vector<16xi32>
        %or3A_360 = arith.ori %shift_right_logical3A_353, %and3A_359 : vector<16xi32>
        %bitcast_convert_type3A_361 = tpu.bitcast %or3A_360 : vector<16xi32> -> vector<16xi32>
        %swap3A_362 = arith.index_cast %scan3A_294 : i32 to index
        %swap3A_363 = arith.constant 16 : index
        %swap3A_364 = tpu.vector_load %arg26[%swap3A_362, %swap3A_363] {strides = array<i32>} : memref<40x64xi32, #tpu.memory_space<vmem>>, vector<1x16xi32>,
        %swap3A_365 = vector.shape_cast %swap3A_364 : vector<1x16xi32> to vector<16xi32>
        %swap3A_366 = vector.shape_cast %bitcast_convert_type3A_361 : vector<16xi32> to vector<1x16xi32>
        tpu.vector_store %arg26[%swap3A_362, %swap3A_363], %swap3A_366 {strides = array<i32>} : memref<40x64xi32, #tpu.memory_space<vmem>>, vector<1x16xi32>,
        %get3A_367 = arith.index_cast %scan3A_294 : i32 to index
        %get3A_368 = arith.constant 32 : index
        %get3A_369 = tpu.vector_load %arg19[%get3A_367, %get3A_368] {strides = array<i32>} : memref<40x128xf32, #tpu.memory_space<vmem>>, vector<1x16xf32>,
        %get3A_370 = vector.shape_cast %get3A_369 : vector<1x16xf32> to vector<16xf32>
        %get3A_371 = arith.index_cast %scan3A_294 : i32 to index
        %get3A_372 = arith.constant 32 : index
        %get3A_373 = tpu.vector_load %arg20[%get3A_371, %get3A_372] {strides = array<i32>} : memref<40x128xf32, #tpu.memory_space<vmem>>, vector<1x16xf32>,
        %get3A_374 = vector.shape_cast %get3A_373 : vector<1x16xf32> to vector<16xf32>
        %add3A_375 = arith.addf %get3A_370, %get3A_374 : vector<16xf32>
        %get3A_376 = arith.index_cast %scan3A_294 : i32 to index
        %get3A_377 = arith.constant 96 : index
        %get3A_378 = tpu.vector_load %arg19[%get3A_376, %get3A_377] {strides = array<i32>} : memref<40x128xf32, #tpu.memory_space<vmem>>, vector<1x16xf32>,
        %get3A_379 = vector.shape_cast %get3A_378 : vector<1x16xf32> to vector<16xf32>
        %get3A_380 = arith.index_cast %scan3A_294 : i32 to index
        %get3A_381 = arith.constant 96 : index
        %get3A_382 = tpu.vector_load %arg20[%get3A_380, %get3A_381] {strides = array<i32>} : memref<40x128xf32, #tpu.memory_space<vmem>>, vector<1x16xf32>,
        %get3A_383 = vector.shape_cast %get3A_382 : vector<1x16xf32> to vector<16xf32>
        %add3A_384 = arith.addf %get3A_379, %get3A_383 : vector<16xf32>
        %bitcast_convert_type3A_385 = tpu.bitcast %add3A_375 : vector<16xf32> -> vector<16xi32>
        %bitcast_convert_type3A_386 = tpu.bitcast %add3A_384 : vector<16xf32> -> vector<16xi32>
        %add3A_387 = arith.constant 32768 : i32
        %add3A_388 = vector.broadcast %add3A_387 : i32 to vector<16xi32>
        %add3A_389 = arith.addi %bitcast_convert_type3A_385, %add3A_388 : vector<16xi32>
        %shift_right_logical3A_390 = arith.constant 16 : i32
        %shift_right_logical3A_391 = vector.broadcast %shift_right_logical3A_390 : i32 to vector<16xi32>
        %shift_right_logical3A_392 = arith.shrui %add3A_389, %shift_right_logical3A_391 : vector<16xi32>
        %add3A_393 = arith.constant 32768 : i32
        %add3A_394 = vector.broadcast %add3A_393 : i32 to vector<16xi32>
        %add3A_395 = arith.addi %bitcast_convert_type3A_386, %add3A_394 : vector<16xi32>
        %and3A_396 = arith.constant -65536 : i32
        %and3A_397 = vector.broadcast %and3A_396 : i32 to vector<16xi32>
        %and3A_398 = arith.andi %add3A_395, %and3A_397 : vector<16xi32>
        %or3A_399 = arith.ori %shift_right_logical3A_392, %and3A_398 : vector<16xi32>
        %bitcast_convert_type3A_400 = tpu.bitcast %or3A_399 : vector<16xi32> -> vector<16xi32>
        %swap3A_401 = arith.index_cast %scan3A_294 : i32 to index
        %swap3A_402 = arith.constant 32 : index
        %swap3A_403 = tpu.vector_load %arg26[%swap3A_401, %swap3A_402] {strides = array<i32>} : memref<40x64xi32, #tpu.memory_space<vmem>>, vector<1x16xi32>,
        %swap3A_404 = vector.shape_cast %swap3A_403 : vector<1x16xi32> to vector<16xi32>
        %swap3A_405 = vector.shape_cast %bitcast_convert_type3A_400 : vector<16xi32> to vector<1x16xi32>
        tpu.vector_store %arg26[%swap3A_401, %swap3A_402], %swap3A_405 {strides = array<i32>} : memref<40x64xi32, #tpu.memory_space<vmem>>, vector<1x16xi32>,
        %get3A_406 = arith.index_cast %scan3A_294 : i32 to index
        %get3A_407 = arith.constant 48 : index
        %get3A_408 = tpu.vector_load %arg19[%get3A_406, %get3A_407] {strides = array<i32>} : memref<40x128xf32, #tpu.memory_space<vmem>>, vector<1x16xf32>,
        %get3A_409 = vector.shape_cast %get3A_408 : vector<1x16xf32> to vector<16xf32>
        %get3A_410 = arith.index_cast %scan3A_294 : i32 to index
        %get3A_411 = arith.constant 48 : index
        %get3A_412 = tpu.vector_load %arg20[%get3A_410, %get3A_411] {strides = array<i32>} : memref<40x128xf32, #tpu.memory_space<vmem>>, vector<1x16xf32>,
        %get3A_413 = vector.shape_cast %get3A_412 : vector<1x16xf32> to vector<16xf32>
        %add3A_414 = arith.addf %get3A_409, %get3A_413 : vector<16xf32>
        %get3A_415 = arith.index_cast %scan3A_294 : i32 to index
        %get3A_416 = arith.constant 112 : index
        %get3A_417 = tpu.vector_load %arg19[%get3A_415, %get3A_416] {strides = array<i32>} : memref<40x128xf32, #tpu.memory_space<vmem>>, vector<1x16xf32>,
        %get3A_418 = vector.shape_cast %get3A_417 : vector<1x16xf32> to vector<16xf32>
        %get3A_419 = arith.index_cast %scan3A_294 : i32 to index
        %get3A_420 = arith.constant 112 : index
        %get3A_421 = tpu.vector_load %arg20[%get3A_419, %get3A_420] {strides = array<i32>} : memref<40x128xf32, #tpu.memory_space<vmem>>, vector<1x16xf32>,
        %get3A_422 = vector.shape_cast %get3A_421 : vector<1x16xf32> to vector<16xf32>
        %add3A_423 = arith.addf %get3A_418, %get3A_422 : vector<16xf32>
        %bitcast_convert_type3A_424 = tpu.bitcast %add3A_414 : vector<16xf32> -> vector<16xi32>
        %bitcast_convert_type3A_425 = tpu.bitcast %add3A_423 : vector<16xf32> -> vector<16xi32>
        %add3A_426 = arith.constant 32768 : i32
        %add3A_427 = vector.broadcast %add3A_426 : i32 to vector<16xi32>
        %add3A_428 = arith.addi %bitcast_convert_type3A_424, %add3A_427 : vector<16xi32>
        %shift_right_logical3A_429 = arith.constant 16 : i32
        %shift_right_logical3A_430 = vector.broadcast %shift_right_logical3A_429 : i32 to vector<16xi32>
        %shift_right_logical3A_431 = arith.shrui %add3A_428, %shift_right_logical3A_430 : vector<16xi32>
        %add3A_432 = arith.constant 32768 : i32
        %add3A_433 = vector.broadcast %add3A_432 : i32 to vector<16xi32>
        %add3A_434 = arith.addi %bitcast_convert_type3A_425, %add3A_433 : vector<16xi32>
        %and3A_435 = arith.constant -65536 : i32
        %and3A_436 = vector.broadcast %and3A_435 : i32 to vector<16xi32>
        %and3A_437 = arith.andi %add3A_434, %and3A_436 : vector<16xi32>
        %or3A_438 = arith.ori %shift_right_logical3A_431, %and3A_437 : vector<16xi32>
        %bitcast_convert_type3A_439 = tpu.bitcast %or3A_438 : vector<16xi32> -> vector<16xi32>
        %swap3A_440 = arith.index_cast %scan3A_294 : i32 to index
        %swap3A_441 = arith.constant 48 : index
        %swap3A_442 = tpu.vector_load %arg26[%swap3A_440, %swap3A_441] {strides = array<i32>} : memref<40x64xi32, #tpu.memory_space<vmem>>, vector<1x16xi32>,
        %swap3A_443 = vector.shape_cast %swap3A_442 : vector<1x16xi32> to vector<16xi32>
        %swap3A_444 = vector.shape_cast %bitcast_convert_type3A_439 : vector<16xi32> to vector<1x16xi32>
        tpu.vector_store %arg26[%swap3A_440, %swap3A_441], %swap3A_444 {strides = array<i32>} : memref<40x64xi32, #tpu.memory_space<vmem>>, vector<1x16xi32>,
      }
      %scan3A_228 = arith.constant 40 : i32
      %mul3A_229 = arith.constant 5000 : i32
      %mul3A_230 = arith.muli %add3A, %mul3A_229 : i32
      %mul3A_231 = arith.constant 40 : i32
      %mul3A_232 = arith.muli %add3A_216, %mul3A_231 : i32
      %add3A_233 = arith.addi %mul3A_230, %mul3A_232 : i32
      %dma_start3A_234 = arith.constant 0 : i32
      %dma_start3A_235 = tpu.memref_slice %arg6[%add3A_233, %dma_start3A_234] : memref<160000x64xi32, #tpu.memory_space<hbm>> -> memref<40x64xi32, #tpu.memory_space<hbm>>
      %dma_start3A_236 = arith.constant 0 : i32
      %dma_start3A_237 = tpu.memref_slice %arg6[%add3A_233, %dma_start3A_236] : memref<160000x64xi32, #tpu.memory_space<hbm>> -> memref<40x64xi32, #tpu.memory_space<hbm>>
      tpu.enqueue_dma source(%arg26 : memref<40x64xi32, #tpu.memory_space<vmem>>) target(%dma_start3A_237 : memref<40x64xi32, #tpu.memory_space<hbm>>) target_semaphore(%arg25 : memref<!tpu.dma_semaphore, #tpu.memory_space<semaphore_mem>>)
      %convert_element_type3A_238 = arith.extui %lt3A_148 : i1 to i32
      %cond3A_239 = arith.constant 0 : i32
      %cond3A_240 = arith.cmpi ne, %convert_element_type3A_238, %cond3A_239 : i32
      scf.if %cond3A_240 {
        %mul3A_294 = arith.constant 4 : i32
        %mul3A_295 = arith.muli %mul3A_294, %scan3A_145 : i32
        %add3A_296 = arith.constant 4 : i32
        %add3A_297 = arith.addi %mul3A_295, %add3A_296 : i32
        %mul3A_298 = arith.constant 5000 : i32
        %mul3A_299 = arith.muli %add3A, %mul3A_298 : i32
        %mul3A_300 = arith.constant 40 : i32
        %mul3A_301 = arith.muli %add3A_297, %mul3A_300 : i32
        %add3A_302 = arith.addi %mul3A_299, %mul3A_301 : i32
        %dma_start3A_303 = tpu.memref_slice %arg4[%add3A_302] : memref<160000xi32, #tpu.memory_space<hbm>> -> memref<40xi32, #tpu.memory_space<hbm>>
        %dma_start3A_304 = tpu.memref_slice %arg4[%add3A_302] : memref<160000xi32, #tpu.memory_space<hbm>> -> memref<40xi32, #tpu.memory_space<hbm>>
        tpu.enqueue_dma source(%dma_start3A_304 : memref<40xi32, #tpu.memory_space<hbm>>) target(%arg7 : memref<40xi32, #tpu.memory_space<vmem>>) target_semaphore(%arg11 : memref<!tpu.dma_semaphore, #tpu.memory_space<semaphore_mem>>)
        %dma_start3A_305 = tpu.memref_slice %arg5[%add3A_302] : memref<160000xi32, #tpu.memory_space<hbm>> -> memref<40xi32, #tpu.memory_space<hbm>>
        %dma_start3A_306 = tpu.memref_slice %arg5[%add3A_302] : memref<160000xi32, #tpu.memory_space<hbm>> -> memref<40xi32, #tpu.memory_space<hbm>>
        tpu.enqueue_dma source(%dma_start3A_306 : memref<40xi32, #tpu.memory_space<hbm>>) target(%arg8 : memref<40xi32, #tpu.memory_space<vmem>>) target_semaphore(%arg12 : memref<!tpu.dma_semaphore, #tpu.memory_space<semaphore_mem>>)
        %mul3A_307 = arith.constant 4 : i32
        %mul3A_308 = arith.muli %mul3A_307, %scan3A_145 : i32
        %add3A_309 = arith.constant 5 : i32
        %add3A_310 = arith.addi %mul3A_308, %add3A_309 : i32
        %mul3A_311 = arith.constant 5000 : i32
        %mul3A_312 = arith.muli %add3A, %mul3A_311 : i32
        %mul3A_313 = arith.constant 40 : i32
        %mul3A_314 = arith.muli %add3A_310, %mul3A_313 : i32
        %add3A_315 = arith.addi %mul3A_312, %mul3A_314 : i32
        %dma_start3A_316 = tpu.memref_slice %arg4[%add3A_315] : memref<160000xi32, #tpu.memory_space<hbm>> -> memref<40xi32, #tpu.memory_space<hbm>>
        %dma_start3A_317 = tpu.memref_slice %arg4[%add3A_315] : memref<160000xi32, #tpu.memory_space<hbm>> -> memref<40xi32, #tpu.memory_space<hbm>>
        tpu.enqueue_dma source(%dma_start3A_317 : memref<40xi32, #tpu.memory_space<hbm>>) target(%arg17 : memref<40xi32, #tpu.memory_space<vmem>>) target_semaphore(%arg21 : memref<!tpu.dma_semaphore, #tpu.memory_space<semaphore_mem>>)
        %dma_start3A_318 = tpu.memref_slice %arg5[%add3A_315] : memref<160000xi32, #tpu.memory_space<hbm>> -> memref<40xi32, #tpu.memory_space<hbm>>
        %dma_start3A_319 = tpu.memref_slice %arg5[%add3A_315] : memref<160000xi32, #tpu.memory_space<hbm>> -> memref<40xi32, #tpu.memory_space<hbm>>
        tpu.enqueue_dma source(%dma_start3A_319 : memref<40xi32, #tpu.memory_space<hbm>>) target(%arg18 : memref<40xi32, #tpu.memory_space<vmem>>) target_semaphore(%arg22 : memref<!tpu.dma_semaphore, #tpu.memory_space<semaphore_mem>>)
      } else {
      }
      %mul3A_241 = arith.constant 4 : i32
      %mul3A_242 = arith.muli %mul3A_241, %scan3A_145 : i32
      %add3A_243 = arith.constant 2 : i32
      %add3A_244 = arith.addi %mul3A_242, %add3A_243 : i32
      %dma_wait3A_245 = arith.constant 0 : i32
      %dma_wait3A_246 = arith.constant 0 : i32
      %dma_wait3A_247 = tpu.memref_slice %arg2[%dma_wait3A_245, %dma_wait3A_246] : memref<10000x128xf32, #tpu.memory_space<hbm>> -> memref<10000x128xf32, #tpu.memory_space<hbm>>
      tpu.wait_indirect_dma semaphore(%arg33 : memref<!tpu.dma_semaphore, #tpu.memory_space<semaphore_mem>>) src(%dma_wait3A_247 : memref<10000x128xf32, #tpu.memory_space<hbm>>) dst(%arg29 : memref<40x128xf32, #tpu.memory_space<vmem>>)
      %dma_wait3A_248 = arith.constant 0 : i32
      %dma_wait3A_249 = arith.constant 0 : i32
      %dma_wait3A_250 = tpu.memref_slice %arg3[%dma_wait3A_248, %dma_wait3A_249] : memref<10000x128xf32, #tpu.memory_space<hbm>> -> memref<10000x128xf32, #tpu.memory_space<hbm>>
      tpu.wait_indirect_dma semaphore(%arg34 : memref<!tpu.dma_semaphore, #tpu.memory_space<semaphore_mem>>) src(%dma_wait3A_250 : memref<10000x128xf32, #tpu.memory_space<hbm>>) dst(%arg30 : memref<40x128xf32, #tpu.memory_space<vmem>>)
      %scan3A_251 = arith.constant 0 : i32
      %scan3A_252 = arith.constant 0 : i32
      %scan3A_253 = arith.constant 40 : i32
      %scan3A_254 = arith.addi %scan3A_252, %scan3A_253 : i32
      %scan3A_255 = arith.constant 1 : i32
      scf.for %scan3A_294 = %scan3A_252 to %scan3A_254 step %scan3A_255  : i32 {
        %get3A = arith.index_cast %scan3A_294 : i32 to index
        %get3A_295 = arith.constant 0 : index
        %get3A_296 = tpu.vector_load %arg29[%get3A, %get3A_295] {strides = array<i32>} : memref<40x128xf32, #tpu.memory_space<vmem>>, vector<1x16xf32>,
        %get3A_297 = vector.shape_cast %get3A_296 : vector<1x16xf32> to vector<16xf32>
        %get3A_298 = arith.index_cast %scan3A_294 : i32 to index
        %get3A_299 = arith.constant 0 : index
        %get3A_300 = tpu.vector_load %arg30[%get3A_298, %get3A_299] {strides = array<i32>} : memref<40x128xf32, #tpu.memory_space<vmem>>, vector<1x16xf32>,
        %get3A_301 = vector.shape_cast %get3A_300 : vector<1x16xf32> to vector<16xf32>
        %add3A_302 = arith.addf %get3A_297, %get3A_301 : vector<16xf32>
        %get3A_303 = arith.index_cast %scan3A_294 : i32 to index
        %get3A_304 = arith.constant 64 : index
        %get3A_305 = tpu.vector_load %arg29[%get3A_303, %get3A_304] {strides = array<i32>} : memref<40x128xf32, #tpu.memory_space<vmem>>, vector<1x16xf32>,
        %get3A_306 = vector.shape_cast %get3A_305 : vector<1x16xf32> to vector<16xf32>
        %get3A_307 = arith.index_cast %scan3A_294 : i32 to index
        %get3A_308 = arith.constant 64 : index
        %get3A_309 = tpu.vector_load %arg30[%get3A_307, %get3A_308] {strides = array<i32>} : memref<40x128xf32, #tpu.memory_space<vmem>>, vector<1x16xf32>,
        %get3A_310 = vector.shape_cast %get3A_309 : vector<1x16xf32> to vector<16xf32>
        %add3A_311 = arith.addf %get3A_306, %get3A_310 : vector<16xf32>
        %bitcast_convert_type3A = tpu.bitcast %add3A_302 : vector<16xf32> -> vector<16xi32>
        %bitcast_convert_type3A_312 = tpu.bitcast %add3A_311 : vector<16xf32> -> vector<16xi32>
        %add3A_313 = arith.constant 32768 : i32
        %add3A_314 = vector.broadcast %add3A_313 : i32 to vector<16xi32>
        %add3A_315 = arith.addi %bitcast_convert_type3A, %add3A_314 : vector<16xi32>
        %shift_right_logical3A = arith.constant 16 : i32
        %shift_right_logical3A_316 = vector.broadcast %shift_right_logical3A : i32 to vector<16xi32>
        %shift_right_logical3A_317 = arith.shrui %add3A_315, %shift_right_logical3A_316 : vector<16xi32>
        %add3A_318 = arith.constant 32768 : i32
        %add3A_319 = vector.broadcast %add3A_318 : i32 to vector<16xi32>
        %add3A_320 = arith.addi %bitcast_convert_type3A_312, %add3A_319 : vector<16xi32>
        %and3A = arith.constant -65536 : i32
        %and3A_321 = vector.broadcast %and3A : i32 to vector<16xi32>
        %and3A_322 = arith.andi %add3A_320, %and3A_321 : vector<16xi32>
        %or3A = arith.ori %shift_right_logical3A_317, %and3A_322 : vector<16xi32>
        %bitcast_convert_type3A_323 = tpu.bitcast %or3A : vector<16xi32> -> vector<16xi32>
        %swap3A = arith.index_cast %scan3A_294 : i32 to index
        %swap3A_324 = arith.constant 0 : index
        %swap3A_325 = tpu.vector_load %arg36[%swap3A, %swap3A_324] {strides = array<i32>} : memref<40x64xi32, #tpu.memory_space<vmem>>, vector<1x16xi32>,
        %swap3A_326 = vector.shape_cast %swap3A_325 : vector<1x16xi32> to vector<16xi32>
        %swap3A_327 = vector.shape_cast %bitcast_convert_type3A_323 : vector<16xi32> to vector<1x16xi32>
        tpu.vector_store %arg36[%swap3A, %swap3A_324], %swap3A_327 {strides = array<i32>} : memref<40x64xi32, #tpu.memory_space<vmem>>, vector<1x16xi32>,
        %get3A_328 = arith.index_cast %scan3A_294 : i32 to index
        %get3A_329 = arith.constant 16 : index
        %get3A_330 = tpu.vector_load %arg29[%get3A_328, %get3A_329] {strides = array<i32>} : memref<40x128xf32, #tpu.memory_space<vmem>>, vector<1x16xf32>,
        %get3A_331 = vector.shape_cast %get3A_330 : vector<1x16xf32> to vector<16xf32>
        %get3A_332 = arith.index_cast %scan3A_294 : i32 to index
        %get3A_333 = arith.constant 16 : index
        %get3A_334 = tpu.vector_load %arg30[%get3A_332, %get3A_333] {strides = array<i32>} : memref<40x128xf32, #tpu.memory_space<vmem>>, vector<1x16xf32>,
        %get3A_335 = vector.shape_cast %get3A_334 : vector<1x16xf32> to vector<16xf32>
        %add3A_336 = arith.addf %get3A_331, %get3A_335 : vector<16xf32>
        %get3A_337 = arith.index_cast %scan3A_294 : i32 to index
        %get3A_338 = arith.constant 80 : index
        %get3A_339 = tpu.vector_load %arg29[%get3A_337, %get3A_338] {strides = array<i32>} : memref<40x128xf32, #tpu.memory_space<vmem>>, vector<1x16xf32>,
        %get3A_340 = vector.shape_cast %get3A_339 : vector<1x16xf32> to vector<16xf32>
        %get3A_341 = arith.index_cast %scan3A_294 : i32 to index
        %get3A_342 = arith.constant 80 : index
        %get3A_343 = tpu.vector_load %arg30[%get3A_341, %get3A_342] {strides = array<i32>} : memref<40x128xf32, #tpu.memory_space<vmem>>, vector<1x16xf32>,
        %get3A_344 = vector.shape_cast %get3A_343 : vector<1x16xf32> to vector<16xf32>
        %add3A_345 = arith.addf %get3A_340, %get3A_344 : vector<16xf32>
        %bitcast_convert_type3A_346 = tpu.bitcast %add3A_336 : vector<16xf32> -> vector<16xi32>
        %bitcast_convert_type3A_347 = tpu.bitcast %add3A_345 : vector<16xf32> -> vector<16xi32>
        %add3A_348 = arith.constant 32768 : i32
        %add3A_349 = vector.broadcast %add3A_348 : i32 to vector<16xi32>
        %add3A_350 = arith.addi %bitcast_convert_type3A_346, %add3A_349 : vector<16xi32>
        %shift_right_logical3A_351 = arith.constant 16 : i32
        %shift_right_logical3A_352 = vector.broadcast %shift_right_logical3A_351 : i32 to vector<16xi32>
        %shift_right_logical3A_353 = arith.shrui %add3A_350, %shift_right_logical3A_352 : vector<16xi32>
        %add3A_354 = arith.constant 32768 : i32
        %add3A_355 = vector.broadcast %add3A_354 : i32 to vector<16xi32>
        %add3A_356 = arith.addi %bitcast_convert_type3A_347, %add3A_355 : vector<16xi32>
        %and3A_357 = arith.constant -65536 : i32
        %and3A_358 = vector.broadcast %and3A_357 : i32 to vector<16xi32>
        %and3A_359 = arith.andi %add3A_356, %and3A_358 : vector<16xi32>
        %or3A_360 = arith.ori %shift_right_logical3A_353, %and3A_359 : vector<16xi32>
        %bitcast_convert_type3A_361 = tpu.bitcast %or3A_360 : vector<16xi32> -> vector<16xi32>
        %swap3A_362 = arith.index_cast %scan3A_294 : i32 to index
        %swap3A_363 = arith.constant 16 : index
        %swap3A_364 = tpu.vector_load %arg36[%swap3A_362, %swap3A_363] {strides = array<i32>} : memref<40x64xi32, #tpu.memory_space<vmem>>, vector<1x16xi32>,
        %swap3A_365 = vector.shape_cast %swap3A_364 : vector<1x16xi32> to vector<16xi32>
        %swap3A_366 = vector.shape_cast %bitcast_convert_type3A_361 : vector<16xi32> to vector<1x16xi32>
        tpu.vector_store %arg36[%swap3A_362, %swap3A_363], %swap3A_366 {strides = array<i32>} : memref<40x64xi32, #tpu.memory_space<vmem>>, vector<1x16xi32>,
        %get3A_367 = arith.index_cast %scan3A_294 : i32 to index
        %get3A_368 = arith.constant 32 : index
        %get3A_369 = tpu.vector_load %arg29[%get3A_367, %get3A_368] {strides = array<i32>} : memref<40x128xf32, #tpu.memory_space<vmem>>, vector<1x16xf32>,
        %get3A_370 = vector.shape_cast %get3A_369 : vector<1x16xf32> to vector<16xf32>
        %get3A_371 = arith.index_cast %scan3A_294 : i32 to index
        %get3A_372 = arith.constant 32 : index
        %get3A_373 = tpu.vector_load %arg30[%get3A_371, %get3A_372] {strides = array<i32>} : memref<40x128xf32, #tpu.memory_space<vmem>>, vector<1x16xf32>,
        %get3A_374 = vector.shape_cast %get3A_373 : vector<1x16xf32> to vector<16xf32>
        %add3A_375 = arith.addf %get3A_370, %get3A_374 : vector<16xf32>
        %get3A_376 = arith.index_cast %scan3A_294 : i32 to index
        %get3A_377 = arith.constant 96 : index
        %get3A_378 = tpu.vector_load %arg29[%get3A_376, %get3A_377] {strides = array<i32>} : memref<40x128xf32, #tpu.memory_space<vmem>>, vector<1x16xf32>,
        %get3A_379 = vector.shape_cast %get3A_378 : vector<1x16xf32> to vector<16xf32>
        %get3A_380 = arith.index_cast %scan3A_294 : i32 to index
        %get3A_381 = arith.constant 96 : index
        %get3A_382 = tpu.vector_load %arg30[%get3A_380, %get3A_381] {strides = array<i32>} : memref<40x128xf32, #tpu.memory_space<vmem>>, vector<1x16xf32>,
        %get3A_383 = vector.shape_cast %get3A_382 : vector<1x16xf32> to vector<16xf32>
        %add3A_384 = arith.addf %get3A_379, %get3A_383 : vector<16xf32>
        %bitcast_convert_type3A_385 = tpu.bitcast %add3A_375 : vector<16xf32> -> vector<16xi32>
        %bitcast_convert_type3A_386 = tpu.bitcast %add3A_384 : vector<16xf32> -> vector<16xi32>
        %add3A_387 = arith.constant 32768 : i32
        %add3A_388 = vector.broadcast %add3A_387 : i32 to vector<16xi32>
        %add3A_389 = arith.addi %bitcast_convert_type3A_385, %add3A_388 : vector<16xi32>
        %shift_right_logical3A_390 = arith.constant 16 : i32
        %shift_right_logical3A_391 = vector.broadcast %shift_right_logical3A_390 : i32 to vector<16xi32>
        %shift_right_logical3A_392 = arith.shrui %add3A_389, %shift_right_logical3A_391 : vector<16xi32>
        %add3A_393 = arith.constant 32768 : i32
        %add3A_394 = vector.broadcast %add3A_393 : i32 to vector<16xi32>
        %add3A_395 = arith.addi %bitcast_convert_type3A_386, %add3A_394 : vector<16xi32>
        %and3A_396 = arith.constant -65536 : i32
        %and3A_397 = vector.broadcast %and3A_396 : i32 to vector<16xi32>
        %and3A_398 = arith.andi %add3A_395, %and3A_397 : vector<16xi32>
        %or3A_399 = arith.ori %shift_right_logical3A_392, %and3A_398 : vector<16xi32>
        %bitcast_convert_type3A_400 = tpu.bitcast %or3A_399 : vector<16xi32> -> vector<16xi32>
        %swap3A_401 = arith.index_cast %scan3A_294 : i32 to index
        %swap3A_402 = arith.constant 32 : index
        %swap3A_403 = tpu.vector_load %arg36[%swap3A_401, %swap3A_402] {strides = array<i32>} : memref<40x64xi32, #tpu.memory_space<vmem>>, vector<1x16xi32>,
        %swap3A_404 = vector.shape_cast %swap3A_403 : vector<1x16xi32> to vector<16xi32>
        %swap3A_405 = vector.shape_cast %bitcast_convert_type3A_400 : vector<16xi32> to vector<1x16xi32>
        tpu.vector_store %arg36[%swap3A_401, %swap3A_402], %swap3A_405 {strides = array<i32>} : memref<40x64xi32, #tpu.memory_space<vmem>>, vector<1x16xi32>,
        %get3A_406 = arith.index_cast %scan3A_294 : i32 to index
        %get3A_407 = arith.constant 48 : index
        %get3A_408 = tpu.vector_load %arg29[%get3A_406, %get3A_407] {strides = array<i32>} : memref<40x128xf32, #tpu.memory_space<vmem>>, vector<1x16xf32>,
        %get3A_409 = vector.shape_cast %get3A_408 : vector<1x16xf32> to vector<16xf32>
        %get3A_410 = arith.index_cast %scan3A_294 : i32 to index
        %get3A_411 = arith.constant 48 : index
        %get3A_412 = tpu.vector_load %arg30[%get3A_410, %get3A_411] {strides = array<i32>} : memref<40x128xf32, #tpu.memory_space<vmem>>, vector<1x16xf32>,
        %get3A_413 = vector.shape_cast %get3A_412 : vector<1x16xf32> to vector<16xf32>
        %add3A_414 = arith.addf %get3A_409, %get3A_413 : vector<16xf32>
        %get3A_415 = arith.index_cast %scan3A_294 : i32 to index
        %get3A_416 = arith.constant 112 : index
        %get3A_417 = tpu.vector_load %arg29[%get3A_415, %get3A_416] {strides = array<i32>} : memref<40x128xf32, #tpu.memory_space<vmem>>, vector<1x16xf32>,
        %get3A_418 = vector.shape_cast %get3A_417 : vector<1x16xf32> to vector<16xf32>
        %get3A_419 = arith.index_cast %scan3A_294 : i32 to index
        %get3A_420 = arith.constant 112 : index
        %get3A_421 = tpu.vector_load %arg30[%get3A_419, %get3A_420] {strides = array<i32>} : memref<40x128xf32, #tpu.memory_space<vmem>>, vector<1x16xf32>,
        %get3A_422 = vector.shape_cast %get3A_421 : vector<1x16xf32> to vector<16xf32>
        %add3A_423 = arith.addf %get3A_418, %get3A_422 : vector<16xf32>
        %bitcast_convert_type3A_424 = tpu.bitcast %add3A_414 : vector<16xf32> -> vector<16xi32>
        %bitcast_convert_type3A_425 = tpu.bitcast %add3A_423 : vector<16xf32> -> vector<16xi32>
        %add3A_426 = arith.constant 32768 : i32
        %add3A_427 = vector.broadcast %add3A_426 : i32 to vector<16xi32>
        %add3A_428 = arith.addi %bitcast_convert_type3A_424, %add3A_427 : vector<16xi32>
        %shift_right_logical3A_429 = arith.constant 16 : i32
        %shift_right_logical3A_430 = vector.broadcast %shift_right_logical3A_429 : i32 to vector<16xi32>
        %shift_right_logical3A_431 = arith.shrui %add3A_428, %shift_right_logical3A_430 : vector<16xi32>
        %add3A_432 = arith.constant 32768 : i32
        %add3A_433 = vector.broadcast %add3A_432 : i32 to vector<16xi32>
        %add3A_434 = arith.addi %bitcast_convert_type3A_425, %add3A_433 : vector<16xi32>
        %and3A_435 = arith.constant -65536 : i32
        %and3A_436 = vector.broadcast %and3A_435 : i32 to vector<16xi32>
        %and3A_437 = arith.andi %add3A_434, %and3A_436 : vector<16xi32>
        %or3A_438 = arith.ori %shift_right_logical3A_431, %and3A_437 : vector<16xi32>
        %bitcast_convert_type3A_439 = tpu.bitcast %or3A_438 : vector<16xi32> -> vector<16xi32>
        %swap3A_440 = arith.index_cast %scan3A_294 : i32 to index
        %swap3A_441 = arith.constant 48 : index
        %swap3A_442 = tpu.vector_load %arg36[%swap3A_440, %swap3A_441] {strides = array<i32>} : memref<40x64xi32, #tpu.memory_space<vmem>>, vector<1x16xi32>,
        %swap3A_443 = vector.shape_cast %swap3A_442 : vector<1x16xi32> to vector<16xi32>
        %swap3A_444 = vector.shape_cast %bitcast_convert_type3A_439 : vector<16xi32> to vector<1x16xi32>
        tpu.vector_store %arg36[%swap3A_440, %swap3A_441], %swap3A_444 {strides = array<i32>} : memref<40x64xi32, #tpu.memory_space<vmem>>, vector<1x16xi32>,
      }
      %scan3A_256 = arith.constant 40 : i32
      %mul3A_257 = arith.constant 5000 : i32
      %mul3A_258 = arith.muli %add3A, %mul3A_257 : i32
      %mul3A_259 = arith.constant 40 : i32
      %mul3A_260 = arith.muli %add3A_244, %mul3A_259 : i32
      %add3A_261 = arith.addi %mul3A_258, %mul3A_260 : i32
      %dma_start3A_262 = arith.constant 0 : i32
      %dma_start3A_263 = tpu.memref_slice %arg6[%add3A_261, %dma_start3A_262] : memref<160000x64xi32, #tpu.memory_space<hbm>> -> memref<40x64xi32, #tpu.memory_space<hbm>>
      %dma_start3A_264 = arith.constant 0 : i32
      %dma_start3A_265 = tpu.memref_slice %arg6[%add3A_261, %dma_start3A_264] : memref<160000x64xi32, #tpu.memory_space<hbm>> -> memref<40x64xi32, #tpu.memory_space<hbm>>
      tpu.enqueue_dma source(%arg36 : memref<40x64xi32, #tpu.memory_space<vmem>>) target(%dma_start3A_265 : memref<40x64xi32, #tpu.memory_space<hbm>>) target_semaphore(%arg35 : memref<!tpu.dma_semaphore, #tpu.memory_space<semaphore_mem>>)
      %mul3A_266 = arith.constant 4 : i32
      %mul3A_267 = arith.muli %mul3A_266, %scan3A_145 : i32
      %add3A_268 = arith.constant 3 : i32
      %add3A_269 = arith.addi %mul3A_267, %add3A_268 : i32
      %dma_wait3A_270 = arith.constant 0 : i32
      %dma_wait3A_271 = arith.constant 0 : i32
      %dma_wait3A_272 = tpu.memref_slice %arg2[%dma_wait3A_270, %dma_wait3A_271] : memref<10000x128xf32, #tpu.memory_space<hbm>> -> memref<10000x128xf32, #tpu.memory_space<hbm>>
      tpu.wait_indirect_dma semaphore(%arg43 : memref<!tpu.dma_semaphore, #tpu.memory_space<semaphore_mem>>) src(%dma_wait3A_272 : memref<10000x128xf32, #tpu.memory_space<hbm>>) dst(%arg39 : memref<40x128xf32, #tpu.memory_space<vmem>>)
      %dma_wait3A_273 = arith.constant 0 : i32
      %dma_wait3A_274 = arith.constant 0 : i32
      %dma_wait3A_275 = tpu.memref_slice %arg3[%dma_wait3A_273, %dma_wait3A_274] : memref<10000x128xf32, #tpu.memory_space<hbm>> -> memref<10000x128xf32, #tpu.memory_space<hbm>>
      tpu.wait_indirect_dma semaphore(%arg44 : memref<!tpu.dma_semaphore, #tpu.memory_space<semaphore_mem>>) src(%dma_wait3A_275 : memref<10000x128xf32, #tpu.memory_space<hbm>>) dst(%arg40 : memref<40x128xf32, #tpu.memory_space<vmem>>)
      %scan3A_276 = arith.constant 0 : i32
      %scan3A_277 = arith.constant 0 : i32
      %scan3A_278 = arith.constant 40 : i32
      %scan3A_279 = arith.addi %scan3A_277, %scan3A_278 : i32
      %scan3A_280 = arith.constant 1 : i32
      scf.for %scan3A_294 = %scan3A_277 to %scan3A_279 step %scan3A_280  : i32 {
        %get3A = arith.index_cast %scan3A_294 : i32 to index
        %get3A_295 = arith.constant 0 : index
        %get3A_296 = tpu.vector_load %arg39[%get3A, %get3A_295] {strides = array<i32>} : memref<40x128xf32, #tpu.memory_space<vmem>>, vector<1x16xf32>,
        %get3A_297 = vector.shape_cast %get3A_296 : vector<1x16xf32> to vector<16xf32>
        %get3A_298 = arith.index_cast %scan3A_294 : i32 to index
        %get3A_299 = arith.constant 0 : index
        %get3A_300 = tpu.vector_load %arg40[%get3A_298, %get3A_299] {strides = array<i32>} : memref<40x128xf32, #tpu.memory_space<vmem>>, vector<1x16xf32>,
        %get3A_301 = vector.shape_cast %get3A_300 : vector<1x16xf32> to vector<16xf32>
        %add3A_302 = arith.addf %get3A_297, %get3A_301 : vector<16xf32>
        %get3A_303 = arith.index_cast %scan3A_294 : i32 to index
        %get3A_304 = arith.constant 64 : index
        %get3A_305 = tpu.vector_load %arg39[%get3A_303, %get3A_304] {strides = array<i32>} : memref<40x128xf32, #tpu.memory_space<vmem>>, vector<1x16xf32>,
        %get3A_306 = vector.shape_cast %get3A_305 : vector<1x16xf32> to vector<16xf32>
        %get3A_307 = arith.index_cast %scan3A_294 : i32 to index
        %get3A_308 = arith.constant 64 : index
        %get3A_309 = tpu.vector_load %arg40[%get3A_307, %get3A_308] {strides = array<i32>} : memref<40x128xf32, #tpu.memory_space<vmem>>, vector<1x16xf32>,
        %get3A_310 = vector.shape_cast %get3A_309 : vector<1x16xf32> to vector<16xf32>
        %add3A_311 = arith.addf %get3A_306, %get3A_310 : vector<16xf32>
        %bitcast_convert_type3A = tpu.bitcast %add3A_302 : vector<16xf32> -> vector<16xi32>
        %bitcast_convert_type3A_312 = tpu.bitcast %add3A_311 : vector<16xf32> -> vector<16xi32>
        %add3A_313 = arith.constant 32768 : i32
        %add3A_314 = vector.broadcast %add3A_313 : i32 to vector<16xi32>
        %add3A_315 = arith.addi %bitcast_convert_type3A, %add3A_314 : vector<16xi32>
        %shift_right_logical3A = arith.constant 16 : i32
        %shift_right_logical3A_316 = vector.broadcast %shift_right_logical3A : i32 to vector<16xi32>
        %shift_right_logical3A_317 = arith.shrui %add3A_315, %shift_right_logical3A_316 : vector<16xi32>
        %add3A_318 = arith.constant 32768 : i32
        %add3A_319 = vector.broadcast %add3A_318 : i32 to vector<16xi32>
        %add3A_320 = arith.addi %bitcast_convert_type3A_312, %add3A_319 : vector<16xi32>
        %and3A = arith.constant -65536 : i32
        %and3A_321 = vector.broadcast %and3A : i32 to vector<16xi32>
        %and3A_322 = arith.andi %add3A_320, %and3A_321 : vector<16xi32>
        %or3A = arith.ori %shift_right_logical3A_317, %and3A_322 : vector<16xi32>
        %bitcast_convert_type3A_323 = tpu.bitcast %or3A : vector<16xi32> -> vector<16xi32>
        %swap3A = arith.index_cast %scan3A_294 : i32 to index
        %swap3A_324 = arith.constant 0 : index
        %swap3A_325 = tpu.vector_load %arg46[%swap3A, %swap3A_324] {strides = array<i32>} : memref<40x64xi32, #tpu.memory_space<vmem>>, vector<1x16xi32>,
        %swap3A_326 = vector.shape_cast %swap3A_325 : vector<1x16xi32> to vector<16xi32>
        %swap3A_327 = vector.shape_cast %bitcast_convert_type3A_323 : vector<16xi32> to vector<1x16xi32>
        tpu.vector_store %arg46[%swap3A, %swap3A_324], %swap3A_327 {strides = array<i32>} : memref<40x64xi32, #tpu.memory_space<vmem>>, vector<1x16xi32>,
        %get3A_328 = arith.index_cast %scan3A_294 : i32 to index
        %get3A_329 = arith.constant 16 : index
        %get3A_330 = tpu.vector_load %arg39[%get3A_328, %get3A_329] {strides = array<i32>} : memref<40x128xf32, #tpu.memory_space<vmem>>, vector<1x16xf32>,
        %get3A_331 = vector.shape_cast %get3A_330 : vector<1x16xf32> to vector<16xf32>
        %get3A_332 = arith.index_cast %scan3A_294 : i32 to index
        %get3A_333 = arith.constant 16 : index
        %get3A_334 = tpu.vector_load %arg40[%get3A_332, %get3A_333] {strides = array<i32>} : memref<40x128xf32, #tpu.memory_space<vmem>>, vector<1x16xf32>,
        %get3A_335 = vector.shape_cast %get3A_334 : vector<1x16xf32> to vector<16xf32>
        %add3A_336 = arith.addf %get3A_331, %get3A_335 : vector<16xf32>
        %get3A_337 = arith.index_cast %scan3A_294 : i32 to index
        %get3A_338 = arith.constant 80 : index
        %get3A_339 = tpu.vector_load %arg39[%get3A_337, %get3A_338] {strides = array<i32>} : memref<40x128xf32, #tpu.memory_space<vmem>>, vector<1x16xf32>,
        %get3A_340 = vector.shape_cast %get3A_339 : vector<1x16xf32> to vector<16xf32>
        %get3A_341 = arith.index_cast %scan3A_294 : i32 to index
        %get3A_342 = arith.constant 80 : index
        %get3A_343 = tpu.vector_load %arg40[%get3A_341, %get3A_342] {strides = array<i32>} : memref<40x128xf32, #tpu.memory_space<vmem>>, vector<1x16xf32>,
        %get3A_344 = vector.shape_cast %get3A_343 : vector<1x16xf32> to vector<16xf32>
        %add3A_345 = arith.addf %get3A_340, %get3A_344 : vector<16xf32>
        %bitcast_convert_type3A_346 = tpu.bitcast %add3A_336 : vector<16xf32> -> vector<16xi32>
        %bitcast_convert_type3A_347 = tpu.bitcast %add3A_345 : vector<16xf32> -> vector<16xi32>
        %add3A_348 = arith.constant 32768 : i32
        %add3A_349 = vector.broadcast %add3A_348 : i32 to vector<16xi32>
        %add3A_350 = arith.addi %bitcast_convert_type3A_346, %add3A_349 : vector<16xi32>
        %shift_right_logical3A_351 = arith.constant 16 : i32
        %shift_right_logical3A_352 = vector.broadcast %shift_right_logical3A_351 : i32 to vector<16xi32>
        %shift_right_logical3A_353 = arith.shrui %add3A_350, %shift_right_logical3A_352 : vector<16xi32>
        %add3A_354 = arith.constant 32768 : i32
        %add3A_355 = vector.broadcast %add3A_354 : i32 to vector<16xi32>
        %add3A_356 = arith.addi %bitcast_convert_type3A_347, %add3A_355 : vector<16xi32>
        %and3A_357 = arith.constant -65536 : i32
        %and3A_358 = vector.broadcast %and3A_357 : i32 to vector<16xi32>
        %and3A_359 = arith.andi %add3A_356, %and3A_358 : vector<16xi32>
        %or3A_360 = arith.ori %shift_right_logical3A_353, %and3A_359 : vector<16xi32>
        %bitcast_convert_type3A_361 = tpu.bitcast %or3A_360 : vector<16xi32> -> vector<16xi32>
        %swap3A_362 = arith.index_cast %scan3A_294 : i32 to index
        %swap3A_363 = arith.constant 16 : index
        %swap3A_364 = tpu.vector_load %arg46[%swap3A_362, %swap3A_363] {strides = array<i32>} : memref<40x64xi32, #tpu.memory_space<vmem>>, vector<1x16xi32>,
        %swap3A_365 = vector.shape_cast %swap3A_364 : vector<1x16xi32> to vector<16xi32>
        %swap3A_366 = vector.shape_cast %bitcast_convert_type3A_361 : vector<16xi32> to vector<1x16xi32>
        tpu.vector_store %arg46[%swap3A_362, %swap3A_363], %swap3A_366 {strides = array<i32>} : memref<40x64xi32, #tpu.memory_space<vmem>>, vector<1x16xi32>,
        %get3A_367 = arith.index_cast %scan3A_294 : i32 to index
        %get3A_368 = arith.constant 32 : index
        %get3A_369 = tpu.vector_load %arg39[%get3A_367, %get3A_368] {strides = array<i32>} : memref<40x128xf32, #tpu.memory_space<vmem>>, vector<1x16xf32>,
        %get3A_370 = vector.shape_cast %get3A_369 : vector<1x16xf32> to vector<16xf32>
        %get3A_371 = arith.index_cast %scan3A_294 : i32 to index
        %get3A_372 = arith.constant 32 : index
        %get3A_373 = tpu.vector_load %arg40[%get3A_371, %get3A_372] {strides = array<i32>} : memref<40x128xf32, #tpu.memory_space<vmem>>, vector<1x16xf32>,
        %get3A_374 = vector.shape_cast %get3A_373 : vector<1x16xf32> to vector<16xf32>
        %add3A_375 = arith.addf %get3A_370, %get3A_374 : vector<16xf32>
        %get3A_376 = arith.index_cast %scan3A_294 : i32 to index
        %get3A_377 = arith.constant 96 : index
        %get3A_378 = tpu.vector_load %arg39[%get3A_376, %get3A_377] {strides = array<i32>} : memref<40x128xf32, #tpu.memory_space<vmem>>, vector<1x16xf32>,
        %get3A_379 = vector.shape_cast %get3A_378 : vector<1x16xf32> to vector<16xf32>
        %get3A_380 = arith.index_cast %scan3A_294 : i32 to index
        %get3A_381 = arith.constant 96 : index
        %get3A_382 = tpu.vector_load %arg40[%get3A_380, %get3A_381] {strides = array<i32>} : memref<40x128xf32, #tpu.memory_space<vmem>>, vector<1x16xf32>,
        %get3A_383 = vector.shape_cast %get3A_382 : vector<1x16xf32> to vector<16xf32>
        %add3A_384 = arith.addf %get3A_379, %get3A_383 : vector<16xf32>
        %bitcast_convert_type3A_385 = tpu.bitcast %add3A_375 : vector<16xf32> -> vector<16xi32>
        %bitcast_convert_type3A_386 = tpu.bitcast %add3A_384 : vector<16xf32> -> vector<16xi32>
        %add3A_387 = arith.constant 32768 : i32
        %add3A_388 = vector.broadcast %add3A_387 : i32 to vector<16xi32>
        %add3A_389 = arith.addi %bitcast_convert_type3A_385, %add3A_388 : vector<16xi32>
        %shift_right_logical3A_390 = arith.constant 16 : i32
        %shift_right_logical3A_391 = vector.broadcast %shift_right_logical3A_390 : i32 to vector<16xi32>
        %shift_right_logical3A_392 = arith.shrui %add3A_389, %shift_right_logical3A_391 : vector<16xi32>
        %add3A_393 = arith.constant 32768 : i32
        %add3A_394 = vector.broadcast %add3A_393 : i32 to vector<16xi32>
        %add3A_395 = arith.addi %bitcast_convert_type3A_386, %add3A_394 : vector<16xi32>
        %and3A_396 = arith.constant -65536 : i32
        %and3A_397 = vector.broadcast %and3A_396 : i32 to vector<16xi32>
        %and3A_398 = arith.andi %add3A_395, %and3A_397 : vector<16xi32>
        %or3A_399 = arith.ori %shift_right_logical3A_392, %and3A_398 : vector<16xi32>
        %bitcast_convert_type3A_400 = tpu.bitcast %or3A_399 : vector<16xi32> -> vector<16xi32>
        %swap3A_401 = arith.index_cast %scan3A_294 : i32 to index
        %swap3A_402 = arith.constant 32 : index
        %swap3A_403 = tpu.vector_load %arg46[%swap3A_401, %swap3A_402] {strides = array<i32>} : memref<40x64xi32, #tpu.memory_space<vmem>>, vector<1x16xi32>,
        %swap3A_404 = vector.shape_cast %swap3A_403 : vector<1x16xi32> to vector<16xi32>
        %swap3A_405 = vector.shape_cast %bitcast_convert_type3A_400 : vector<16xi32> to vector<1x16xi32>
        tpu.vector_store %arg46[%swap3A_401, %swap3A_402], %swap3A_405 {strides = array<i32>} : memref<40x64xi32, #tpu.memory_space<vmem>>, vector<1x16xi32>,
        %get3A_406 = arith.index_cast %scan3A_294 : i32 to index
        %get3A_407 = arith.constant 48 : index
        %get3A_408 = tpu.vector_load %arg39[%get3A_406, %get3A_407] {strides = array<i32>} : memref<40x128xf32, #tpu.memory_space<vmem>>, vector<1x16xf32>,
        %get3A_409 = vector.shape_cast %get3A_408 : vector<1x16xf32> to vector<16xf32>
        %get3A_410 = arith.index_cast %scan3A_294 : i32 to index
        %get3A_411 = arith.constant 48 : index
        %get3A_412 = tpu.vector_load %arg40[%get3A_410, %get3A_411] {strides = array<i32>} : memref<40x128xf32, #tpu.memory_space<vmem>>, vector<1x16xf32>,
        %get3A_413 = vector.shape_cast %get3A_412 : vector<1x16xf32> to vector<16xf32>
        %add3A_414 = arith.addf %get3A_409, %get3A_413 : vector<16xf32>
        %get3A_415 = arith.index_cast %scan3A_294 : i32 to index
        %get3A_416 = arith.constant 112 : index
        %get3A_417 = tpu.vector_load %arg39[%get3A_415, %get3A_416] {strides = array<i32>} : memref<40x128xf32, #tpu.memory_space<vmem>>, vector<1x16xf32>,
        %get3A_418 = vector.shape_cast %get3A_417 : vector<1x16xf32> to vector<16xf32>
        %get3A_419 = arith.index_cast %scan3A_294 : i32 to index
        %get3A_420 = arith.constant 112 : index
        %get3A_421 = tpu.vector_load %arg40[%get3A_419, %get3A_420] {strides = array<i32>} : memref<40x128xf32, #tpu.memory_space<vmem>>, vector<1x16xf32>,
        %get3A_422 = vector.shape_cast %get3A_421 : vector<1x16xf32> to vector<16xf32>
        %add3A_423 = arith.addf %get3A_418, %get3A_422 : vector<16xf32>
        %bitcast_convert_type3A_424 = tpu.bitcast %add3A_414 : vector<16xf32> -> vector<16xi32>
        %bitcast_convert_type3A_425 = tpu.bitcast %add3A_423 : vector<16xf32> -> vector<16xi32>
        %add3A_426 = arith.constant 32768 : i32
        %add3A_427 = vector.broadcast %add3A_426 : i32 to vector<16xi32>
        %add3A_428 = arith.addi %bitcast_convert_type3A_424, %add3A_427 : vector<16xi32>
        %shift_right_logical3A_429 = arith.constant 16 : i32
        %shift_right_logical3A_430 = vector.broadcast %shift_right_logical3A_429 : i32 to vector<16xi32>
        %shift_right_logical3A_431 = arith.shrui %add3A_428, %shift_right_logical3A_430 : vector<16xi32>
        %add3A_432 = arith.constant 32768 : i32
        %add3A_433 = vector.broadcast %add3A_432 : i32 to vector<16xi32>
        %add3A_434 = arith.addi %bitcast_convert_type3A_425, %add3A_433 : vector<16xi32>
        %and3A_435 = arith.constant -65536 : i32
        %and3A_436 = vector.broadcast %and3A_435 : i32 to vector<16xi32>
        %and3A_437 = arith.andi %add3A_434, %and3A_436 : vector<16xi32>
        %or3A_438 = arith.ori %shift_right_logical3A_431, %and3A_437 : vector<16xi32>
        %bitcast_convert_type3A_439 = tpu.bitcast %or3A_438 : vector<16xi32> -> vector<16xi32>
        %swap3A_440 = arith.index_cast %scan3A_294 : i32 to index
        %swap3A_441 = arith.constant 48 : index
        %swap3A_442 = tpu.vector_load %arg46[%swap3A_440, %swap3A_441] {strides = array<i32>} : memref<40x64xi32, #tpu.memory_space<vmem>>, vector<1x16xi32>,
        %swap3A_443 = vector.shape_cast %swap3A_442 : vector<1x16xi32> to vector<16xi32>
        %swap3A_444 = vector.shape_cast %bitcast_convert_type3A_439 : vector<16xi32> to vector<1x16xi32>
        tpu.vector_store %arg46[%swap3A_440, %swap3A_441], %swap3A_444 {strides = array<i32>} : memref<40x64xi32, #tpu.memory_space<vmem>>, vector<1x16xi32>,
      }
      %scan3A_281 = arith.constant 40 : i32
      %mul3A_282 = arith.constant 5000 : i32
      %mul3A_283 = arith.muli %add3A, %mul3A_282 : i32
      %mul3A_284 = arith.constant 40 : i32
      %mul3A_285 = arith.muli %add3A_269, %mul3A_284 : i32
      %add3A_286 = arith.addi %mul3A_283, %mul3A_285 : i32
      %dma_start3A_287 = arith.constant 0 : i32
      %dma_start3A_288 = tpu.memref_slice %arg6[%add3A_286, %dma_start3A_287] : memref<160000x64xi32, #tpu.memory_space<hbm>> -> memref<40x64xi32, #tpu.memory_space<hbm>>
      %dma_start3A_289 = arith.constant 0 : i32
      %dma_start3A_290 = tpu.memref_slice %arg6[%add3A_286, %dma_start3A_289] : memref<160000x64xi32, #tpu.memory_space<hbm>> -> memref<40x64xi32, #tpu.memory_space<hbm>>
      tpu.enqueue_dma source(%arg46 : memref<40x64xi32, #tpu.memory_space<vmem>>) target(%dma_start3A_290 : memref<40x64xi32, #tpu.memory_space<hbm>>) target_semaphore(%arg45 : memref<!tpu.dma_semaphore, #tpu.memory_space<semaphore_mem>>)
      %convert_element_type3A_291 = arith.extui %lt3A_148 : i1 to i32
      %cond3A_292 = arith.constant 0 : i32
      %cond3A_293 = arith.cmpi ne, %convert_element_type3A_291, %cond3A_292 : i32
      scf.if %cond3A_293 {
        %dma_wait3A_294 = arith.constant 0 : i32
        %dma_wait3A_295 = tpu.memref_slice %arg4[%dma_wait3A_294] : memref<160000xi32, #tpu.memory_space<hbm>> -> memref<40xi32, #tpu.memory_space<hbm>>
        %dma_wait3A_296 = arith.constant 0 : i32
        %dma_wait3A_297 = tpu.memref_slice %arg4[%dma_wait3A_296] : memref<160000xi32, #tpu.memory_space<hbm>> -> memref<40xi32, #tpu.memory_space<hbm>>
        tpu.wait_dma2 semaphore(%arg11 : memref<!tpu.dma_semaphore, #tpu.memory_space<semaphore_mem>>) src(%dma_wait3A_297 : memref<40xi32, #tpu.memory_space<hbm>>) dst(%arg7 : memref<40xi32, #tpu.memory_space<vmem>>)
        %dma_wait3A_298 = arith.constant 0 : i32
        %dma_wait3A_299 = tpu.memref_slice %arg5[%dma_wait3A_298] : memref<160000xi32, #tpu.memory_space<hbm>> -> memref<40xi32, #tpu.memory_space<hbm>>
        %dma_wait3A_300 = arith.constant 0 : i32
        %dma_wait3A_301 = tpu.memref_slice %arg5[%dma_wait3A_300] : memref<160000xi32, #tpu.memory_space<hbm>> -> memref<40xi32, #tpu.memory_space<hbm>>
        tpu.wait_dma2 semaphore(%arg12 : memref<!tpu.dma_semaphore, #tpu.memory_space<semaphore_mem>>) src(%dma_wait3A_301 : memref<40xi32, #tpu.memory_space<hbm>>) dst(%arg8 : memref<40xi32, #tpu.memory_space<vmem>>)
        %not3A_302 = arith.constant false
        %not3A_303 = arith.constant true
        %not3A_304 = arith.xori %not3A_302, %not3A_303 : i1
        %convert_element_type3A_305 = arith.extui %not3A_304 : i1 to i32
        %cond3A_306 = arith.constant 0 : i32
        %cond3A_307 = arith.cmpi ne, %convert_element_type3A_305, %cond3A_306 : i32
        scf.if %cond3A_307 {
          %dma_wait3A_360 = arith.constant 0 : i32
          %dma_wait3A_361 = arith.constant 0 : i32
          %dma_wait3A_362 = tpu.memref_slice %arg6[%dma_wait3A_360, %dma_wait3A_361] : memref<160000x64xi32, #tpu.memory_space<hbm>> -> memref<40x64xi32, #tpu.memory_space<hbm>>
          %dma_wait3A_363 = arith.constant 0 : i32
          %dma_wait3A_364 = arith.constant 0 : i32
          %dma_wait3A_365 = tpu.memref_slice %arg6[%dma_wait3A_363, %dma_wait3A_364] : memref<160000x64xi32, #tpu.memory_space<hbm>> -> memref<40x64xi32, #tpu.memory_space<hbm>>
          tpu.wait_dma2 semaphore(%arg15 : memref<!tpu.dma_semaphore, #tpu.memory_space<semaphore_mem>>) src(%arg16 : memref<40x64xi32, #tpu.memory_space<vmem>>) dst(%dma_wait3A_365 : memref<40x64xi32, #tpu.memory_space<hbm>>)
        } else {
        }
        %dma_start3A_308 = arith.constant 0 : i32
        %dma_start3A_309 = arith.constant 0 : i32
        %dma_start3A_310 = tpu.memref_slice %arg2[%dma_start3A_308, %dma_start3A_309] : memref<10000x128xf32, #tpu.memory_space<hbm>> -> memref<10000x128xf32, #tpu.memory_space<hbm>>
        tpu.enqueue_indirect_dma source(%dma_start3A_310 : memref<10000x128xf32, #tpu.memory_space<hbm>>) target(%arg9 : memref<40x128xf32, #tpu.memory_space<vmem>>) offsets(%arg7 : memref<40xi32, #tpu.memory_space<vmem>>) semaphore(%arg13 : memref<!tpu.dma_semaphore, #tpu.memory_space<semaphore_mem>>)
        %dma_start3A_311 = arith.constant 0 : i32
        %dma_start3A_312 = arith.constant 0 : i32
        %dma_start3A_313 = tpu.memref_slice %arg3[%dma_start3A_311, %dma_start3A_312] : memref<10000x128xf32, #tpu.memory_space<hbm>> -> memref<10000x128xf32, #tpu.memory_space<hbm>>
        tpu.enqueue_indirect_dma source(%dma_start3A_313 : memref<10000x128xf32, #tpu.memory_space<hbm>>) target(%arg10 : memref<40x128xf32, #tpu.memory_space<vmem>>) offsets(%arg8 : memref<40xi32, #tpu.memory_space<vmem>>) semaphore(%arg14 : memref<!tpu.dma_semaphore, #tpu.memory_space<semaphore_mem>>)
        %dma_wait3A_314 = arith.constant 0 : i32
        %dma_wait3A_315 = tpu.memref_slice %arg4[%dma_wait3A_314] : memref<160000xi32, #tpu.memory_space<hbm>> -> memref<40xi32, #tpu.memory_space<hbm>>
        %dma_wait3A_316 = arith.constant 0 : i32
        %dma_wait3A_317 = tpu.memref_slice %arg4[%dma_wait3A_316] : memref<160000xi32, #tpu.memory_space<hbm>> -> memref<40xi32, #tpu.memory_space<hbm>>
        tpu.wait_dma2 semaphore(%arg21 : memref<!tpu.dma_semaphore, #tpu.memory_space<semaphore_mem>>) src(%dma_wait3A_317 : memref<40xi32, #tpu.memory_space<hbm>>) dst(%arg17 : memref<40xi32, #tpu.memory_space<vmem>>)
        %dma_wait3A_318 = arith.constant 0 : i32
        %dma_wait3A_319 = tpu.memref_slice %arg5[%dma_wait3A_318] : memref<160000xi32, #tpu.memory_space<hbm>> -> memref<40xi32, #tpu.memory_space<hbm>>
        %dma_wait3A_320 = arith.constant 0 : i32
        %dma_wait3A_321 = tpu.memref_slice %arg5[%dma_wait3A_320] : memref<160000xi32, #tpu.memory_space<hbm>> -> memref<40xi32, #tpu.memory_space<hbm>>
        tpu.wait_dma2 semaphore(%arg22 : memref<!tpu.dma_semaphore, #tpu.memory_space<semaphore_mem>>) src(%dma_wait3A_321 : memref<40xi32, #tpu.memory_space<hbm>>) dst(%arg18 : memref<40xi32, #tpu.memory_space<vmem>>)
        %not3A_322 = arith.constant false
        %not3A_323 = arith.constant true
        %not3A_324 = arith.xori %not3A_322, %not3A_323 : i1
        %convert_element_type3A_325 = arith.extui %not3A_324 : i1 to i32
        %cond3A_326 = arith.constant 0 : i32
        %cond3A_327 = arith.cmpi ne, %convert_element_type3A_325, %cond3A_326 : i32
        scf.if %cond3A_327 {
          %dma_wait3A_360 = arith.constant 0 : i32
          %dma_wait3A_361 = arith.constant 0 : i32
          %dma_wait3A_362 = tpu.memref_slice %arg6[%dma_wait3A_360, %dma_wait3A_361] : memref<160000x64xi32, #tpu.memory_space<hbm>> -> memref<40x64xi32, #tpu.memory_space<hbm>>
          %dma_wait3A_363 = arith.constant 0 : i32
          %dma_wait3A_364 = arith.constant 0 : i32
          %dma_wait3A_365 = tpu.memref_slice %arg6[%dma_wait3A_363, %dma_wait3A_364] : memref<160000x64xi32, #tpu.memory_space<hbm>> -> memref<40x64xi32, #tpu.memory_space<hbm>>
          tpu.wait_dma2 semaphore(%arg25 : memref<!tpu.dma_semaphore, #tpu.memory_space<semaphore_mem>>) src(%arg26 : memref<40x64xi32, #tpu.memory_space<vmem>>) dst(%dma_wait3A_365 : memref<40x64xi32, #tpu.memory_space<hbm>>)
        } else {
        }
        %dma_start3A_328 = arith.constant 0 : i32
        %dma_start3A_329 = arith.constant 0 : i32
        %dma_start3A_330 = tpu.memref_slice %arg2[%dma_start3A_328, %dma_start3A_329] : memref<10000x128xf32, #tpu.memory_space<hbm>> -> memref<10000x128xf32, #tpu.memory_space<hbm>>
        tpu.enqueue_indirect_dma source(%dma_start3A_330 : memref<10000x128xf32, #tpu.memory_space<hbm>>) target(%arg19 : memref<40x128xf32, #tpu.memory_space<vmem>>) offsets(%arg17 : memref<40xi32, #tpu.memory_space<vmem>>) semaphore(%arg23 : memref<!tpu.dma_semaphore, #tpu.memory_space<semaphore_mem>>)
        %dma_start3A_331 = arith.constant 0 : i32
        %dma_start3A_332 = arith.constant 0 : i32
        %dma_start3A_333 = tpu.memref_slice %arg3[%dma_start3A_331, %dma_start3A_332] : memref<10000x128xf32, #tpu.memory_space<hbm>> -> memref<10000x128xf32, #tpu.memory_space<hbm>>
        tpu.enqueue_indirect_dma source(%dma_start3A_333 : memref<10000x128xf32, #tpu.memory_space<hbm>>) target(%arg20 : memref<40x128xf32, #tpu.memory_space<vmem>>) offsets(%arg18 : memref<40xi32, #tpu.memory_space<vmem>>) semaphore(%arg24 : memref<!tpu.dma_semaphore, #tpu.memory_space<semaphore_mem>>)
        %mul3A_334 = arith.constant 4 : i32
        %mul3A_335 = arith.muli %mul3A_334, %scan3A_145 : i32
        %add3A_336 = arith.constant 6 : i32
        %add3A_337 = arith.addi %mul3A_335, %add3A_336 : i32
        %mul3A_338 = arith.constant 5000 : i32
        %mul3A_339 = arith.muli %add3A, %mul3A_338 : i32
        %mul3A_340 = arith.constant 40 : i32
        %mul3A_341 = arith.muli %add3A_337, %mul3A_340 : i32
        %add3A_342 = arith.addi %mul3A_339, %mul3A_341 : i32
        %dma_start3A_343 = tpu.memref_slice %arg4[%add3A_342] : memref<160000xi32, #tpu.memory_space<hbm>> -> memref<40xi32, #tpu.memory_space<hbm>>
        %dma_start3A_344 = tpu.memref_slice %arg4[%add3A_342] : memref<160000xi32, #tpu.memory_space<hbm>> -> memref<40xi32, #tpu.memory_space<hbm>>
        tpu.enqueue_dma source(%dma_start3A_344 : memref<40xi32, #tpu.memory_space<hbm>>) target(%arg27 : memref<40xi32, #tpu.memory_space<vmem>>) target_semaphore(%arg31 : memref<!tpu.dma_semaphore, #tpu.memory_space<semaphore_mem>>)
        %dma_start3A_345 = tpu.memref_slice %arg5[%add3A_342] : memref<160000xi32, #tpu.memory_space<hbm>> -> memref<40xi32, #tpu.memory_space<hbm>>
        %dma_start3A_346 = tpu.memref_slice %arg5[%add3A_342] : memref<160000xi32, #tpu.memory_space<hbm>> -> memref<40xi32, #tpu.memory_space<hbm>>
        tpu.enqueue_dma source(%dma_start3A_346 : memref<40xi32, #tpu.memory_space<hbm>>) target(%arg28 : memref<40xi32, #tpu.memory_space<vmem>>) target_semaphore(%arg32 : memref<!tpu.dma_semaphore, #tpu.memory_space<semaphore_mem>>)
        %mul3A_347 = arith.constant 4 : i32
        %mul3A_348 = arith.muli %mul3A_347, %scan3A_145 : i32
        %add3A_349 = arith.constant 7 : i32
        %add3A_350 = arith.addi %mul3A_348, %add3A_349 : i32
        %mul3A_351 = arith.constant 5000 : i32
        %mul3A_352 = arith.muli %add3A, %mul3A_351 : i32
        %mul3A_353 = arith.constant 40 : i32
        %mul3A_354 = arith.muli %add3A_350, %mul3A_353 : i32
        %add3A_355 = arith.addi %mul3A_352, %mul3A_354 : i32
        %dma_start3A_356 = tpu.memref_slice %arg4[%add3A_355] : memref<160000xi32, #tpu.memory_space<hbm>> -> memref<40xi32, #tpu.memory_space<hbm>>
        %dma_start3A_357 = tpu.memref_slice %arg4[%add3A_355] : memref<160000xi32, #tpu.memory_space<hbm>> -> memref<40xi32, #tpu.memory_space<hbm>>
        tpu.enqueue_dma source(%dma_start3A_357 : memref<40xi32, #tpu.memory_space<hbm>>) target(%arg37 : memref<40xi32, #tpu.memory_space<vmem>>) target_semaphore(%arg41 : memref<!tpu.dma_semaphore, #tpu.memory_space<semaphore_mem>>)
        %dma_start3A_358 = tpu.memref_slice %arg5[%add3A_355] : memref<160000xi32, #tpu.memory_space<hbm>> -> memref<40xi32, #tpu.memory_space<hbm>>
        %dma_start3A_359 = tpu.memref_slice %arg5[%add3A_355] : memref<160000xi32, #tpu.memory_space<hbm>> -> memref<40xi32, #tpu.memory_space<hbm>>
        tpu.enqueue_dma source(%dma_start3A_359 : memref<40xi32, #tpu.memory_space<hbm>>) target(%arg38 : memref<40xi32, #tpu.memory_space<vmem>>) target_semaphore(%arg42 : memref<!tpu.dma_semaphore, #tpu.memory_space<semaphore_mem>>)
      } else {
      }
    }
    %scan3A_72 = arith.constant 31 : i32
    %mul3A_73 = arith.constant 5000 : i32
    %mul3A_74 = arith.muli %add3A, %mul3A_73 : i32
    %add3A_75 = arith.constant 4960 : i32
    %add3A_76 = arith.addi %mul3A_74, %add3A_75 : i32
    %dma_start3A_77 = tpu.memref_slice %arg4[%add3A_76] : memref<160000xi32, #tpu.memory_space<hbm>> -> memref<40xi32, #tpu.memory_space<hbm>>
    %dma_start3A_78 = tpu.memref_slice %arg4[%add3A_76] : memref<160000xi32, #tpu.memory_space<hbm>> -> memref<40xi32, #tpu.memory_space<hbm>>
    tpu.enqueue_dma source(%dma_start3A_78 : memref<40xi32, #tpu.memory_space<hbm>>) target(%arg7 : memref<40xi32, #tpu.memory_space<vmem>>) target_semaphore(%arg11 : memref<!tpu.dma_semaphore, #tpu.memory_space<semaphore_mem>>)
    %dma_start3A_79 = tpu.memref_slice %arg5[%add3A_76] : memref<160000xi32, #tpu.memory_space<hbm>> -> memref<40xi32, #tpu.memory_space<hbm>>
    %dma_start3A_80 = tpu.memref_slice %arg5[%add3A_76] : memref<160000xi32, #tpu.memory_space<hbm>> -> memref<40xi32, #tpu.memory_space<hbm>>
    tpu.enqueue_dma source(%dma_start3A_80 : memref<40xi32, #tpu.memory_space<hbm>>) target(%arg8 : memref<40xi32, #tpu.memory_space<vmem>>) target_semaphore(%arg12 : memref<!tpu.dma_semaphore, #tpu.memory_space<semaphore_mem>>)
    %dma_wait3A_81 = arith.constant 0 : i32
    %dma_wait3A_82 = tpu.memref_slice %arg4[%dma_wait3A_81] : memref<160000xi32, #tpu.memory_space<hbm>> -> memref<40xi32, #tpu.memory_space<hbm>>
    %dma_wait3A_83 = arith.constant 0 : i32
    %dma_wait3A_84 = tpu.memref_slice %arg4[%dma_wait3A_83] : memref<160000xi32, #tpu.memory_space<hbm>> -> memref<40xi32, #tpu.memory_space<hbm>>
    tpu.wait_dma2 semaphore(%arg11 : memref<!tpu.dma_semaphore, #tpu.memory_space<semaphore_mem>>) src(%dma_wait3A_84 : memref<40xi32, #tpu.memory_space<hbm>>) dst(%arg7 : memref<40xi32, #tpu.memory_space<vmem>>)
    %dma_wait3A_85 = arith.constant 0 : i32
    %dma_wait3A_86 = tpu.memref_slice %arg5[%dma_wait3A_85] : memref<160000xi32, #tpu.memory_space<hbm>> -> memref<40xi32, #tpu.memory_space<hbm>>
    %dma_wait3A_87 = arith.constant 0 : i32
    %dma_wait3A_88 = tpu.memref_slice %arg5[%dma_wait3A_87] : memref<160000xi32, #tpu.memory_space<hbm>> -> memref<40xi32, #tpu.memory_space<hbm>>
    tpu.wait_dma2 semaphore(%arg12 : memref<!tpu.dma_semaphore, #tpu.memory_space<semaphore_mem>>) src(%dma_wait3A_88 : memref<40xi32, #tpu.memory_space<hbm>>) dst(%arg8 : memref<40xi32, #tpu.memory_space<vmem>>)
    %dma_wait3A_89 = arith.constant 0 : i32
    %dma_wait3A_90 = arith.constant 0 : i32
    %dma_wait3A_91 = tpu.memref_slice %arg6[%dma_wait3A_89, %dma_wait3A_90] : memref<160000x64xi32, #tpu.memory_space<hbm>> -> memref<40x64xi32, #tpu.memory_space<hbm>>
    %dma_wait3A_92 = arith.constant 0 : i32
    %dma_wait3A_93 = arith.constant 0 : i32
    %dma_wait3A_94 = tpu.memref_slice %arg6[%dma_wait3A_92, %dma_wait3A_93] : memref<160000x64xi32, #tpu.memory_space<hbm>> -> memref<40x64xi32, #tpu.memory_space<hbm>>
    tpu.wait_dma2 semaphore(%arg15 : memref<!tpu.dma_semaphore, #tpu.memory_space<semaphore_mem>>) src(%arg16 : memref<40x64xi32, #tpu.memory_space<vmem>>) dst(%dma_wait3A_94 : memref<40x64xi32, #tpu.memory_space<hbm>>)
    %dma_start3A_95 = arith.constant 0 : i32
    %dma_start3A_96 = arith.constant 0 : i32
    %dma_start3A_97 = tpu.memref_slice %arg2[%dma_start3A_95, %dma_start3A_96] : memref<10000x128xf32, #tpu.memory_space<hbm>> -> memref<10000x128xf32, #tpu.memory_space<hbm>>
    tpu.enqueue_indirect_dma source(%dma_start3A_97 : memref<10000x128xf32, #tpu.memory_space<hbm>>) target(%arg9 : memref<40x128xf32, #tpu.memory_space<vmem>>) offsets(%arg7 : memref<40xi32, #tpu.memory_space<vmem>>) semaphore(%arg13 : memref<!tpu.dma_semaphore, #tpu.memory_space<semaphore_mem>>)
    %dma_start3A_98 = arith.constant 0 : i32
    %dma_start3A_99 = arith.constant 0 : i32
    %dma_start3A_100 = tpu.memref_slice %arg3[%dma_start3A_98, %dma_start3A_99] : memref<10000x128xf32, #tpu.memory_space<hbm>> -> memref<10000x128xf32, #tpu.memory_space<hbm>>
    tpu.enqueue_indirect_dma source(%dma_start3A_100 : memref<10000x128xf32, #tpu.memory_space<hbm>>) target(%arg10 : memref<40x128xf32, #tpu.memory_space<vmem>>) offsets(%arg8 : memref<40xi32, #tpu.memory_space<vmem>>) semaphore(%arg14 : memref<!tpu.dma_semaphore, #tpu.memory_space<semaphore_mem>>)
    %dma_wait3A_101 = arith.constant 0 : i32
    %dma_wait3A_102 = arith.constant 0 : i32
    %dma_wait3A_103 = tpu.memref_slice %arg2[%dma_wait3A_101, %dma_wait3A_102] : memref<10000x128xf32, #tpu.memory_space<hbm>> -> memref<10000x128xf32, #tpu.memory_space<hbm>>
    tpu.wait_indirect_dma semaphore(%arg13 : memref<!tpu.dma_semaphore, #tpu.memory_space<semaphore_mem>>) src(%dma_wait3A_103 : memref<10000x128xf32, #tpu.memory_space<hbm>>) dst(%arg9 : memref<40x128xf32, #tpu.memory_space<vmem>>)
    %dma_wait3A_104 = arith.constant 0 : i32
    %dma_wait3A_105 = arith.constant 0 : i32
    %dma_wait3A_106 = tpu.memref_slice %arg3[%dma_wait3A_104, %dma_wait3A_105] : memref<10000x128xf32, #tpu.memory_space<hbm>> -> memref<10000x128xf32, #tpu.memory_space<hbm>>
    tpu.wait_indirect_dma semaphore(%arg14 : memref<!tpu.dma_semaphore, #tpu.memory_space<semaphore_mem>>) src(%dma_wait3A_106 : memref<10000x128xf32, #tpu.memory_space<hbm>>) dst(%arg10 : memref<40x128xf32, #tpu.memory_space<vmem>>)
    %scan3A_107 = arith.constant 0 : i32
    %scan3A_108 = arith.constant 0 : i32
    %scan3A_109 = arith.constant 40 : i32
    %scan3A_110 = arith.addi %scan3A_108, %scan3A_109 : i32
    %scan3A_111 = arith.constant 1 : i32
    scf.for %scan3A_145 = %scan3A_108 to %scan3A_110 step %scan3A_111  : i32 {
      %get3A = arith.index_cast %scan3A_145 : i32 to index
      %get3A_146 = arith.constant 0 : index
      %get3A_147 = tpu.vector_load %arg9[%get3A, %get3A_146] {strides = array<i32>} : memref<40x128xf32, #tpu.memory_space<vmem>>, vector<1x16xf32>,
      %get3A_148 = vector.shape_cast %get3A_147 : vector<1x16xf32> to vector<16xf32>
      %get3A_149 = arith.index_cast %scan3A_145 : i32 to index
      %get3A_150 = arith.constant 0 : index
      %get3A_151 = tpu.vector_load %arg10[%get3A_149, %get3A_150] {strides = array<i32>} : memref<40x128xf32, #tpu.memory_space<vmem>>, vector<1x16xf32>,
      %get3A_152 = vector.shape_cast %get3A_151 : vector<1x16xf32> to vector<16xf32>
      %add3A_153 = arith.addf %get3A_148, %get3A_152 : vector<16xf32>
      %get3A_154 = arith.index_cast %scan3A_145 : i32 to index
      %get3A_155 = arith.constant 64 : index
      %get3A_156 = tpu.vector_load %arg9[%get3A_154, %get3A_155] {strides = array<i32>} : memref<40x128xf32, #tpu.memory_space<vmem>>, vector<1x16xf32>,
      %get3A_157 = vector.shape_cast %get3A_156 : vector<1x16xf32> to vector<16xf32>
      %get3A_158 = arith.index_cast %scan3A_145 : i32 to index
      %get3A_159 = arith.constant 64 : index
      %get3A_160 = tpu.vector_load %arg10[%get3A_158, %get3A_159] {strides = array<i32>} : memref<40x128xf32, #tpu.memory_space<vmem>>, vector<1x16xf32>,
      %get3A_161 = vector.shape_cast %get3A_160 : vector<1x16xf32> to vector<16xf32>
      %add3A_162 = arith.addf %get3A_157, %get3A_161 : vector<16xf32>
      %bitcast_convert_type3A = tpu.bitcast %add3A_153 : vector<16xf32> -> vector<16xi32>
      %bitcast_convert_type3A_163 = tpu.bitcast %add3A_162 : vector<16xf32> -> vector<16xi32>
      %add3A_164 = arith.constant 32768 : i32
      %add3A_165 = vector.broadcast %add3A_164 : i32 to vector<16xi32>
      %add3A_166 = arith.addi %bitcast_convert_type3A, %add3A_165 : vector<16xi32>
      %shift_right_logical3A = arith.constant 16 : i32
      %shift_right_logical3A_167 = vector.broadcast %shift_right_logical3A : i32 to vector<16xi32>
      %shift_right_logical3A_168 = arith.shrui %add3A_166, %shift_right_logical3A_167 : vector<16xi32>
      %add3A_169 = arith.constant 32768 : i32
      %add3A_170 = vector.broadcast %add3A_169 : i32 to vector<16xi32>
      %add3A_171 = arith.addi %bitcast_convert_type3A_163, %add3A_170 : vector<16xi32>
      %and3A = arith.constant -65536 : i32
      %and3A_172 = vector.broadcast %and3A : i32 to vector<16xi32>
      %and3A_173 = arith.andi %add3A_171, %and3A_172 : vector<16xi32>
      %or3A = arith.ori %shift_right_logical3A_168, %and3A_173 : vector<16xi32>
      %bitcast_convert_type3A_174 = tpu.bitcast %or3A : vector<16xi32> -> vector<16xi32>
      %swap3A = arith.index_cast %scan3A_145 : i32 to index
      %swap3A_175 = arith.constant 0 : index
      %swap3A_176 = tpu.vector_load %arg16[%swap3A, %swap3A_175] {strides = array<i32>} : memref<40x64xi32, #tpu.memory_space<vmem>>, vector<1x16xi32>,
      %swap3A_177 = vector.shape_cast %swap3A_176 : vector<1x16xi32> to vector<16xi32>
      %swap3A_178 = vector.shape_cast %bitcast_convert_type3A_174 : vector<16xi32> to vector<1x16xi32>
      tpu.vector_store %arg16[%swap3A, %swap3A_175], %swap3A_178 {strides = array<i32>} : memref<40x64xi32, #tpu.memory_space<vmem>>, vector<1x16xi32>,
      %get3A_179 = arith.index_cast %scan3A_145 : i32 to index
      %get3A_180 = arith.constant 16 : index
      %get3A_181 = tpu.vector_load %arg9[%get3A_179, %get3A_180] {strides = array<i32>} : memref<40x128xf32, #tpu.memory_space<vmem>>, vector<1x16xf32>,
      %get3A_182 = vector.shape_cast %get3A_181 : vector<1x16xf32> to vector<16xf32>
      %get3A_183 = arith.index_cast %scan3A_145 : i32 to index
      %get3A_184 = arith.constant 16 : index
      %get3A_185 = tpu.vector_load %arg10[%get3A_183, %get3A_184] {strides = array<i32>} : memref<40x128xf32, #tpu.memory_space<vmem>>, vector<1x16xf32>,
      %get3A_186 = vector.shape_cast %get3A_185 : vector<1x16xf32> to vector<16xf32>
      %add3A_187 = arith.addf %get3A_182, %get3A_186 : vector<16xf32>
      %get3A_188 = arith.index_cast %scan3A_145 : i32 to index
      %get3A_189 = arith.constant 80 : index
      %get3A_190 = tpu.vector_load %arg9[%get3A_188, %get3A_189] {strides = array<i32>} : memref<40x128xf32, #tpu.memory_space<vmem>>, vector<1x16xf32>,
      %get3A_191 = vector.shape_cast %get3A_190 : vector<1x16xf32> to vector<16xf32>
      %get3A_192 = arith.index_cast %scan3A_145 : i32 to index
      %get3A_193 = arith.constant 80 : index
      %get3A_194 = tpu.vector_load %arg10[%get3A_192, %get3A_193] {strides = array<i32>} : memref<40x128xf32, #tpu.memory_space<vmem>>, vector<1x16xf32>,
      %get3A_195 = vector.shape_cast %get3A_194 : vector<1x16xf32> to vector<16xf32>
      %add3A_196 = arith.addf %get3A_191, %get3A_195 : vector<16xf32>
      %bitcast_convert_type3A_197 = tpu.bitcast %add3A_187 : vector<16xf32> -> vector<16xi32>
      %bitcast_convert_type3A_198 = tpu.bitcast %add3A_196 : vector<16xf32> -> vector<16xi32>
      %add3A_199 = arith.constant 32768 : i32
      %add3A_200 = vector.broadcast %add3A_199 : i32 to vector<16xi32>
      %add3A_201 = arith.addi %bitcast_convert_type3A_197, %add3A_200 : vector<16xi32>
      %shift_right_logical3A_202 = arith.constant 16 : i32
      %shift_right_logical3A_203 = vector.broadcast %shift_right_logical3A_202 : i32 to vector<16xi32>
      %shift_right_logical3A_204 = arith.shrui %add3A_201, %shift_right_logical3A_203 : vector<16xi32>
      %add3A_205 = arith.constant 32768 : i32
      %add3A_206 = vector.broadcast %add3A_205 : i32 to vector<16xi32>
      %add3A_207 = arith.addi %bitcast_convert_type3A_198, %add3A_206 : vector<16xi32>
      %and3A_208 = arith.constant -65536 : i32
      %and3A_209 = vector.broadcast %and3A_208 : i32 to vector<16xi32>
      %and3A_210 = arith.andi %add3A_207, %and3A_209 : vector<16xi32>
      %or3A_211 = arith.ori %shift_right_logical3A_204, %and3A_210 : vector<16xi32>
      %bitcast_convert_type3A_212 = tpu.bitcast %or3A_211 : vector<16xi32> -> vector<16xi32>
      %swap3A_213 = arith.index_cast %scan3A_145 : i32 to index
      %swap3A_214 = arith.constant 16 : index
      %swap3A_215 = tpu.vector_load %arg16[%swap3A_213, %swap3A_214] {strides = array<i32>} : memref<40x64xi32, #tpu.memory_space<vmem>>, vector<1x16xi32>,
      %swap3A_216 = vector.shape_cast %swap3A_215 : vector<1x16xi32> to vector<16xi32>
      %swap3A_217 = vector.shape_cast %bitcast_convert_type3A_212 : vector<16xi32> to vector<1x16xi32>
      tpu.vector_store %arg16[%swap3A_213, %swap3A_214], %swap3A_217 {strides = array<i32>} : memref<40x64xi32, #tpu.memory_space<vmem>>, vector<1x16xi32>,
      %get3A_218 = arith.index_cast %scan3A_145 : i32 to index
      %get3A_219 = arith.constant 32 : index
      %get3A_220 = tpu.vector_load %arg9[%get3A_218, %get3A_219] {strides = array<i32>} : memref<40x128xf32, #tpu.memory_space<vmem>>, vector<1x16xf32>,
      %get3A_221 = vector.shape_cast %get3A_220 : vector<1x16xf32> to vector<16xf32>
      %get3A_222 = arith.index_cast %scan3A_145 : i32 to index
      %get3A_223 = arith.constant 32 : index
      %get3A_224 = tpu.vector_load %arg10[%get3A_222, %get3A_223] {strides = array<i32>} : memref<40x128xf32, #tpu.memory_space<vmem>>, vector<1x16xf32>,
      %get3A_225 = vector.shape_cast %get3A_224 : vector<1x16xf32> to vector<16xf32>
      %add3A_226 = arith.addf %get3A_221, %get3A_225 : vector<16xf32>
      %get3A_227 = arith.index_cast %scan3A_145 : i32 to index
      %get3A_228 = arith.constant 96 : index
      %get3A_229 = tpu.vector_load %arg9[%get3A_227, %get3A_228] {strides = array<i32>} : memref<40x128xf32, #tpu.memory_space<vmem>>, vector<1x16xf32>,
      %get3A_230 = vector.shape_cast %get3A_229 : vector<1x16xf32> to vector<16xf32>
      %get3A_231 = arith.index_cast %scan3A_145 : i32 to index
      %get3A_232 = arith.constant 96 : index
      %get3A_233 = tpu.vector_load %arg10[%get3A_231, %get3A_232] {strides = array<i32>} : memref<40x128xf32, #tpu.memory_space<vmem>>, vector<1x16xf32>,
      %get3A_234 = vector.shape_cast %get3A_233 : vector<1x16xf32> to vector<16xf32>
      %add3A_235 = arith.addf %get3A_230, %get3A_234 : vector<16xf32>
      %bitcast_convert_type3A_236 = tpu.bitcast %add3A_226 : vector<16xf32> -> vector<16xi32>
      %bitcast_convert_type3A_237 = tpu.bitcast %add3A_235 : vector<16xf32> -> vector<16xi32>
      %add3A_238 = arith.constant 32768 : i32
      %add3A_239 = vector.broadcast %add3A_238 : i32 to vector<16xi32>
      %add3A_240 = arith.addi %bitcast_convert_type3A_236, %add3A_239 : vector<16xi32>
      %shift_right_logical3A_241 = arith.constant 16 : i32
      %shift_right_logical3A_242 = vector.broadcast %shift_right_logical3A_241 : i32 to vector<16xi32>
      %shift_right_logical3A_243 = arith.shrui %add3A_240, %shift_right_logical3A_242 : vector<16xi32>
      %add3A_244 = arith.constant 32768 : i32
      %add3A_245 = vector.broadcast %add3A_244 : i32 to vector<16xi32>
      %add3A_246 = arith.addi %bitcast_convert_type3A_237, %add3A_245 : vector<16xi32>
      %and3A_247 = arith.constant -65536 : i32
      %and3A_248 = vector.broadcast %and3A_247 : i32 to vector<16xi32>
      %and3A_249 = arith.andi %add3A_246, %and3A_248 : vector<16xi32>
      %or3A_250 = arith.ori %shift_right_logical3A_243, %and3A_249 : vector<16xi32>
      %bitcast_convert_type3A_251 = tpu.bitcast %or3A_250 : vector<16xi32> -> vector<16xi32>
      %swap3A_252 = arith.index_cast %scan3A_145 : i32 to index
      %swap3A_253 = arith.constant 32 : index
      %swap3A_254 = tpu.vector_load %arg16[%swap3A_252, %swap3A_253] {strides = array<i32>} : memref<40x64xi32, #tpu.memory_space<vmem>>, vector<1x16xi32>,
      %swap3A_255 = vector.shape_cast %swap3A_254 : vector<1x16xi32> to vector<16xi32>
      %swap3A_256 = vector.shape_cast %bitcast_convert_type3A_251 : vector<16xi32> to vector<1x16xi32>
      tpu.vector_store %arg16[%swap3A_252, %swap3A_253], %swap3A_256 {strides = array<i32>} : memref<40x64xi32, #tpu.memory_space<vmem>>, vector<1x16xi32>,
      %get3A_257 = arith.index_cast %scan3A_145 : i32 to index
      %get3A_258 = arith.constant 48 : index
      %get3A_259 = tpu.vector_load %arg9[%get3A_257, %get3A_258] {strides = array<i32>} : memref<40x128xf32, #tpu.memory_space<vmem>>, vector<1x16xf32>,
      %get3A_260 = vector.shape_cast %get3A_259 : vector<1x16xf32> to vector<16xf32>
      %get3A_261 = arith.index_cast %scan3A_145 : i32 to index
      %get3A_262 = arith.constant 48 : index
      %get3A_263 = tpu.vector_load %arg10[%get3A_261, %get3A_262] {strides = array<i32>} : memref<40x128xf32, #tpu.memory_space<vmem>>, vector<1x16xf32>,
      %get3A_264 = vector.shape_cast %get3A_263 : vector<1x16xf32> to vector<16xf32>
      %add3A_265 = arith.addf %get3A_260, %get3A_264 : vector<16xf32>
      %get3A_266 = arith.index_cast %scan3A_145 : i32 to index
      %get3A_267 = arith.constant 112 : index
      %get3A_268 = tpu.vector_load %arg9[%get3A_266, %get3A_267] {strides = array<i32>} : memref<40x128xf32, #tpu.memory_space<vmem>>, vector<1x16xf32>,
      %get3A_269 = vector.shape_cast %get3A_268 : vector<1x16xf32> to vector<16xf32>
      %get3A_270 = arith.index_cast %scan3A_145 : i32 to index
      %get3A_271 = arith.constant 112 : index
      %get3A_272 = tpu.vector_load %arg10[%get3A_270, %get3A_271] {strides = array<i32>} : memref<40x128xf32, #tpu.memory_space<vmem>>, vector<1x16xf32>,
      %get3A_273 = vector.shape_cast %get3A_272 : vector<1x16xf32> to vector<16xf32>
      %add3A_274 = arith.addf %get3A_269, %get3A_273 : vector<16xf32>
      %bitcast_convert_type3A_275 = tpu.bitcast %add3A_265 : vector<16xf32> -> vector<16xi32>
      %bitcast_convert_type3A_276 = tpu.bitcast %add3A_274 : vector<16xf32> -> vector<16xi32>
      %add3A_277 = arith.constant 32768 : i32
      %add3A_278 = vector.broadcast %add3A_277 : i32 to vector<16xi32>
      %add3A_279 = arith.addi %bitcast_convert_type3A_275, %add3A_278 : vector<16xi32>
      %shift_right_logical3A_280 = arith.constant 16 : i32
      %shift_right_logical3A_281 = vector.broadcast %shift_right_logical3A_280 : i32 to vector<16xi32>
      %shift_right_logical3A_282 = arith.shrui %add3A_279, %shift_right_logical3A_281 : vector<16xi32>
      %add3A_283 = arith.constant 32768 : i32
      %add3A_284 = vector.broadcast %add3A_283 : i32 to vector<16xi32>
      %add3A_285 = arith.addi %bitcast_convert_type3A_276, %add3A_284 : vector<16xi32>
      %and3A_286 = arith.constant -65536 : i32
      %and3A_287 = vector.broadcast %and3A_286 : i32 to vector<16xi32>
      %and3A_288 = arith.andi %add3A_285, %and3A_287 : vector<16xi32>
      %or3A_289 = arith.ori %shift_right_logical3A_282, %and3A_288 : vector<16xi32>
      %bitcast_convert_type3A_290 = tpu.bitcast %or3A_289 : vector<16xi32> -> vector<16xi32>
      %swap3A_291 = arith.index_cast %scan3A_145 : i32 to index
      %swap3A_292 = arith.constant 48 : index
      %swap3A_293 = tpu.vector_load %arg16[%swap3A_291, %swap3A_292] {strides = array<i32>} : memref<40x64xi32, #tpu.memory_space<vmem>>, vector<1x16xi32>,
      %swap3A_294 = vector.shape_cast %swap3A_293 : vector<1x16xi32> to vector<16xi32>
      %swap3A_295 = vector.shape_cast %bitcast_convert_type3A_290 : vector<16xi32> to vector<1x16xi32>
      tpu.vector_store %arg16[%swap3A_291, %swap3A_292], %swap3A_295 {strides = array<i32>} : memref<40x64xi32, #tpu.memory_space<vmem>>, vector<1x16xi32>,
    }
    %scan3A_112 = arith.constant 40 : i32
    %mul3A_113 = arith.constant 5000 : i32
    %mul3A_114 = arith.muli %add3A, %mul3A_113 : i32
    %add3A_115 = arith.constant 4960 : i32
    %add3A_116 = arith.addi %mul3A_114, %add3A_115 : i32
    %dma_start3A_117 = arith.constant 0 : i32
    %dma_start3A_118 = tpu.memref_slice %arg6[%add3A_116, %dma_start3A_117] : memref<160000x64xi32, #tpu.memory_space<hbm>> -> memref<40x64xi32, #tpu.memory_space<hbm>>
    %dma_start3A_119 = arith.constant 0 : i32
    %dma_start3A_120 = tpu.memref_slice %arg6[%add3A_116, %dma_start3A_119] : memref<160000x64xi32, #tpu.memory_space<hbm>> -> memref<40x64xi32, #tpu.memory_space<hbm>>
    tpu.enqueue_dma source(%arg16 : memref<40x64xi32, #tpu.memory_space<vmem>>) target(%dma_start3A_120 : memref<40x64xi32, #tpu.memory_space<hbm>>) target_semaphore(%arg15 : memref<!tpu.dma_semaphore, #tpu.memory_space<semaphore_mem>>)
    %dma_wait3A_121 = arith.constant 0 : i32
    %dma_wait3A_122 = arith.constant 0 : i32
    %dma_wait3A_123 = tpu.memref_slice %arg6[%dma_wait3A_121, %dma_wait3A_122] : memref<160000x64xi32, #tpu.memory_space<hbm>> -> memref<40x64xi32, #tpu.memory_space<hbm>>
    %dma_wait3A_124 = arith.constant 0 : i32
    %dma_wait3A_125 = arith.constant 0 : i32
    %dma_wait3A_126 = tpu.memref_slice %arg6[%dma_wait3A_124, %dma_wait3A_125] : memref<160000x64xi32, #tpu.memory_space<hbm>> -> memref<40x64xi32, #tpu.memory_space<hbm>>
    tpu.wait_dma2 semaphore(%arg15 : memref<!tpu.dma_semaphore, #tpu.memory_space<semaphore_mem>>) src(%arg16 : memref<40x64xi32, #tpu.memory_space<vmem>>) dst(%dma_wait3A_126 : memref<40x64xi32, #tpu.memory_space<hbm>>)
    %dma_wait3A_127 = arith.constant 0 : i32
    %dma_wait3A_128 = arith.constant 0 : i32
    %dma_wait3A_129 = tpu.memref_slice %arg6[%dma_wait3A_127, %dma_wait3A_128] : memref<160000x64xi32, #tpu.memory_space<hbm>> -> memref<40x64xi32, #tpu.memory_space<hbm>>
    %dma_wait3A_130 = arith.constant 0 : i32
    %dma_wait3A_131 = arith.constant 0 : i32
    %dma_wait3A_132 = tpu.memref_slice %arg6[%dma_wait3A_130, %dma_wait3A_131] : memref<160000x64xi32, #tpu.memory_space<hbm>> -> memref<40x64xi32, #tpu.memory_space<hbm>>
    tpu.wait_dma2 semaphore(%arg25 : memref<!tpu.dma_semaphore, #tpu.memory_space<semaphore_mem>>) src(%arg26 : memref<40x64xi32, #tpu.memory_space<vmem>>) dst(%dma_wait3A_132 : memref<40x64xi32, #tpu.memory_space<hbm>>)
    %dma_wait3A_133 = arith.constant 0 : i32
    %dma_wait3A_134 = arith.constant 0 : i32
    %dma_wait3A_135 = tpu.memref_slice %arg6[%dma_wait3A_133, %dma_wait3A_134] : memref<160000x64xi32, #tpu.memory_space<hbm>> -> memref<40x64xi32, #tpu.memory_space<hbm>>
    %dma_wait3A_136 = arith.constant 0 : i32
    %dma_wait3A_137 = arith.constant 0 : i32
    %dma_wait3A_138 = tpu.memref_slice %arg6[%dma_wait3A_136, %dma_wait3A_137] : memref<160000x64xi32, #tpu.memory_space<hbm>> -> memref<40x64xi32, #tpu.memory_space<hbm>>
    tpu.wait_dma2 semaphore(%arg35 : memref<!tpu.dma_semaphore, #tpu.memory_space<semaphore_mem>>) src(%arg36 : memref<40x64xi32, #tpu.memory_space<vmem>>) dst(%dma_wait3A_138 : memref<40x64xi32, #tpu.memory_space<hbm>>)
    %dma_wait3A_139 = arith.constant 0 : i32
    %dma_wait3A_140 = arith.constant 0 : i32
    %dma_wait3A_141 = tpu.memref_slice %arg6[%dma_wait3A_139, %dma_wait3A_140] : memref<160000x64xi32, #tpu.memory_space<hbm>> -> memref<40x64xi32, #tpu.memory_space<hbm>>
    %dma_wait3A_142 = arith.constant 0 : i32
    %dma_wait3A_143 = arith.constant 0 : i32
    %dma_wait3A_144 = tpu.memref_slice %arg6[%dma_wait3A_142, %dma_wait3A_143] : memref<160000x64xi32, #tpu.memory_space<hbm>> -> memref<40x64xi32, #tpu.memory_space<hbm>>
    tpu.wait_dma2 semaphore(%arg45 : memref<!tpu.dma_semaphore, #tpu.memory_space<semaphore_mem>>) src(%arg46 : memref<40x64xi32, #tpu.memory_space<vmem>>) dst(%dma_wait3A_144 : memref<40x64xi32, #tpu.memory_space<hbm>>)
    return
  }
}

#map = affine_map<(d0, d1) -> (0, 0)>
#map1 = affine_map<(d0, d1) -> (0)>
module attributes {stable_mosaic.version = 14 : i64} {
  func.func @scatter(%arg0: i32, %arg1: i32, %arg2: memref<160000x128xf32, #tpu.memory_space<hbm>>, %arg3: memref<160000xi32, #tpu.memory_space<hbm>>, %arg4: memref<10000x128xf32, #tpu.memory_space<hbm>>, %arg5: memref<20000x128xf32, #tpu.memory_space<hbm>>, %arg6: memref<40xi32, #tpu.memory_space<vmem>>, %arg7: memref<40x128xf32, #tpu.memory_space<vmem>>, %arg8: memref<!tpu.dma_semaphore, #tpu.memory_space<semaphore_mem>>, %arg9: memref<!tpu.dma_semaphore, #tpu.memory_space<semaphore_mem>>, %arg10: memref<!tpu.dma_semaphore, #tpu.memory_space<semaphore_mem>>, %arg11: memref<40xi32, #tpu.memory_space<vmem>>, %arg12: memref<40x128xf32, #tpu.memory_space<vmem>>, %arg13: memref<!tpu.dma_semaphore, #tpu.memory_space<semaphore_mem>>, %arg14: memref<!tpu.dma_semaphore, #tpu.memory_space<semaphore_mem>>, %arg15: memref<!tpu.dma_semaphore, #tpu.memory_space<semaphore_mem>>, %arg16: memref<10000x128xf32, #tpu.memory_space<vmem_shared>>) attributes {dimension_semantics = [#tpu.dimension_semantics<core_parallel>, #tpu.dimension_semantics<subcore_parallel>], iteration_bounds = array<i64: 2, 16>, scalar_prefetch = 0 : i64, scratch_operands = 11 : i64, tpu.core_type = #tpu.core_type<sc_vector_subcore>, window_params = [{transform_indices = #map}, {transform_indices = #map1}, {transform_indices = #map}, {transform_indices = #map}]} {
    %mul3A = arith.constant 2 : i32
    %mul3A_0 = arith.muli %arg1, %mul3A : i32
    %add3A = arith.addi %mul3A_0, %arg0 : i32
    %mul3A_1 = arith.constant 624 : i32
    %mul3A_2 = arith.muli %arg1, %mul3A_1 : i32
    %mul3A_3 = arith.constant 624 : i32
    %mul3A_4 = arith.muli %arg1, %mul3A_3 : i32
    "tpu.region"() ({
      %run_scoped3A = tpu.sem_alloc : memref<!tpu.dma_semaphore, #tpu.memory_space<semaphore_mem>>
      %dma_start3A_84 = arith.constant 0 : i32
      %dma_start3A_85 = tpu.memref_slice %arg16[%mul3A_4, %dma_start3A_84] : memref<10000x128xf32, #tpu.memory_space<vmem_shared>> -> memref<624x128xf32, #tpu.memory_space<vmem_shared>>
      %dma_start3A_86 = arith.constant 0 : i32
      %dma_start3A_87 = tpu.memref_slice %arg4[%mul3A_2, %dma_start3A_86] : memref<10000x128xf32, #tpu.memory_space<hbm>> -> memref<624x128xf32, #tpu.memory_space<hbm>>
      tpu.enqueue_dma source(%dma_start3A_87 : memref<624x128xf32, #tpu.memory_space<hbm>>) target(%dma_start3A_85 : memref<624x128xf32, #tpu.memory_space<vmem_shared>>) target_semaphore(%run_scoped3A : memref<!tpu.dma_semaphore, #tpu.memory_space<semaphore_mem>>)
      %dma_wait3A_88 = arith.constant 0 : i32
      %dma_wait3A_89 = tpu.memref_slice %arg16[%mul3A_4, %dma_wait3A_88] : memref<10000x128xf32, #tpu.memory_space<vmem_shared>> -> memref<624x128xf32, #tpu.memory_space<vmem_shared>>
      %dma_wait3A_90 = arith.constant 0 : i32
      %dma_wait3A_91 = tpu.memref_slice %arg4[%mul3A_2, %dma_wait3A_90] : memref<10000x128xf32, #tpu.memory_space<hbm>> -> memref<624x128xf32, #tpu.memory_space<hbm>>
      tpu.wait_dma2 semaphore(%run_scoped3A : memref<!tpu.dma_semaphore, #tpu.memory_space<semaphore_mem>>) src(%dma_wait3A_91 : memref<624x128xf32, #tpu.memory_space<hbm>>) dst(%dma_wait3A_89 : memref<624x128xf32, #tpu.memory_space<vmem_shared>>)
      tpu.yield
    }) : () -> ()
    %eq3A = arith.constant 0 : i32
    %eq3A_5 = arith.cmpi eq, %arg1, %eq3A : i32
    %convert_element_type3A = arith.extui %eq3A_5 : i1 to i32
    %cond3A = arith.constant 0 : i32
    %cond3A_6 = arith.cmpi ne, %convert_element_type3A, %cond3A : i32
    scf.if %cond3A_6 {
      "tpu.region"() ({
        %run_scoped3A = tpu.sem_alloc : memref<!tpu.dma_semaphore, #tpu.memory_space<semaphore_mem>>
        %dma_start3A_84 = arith.constant 9984 : i32
        %dma_start3A_85 = arith.constant 0 : i32
        %dma_start3A_86 = tpu.memref_slice %arg16[%dma_start3A_84, %dma_start3A_85] : memref<10000x128xf32, #tpu.memory_space<vmem_shared>> -> memref<16x128xf32, #tpu.memory_space<vmem_shared>>
        %dma_start3A_87 = arith.constant 9984 : i32
        %dma_start3A_88 = arith.constant 0 : i32
        %dma_start3A_89 = tpu.memref_slice %arg4[%dma_start3A_87, %dma_start3A_88] : memref<10000x128xf32, #tpu.memory_space<hbm>> -> memref<16x128xf32, #tpu.memory_space<hbm>>
        tpu.enqueue_dma source(%dma_start3A_89 : memref<16x128xf32, #tpu.memory_space<hbm>>) target(%dma_start3A_86 : memref<16x128xf32, #tpu.memory_space<vmem_shared>>) target_semaphore(%run_scoped3A : memref<!tpu.dma_semaphore, #tpu.memory_space<semaphore_mem>>)
        %dma_wait3A_90 = arith.constant 9984 : i32
        %dma_wait3A_91 = arith.constant 0 : i32
        %dma_wait3A_92 = tpu.memref_slice %arg16[%dma_wait3A_90, %dma_wait3A_91] : memref<10000x128xf32, #tpu.memory_space<vmem_shared>> -> memref<16x128xf32, #tpu.memory_space<vmem_shared>>
        %dma_wait3A_93 = arith.constant 9984 : i32
        %dma_wait3A_94 = arith.constant 0 : i32
        %dma_wait3A_95 = tpu.memref_slice %arg4[%dma_wait3A_93, %dma_wait3A_94] : memref<10000x128xf32, #tpu.memory_space<hbm>> -> memref<16x128xf32, #tpu.memory_space<hbm>>
        tpu.wait_dma2 semaphore(%run_scoped3A : memref<!tpu.dma_semaphore, #tpu.memory_space<semaphore_mem>>) src(%dma_wait3A_95 : memref<16x128xf32, #tpu.memory_space<hbm>>) dst(%dma_wait3A_92 : memref<16x128xf32, #tpu.memory_space<vmem_shared>>)
        tpu.yield
      }) : () -> ()
    } else {
    }
    %barrier3A = arith.constant 0 : index
    tpu.barrier barrier_id(%barrier3A)
    %mul3A_7 = arith.constant 5000 : i32
    %mul3A_8 = arith.muli %add3A, %mul3A_7 : i32
    %add3A_9 = arith.constant 0 : i32
    %add3A_10 = arith.addi %mul3A_8, %add3A_9 : i32
    %dma_start3A = tpu.memref_slice %arg3[%add3A_10] : memref<160000xi32, #tpu.memory_space<hbm>> -> memref<40xi32, #tpu.memory_space<hbm>>
    %dma_start3A_11 = tpu.memref_slice %arg3[%add3A_10] : memref<160000xi32, #tpu.memory_space<hbm>> -> memref<40xi32, #tpu.memory_space<hbm>>
    tpu.enqueue_dma source(%dma_start3A_11 : memref<40xi32, #tpu.memory_space<hbm>>) target(%arg6 : memref<40xi32, #tpu.memory_space<vmem>>) target_semaphore(%arg8 : memref<!tpu.dma_semaphore, #tpu.memory_space<semaphore_mem>>)
    %dma_start3A_12 = arith.constant 0 : i32
    %dma_start3A_13 = tpu.memref_slice %arg2[%add3A_10, %dma_start3A_12] : memref<160000x128xf32, #tpu.memory_space<hbm>> -> memref<40x128xf32, #tpu.memory_space<hbm>>
    %dma_start3A_14 = arith.constant 0 : i32
    %dma_start3A_15 = tpu.memref_slice %arg2[%add3A_10, %dma_start3A_14] : memref<160000x128xf32, #tpu.memory_space<hbm>> -> memref<40x128xf32, #tpu.memory_space<hbm>>
    tpu.enqueue_dma source(%dma_start3A_15 : memref<40x128xf32, #tpu.memory_space<hbm>>) target(%arg7 : memref<40x128xf32, #tpu.memory_space<vmem>>) target_semaphore(%arg9 : memref<!tpu.dma_semaphore, #tpu.memory_space<semaphore_mem>>)
    %mul3A_16 = arith.constant 5000 : i32
    %mul3A_17 = arith.muli %add3A, %mul3A_16 : i32
    %add3A_18 = arith.constant 40 : i32
    %add3A_19 = arith.addi %mul3A_17, %add3A_18 : i32
    %dma_start3A_20 = tpu.memref_slice %arg3[%add3A_19] : memref<160000xi32, #tpu.memory_space<hbm>> -> memref<40xi32, #tpu.memory_space<hbm>>
    %dma_start3A_21 = tpu.memref_slice %arg3[%add3A_19] : memref<160000xi32, #tpu.memory_space<hbm>> -> memref<40xi32, #tpu.memory_space<hbm>>
    tpu.enqueue_dma source(%dma_start3A_21 : memref<40xi32, #tpu.memory_space<hbm>>) target(%arg11 : memref<40xi32, #tpu.memory_space<vmem>>) target_semaphore(%arg13 : memref<!tpu.dma_semaphore, #tpu.memory_space<semaphore_mem>>)
    %dma_start3A_22 = arith.constant 0 : i32
    %dma_start3A_23 = tpu.memref_slice %arg2[%add3A_19, %dma_start3A_22] : memref<160000x128xf32, #tpu.memory_space<hbm>> -> memref<40x128xf32, #tpu.memory_space<hbm>>
    %dma_start3A_24 = arith.constant 0 : i32
    %dma_start3A_25 = tpu.memref_slice %arg2[%add3A_19, %dma_start3A_24] : memref<160000x128xf32, #tpu.memory_space<hbm>> -> memref<40x128xf32, #tpu.memory_space<hbm>>
    tpu.enqueue_dma source(%dma_start3A_25 : memref<40x128xf32, #tpu.memory_space<hbm>>) target(%arg12 : memref<40x128xf32, #tpu.memory_space<vmem>>) target_semaphore(%arg14 : memref<!tpu.dma_semaphore, #tpu.memory_space<semaphore_mem>>)
    %scan3A = arith.constant 0 : i32
    %scan3A_26 = arith.constant 0 : i32
    %scan3A_27 = arith.constant 62 : i32
    %scan3A_28 = arith.addi %scan3A_26, %scan3A_27 : i32
    %scan3A_29 = arith.constant 1 : i32
    scf.for %scan3A_84 = %scan3A_26 to %scan3A_28 step %scan3A_29  : i32 {
      %dma_wait3A_85 = arith.constant 0 : i32
      %dma_wait3A_86 = tpu.memref_slice %arg3[%dma_wait3A_85] : memref<160000xi32, #tpu.memory_space<hbm>> -> memref<40xi32, #tpu.memory_space<hbm>>
      %dma_wait3A_87 = arith.constant 0 : i32
      %dma_wait3A_88 = tpu.memref_slice %arg3[%dma_wait3A_87] : memref<160000xi32, #tpu.memory_space<hbm>> -> memref<40xi32, #tpu.memory_space<hbm>>
      tpu.wait_dma2 semaphore(%arg8 : memref<!tpu.dma_semaphore, #tpu.memory_space<semaphore_mem>>) src(%dma_wait3A_88 : memref<40xi32, #tpu.memory_space<hbm>>) dst(%arg6 : memref<40xi32, #tpu.memory_space<vmem>>)
      %dma_wait3A_89 = arith.constant 0 : i32
      %dma_wait3A_90 = arith.constant 0 : i32
      %dma_wait3A_91 = tpu.memref_slice %arg2[%dma_wait3A_89, %dma_wait3A_90] : memref<160000x128xf32, #tpu.memory_space<hbm>> -> memref<40x128xf32, #tpu.memory_space<hbm>>
      %dma_wait3A_92 = arith.constant 0 : i32
      %dma_wait3A_93 = arith.constant 0 : i32
      %dma_wait3A_94 = tpu.memref_slice %arg2[%dma_wait3A_92, %dma_wait3A_93] : memref<160000x128xf32, #tpu.memory_space<hbm>> -> memref<40x128xf32, #tpu.memory_space<hbm>>
      tpu.wait_dma2 semaphore(%arg9 : memref<!tpu.dma_semaphore, #tpu.memory_space<semaphore_mem>>) src(%dma_wait3A_94 : memref<40x128xf32, #tpu.memory_space<hbm>>) dst(%arg7 : memref<40x128xf32, #tpu.memory_space<vmem>>)
      %gt3A = arith.constant 0 : i32
      %gt3A_95 = arith.cmpi sgt, %scan3A_84, %gt3A : i32
      %convert_element_type3A_96 = arith.extui %gt3A_95 : i1 to i32
      %cond3A_97 = arith.constant 0 : i32
      %cond3A_98 = arith.cmpi ne, %convert_element_type3A_96, %cond3A_97 : i32
      scf.if %cond3A_98 {
        %dma_wait3A_126 = arith.constant 0 : i32
        %dma_wait3A_127 = arith.constant 0 : i32
        %dma_wait3A_128 = tpu.memref_slice %arg16[%dma_wait3A_126, %dma_wait3A_127] : memref<10000x128xf32, #tpu.memory_space<vmem_shared>> -> memref<40x128xf32, #tpu.memory_space<vmem_shared>>
        %dma_wait3A_129 = arith.constant 0 : i32
        %dma_wait3A_130 = arith.constant 0 : i32
        %dma_wait3A_131 = tpu.memref_slice %arg16[%dma_wait3A_129, %dma_wait3A_130] : memref<10000x128xf32, #tpu.memory_space<vmem_shared>> -> memref<40x128xf32, #tpu.memory_space<vmem_shared>>
        tpu.wait_dma2 semaphore(%arg10 : memref<!tpu.dma_semaphore, #tpu.memory_space<semaphore_mem>>) src(%arg7 : memref<40x128xf32, #tpu.memory_space<vmem>>) dst(%dma_wait3A_131 : memref<40x128xf32, #tpu.memory_space<vmem_shared>>)
      } else {
      }
      %dma_start3A_99 = arith.constant 0 : i32
      %dma_start3A_100 = arith.constant 0 : i32
      %dma_start3A_101 = tpu.memref_slice %arg16[%dma_start3A_99, %dma_start3A_100] : memref<10000x128xf32, #tpu.memory_space<vmem_shared>> -> memref<10000x128xf32, #tpu.memory_space<vmem_shared>>
      tpu.enqueue_indirect_dma source(%arg7 : memref<40x128xf32, #tpu.memory_space<vmem>>) target(%dma_start3A_101 : memref<10000x128xf32, #tpu.memory_space<vmem_shared>>) offsets(%arg6 : memref<40xi32, #tpu.memory_space<vmem>>) semaphore(%arg10 : memref<!tpu.dma_semaphore, #tpu.memory_space<semaphore_mem>>) {add = true}
      %dma_wait3A_102 = arith.constant 0 : i32
      %dma_wait3A_103 = tpu.memref_slice %arg3[%dma_wait3A_102] : memref<160000xi32, #tpu.memory_space<hbm>> -> memref<40xi32, #tpu.memory_space<hbm>>
      %dma_wait3A_104 = arith.constant 0 : i32
      %dma_wait3A_105 = tpu.memref_slice %arg3[%dma_wait3A_104] : memref<160000xi32, #tpu.memory_space<hbm>> -> memref<40xi32, #tpu.memory_space<hbm>>
      tpu.wait_dma2 semaphore(%arg13 : memref<!tpu.dma_semaphore, #tpu.memory_space<semaphore_mem>>) src(%dma_wait3A_105 : memref<40xi32, #tpu.memory_space<hbm>>) dst(%arg11 : memref<40xi32, #tpu.memory_space<vmem>>)
      %dma_wait3A_106 = arith.constant 0 : i32
      %dma_wait3A_107 = arith.constant 0 : i32
      %dma_wait3A_108 = tpu.memref_slice %arg2[%dma_wait3A_106, %dma_wait3A_107] : memref<160000x128xf32, #tpu.memory_space<hbm>> -> memref<40x128xf32, #tpu.memory_space<hbm>>
      %dma_wait3A_109 = arith.constant 0 : i32
      %dma_wait3A_110 = arith.constant 0 : i32
      %dma_wait3A_111 = tpu.memref_slice %arg2[%dma_wait3A_109, %dma_wait3A_110] : memref<160000x128xf32, #tpu.memory_space<hbm>> -> memref<40x128xf32, #tpu.memory_space<hbm>>
      tpu.wait_dma2 semaphore(%arg14 : memref<!tpu.dma_semaphore, #tpu.memory_space<semaphore_mem>>) src(%dma_wait3A_111 : memref<40x128xf32, #tpu.memory_space<hbm>>) dst(%arg12 : memref<40x128xf32, #tpu.memory_space<vmem>>)
      %gt3A_112 = arith.constant 0 : i32
      %gt3A_113 = arith.cmpi sgt, %scan3A_84, %gt3A_112 : i32
      %convert_element_type3A_114 = arith.extui %gt3A_113 : i1 to i32
      %cond3A_115 = arith.constant 0 : i32
      %cond3A_116 = arith.cmpi ne, %convert_element_type3A_114, %cond3A_115 : i32
      scf.if %cond3A_116 {
        %dma_wait3A_126 = arith.constant 0 : i32
        %dma_wait3A_127 = arith.constant 0 : i32
        %dma_wait3A_128 = tpu.memref_slice %arg16[%dma_wait3A_126, %dma_wait3A_127] : memref<10000x128xf32, #tpu.memory_space<vmem_shared>> -> memref<40x128xf32, #tpu.memory_space<vmem_shared>>
        %dma_wait3A_129 = arith.constant 0 : i32
        %dma_wait3A_130 = arith.constant 0 : i32
        %dma_wait3A_131 = tpu.memref_slice %arg16[%dma_wait3A_129, %dma_wait3A_130] : memref<10000x128xf32, #tpu.memory_space<vmem_shared>> -> memref<40x128xf32, #tpu.memory_space<vmem_shared>>
        tpu.wait_dma2 semaphore(%arg15 : memref<!tpu.dma_semaphore, #tpu.memory_space<semaphore_mem>>) src(%arg7 : memref<40x128xf32, #tpu.memory_space<vmem>>) dst(%dma_wait3A_131 : memref<40x128xf32, #tpu.memory_space<vmem_shared>>)
      } else {
      }
      %dma_start3A_117 = arith.constant 0 : i32
      %dma_start3A_118 = arith.constant 0 : i32
      %dma_start3A_119 = tpu.memref_slice %arg16[%dma_start3A_117, %dma_start3A_118] : memref<10000x128xf32, #tpu.memory_space<vmem_shared>> -> memref<10000x128xf32, #tpu.memory_space<vmem_shared>>
      tpu.enqueue_indirect_dma source(%arg12 : memref<40x128xf32, #tpu.memory_space<vmem>>) target(%dma_start3A_119 : memref<10000x128xf32, #tpu.memory_space<vmem_shared>>) offsets(%arg11 : memref<40xi32, #tpu.memory_space<vmem>>) semaphore(%arg15 : memref<!tpu.dma_semaphore, #tpu.memory_space<semaphore_mem>>) {add = true}
      %add3A_120 = arith.constant 1 : i32
      %add3A_121 = arith.addi %scan3A_84, %add3A_120 : i32
      %lt3A = arith.constant 62 : i32
      %lt3A_122 = arith.cmpi slt, %add3A_121, %lt3A : i32
      %convert_element_type3A_123 = arith.extui %lt3A_122 : i1 to i32
      %cond3A_124 = arith.constant 0 : i32
      %cond3A_125 = arith.cmpi ne, %convert_element_type3A_123, %cond3A_124 : i32
      scf.if %cond3A_125 {
        %mul3A_126 = arith.constant 2 : i32
        %mul3A_127 = arith.muli %mul3A_126, %scan3A_84 : i32
        %add3A_128 = arith.constant 2 : i32
        %add3A_129 = arith.addi %mul3A_127, %add3A_128 : i32
        %mul3A_130 = arith.constant 5000 : i32
        %mul3A_131 = arith.muli %add3A, %mul3A_130 : i32
        %mul3A_132 = arith.constant 40 : i32
        %mul3A_133 = arith.muli %add3A_129, %mul3A_132 : i32
        %add3A_134 = arith.addi %mul3A_131, %mul3A_133 : i32
        %dma_start3A_135 = tpu.memref_slice %arg3[%add3A_134] : memref<160000xi32, #tpu.memory_space<hbm>> -> memref<40xi32, #tpu.memory_space<hbm>>
        %dma_start3A_136 = tpu.memref_slice %arg3[%add3A_134] : memref<160000xi32, #tpu.memory_space<hbm>> -> memref<40xi32, #tpu.memory_space<hbm>>
        tpu.enqueue_dma source(%dma_start3A_136 : memref<40xi32, #tpu.memory_space<hbm>>) target(%arg6 : memref<40xi32, #tpu.memory_space<vmem>>) target_semaphore(%arg8 : memref<!tpu.dma_semaphore, #tpu.memory_space<semaphore_mem>>)
        %dma_start3A_137 = arith.constant 0 : i32
        %dma_start3A_138 = tpu.memref_slice %arg2[%add3A_134, %dma_start3A_137] : memref<160000x128xf32, #tpu.memory_space<hbm>> -> memref<40x128xf32, #tpu.memory_space<hbm>>
        %dma_start3A_139 = arith.constant 0 : i32
        %dma_start3A_140 = tpu.memref_slice %arg2[%add3A_134, %dma_start3A_139] : memref<160000x128xf32, #tpu.memory_space<hbm>> -> memref<40x128xf32, #tpu.memory_space<hbm>>
        tpu.enqueue_dma source(%dma_start3A_140 : memref<40x128xf32, #tpu.memory_space<hbm>>) target(%arg7 : memref<40x128xf32, #tpu.memory_space<vmem>>) target_semaphore(%arg9 : memref<!tpu.dma_semaphore, #tpu.memory_space<semaphore_mem>>)
        %mul3A_141 = arith.constant 2 : i32
        %mul3A_142 = arith.muli %mul3A_141, %scan3A_84 : i32
        %add3A_143 = arith.constant 3 : i32
        %add3A_144 = arith.addi %mul3A_142, %add3A_143 : i32
        %mul3A_145 = arith.constant 5000 : i32
        %mul3A_146 = arith.muli %add3A, %mul3A_145 : i32
        %mul3A_147 = arith.constant 40 : i32
        %mul3A_148 = arith.muli %add3A_144, %mul3A_147 : i32
        %add3A_149 = arith.addi %mul3A_146, %mul3A_148 : i32
        %dma_start3A_150 = tpu.memref_slice %arg3[%add3A_149] : memref<160000xi32, #tpu.memory_space<hbm>> -> memref<40xi32, #tpu.memory_space<hbm>>
        %dma_start3A_151 = tpu.memref_slice %arg3[%add3A_149] : memref<160000xi32, #tpu.memory_space<hbm>> -> memref<40xi32, #tpu.memory_space<hbm>>
        tpu.enqueue_dma source(%dma_start3A_151 : memref<40xi32, #tpu.memory_space<hbm>>) target(%arg11 : memref<40xi32, #tpu.memory_space<vmem>>) target_semaphore(%arg13 : memref<!tpu.dma_semaphore, #tpu.memory_space<semaphore_mem>>)
        %dma_start3A_152 = arith.constant 0 : i32
        %dma_start3A_153 = tpu.memref_slice %arg2[%add3A_149, %dma_start3A_152] : memref<160000x128xf32, #tpu.memory_space<hbm>> -> memref<40x128xf32, #tpu.memory_space<hbm>>
        %dma_start3A_154 = arith.constant 0 : i32
        %dma_start3A_155 = tpu.memref_slice %arg2[%add3A_149, %dma_start3A_154] : memref<160000x128xf32, #tpu.memory_space<hbm>> -> memref<40x128xf32, #tpu.memory_space<hbm>>
        tpu.enqueue_dma source(%dma_start3A_155 : memref<40x128xf32, #tpu.memory_space<hbm>>) target(%arg12 : memref<40x128xf32, #tpu.memory_space<vmem>>) target_semaphore(%arg14 : memref<!tpu.dma_semaphore, #tpu.memory_space<semaphore_mem>>)
      } else {
      }
    }
    %scan3A_30 = arith.constant 62 : i32
    %mul3A_31 = arith.constant 5000 : i32
    %mul3A_32 = arith.muli %add3A, %mul3A_31 : i32
    %add3A_33 = arith.constant 4960 : i32
    %add3A_34 = arith.addi %mul3A_32, %add3A_33 : i32
    %dma_start3A_35 = tpu.memref_slice %arg3[%add3A_34] : memref<160000xi32, #tpu.memory_space<hbm>> -> memref<40xi32, #tpu.memory_space<hbm>>
    %dma_start3A_36 = tpu.memref_slice %arg3[%add3A_34] : memref<160000xi32, #tpu.memory_space<hbm>> -> memref<40xi32, #tpu.memory_space<hbm>>
    tpu.enqueue_dma source(%dma_start3A_36 : memref<40xi32, #tpu.memory_space<hbm>>) target(%arg6 : memref<40xi32, #tpu.memory_space<vmem>>) target_semaphore(%arg8 : memref<!tpu.dma_semaphore, #tpu.memory_space<semaphore_mem>>)
    %dma_start3A_37 = arith.constant 0 : i32
    %dma_start3A_38 = tpu.memref_slice %arg2[%add3A_34, %dma_start3A_37] : memref<160000x128xf32, #tpu.memory_space<hbm>> -> memref<40x128xf32, #tpu.memory_space<hbm>>
    %dma_start3A_39 = arith.constant 0 : i32
    %dma_start3A_40 = tpu.memref_slice %arg2[%add3A_34, %dma_start3A_39] : memref<160000x128xf32, #tpu.memory_space<hbm>> -> memref<40x128xf32, #tpu.memory_space<hbm>>
    tpu.enqueue_dma source(%dma_start3A_40 : memref<40x128xf32, #tpu.memory_space<hbm>>) target(%arg7 : memref<40x128xf32, #tpu.memory_space<vmem>>) target_semaphore(%arg9 : memref<!tpu.dma_semaphore, #tpu.memory_space<semaphore_mem>>)
    %dma_wait3A = arith.constant 0 : i32
    %dma_wait3A_41 = tpu.memref_slice %arg3[%dma_wait3A] : memref<160000xi32, #tpu.memory_space<hbm>> -> memref<40xi32, #tpu.memory_space<hbm>>
    %dma_wait3A_42 = arith.constant 0 : i32
    %dma_wait3A_43 = tpu.memref_slice %arg3[%dma_wait3A_42] : memref<160000xi32, #tpu.memory_space<hbm>> -> memref<40xi32, #tpu.memory_space<hbm>>
    tpu.wait_dma2 semaphore(%arg8 : memref<!tpu.dma_semaphore, #tpu.memory_space<semaphore_mem>>) src(%dma_wait3A_43 : memref<40xi32, #tpu.memory_space<hbm>>) dst(%arg6 : memref<40xi32, #tpu.memory_space<vmem>>)
    %dma_wait3A_44 = arith.constant 0 : i32
    %dma_wait3A_45 = arith.constant 0 : i32
    %dma_wait3A_46 = tpu.memref_slice %arg2[%dma_wait3A_44, %dma_wait3A_45] : memref<160000x128xf32, #tpu.memory_space<hbm>> -> memref<40x128xf32, #tpu.memory_space<hbm>>
    %dma_wait3A_47 = arith.constant 0 : i32
    %dma_wait3A_48 = arith.constant 0 : i32
    %dma_wait3A_49 = tpu.memref_slice %arg2[%dma_wait3A_47, %dma_wait3A_48] : memref<160000x128xf32, #tpu.memory_space<hbm>> -> memref<40x128xf32, #tpu.memory_space<hbm>>
    tpu.wait_dma2 semaphore(%arg9 : memref<!tpu.dma_semaphore, #tpu.memory_space<semaphore_mem>>) src(%dma_wait3A_49 : memref<40x128xf32, #tpu.memory_space<hbm>>) dst(%arg7 : memref<40x128xf32, #tpu.memory_space<vmem>>)
    %dma_wait3A_50 = arith.constant 0 : i32
    %dma_wait3A_51 = arith.constant 0 : i32
    %dma_wait3A_52 = tpu.memref_slice %arg16[%dma_wait3A_50, %dma_wait3A_51] : memref<10000x128xf32, #tpu.memory_space<vmem_shared>> -> memref<40x128xf32, #tpu.memory_space<vmem_shared>>
    %dma_wait3A_53 = arith.constant 0 : i32
    %dma_wait3A_54 = arith.constant 0 : i32
    %dma_wait3A_55 = tpu.memref_slice %arg16[%dma_wait3A_53, %dma_wait3A_54] : memref<10000x128xf32, #tpu.memory_space<vmem_shared>> -> memref<40x128xf32, #tpu.memory_space<vmem_shared>>
    tpu.wait_dma2 semaphore(%arg10 : memref<!tpu.dma_semaphore, #tpu.memory_space<semaphore_mem>>) src(%arg7 : memref<40x128xf32, #tpu.memory_space<vmem>>) dst(%dma_wait3A_55 : memref<40x128xf32, #tpu.memory_space<vmem_shared>>)
    %dma_start3A_56 = arith.constant 0 : i32
    %dma_start3A_57 = arith.constant 0 : i32
    %dma_start3A_58 = tpu.memref_slice %arg16[%dma_start3A_56, %dma_start3A_57] : memref<10000x128xf32, #tpu.memory_space<vmem_shared>> -> memref<10000x128xf32, #tpu.memory_space<vmem_shared>>
    tpu.enqueue_indirect_dma source(%arg7 : memref<40x128xf32, #tpu.memory_space<vmem>>) target(%dma_start3A_58 : memref<10000x128xf32, #tpu.memory_space<vmem_shared>>) offsets(%arg6 : memref<40xi32, #tpu.memory_space<vmem>>) semaphore(%arg10 : memref<!tpu.dma_semaphore, #tpu.memory_space<semaphore_mem>>) {add = true}
    %dma_wait3A_59 = arith.constant 0 : i32
    %dma_wait3A_60 = arith.constant 0 : i32
    %dma_wait3A_61 = tpu.memref_slice %arg16[%dma_wait3A_59, %dma_wait3A_60] : memref<10000x128xf32, #tpu.memory_space<vmem_shared>> -> memref<40x128xf32, #tpu.memory_space<vmem_shared>>
    %dma_wait3A_62 = arith.constant 0 : i32
    %dma_wait3A_63 = arith.constant 0 : i32
    %dma_wait3A_64 = tpu.memref_slice %arg16[%dma_wait3A_62, %dma_wait3A_63] : memref<10000x128xf32, #tpu.memory_space<vmem_shared>> -> memref<40x128xf32, #tpu.memory_space<vmem_shared>>
    tpu.wait_dma2 semaphore(%arg10 : memref<!tpu.dma_semaphore, #tpu.memory_space<semaphore_mem>>) src(%arg7 : memref<40x128xf32, #tpu.memory_space<vmem>>) dst(%dma_wait3A_64 : memref<40x128xf32, #tpu.memory_space<vmem_shared>>)
    %dma_wait3A_65 = arith.constant 0 : i32
    %dma_wait3A_66 = arith.constant 0 : i32
    %dma_wait3A_67 = tpu.memref_slice %arg16[%dma_wait3A_65, %dma_wait3A_66] : memref<10000x128xf32, #tpu.memory_space<vmem_shared>> -> memref<40x128xf32, #tpu.memory_space<vmem_shared>>
    %dma_wait3A_68 = arith.constant 0 : i32
    %dma_wait3A_69 = arith.constant 0 : i32
    %dma_wait3A_70 = tpu.memref_slice %arg16[%dma_wait3A_68, %dma_wait3A_69] : memref<10000x128xf32, #tpu.memory_space<vmem_shared>> -> memref<40x128xf32, #tpu.memory_space<vmem_shared>>
    tpu.wait_dma2 semaphore(%arg15 : memref<!tpu.dma_semaphore, #tpu.memory_space<semaphore_mem>>) src(%arg7 : memref<40x128xf32, #tpu.memory_space<vmem>>) dst(%dma_wait3A_70 : memref<40x128xf32, #tpu.memory_space<vmem_shared>>)
    %barrier3A_71 = arith.constant 0 : index
    tpu.barrier barrier_id(%barrier3A_71)
    %mul3A_72 = arith.constant 624 : i32
    %mul3A_73 = arith.muli %arg1, %mul3A_72 : i32
    %mul3A_74 = arith.constant 10000 : i32
    %mul3A_75 = arith.muli %arg0, %mul3A_74 : i32
    %mul3A_76 = arith.constant 624 : i32
    %mul3A_77 = arith.muli %arg1, %mul3A_76 : i32
    %add3A_78 = arith.addi %mul3A_75, %mul3A_77 : i32
    "tpu.region"() ({
      %run_scoped3A = tpu.sem_alloc : memref<!tpu.dma_semaphore, #tpu.memory_space<semaphore_mem>>
      %dma_start3A_84 = arith.constant 0 : i32
      %dma_start3A_85 = tpu.memref_slice %arg5[%add3A_78, %dma_start3A_84] : memref<20000x128xf32, #tpu.memory_space<hbm>> -> memref<624x128xf32, #tpu.memory_space<hbm>>
      %dma_start3A_86 = arith.constant 0 : i32
      %dma_start3A_87 = tpu.memref_slice %arg16[%mul3A_73, %dma_start3A_86] : memref<10000x128xf32, #tpu.memory_space<vmem_shared>> -> memref<624x128xf32, #tpu.memory_space<vmem_shared>>
      tpu.enqueue_dma source(%dma_start3A_87 : memref<624x128xf32, #tpu.memory_space<vmem_shared>>) target(%dma_start3A_85 : memref<624x128xf32, #tpu.memory_space<hbm>>) target_semaphore(%run_scoped3A : memref<!tpu.dma_semaphore, #tpu.memory_space<semaphore_mem>>)
      %dma_wait3A_88 = arith.constant 0 : i32
      %dma_wait3A_89 = tpu.memref_slice %arg5[%add3A_78, %dma_wait3A_88] : memref<20000x128xf32, #tpu.memory_space<hbm>> -> memref<624x128xf32, #tpu.memory_space<hbm>>
      %dma_wait3A_90 = arith.constant 0 : i32
      %dma_wait3A_91 = tpu.memref_slice %arg16[%mul3A_73, %dma_wait3A_90] : memref<10000x128xf32, #tpu.memory_space<vmem_shared>> -> memref<624x128xf32, #tpu.memory_space<vmem_shared>>
      tpu.wait_dma2 semaphore(%run_scoped3A : memref<!tpu.dma_semaphore, #tpu.memory_space<semaphore_mem>>) src(%dma_wait3A_91 : memref<624x128xf32, #tpu.memory_space<vmem_shared>>) dst(%dma_wait3A_89 : memref<624x128xf32, #tpu.memory_space<hbm>>)
      tpu.yield
    }) : () -> ()
    %eq3A_79 = arith.constant 0 : i32
    %eq3A_80 = arith.cmpi eq, %arg1, %eq3A_79 : i32
    %convert_element_type3A_81 = arith.extui %eq3A_80 : i1 to i32
    %cond3A_82 = arith.constant 0 : i32
    %cond3A_83 = arith.cmpi ne, %convert_element_type3A_81, %cond3A_82 : i32
    scf.if %cond3A_83 {
      %mul3A_84 = arith.constant 10000 : i32
      %mul3A_85 = arith.muli %arg0, %mul3A_84 : i32
      %add3A_86 = arith.constant 9984 : i32
      %add3A_87 = arith.addi %mul3A_85, %add3A_86 : i32
      "tpu.region"() ({
        %run_scoped3A = tpu.sem_alloc : memref<!tpu.dma_semaphore, #tpu.memory_space<semaphore_mem>>
        %dma_start3A_88 = arith.constant 0 : i32
        %dma_start3A_89 = tpu.memref_slice %arg5[%add3A_87, %dma_start3A_88] : memref<20000x128xf32, #tpu.memory_space<hbm>> -> memref<16x128xf32, #tpu.memory_space<hbm>>
        %dma_start3A_90 = arith.constant 9984 : i32
        %dma_start3A_91 = arith.constant 0 : i32
        %dma_start3A_92 = tpu.memref_slice %arg16[%dma_start3A_90, %dma_start3A_91] : memref<10000x128xf32, #tpu.memory_space<vmem_shared>> -> memref<16x128xf32, #tpu.memory_space<vmem_shared>>
        tpu.enqueue_dma source(%dma_start3A_92 : memref<16x128xf32, #tpu.memory_space<vmem_shared>>) target(%dma_start3A_89 : memref<16x128xf32, #tpu.memory_space<hbm>>) target_semaphore(%run_scoped3A : memref<!tpu.dma_semaphore, #tpu.memory_space<semaphore_mem>>)
        %dma_wait3A_93 = arith.constant 0 : i32
        %dma_wait3A_94 = tpu.memref_slice %arg5[%add3A_87, %dma_wait3A_93] : memref<20000x128xf32, #tpu.memory_space<hbm>> -> memref<16x128xf32, #tpu.memory_space<hbm>>
        %dma_wait3A_95 = arith.constant 9984 : i32
        %dma_wait3A_96 = arith.constant 0 : i32
        %dma_wait3A_97 = tpu.memref_slice %arg16[%dma_wait3A_95, %dma_wait3A_96] : memref<10000x128xf32, #tpu.memory_space<vmem_shared>> -> memref<16x128xf32, #tpu.memory_space<vmem_shared>>
        tpu.wait_dma2 semaphore(%run_scoped3A : memref<!tpu.dma_semaphore, #tpu.memory_space<semaphore_mem>>) src(%dma_wait3A_97 : memref<16x128xf32, #tpu.memory_space<vmem_shared>>) dst(%dma_wait3A_94 : memref<16x128xf32, #tpu.memory_space<hbm>>)
        tpu.yield
      }) : () -> ()
    } else {
    }
    return
  }
}

module attributes {stable_mosaic.version = 14 : i64} {
  func.func @_pre_body(%arg0: memref<10000x128xf32, #tpu.memory_space<vmem>>, %arg1: memref<10000x128xf32, #tpu.memory_space<vmem>>, %arg2: memref<128x128xf32, #tpu.memory_space<vmem>>, %arg3: memref<128x128xf32, #tpu.memory_space<vmem>>, %arg4: memref<10000x128xf32, #tpu.memory_space<vmem>>, %arg5: memref<10000x128xf32, #tpu.memory_space<vmem>>) attributes {dimension_semantics = [], scalar_prefetch = 0 : i64, scratch_operands = 0 : i64, tpu.core_type = #tpu.core_type<tc>} {
    %get3A = arith.constant 0 : index
    %get3A_0 = arith.constant 0 : index
    %get3A_1 = vector.load %arg0[%get3A, %get3A_0] : memref<10000x128xf32, #tpu.memory_space<vmem>>, vector<10000x128xf32>
    %get3A_2 = arith.constant 0 : index
    %get3A_3 = arith.constant 0 : index
    %get3A_4 = vector.load %arg2[%get3A_2, %get3A_3] : memref<128x128xf32, #tpu.memory_space<vmem>>, vector<128x128xf32>
    %dot_general3A = arith.constant dense<0.000000e+00> : vector<10000x128xf32>
    %dot_general3A_5 = tpu.matmul %get3A_1, %get3A_4, %dot_general3A {dimension_numbers = #tpu.dot_dimension_numbers<[1], [0], [0], [1], [0, 0, 1, 1], [], []>, transpose_lhs_hint = false} : vector<10000x128xf32>, vector<128x128xf32>, vector<10000x128xf32> -> vector<10000x128xf32>
    %swap3A = arith.constant 0 : index
    %swap3A_6 = arith.constant 0 : index
    %swap3A_7 = vector.load %arg4[%swap3A, %swap3A_6] : memref<10000x128xf32, #tpu.memory_space<vmem>>, vector<10000x128xf32>
    tpu.vector_store %arg4[%swap3A, %swap3A_6], %dot_general3A_5 {strides = array<i32>} : memref<10000x128xf32, #tpu.memory_space<vmem>>, vector<10000x128xf32>,
    %get3A_8 = arith.constant 0 : index
    %get3A_9 = arith.constant 0 : index
    %get3A_10 = vector.load %arg1[%get3A_8, %get3A_9] : memref<10000x128xf32, #tpu.memory_space<vmem>>, vector<10000x128xf32>
    %get3A_11 = arith.constant 0 : index
    %get3A_12 = arith.constant 0 : index
    %get3A_13 = vector.load %arg3[%get3A_11, %get3A_12] : memref<128x128xf32, #tpu.memory_space<vmem>>, vector<128x128xf32>
    %dot_general3A_14 = arith.constant dense<0.000000e+00> : vector<10000x128xf32>
    %dot_general3A_15 = tpu.matmul %get3A_10, %get3A_13, %dot_general3A_14 {dimension_numbers = #tpu.dot_dimension_numbers<[1], [0], [0], [1], [0, 0, 1, 1], [], []>, transpose_lhs_hint = false} : vector<10000x128xf32>, vector<128x128xf32>, vector<10000x128xf32> -> vector<10000x128xf32>
    %swap3A_16 = arith.constant 0 : index
    %swap3A_17 = arith.constant 0 : index
    %swap3A_18 = vector.load %arg5[%swap3A_16, %swap3A_17] : memref<10000x128xf32, #tpu.memory_space<vmem>>, vector<10000x128xf32>
    tpu.vector_store %arg5[%swap3A_16, %swap3A_17], %dot_general3A_15 {strides = array<i32>} : memref<10000x128xf32, #tpu.memory_space<vmem>>, vector<10000x128xf32>,
    return
  }
}

module attributes {stable_mosaic.version = 14 : i64} {
  func.func @_edge_body(%arg0: i32, %arg1: memref<4000x128xf32, #tpu.memory_space<vmem>>, %arg2: memref<4000x64xi32, #tpu.memory_space<vmem>>, %arg3: memref<128x128xf32, #tpu.memory_space<vmem>>, %arg4: memref<1x128xf32, #tpu.memory_space<vmem>>, %arg5: memref<128x128xf32, #tpu.memory_space<vmem>>, %arg6: memref<1x128xf32, #tpu.memory_space<vmem>>, %arg7: memref<1x128xf32, #tpu.memory_space<vmem>>, %arg8: memref<1x128xf32, #tpu.memory_space<vmem>>, %arg9: memref<4000x128xf32, #tpu.memory_space<vmem>>) attributes {dimension_semantics = [#tpu.dimension_semantics<arbitrary>], iteration_bounds = array<i64: 40>, scalar_prefetch = 0 : i64, scratch_operands = 0 : i64, tpu.core_type = #tpu.core_type<tc>, window_params = [{transform_indices = @transform_0, window_bounds = array<i64: 4000, 128>}, {transform_indices = @transform_1, window_bounds = array<i64: 4000, 64>}, {pipeline_mode = #tpu.pipeline_mode<synchronous>, transform_indices = @transform_2, window_bounds = array<i64: 128, 128>}, {pipeline_mode = #tpu.pipeline_mode<synchronous>, transform_indices = @transform_3, window_bounds = array<i64: 1, 128>}, {pipeline_mode = #tpu.pipeline_mode<synchronous>, transform_indices = @transform_4, window_bounds = array<i64: 128, 128>}, {pipeline_mode = #tpu.pipeline_mode<synchronous>, transform_indices = @transform_5, window_bounds = array<i64: 1, 128>}, {pipeline_mode = #tpu.pipeline_mode<synchronous>, transform_indices = @transform_6, window_bounds = array<i64: 1, 128>}, {pipeline_mode = #tpu.pipeline_mode<synchronous>, transform_indices = @transform_7, window_bounds = array<i64: 1, 128>}, {transform_indices = @transform_8, window_bounds = array<i64: 4000, 128>}]} {
    %get3A = arith.constant 0 : index
    %get3A_0 = arith.constant 0 : index
    %get3A_1 = vector.load %arg2[%get3A, %get3A_0] : memref<4000x64xi32, #tpu.memory_space<vmem>>, vector<4000x64xi32>
    %unpack_elementwise3A = tpu.unpack_elementwise %get3A_1, 0 {source_type = bf16} : vector<4000x64xi32> -> vector<4000x64xf32>
    %unpack_elementwise3A_2 = tpu.unpack_elementwise %get3A_1, 1 {source_type = bf16} : vector<4000x64xi32> -> vector<4000x64xf32>
    %concatenate3A = tpu.concatenate %unpack_elementwise3A, %unpack_elementwise3A_2 in 1 : vector<4000x64xf32>, vector<4000x64xf32> -> vector<4000x128xf32>
    %get3A_3 = arith.constant 0 : index
    %get3A_4 = arith.constant 0 : index
    %get3A_5 = vector.load %arg1[%get3A_3, %get3A_4] : memref<4000x128xf32, #tpu.memory_space<vmem>>, vector<4000x128xf32>
    %get3A_6 = arith.constant 0 : index
    %get3A_7 = arith.constant 0 : index
    %get3A_8 = vector.load %arg3[%get3A_6, %get3A_7] : memref<128x128xf32, #tpu.memory_space<vmem>>, vector<128x128xf32>
    %dot_general3A = arith.constant dense<0.000000e+00> : vector<4000x128xf32>
    %dot_general3A_9 = tpu.matmul %get3A_5, %get3A_8, %dot_general3A {dimension_numbers = #tpu.dot_dimension_numbers<[1], [0], [0], [1], [0, 0, 1, 1], [], []>, transpose_lhs_hint = false} : vector<4000x128xf32>, vector<128x128xf32>, vector<4000x128xf32> -> vector<4000x128xf32>
    %add3A = arith.addf %dot_general3A_9, %concatenate3A : vector<4000x128xf32>
    %get3A_10 = arith.constant 0 : index
    %get3A_11 = arith.constant 0 : index
    %get3A_12 = vector.load %arg4[%get3A_10, %get3A_11] : memref<1x128xf32, #tpu.memory_space<vmem>>, vector<1x128xf32>
    %add3A_13 = vector.broadcast %get3A_12 : vector<1x128xf32> to vector<4000x128xf32>
    %add3A_14 = arith.addf %add3A, %add3A_13 : vector<4000x128xf32>
    %neg3A = arith.constant 0.000000e+00 : f32
    %neg3A_15 = vector.broadcast %neg3A : f32 to vector<4000x128xf32>
    %neg3A_16 = arith.subf %neg3A_15, %add3A_14 : vector<4000x128xf32>
    %exp3A = math.exp %neg3A_16 : vector<4000x128xf32>
    %add3A_17 = arith.constant 1.000000e+00 : f32
    %add3A_18 = vector.broadcast %add3A_17 : f32 to vector<4000x128xf32>
    %add3A_19 = arith.addf %add3A_18, %exp3A : vector<4000x128xf32>
    %div3A = arith.divf %add3A_14, %add3A_19 : vector<4000x128xf32>
    %get3A_20 = arith.constant 0 : index
    %get3A_21 = arith.constant 0 : index
    %get3A_22 = vector.load %arg5[%get3A_20, %get3A_21] : memref<128x128xf32, #tpu.memory_space<vmem>>, vector<128x128xf32>
    %get3A_23 = arith.constant 0 : index
    %get3A_24 = arith.constant 0 : index
    %get3A_25 = vector.load %arg6[%get3A_23, %get3A_24] : memref<1x128xf32, #tpu.memory_space<vmem>>, vector<1x128xf32>
    %get3A_26 = arith.constant 0 : index
    %get3A_27 = arith.constant 0 : index
    %get3A_28 = vector.load %arg7[%get3A_26, %get3A_27] : memref<1x128xf32, #tpu.memory_space<vmem>>, vector<1x128xf32>
    %get3A_29 = arith.constant 0 : index
    %get3A_30 = arith.constant 0 : index
    %get3A_31 = vector.load %arg8[%get3A_29, %get3A_30] : memref<1x128xf32, #tpu.memory_space<vmem>>, vector<1x128xf32>
    %dot_general3A_32 = arith.constant dense<0.000000e+00> : vector<4000x128xf32>
    %dot_general3A_33 = tpu.matmul %div3A, %get3A_22, %dot_general3A_32 {dimension_numbers = #tpu.dot_dimension_numbers<[1], [0], [0], [1], [0, 0, 1, 1], [], []>, transpose_lhs_hint = false} : vector<4000x128xf32>, vector<128x128xf32>, vector<4000x128xf32> -> vector<4000x128xf32>
    %add3A_34 = vector.broadcast %get3A_25 : vector<1x128xf32> to vector<4000x128xf32>
    %add3A_35 = arith.addf %dot_general3A_33, %add3A_34 : vector<4000x128xf32>
    %reduce_sum3A = arith.constant dense<0.000000e+00> : vector<4000xf32>
    %reduce_sum3A_36 = vector.multi_reduction <add>, %add3A_35, %reduce_sum3A [1] : vector<4000x128xf32> to vector<4000xf32>
    %broadcast_in_dim3A = vector.shape_cast %reduce_sum3A_36 : vector<4000xf32> to vector<4000x1xf32>
    %div3A_37 = arith.constant 1.280000e+02 : f32
    %div3A_38 = vector.broadcast %div3A_37 : f32 to vector<4000x1xf32>
    %div3A_39 = arith.divf %broadcast_in_dim3A, %div3A_38 : vector<4000x1xf32>
    %sub3A = vector.broadcast %div3A_39 : vector<4000x1xf32> to vector<4000x128xf32>
    %sub3A_40 = arith.subf %add3A_35, %sub3A : vector<4000x128xf32>
    %integer_pow3A = arith.mulf %sub3A_40, %sub3A_40 : vector<4000x128xf32>
    %reduce_sum3A_41 = arith.constant dense<0.000000e+00> : vector<4000xf32>
    %reduce_sum3A_42 = vector.multi_reduction <add>, %integer_pow3A, %reduce_sum3A_41 [1] : vector<4000x128xf32> to vector<4000xf32>
    %broadcast_in_dim3A_43 = vector.shape_cast %reduce_sum3A_42 : vector<4000xf32> to vector<4000x1xf32>
    %div3A_44 = arith.constant 1.280000e+02 : f32
    %div3A_45 = vector.broadcast %div3A_44 : f32 to vector<4000x1xf32>
    %div3A_46 = arith.divf %broadcast_in_dim3A_43, %div3A_45 : vector<4000x1xf32>
    %sub3A_47 = vector.broadcast %div3A_39 : vector<4000x1xf32> to vector<4000x128xf32>
    %sub3A_48 = arith.subf %add3A_35, %sub3A_47 : vector<4000x128xf32>
    %add3A_49 = arith.constant 9.99999974E-6 : f32
    %add3A_50 = vector.broadcast %add3A_49 : f32 to vector<4000x1xf32>
    %add3A_51 = arith.addf %div3A_46, %add3A_50 : vector<4000x1xf32>
    %rsqrt3A = math.rsqrt %add3A_51 : vector<4000x1xf32>
    %mul3A = vector.broadcast %rsqrt3A : vector<4000x1xf32> to vector<4000x128xf32>
    %mul3A_52 = arith.mulf %sub3A_48, %mul3A : vector<4000x128xf32>
    %mul3A_53 = vector.broadcast %get3A_28 : vector<1x128xf32> to vector<4000x128xf32>
    %mul3A_54 = arith.mulf %mul3A_52, %mul3A_53 : vector<4000x128xf32>
    %add3A_55 = vector.broadcast %get3A_31 : vector<1x128xf32> to vector<4000x128xf32>
    %add3A_56 = arith.addf %mul3A_54, %add3A_55 : vector<4000x128xf32>
    %swap3A = arith.constant 0 : index
    %swap3A_57 = arith.constant 0 : index
    %swap3A_58 = vector.load %arg9[%swap3A, %swap3A_57] : memref<4000x128xf32, #tpu.memory_space<vmem>>, vector<4000x128xf32>
    tpu.vector_store %arg9[%swap3A, %swap3A_57], %add3A_56 {strides = array<i32>} : memref<4000x128xf32, #tpu.memory_space<vmem>>, vector<4000x128xf32>,
    return
  }
  func.func @transform_0(%arg0: i32) -> (i32, i32) {
    %c0_i32 = arith.constant 0 : i32
    %c0_i32_0 = arith.constant 0 : i32
    return %arg0, %c0_i32 : i32, i32
  }
  func.func @transform_1(%arg0: i32) -> (i32, i32) {
    %c0_i32 = arith.constant 0 : i32
    %c0_i32_0 = arith.constant 0 : i32
    return %arg0, %c0_i32 : i32, i32
  }
  func.func @transform_2(%arg0: i32) -> (i32, i32) {
    %c0_i32 = arith.constant 0 : i32
    %c0_i32_0 = arith.constant 0 : i32
    %c0_i32_1 = arith.constant 0 : i32
    return %c0_i32, %c0_i32_0 : i32, i32
  }
  func.func @transform_3(%arg0: i32) -> (i32, i32) {
    %c0_i32 = arith.constant 0 : i32
    %c0_i32_0 = arith.constant 0 : i32
    %c0_i32_1 = arith.constant 0 : i32
    return %c0_i32, %c0_i32_0 : i32, i32
  }
  func.func @transform_4(%arg0: i32) -> (i32, i32) {
    %c0_i32 = arith.constant 0 : i32
    %c0_i32_0 = arith.constant 0 : i32
    %c0_i32_1 = arith.constant 0 : i32
    return %c0_i32, %c0_i32_0 : i32, i32
  }
  func.func @transform_5(%arg0: i32) -> (i32, i32) {
    %c0_i32 = arith.constant 0 : i32
    %c0_i32_0 = arith.constant 0 : i32
    %c0_i32_1 = arith.constant 0 : i32
    return %c0_i32, %c0_i32_0 : i32, i32
  }
  func.func @transform_6(%arg0: i32) -> (i32, i32) {
    %c0_i32 = arith.constant 0 : i32
    %c0_i32_0 = arith.constant 0 : i32
    %c0_i32_1 = arith.constant 0 : i32
    return %c0_i32, %c0_i32_0 : i32, i32
  }
  func.func @transform_7(%arg0: i32) -> (i32, i32) {
    %c0_i32 = arith.constant 0 : i32
    %c0_i32_0 = arith.constant 0 : i32
    %c0_i32_1 = arith.constant 0 : i32
    return %c0_i32, %c0_i32_0 : i32, i32
  }
  func.func @transform_8(%arg0: i32) -> (i32, i32) {
    %c0_i32 = arith.constant 0 : i32
    %c0_i32_0 = arith.constant 0 : i32
    return %arg0, %c0_i32 : i32, i32
  }
}

module attributes {stable_mosaic.version = 14 : i64} {
  func.func @_grid_body(%arg0: i32, %arg1: memref<2000x128xf32, #tpu.memory_space<vmem>>, %arg2: memref<128x128xf32, #tpu.memory_space<vmem>>, %arg3: memref<1x128xf32, #tpu.memory_space<vmem>>, %arg4: memref<128x128xf32, #tpu.memory_space<vmem>>, %arg5: memref<1x128xf32, #tpu.memory_space<vmem>>, %arg6: memref<1x128xf32, #tpu.memory_space<vmem>>, %arg7: memref<1x128xf32, #tpu.memory_space<vmem>>, %arg8: memref<2000x128xf32, #tpu.memory_space<vmem>>) attributes {dimension_semantics = [#tpu.dimension_semantics<arbitrary>], iteration_bounds = array<i64: 5>, scalar_prefetch = 0 : i64, scratch_operands = 0 : i64, tpu.core_type = #tpu.core_type<tc>, window_params = [{transform_indices = @transform_0, window_bounds = array<i64: 2000, 128>}, {pipeline_mode = #tpu.pipeline_mode<synchronous>, transform_indices = @transform_1, window_bounds = array<i64: 128, 128>}, {pipeline_mode = #tpu.pipeline_mode<synchronous>, transform_indices = @transform_2, window_bounds = array<i64: 1, 128>}, {pipeline_mode = #tpu.pipeline_mode<synchronous>, transform_indices = @transform_3, window_bounds = array<i64: 128, 128>}, {pipeline_mode = #tpu.pipeline_mode<synchronous>, transform_indices = @transform_4, window_bounds = array<i64: 1, 128>}, {pipeline_mode = #tpu.pipeline_mode<synchronous>, transform_indices = @transform_5, window_bounds = array<i64: 1, 128>}, {pipeline_mode = #tpu.pipeline_mode<synchronous>, transform_indices = @transform_6, window_bounds = array<i64: 1, 128>}, {transform_indices = @transform_7, window_bounds = array<i64: 2000, 128>}]} {
    %get3A = arith.constant 0 : index
    %get3A_0 = arith.constant 0 : index
    %get3A_1 = vector.load %arg1[%get3A, %get3A_0] : memref<2000x128xf32, #tpu.memory_space<vmem>>, vector<2000x128xf32>
    %get3A_2 = arith.constant 0 : index
    %get3A_3 = arith.constant 0 : index
    %get3A_4 = vector.load %arg2[%get3A_2, %get3A_3] : memref<128x128xf32, #tpu.memory_space<vmem>>, vector<128x128xf32>
    %dot_general3A = arith.constant dense<0.000000e+00> : vector<2000x128xf32>
    %dot_general3A_5 = tpu.matmul %get3A_1, %get3A_4, %dot_general3A {dimension_numbers = #tpu.dot_dimension_numbers<[1], [0], [0], [1], [0, 0, 1, 1], [], []>, transpose_lhs_hint = false} : vector<2000x128xf32>, vector<128x128xf32>, vector<2000x128xf32> -> vector<2000x128xf32>
    %get3A_6 = arith.constant 0 : index
    %get3A_7 = arith.constant 0 : index
    %get3A_8 = vector.load %arg3[%get3A_6, %get3A_7] : memref<1x128xf32, #tpu.memory_space<vmem>>, vector<1x128xf32>
    %add3A = vector.broadcast %get3A_8 : vector<1x128xf32> to vector<2000x128xf32>
    %add3A_9 = arith.addf %dot_general3A_5, %add3A : vector<2000x128xf32>
    %get3A_10 = arith.constant 0 : index
    %get3A_11 = arith.constant 0 : index
    %get3A_12 = vector.load %arg1[%get3A_10, %get3A_11] : memref<2000x128xf32, #tpu.memory_space<vmem>>, vector<2000x128xf32>
    %neg3A = arith.constant 0.000000e+00 : f32
    %neg3A_13 = vector.broadcast %neg3A : f32 to vector<2000x128xf32>
    %neg3A_14 = arith.subf %neg3A_13, %add3A_9 : vector<2000x128xf32>
    %exp3A = math.exp %neg3A_14 : vector<2000x128xf32>
    %add3A_15 = arith.constant 1.000000e+00 : f32
    %add3A_16 = vector.broadcast %add3A_15 : f32 to vector<2000x128xf32>
    %add3A_17 = arith.addf %add3A_16, %exp3A : vector<2000x128xf32>
    %div3A = arith.divf %add3A_9, %add3A_17 : vector<2000x128xf32>
    %get3A_18 = arith.constant 0 : index
    %get3A_19 = arith.constant 0 : index
    %get3A_20 = vector.load %arg4[%get3A_18, %get3A_19] : memref<128x128xf32, #tpu.memory_space<vmem>>, vector<128x128xf32>
    %get3A_21 = arith.constant 0 : index
    %get3A_22 = arith.constant 0 : index
    %get3A_23 = vector.load %arg5[%get3A_21, %get3A_22] : memref<1x128xf32, #tpu.memory_space<vmem>>, vector<1x128xf32>
    %get3A_24 = arith.constant 0 : index
    %get3A_25 = arith.constant 0 : index
    %get3A_26 = vector.load %arg6[%get3A_24, %get3A_25] : memref<1x128xf32, #tpu.memory_space<vmem>>, vector<1x128xf32>
    %get3A_27 = arith.constant 0 : index
    %get3A_28 = arith.constant 0 : index
    %get3A_29 = vector.load %arg7[%get3A_27, %get3A_28] : memref<1x128xf32, #tpu.memory_space<vmem>>, vector<1x128xf32>
    %dot_general3A_30 = arith.constant dense<0.000000e+00> : vector<2000x128xf32>
    %dot_general3A_31 = tpu.matmul %div3A, %get3A_20, %dot_general3A_30 {dimension_numbers = #tpu.dot_dimension_numbers<[1], [0], [0], [1], [0, 0, 1, 1], [], []>, transpose_lhs_hint = false} : vector<2000x128xf32>, vector<128x128xf32>, vector<2000x128xf32> -> vector<2000x128xf32>
    %add3A_32 = vector.broadcast %get3A_23 : vector<1x128xf32> to vector<2000x128xf32>
    %add3A_33 = arith.addf %dot_general3A_31, %add3A_32 : vector<2000x128xf32>
    %reduce_sum3A = arith.constant dense<0.000000e+00> : vector<2000xf32>
    %reduce_sum3A_34 = vector.multi_reduction <add>, %add3A_33, %reduce_sum3A [1] : vector<2000x128xf32> to vector<2000xf32>
    %broadcast_in_dim3A = vector.shape_cast %reduce_sum3A_34 : vector<2000xf32> to vector<2000x1xf32>
    %div3A_35 = arith.constant 1.280000e+02 : f32
    %div3A_36 = vector.broadcast %div3A_35 : f32 to vector<2000x1xf32>
    %div3A_37 = arith.divf %broadcast_in_dim3A, %div3A_36 : vector<2000x1xf32>
    %sub3A = vector.broadcast %div3A_37 : vector<2000x1xf32> to vector<2000x128xf32>
    %sub3A_38 = arith.subf %add3A_33, %sub3A : vector<2000x128xf32>
    %integer_pow3A = arith.mulf %sub3A_38, %sub3A_38 : vector<2000x128xf32>
    %reduce_sum3A_39 = arith.constant dense<0.000000e+00> : vector<2000xf32>
    %reduce_sum3A_40 = vector.multi_reduction <add>, %integer_pow3A, %reduce_sum3A_39 [1] : vector<2000x128xf32> to vector<2000xf32>
    %broadcast_in_dim3A_41 = vector.shape_cast %reduce_sum3A_40 : vector<2000xf32> to vector<2000x1xf32>
    %div3A_42 = arith.constant 1.280000e+02 : f32
    %div3A_43 = vector.broadcast %div3A_42 : f32 to vector<2000x1xf32>
    %div3A_44 = arith.divf %broadcast_in_dim3A_41, %div3A_43 : vector<2000x1xf32>
    %sub3A_45 = vector.broadcast %div3A_37 : vector<2000x1xf32> to vector<2000x128xf32>
    %sub3A_46 = arith.subf %add3A_33, %sub3A_45 : vector<2000x128xf32>
    %add3A_47 = arith.constant 9.99999974E-6 : f32
    %add3A_48 = vector.broadcast %add3A_47 : f32 to vector<2000x1xf32>
    %add3A_49 = arith.addf %div3A_44, %add3A_48 : vector<2000x1xf32>
    %rsqrt3A = math.rsqrt %add3A_49 : vector<2000x1xf32>
    %mul3A = vector.broadcast %rsqrt3A : vector<2000x1xf32> to vector<2000x128xf32>
    %mul3A_50 = arith.mulf %sub3A_46, %mul3A : vector<2000x128xf32>
    %mul3A_51 = vector.broadcast %get3A_26 : vector<1x128xf32> to vector<2000x128xf32>
    %mul3A_52 = arith.mulf %mul3A_50, %mul3A_51 : vector<2000x128xf32>
    %add3A_53 = vector.broadcast %get3A_29 : vector<1x128xf32> to vector<2000x128xf32>
    %add3A_54 = arith.addf %mul3A_52, %add3A_53 : vector<2000x128xf32>
    %add3A_55 = arith.addf %get3A_12, %add3A_54 : vector<2000x128xf32>
    %swap3A = arith.constant 0 : index
    %swap3A_56 = arith.constant 0 : index
    %swap3A_57 = vector.load %arg8[%swap3A, %swap3A_56] : memref<2000x128xf32, #tpu.memory_space<vmem>>, vector<2000x128xf32>
    tpu.vector_store %arg8[%swap3A, %swap3A_56], %add3A_55 {strides = array<i32>} : memref<2000x128xf32, #tpu.memory_space<vmem>>, vector<2000x128xf32>,
    return
  }
  func.func @transform_0(%arg0: i32) -> (i32, i32) {
    %c0_i32 = arith.constant 0 : i32
    %c0_i32_0 = arith.constant 0 : i32
    return %arg0, %c0_i32 : i32, i32
  }
  func.func @transform_1(%arg0: i32) -> (i32, i32) {
    %c0_i32 = arith.constant 0 : i32
    %c0_i32_0 = arith.constant 0 : i32
    %c0_i32_1 = arith.constant 0 : i32
    return %c0_i32, %c0_i32_0 : i32, i32
  }
  func.func @transform_2(%arg0: i32) -> (i32, i32) {
    %c0_i32 = arith.constant 0 : i32
    %c0_i32_0 = arith.constant 0 : i32
    %c0_i32_1 = arith.constant 0 : i32
    return %c0_i32, %c0_i32_0 : i32, i32
  }
  func.func @transform_3(%arg0: i32) -> (i32, i32) {
    %c0_i32 = arith.constant 0 : i32
    %c0_i32_0 = arith.constant 0 : i32
    %c0_i32_1 = arith.constant 0 : i32
    return %c0_i32, %c0_i32_0 : i32, i32
  }
  func.func @transform_4(%arg0: i32) -> (i32, i32) {
    %c0_i32 = arith.constant 0 : i32
    %c0_i32_0 = arith.constant 0 : i32
    %c0_i32_1 = arith.constant 0 : i32
    return %c0_i32, %c0_i32_0 : i32, i32
  }
  func.func @transform_5(%arg0: i32) -> (i32, i32) {
    %c0_i32 = arith.constant 0 : i32
    %c0_i32_0 = arith.constant 0 : i32
    %c0_i32_1 = arith.constant 0 : i32
    return %c0_i32, %c0_i32_0 : i32, i32
  }
  func.func @transform_6(%arg0: i32) -> (i32, i32) {
    %c0_i32 = arith.constant 0 : i32
    %c0_i32_0 = arith.constant 0 : i32
    %c0_i32_1 = arith.constant 0 : i32
    return %c0_i32, %c0_i32_0 : i32, i32
  }
  func.func @transform_7(%arg0: i32) -> (i32, i32) {
    %c0_i32 = arith.constant 0 : i32
    %c0_i32_0 = arith.constant 0 : i32
    return %arg0, %c0_i32 : i32, i32
  }
}

module attributes {stable_mosaic.version = 14 : i64} {
  func.func @_mesh_body(%arg0: i32, %arg1: memref<2x2000x128xf32, #tpu.memory_space<vmem>>, %arg2: memref<2x2000x128xf32, #tpu.memory_space<vmem>>, %arg3: memref<2000x128xf32, #tpu.memory_space<vmem>>, %arg4: memref<128x128xf32, #tpu.memory_space<vmem>>, %arg5: memref<128x128xf32, #tpu.memory_space<vmem>>, %arg6: memref<1x128xf32, #tpu.memory_space<vmem>>, %arg7: memref<128x128xf32, #tpu.memory_space<vmem>>, %arg8: memref<1x128xf32, #tpu.memory_space<vmem>>, %arg9: memref<1x128xf32, #tpu.memory_space<vmem>>, %arg10: memref<1x128xf32, #tpu.memory_space<vmem>>, %arg11: memref<2000x128xf32, #tpu.memory_space<vmem>>) attributes {dimension_semantics = [#tpu.dimension_semantics<arbitrary>], iteration_bounds = array<i64: 5>, scalar_prefetch = 0 : i64, scratch_operands = 0 : i64, tpu.core_type = #tpu.core_type<tc>, window_params = [{transform_indices = @transform_0, window_bounds = array<i64: 2, 2000, 128>}, {transform_indices = @transform_1, window_bounds = array<i64: 2, 2000, 128>}, {transform_indices = @transform_2, window_bounds = array<i64: 2000, 128>}, {pipeline_mode = #tpu.pipeline_mode<synchronous>, transform_indices = @transform_3, window_bounds = array<i64: 128, 128>}, {pipeline_mode = #tpu.pipeline_mode<synchronous>, transform_indices = @transform_4, window_bounds = array<i64: 128, 128>}, {pipeline_mode = #tpu.pipeline_mode<synchronous>, transform_indices = @transform_5, window_bounds = array<i64: 1, 128>}, {pipeline_mode = #tpu.pipeline_mode<synchronous>, transform_indices = @transform_6, window_bounds = array<i64: 128, 128>}, {pipeline_mode = #tpu.pipeline_mode<synchronous>, transform_indices = @transform_7, window_bounds = array<i64: 1, 128>}, {pipeline_mode = #tpu.pipeline_mode<synchronous>, transform_indices = @transform_8, window_bounds = array<i64: 1, 128>}, {pipeline_mode = #tpu.pipeline_mode<synchronous>, transform_indices = @transform_9, window_bounds = array<i64: 1, 128>}, {transform_indices = @transform_10, window_bounds = array<i64: 2000, 128>}]} {
    %get3A = arith.constant 0 : index
    %get3A_0 = arith.constant 0 : index
    %get3A_1 = arith.constant 0 : index
    %get3A_2 = vector.load %arg1[%get3A, %get3A_0, %get3A_1] : memref<2x2000x128xf32, #tpu.memory_space<vmem>>, vector<1x2000x128xf32>
    %get3A_3 = vector.shape_cast %get3A_2 : vector<1x2000x128xf32> to vector<2000x128xf32>
    %get3A_4 = arith.constant 1 : index
    %get3A_5 = arith.constant 0 : index
    %get3A_6 = arith.constant 0 : index
    %get3A_7 = vector.load %arg1[%get3A_4, %get3A_5, %get3A_6] : memref<2x2000x128xf32, #tpu.memory_space<vmem>>, vector<1x2000x128xf32>
    %get3A_8 = vector.shape_cast %get3A_7 : vector<1x2000x128xf32> to vector<2000x128xf32>
    %add3A = arith.addf %get3A_3, %get3A_8 : vector<2000x128xf32>
    %get3A_9 = arith.constant 0 : index
    %get3A_10 = arith.constant 0 : index
    %get3A_11 = arith.constant 0 : index
    %get3A_12 = vector.load %arg2[%get3A_9, %get3A_10, %get3A_11] : memref<2x2000x128xf32, #tpu.memory_space<vmem>>, vector<1x2000x128xf32>
    %get3A_13 = vector.shape_cast %get3A_12 : vector<1x2000x128xf32> to vector<2000x128xf32>
    %get3A_14 = arith.constant 1 : index
    %get3A_15 = arith.constant 0 : index
    %get3A_16 = arith.constant 0 : index
    %get3A_17 = vector.load %arg2[%get3A_14, %get3A_15, %get3A_16] : memref<2x2000x128xf32, #tpu.memory_space<vmem>>, vector<1x2000x128xf32>
    %get3A_18 = vector.shape_cast %get3A_17 : vector<1x2000x128xf32> to vector<2000x128xf32>
    %add3A_19 = arith.addf %get3A_13, %get3A_18 : vector<2000x128xf32>
    %add3A_20 = arith.addf %add3A, %add3A_19 : vector<2000x128xf32>
    %get3A_21 = arith.constant 0 : index
    %get3A_22 = arith.constant 0 : index
    %get3A_23 = vector.load %arg4[%get3A_21, %get3A_22] : memref<128x128xf32, #tpu.memory_space<vmem>>, vector<128x128xf32>
    %dot_general3A = arith.constant dense<0.000000e+00> : vector<2000x128xf32>
    %dot_general3A_24 = tpu.matmul %add3A_20, %get3A_23, %dot_general3A {dimension_numbers = #tpu.dot_dimension_numbers<[1], [0], [0], [1], [0, 0, 1, 1], [], []>, transpose_lhs_hint = false} : vector<2000x128xf32>, vector<128x128xf32>, vector<2000x128xf32> -> vector<2000x128xf32>
    %get3A_25 = arith.constant 0 : index
    %get3A_26 = arith.constant 0 : index
    %get3A_27 = vector.load %arg3[%get3A_25, %get3A_26] : memref<2000x128xf32, #tpu.memory_space<vmem>>, vector<2000x128xf32>
    %get3A_28 = arith.constant 0 : index
    %get3A_29 = arith.constant 0 : index
    %get3A_30 = vector.load %arg5[%get3A_28, %get3A_29] : memref<128x128xf32, #tpu.memory_space<vmem>>, vector<128x128xf32>
    %dot_general3A_31 = arith.constant dense<0.000000e+00> : vector<2000x128xf32>
    %dot_general3A_32 = tpu.matmul %get3A_27, %get3A_30, %dot_general3A_31 {dimension_numbers = #tpu.dot_dimension_numbers<[1], [0], [0], [1], [0, 0, 1, 1], [], []>, transpose_lhs_hint = false} : vector<2000x128xf32>, vector<128x128xf32>, vector<2000x128xf32> -> vector<2000x128xf32>
    %add3A_33 = arith.addf %dot_general3A_24, %dot_general3A_32 : vector<2000x128xf32>
    %get3A_34 = arith.constant 0 : index
    %get3A_35 = arith.constant 0 : index
    %get3A_36 = vector.load %arg6[%get3A_34, %get3A_35] : memref<1x128xf32, #tpu.memory_space<vmem>>, vector<1x128xf32>
    %add3A_37 = vector.broadcast %get3A_36 : vector<1x128xf32> to vector<2000x128xf32>
    %add3A_38 = arith.addf %add3A_33, %add3A_37 : vector<2000x128xf32>
    %get3A_39 = arith.constant 0 : index
    %get3A_40 = arith.constant 0 : index
    %get3A_41 = vector.load %arg3[%get3A_39, %get3A_40] : memref<2000x128xf32, #tpu.memory_space<vmem>>, vector<2000x128xf32>
    %neg3A = arith.constant 0.000000e+00 : f32
    %neg3A_42 = vector.broadcast %neg3A : f32 to vector<2000x128xf32>
    %neg3A_43 = arith.subf %neg3A_42, %add3A_38 : vector<2000x128xf32>
    %exp3A = math.exp %neg3A_43 : vector<2000x128xf32>
    %add3A_44 = arith.constant 1.000000e+00 : f32
    %add3A_45 = vector.broadcast %add3A_44 : f32 to vector<2000x128xf32>
    %add3A_46 = arith.addf %add3A_45, %exp3A : vector<2000x128xf32>
    %div3A = arith.divf %add3A_38, %add3A_46 : vector<2000x128xf32>
    %get3A_47 = arith.constant 0 : index
    %get3A_48 = arith.constant 0 : index
    %get3A_49 = vector.load %arg7[%get3A_47, %get3A_48] : memref<128x128xf32, #tpu.memory_space<vmem>>, vector<128x128xf32>
    %get3A_50 = arith.constant 0 : index
    %get3A_51 = arith.constant 0 : index
    %get3A_52 = vector.load %arg8[%get3A_50, %get3A_51] : memref<1x128xf32, #tpu.memory_space<vmem>>, vector<1x128xf32>
    %get3A_53 = arith.constant 0 : index
    %get3A_54 = arith.constant 0 : index
    %get3A_55 = vector.load %arg9[%get3A_53, %get3A_54] : memref<1x128xf32, #tpu.memory_space<vmem>>, vector<1x128xf32>
    %get3A_56 = arith.constant 0 : index
    %get3A_57 = arith.constant 0 : index
    %get3A_58 = vector.load %arg10[%get3A_56, %get3A_57] : memref<1x128xf32, #tpu.memory_space<vmem>>, vector<1x128xf32>
    %dot_general3A_59 = arith.constant dense<0.000000e+00> : vector<2000x128xf32>
    %dot_general3A_60 = tpu.matmul %div3A, %get3A_49, %dot_general3A_59 {dimension_numbers = #tpu.dot_dimension_numbers<[1], [0], [0], [1], [0, 0, 1, 1], [], []>, transpose_lhs_hint = false} : vector<2000x128xf32>, vector<128x128xf32>, vector<2000x128xf32> -> vector<2000x128xf32>
    %add3A_61 = vector.broadcast %get3A_52 : vector<1x128xf32> to vector<2000x128xf32>
    %add3A_62 = arith.addf %dot_general3A_60, %add3A_61 : vector<2000x128xf32>
    %reduce_sum3A = arith.constant dense<0.000000e+00> : vector<2000xf32>
    %reduce_sum3A_63 = vector.multi_reduction <add>, %add3A_62, %reduce_sum3A [1] : vector<2000x128xf32> to vector<2000xf32>
    %broadcast_in_dim3A = vector.shape_cast %reduce_sum3A_63 : vector<2000xf32> to vector<2000x1xf32>
    %div3A_64 = arith.constant 1.280000e+02 : f32
    %div3A_65 = vector.broadcast %div3A_64 : f32 to vector<2000x1xf32>
    %div3A_66 = arith.divf %broadcast_in_dim3A, %div3A_65 : vector<2000x1xf32>
    %sub3A = vector.broadcast %div3A_66 : vector<2000x1xf32> to vector<2000x128xf32>
    %sub3A_67 = arith.subf %add3A_62, %sub3A : vector<2000x128xf32>
    %integer_pow3A = arith.mulf %sub3A_67, %sub3A_67 : vector<2000x128xf32>
    %reduce_sum3A_68 = arith.constant dense<0.000000e+00> : vector<2000xf32>
    %reduce_sum3A_69 = vector.multi_reduction <add>, %integer_pow3A, %reduce_sum3A_68 [1] : vector<2000x128xf32> to vector<2000xf32>
    %broadcast_in_dim3A_70 = vector.shape_cast %reduce_sum3A_69 : vector<2000xf32> to vector<2000x1xf32>
    %div3A_71 = arith.constant 1.280000e+02 : f32
    %div3A_72 = vector.broadcast %div3A_71 : f32 to vector<2000x1xf32>
    %div3A_73 = arith.divf %broadcast_in_dim3A_70, %div3A_72 : vector<2000x1xf32>
    %sub3A_74 = vector.broadcast %div3A_66 : vector<2000x1xf32> to vector<2000x128xf32>
    %sub3A_75 = arith.subf %add3A_62, %sub3A_74 : vector<2000x128xf32>
    %add3A_76 = arith.constant 9.99999974E-6 : f32
    %add3A_77 = vector.broadcast %add3A_76 : f32 to vector<2000x1xf32>
    %add3A_78 = arith.addf %div3A_73, %add3A_77 : vector<2000x1xf32>
    %rsqrt3A = math.rsqrt %add3A_78 : vector<2000x1xf32>
    %mul3A = vector.broadcast %rsqrt3A : vector<2000x1xf32> to vector<2000x128xf32>
    %mul3A_79 = arith.mulf %sub3A_75, %mul3A : vector<2000x128xf32>
    %mul3A_80 = vector.broadcast %get3A_55 : vector<1x128xf32> to vector<2000x128xf32>
    %mul3A_81 = arith.mulf %mul3A_79, %mul3A_80 : vector<2000x128xf32>
    %add3A_82 = vector.broadcast %get3A_58 : vector<1x128xf32> to vector<2000x128xf32>
    %add3A_83 = arith.addf %mul3A_81, %add3A_82 : vector<2000x128xf32>
    %add3A_84 = arith.addf %get3A_41, %add3A_83 : vector<2000x128xf32>
    %swap3A = arith.constant 0 : index
    %swap3A_85 = arith.constant 0 : index
    %swap3A_86 = vector.load %arg11[%swap3A, %swap3A_85] : memref<2000x128xf32, #tpu.memory_space<vmem>>, vector<2000x128xf32>
    tpu.vector_store %arg11[%swap3A, %swap3A_85], %add3A_84 {strides = array<i32>} : memref<2000x128xf32, #tpu.memory_space<vmem>>, vector<2000x128xf32>,
    return
  }
  func.func @transform_0(%arg0: i32) -> (i32, i32, i32) {
    %c0_i32 = arith.constant 0 : i32
    %c0_i32_0 = arith.constant 0 : i32
    %c0_i32_1 = arith.constant 0 : i32
    return %c0_i32, %arg0, %c0_i32_0 : i32, i32, i32
  }
  func.func @transform_1(%arg0: i32) -> (i32, i32, i32) {
    %c0_i32 = arith.constant 0 : i32
    %c0_i32_0 = arith.constant 0 : i32
    %c0_i32_1 = arith.constant 0 : i32
    return %c0_i32, %arg0, %c0_i32_0 : i32, i32, i32
  }
  func.func @transform_2(%arg0: i32) -> (i32, i32) {
    %c0_i32 = arith.constant 0 : i32
    %c0_i32_0 = arith.constant 0 : i32
    return %arg0, %c0_i32 : i32, i32
  }
  func.func @transform_3(%arg0: i32) -> (i32, i32) {
    %c0_i32 = arith.constant 0 : i32
    %c0_i32_0 = arith.constant 0 : i32
    %c0_i32_1 = arith.constant 0 : i32
    return %c0_i32, %c0_i32_0 : i32, i32
  }
  func.func @transform_4(%arg0: i32) -> (i32, i32) {
    %c0_i32 = arith.constant 0 : i32
    %c0_i32_0 = arith.constant 0 : i32
    %c0_i32_1 = arith.constant 0 : i32
    return %c0_i32, %c0_i32_0 : i32, i32
  }
  func.func @transform_5(%arg0: i32) -> (i32, i32) {
    %c0_i32 = arith.constant 0 : i32
    %c0_i32_0 = arith.constant 0 : i32
    %c0_i32_1 = arith.constant 0 : i32
    return %c0_i32, %c0_i32_0 : i32, i32
  }
  func.func @transform_6(%arg0: i32) -> (i32, i32) {
    %c0_i32 = arith.constant 0 : i32
    %c0_i32_0 = arith.constant 0 : i32
    %c0_i32_1 = arith.constant 0 : i32
    return %c0_i32, %c0_i32_0 : i32, i32
  }
  func.func @transform_7(%arg0: i32) -> (i32, i32) {
    %c0_i32 = arith.constant 0 : i32
    %c0_i32_0 = arith.constant 0 : i32
    %c0_i32_1 = arith.constant 0 : i32
    return %c0_i32, %c0_i32_0 : i32, i32
  }
  func.func @transform_8(%arg0: i32) -> (i32, i32) {
    %c0_i32 = arith.constant 0 : i32
    %c0_i32_0 = arith.constant 0 : i32
    %c0_i32_1 = arith.constant 0 : i32
    return %c0_i32, %c0_i32_0 : i32, i32
  }
  func.func @transform_9(%arg0: i32) -> (i32, i32) {
    %c0_i32 = arith.constant 0 : i32
    %c0_i32_0 = arith.constant 0 : i32
    %c0_i32_1 = arith.constant 0 : i32
    return %c0_i32, %c0_i32_0 : i32, i32
  }
  func.func @transform_10(%arg0: i32) -> (i32, i32) {
    %c0_i32 = arith.constant 0 : i32
    %c0_i32_0 = arith.constant 0 : i32
    return %arg0, %c0_i32 : i32, i32
  }
}

</mosaic_0001>

<sc_bundles>
// kernel: kernel.11.cloned.1.call-start
scs
__scs_entry_jumppad:
0x0: {  	(pc) =	sbr.rel $0x88, $3  }
0x1: {  	(tag) =	ssettag $0x0;
	lr =	simm.s32 $0x1  }
0x2: {  	[smem:$0x3F8A] =	sst lr;
	_ =	strace $0xD0000000  }
0x3: {  	_ = 	snop  }
0x4: {  	_ = 	snop  }
0x5: {  	_ = 	snop  }
0x6: {  	_ = 	snop  }
0x7: {  	_ = 	snop  }
__scs_overlays_trampoline_lowered:
0x8: {  	[smem:$0x3F99] =	sst s0  }
0x9: {  	[smem:$0x3F9A] =	sst s1  }
0xa: {  	[smem:$0x3F9B] =	sst s2  }
0xb: {  	[smem:$0x3F9C] =	sst s3  }
0xc: {  	[smem:$0x3F9D] =	sst s4  }
0xd: {  	[smem:$0x3F9E] =	sst s5  }
0xe: {  	[smem:$0x3F9F] =	sst s6  }
0xf: {  	[smem:$0x3FA0] =	sst s7  }
0x10: {  	[smem:$0x3FA1] =	sst s8  }
0x11: {  	[smem:$0x3FA2] =	sst s9;
	s0 =	simm.s32 @!p0 $0x0  }
0x12: {  	s1 =	sld [smem:$0x3F88];
	s0 =	simm.s32 @p0 $0x1  }
0x13: {  	[smem:$0x3FA3] =	sst s0;
	s0 =	simm.s32 @!p1 $0x0  }
0x14: {  	s2 =	sld [smem:$0x3F87];
	s0 =	simm.s32 @p1 $0x1  }
0x15: {  	[smem:$0x3FA4] =	sst s0;
	s0 =	simm.s32 @!p2 $0x0  }
0x16: {  	s3 =	sld [smem:$0x3FDB];
	s0 =	simm.s32 @p2 $0x1  }
0x17: {  	s4 =	simm.s32 $0x1BF5;
	[smem:$0x3FA6] =	sst s0  }
0x18: {  	s0 =	sld [smem:$0x3F89];
	_ =	swait.ge [sflag:s4], $0x0  }
0x19: {  	s7 =	sld [smem:$0x3F8A]  }
0x1a: {  	s8 =	sadd.s32 $0xFFFFE003, lr  }
0x1b: {  	s9 =	sadd.s32 $0xFFFFFEF7, lr;
	s5 =	simm.s32 $0xFFFFFFFF;
	p2 =	slt.u32 s8, $0xFFFFF086  }
0x1c: {  	p1 =	slt.u32 s9, $0xF7A;
	s5 =	simm.s32 @!p2 $0x0  }
0x1d: {  	s5 =	simm.s32 @p1 $0x1;
	p0 =	seq.s32 s7, s2  }
0x1e: {  	s7 =	smul.u32 @!p0 $0xF7A, s2;
	p2 =	seq.s32 @!p0 s5, $0x0  }
0x1f: {  	s9 =	smul.u32 $0xF7A, s1;
	s8 =	simm.s32 @!p0 $0x1BF5;
	p2 =	por !p2, p0  }
0x20: {  	[sflag:s8] =	ssyncset.s32 @!p0 $0xFFFFF086;
	s6 =	sadd.s32 @!p0 s3, s7;
	s7 =	simm.s32 @!p0 $0x108  }
0x21: {  	s3 =	sadd.s32 s3, s9;
	s6 =	sadd.s32 @!p0 $0x88, s6;
	s7 =	simm.s32 @p2 $0x1082  }
0x22: {  	[simem:s7], [sflag:s8] =	dma.local @!p0 [hbm:s6], $0xF7A  }
0x23: {  	s9 =	sor.u32 $0xD0000000, s2;
	s6 =	simm.s32 $0x108;
	_ =	swait.ge @!p0 [sflag:s8], $0x0  }
0x24: {  	s3 =	sadd.s32 $0x88, s3;
	s6 =	simm.s32 @!p1 $0x1082;
	[sflag:s4] =	ssyncset.s32 $0xFFFFF086  }
0x25: {  	[simem:s6], [sflag:s4] =	dma.local [hbm:s3], $0xF7A  }
0x26: {  	[smem:$0x3F8A] =	sst s1;
	(tag) =	ssettag s2;
	_ =	strace s9  }
0x27: {  	s1 =	sld [smem:$0x3F9A]  }
0x28: {  	s2 =	sld [smem:$0x3F9B]  }
0x29: {  	s4 =	sld [smem:$0x3F9D]  }
0x2a: {  	p0 =	seq.s32 s5, $0x0;
	s5 =	sld [smem:$0x3F9E]  }
0x2b: {  	s6 =	sld [smem:$0x3F9F]  }
0x2c: {  	s7 =	sld [smem:$0x3FA0]  }
0x2d: {  	s3 =	simm.s32 $0x108;
	s8 =	sld [smem:$0x3FA1]  }
0x2e: {  	s3 =	simm.s32 @!p0 $0x1082;
	s9 =	sld [smem:$0x3FA2]  }
0x2f: {  	lr =	sadd.s32 s0, s3;
	s0 =	sld [smem:$0x3F99]  }
0x30: {  	s3 =	sld [smem:$0x3F9C]  }
0x31: {  	[smem:$0x3FA5] =	sst s10  }
0x32: {  	s10 =	sld [smem:$0x3FA3];
	_ =	sdelay $0x3  }
0x33: {  	p0 =	seq.s32 s10, $0x1;
	s10 =	sld [smem:$0x3FA5];
	_ =	sdelay $0x3  }
0x34: {  	[smem:$0x3FA5] =	sst s10  }
0x35: {  	s10 =	sld [smem:$0x3FA4];
	_ =	sdelay $0x3  }
0x36: {  	p1 =	seq.s32 s10, $0x1;
	s10 =	sld [smem:$0x3FA5];
	_ =	sdelay $0x3  }
0x37: {  	[smem:$0x3FA5] =	sst s10  }
0x38: {  	s10 =	sld [smem:$0x3FA6]  }
0x39: {  	_ = 	snop;
	(pc) =	sbr.ind lr, $3  }
0x3a: {  	_ = 	snop  }
0x3b: {  	_ = 	snop  }
0x3c: {  	p2 =	seq.s32 s10, $0x1;
	s10 =	sld [smem:$0x3FA5]  }
0x3d: {  	_ =	shalt  }
0x3e: {  	_ =	shalt  }
0x3f: {  	_ =	shalt  }
0x40: {  	_ =	shalt  }
0x41: {  	_ =	shalt  }
0x42: {  	_ =	shalt  }
0x43: {  	_ =	shalt  }
0x44: {  	_ =	shalt  }
0x45: {  	_ =	shalt  }
0x46: {  	_ =	shalt  }
0x47: {  	_ =	shalt  }
0x48: {  	_ =	shalt  }
0x49: {  	_ =	shalt  }
0x4a: {  	_ =	shalt  }
0x4b: {  	_ =	shalt  }
0x4c: {  	_ =	shalt  }
0x4d: {  	_ =	shalt  }
0x4e: {  	_ =	shalt  }
0x4f: {  	_ =	shalt  }
0x50: {  	_ =	shalt  }
0x51: {  	_ =	shalt  }
0x52: {  	_ =	shalt  }
0x53: {  	_ =	shalt  }
0x54: {  	_ =	shalt  }
0x55: {  	_ =	shalt  }
0x56: {  	_ =	shalt  }
0x57: {  	_ =	shalt  }
0x58: {  	_ =	shalt  }
0x59: {  	_ =	shalt  }
0x5a: {  	_ =	shalt  }
0x5b: {  	_ =	shalt  }
0x5c: {  	_ =	shalt  }
0x5d: {  	_ =	shalt  }
0x5e: {  	_ =	shalt  }
0x5f: {  	_ =	shalt  }
0x60: {  	_ =	shalt  }
0x61: {  	_ =	shalt  }
0x62: {  	_ =	shalt  }
0x63: {  	_ =	shalt  }
0x64: {  	_ =	shalt  }
0x65: {  	_ =	shalt  }
0x66: {  	_ =	shalt  }
0x67: {  	_ =	shalt  }
0x68: {  	_ =	shalt  }
0x69: {  	_ =	shalt  }
0x6a: {  	_ =	shalt  }
0x6b: {  	_ =	shalt  }
0x6c: {  	_ =	shalt  }
0x6d: {  	_ =	shalt  }
0x6e: {  	_ =	shalt  }
0x6f: {  	_ =	shalt  }
0x70: {  	_ =	shalt  }
0x71: {  	_ =	shalt  }
0x72: {  	_ =	shalt  }
0x73: {  	_ =	shalt  }
0x74: {  	_ =	shalt  }
0x75: {  	_ =	shalt  }
0x76: {  	_ =	shalt  }
0x77: {  	_ =	shalt  }
0x78: {  	_ =	shalt  }
0x79: {  	_ =	shalt  }
0x7a: {  	_ =	shalt  }
0x7b: {  	_ =	shalt  }
0x7c: {  	_ =	shalt  }
0x7d: {  	_ =	shalt  }
0x7e: {  	_ =	shalt  }
0x7f: {  	_ =	shalt  }
0x80: {  	_ =	shalt  }
0x81: {  	_ =	shalt  }
0x82: {  	_ =	shalt  }
0x83: {  	_ =	shalt  }
0x84: {  	_ =	shalt  }
0x85: {  	_ =	shalt  }
0x86: {  	_ =	shalt  }
0x87: {  	_ =	shalt  }
.Lfunc_end0:
.L_simem_size_0:
called_computation_lowered:
.L_overlay_start_0:
0x88: {  	s2 =	sld [smem:$0x3FD9]  }
0x89: {  	s3 =	sld [smem:$0x3FFE];
	_ =	sdelay $0x1  }
0x8a: {  	s1 =	srdreg.scid  }
0x8b: {  	s0 =	sand.u32 $0x1, s1  }
0x8c: {  	s15 =	sshll.u32 s0, $0xA;
	s2 =	sadd.s32 s3, s2  }
0x8d: {  	s2 =	sadd.s32 s2, s15  }
0x8e: {  	[smem:$0x3FB1] =	sst s2  }
0x8f: {  	_ = 	snop  }
0x90: {  	s2 =	sld [smem:$0x3FD0];
	_ =	sdelay $0x2  }
0x91: {  	s4 =	simm.s32 $0xB;
	s16 =	simm.s32 $0x10  }
0x92: {  	[smem:s16], [sflag:s4] =	dma.local [hbm:s2], $0x1  }
0x93: {  	_ =	swait.eq [sflag:s4], $0x1  }
0x94: {  	[sflag:s4] =	ssyncset.done $0x0  }
0x95: {  	s17 =	sld [smem:$0x10];
	[sflag:s4] =	ssyncadd.s32 $0xFFFFFFFF  }
0x96: {  	s18 =	sld [smem:$0x11];
	(tm) =	ssettm $0x1  }
0x97: {  	s19 =	sld [smem:$0x3FFB];
	_ =	sdelay $0x3  }
0x98: {  	_ =	strace s19  }
0x99: {  	s2 =	sld [smem:$0x3FFC];
	_ =	sdelay $0x3  }
0x9a: {  	_ =	strace s2  }
0x9b: {  	s2 =	sld [smem:$0x3FFD];
	_ =	sdelay $0x3  }
0x9c: {  	_ =	strace s2  }
0x9d: {  	_ =	strace $0x8FFFFFFF  }
0x9e: {  	s20 =	sld [smem:$0x3FDB];
	_ =	sdelay $0x1  }
0x9f: {  	s5 =	simm.s32 $_scs_section_size  }
0xa0: {  	s6 =	simm.s32 $_size__tile_overlayer_lowered;
	s7 =	simm.s32 $_tile_overlayer_lowered  }
0xa1: {  	s8 =	simm.s32 $0x1BFF;
	s21 =	sshll.u32 s7, $0x1;
	s5 =	sadd.s32 s5, s20  }
0xa2: {  	s22 =	simm.s32 $0x0;
	s6 =	sshll.u32 s6, $0x1;
	s7 =	sadd.s32 s21, s5  }
0xa3: {  	[timem:s22], [sflag:s8] =	dma.local [hbm:s7], s6  }
0xa4: {  	_ =	swait.ge [sflag:s8], s6  }
0xa5: {  	s6 =	ssub.s32 $0x0, s6;
	[sflag:s8] =	ssyncset.done $0x0  }
0xa6: {  	[sflag:s8] =	ssyncadd.s32 s6;
	_ =	sdelay $0x1  }
0xa7: {  	s23 =	simm.s32 $0x1B8B  }
0xa8: {  	_ =	swait.ge [sflag:s23], $0x1  }
0xa9: {  	[sflag:s23] =	ssyncset.done $0x0  }
0xaa: {  	[sflag:s23] =	ssyncadd.s32 $0xFFFFFFFF  }
0xab: {  	s6 =	sld [smem:$0x0]  }
0xac: {  	s7 =	sand.u32 $0xFFFFFFFE, s1  }
0xad: {  	p0 =	sne.s32 s1, s7  }
0xae: {  	s7 =	sshll.u32 @p0 s7, $0xE  }
0xaf: {  	s7 =	sadd.s32 @p0 $0x11B8D, s7;
	s8 =	sshll.u32 @p0 s6, $0x11  }
0xb0: {  	s7 =	sor.u32 @p0 s8, s7  }
0xb1: {  	[sflag:s7] =	ssyncadd.remote.s32 @p0 $0x1;
	_ =	sdelay $0x1  }
0xb2: {  	s7 =	simm.s32 @p0 $0x1B8D  }
0xb3: {  	_ =	swait.eq @p0 [sflag:s7], $0x1  }
0xb4: {  	[sflag:s7] =	ssyncadd.s32 @p0 $0xFFFFFFFF  }
0xb5: {  	s8 =	sshll.u32 @!p0 s1, $0xE  }
0xb6: {  	s8 =	sor.u32 @!p0 $0x4000, s8;
	s7 =	simm.s32 @!p0 $0x1B8D  }
0xb7: {  	s6 =	sshll.u32 @!p0 s6, $0x11;
	s8 =	sadd.s32 @!p0 $0x11B8D, s8;
	_ =	swait.eq @!p0 [sflag:s7], $0x1  }
0xb8: {  	s6 =	sor.u32 @!p0 s6, s8;
	[sflag:s7] =	ssyncadd.s32 @!p0 $0xFFFFFFFF  }
0xb9: {  	s25 =	simm.s32 $0x1B8E;
	s24 =	sld [smem:$0x3FFE];
	[sflag:s6] =	ssyncadd.remote.s32 @!p0 $0x1  }
0xba: {  	s26 =	simm.s32 $execute0_lowered;
	[smem:$0x3FD2] =	sst s25  }
0xbb: {  	s7 =	sshll.u32 s26, $0x1;
	_ =	strace $0x80000049;
	[dreg:$0x1] =	wrdreg $0xFFFFFFFF  }
0xbc: {  	s28 =	simm.s32 $_size_execute0_lowered;
	s5 =	sadd.s32 s5, s7;
	[dreg:$0x0] =	wrdreg $0x0  }
0xbd: {  	s7 =	sshll.u32 s28, $0x1;
	[dreg:$0x2] =	wrdreg s5  }
0xbe: {  	[dreg:$0x3] =	wrdreg s7  }
0xbf: {  	[dreg:$0x4] =	wrdreg $0xC0  }
0xc0: {  	_ =	task [dreg:s22], $0x5FFFF  }
0xc1: {  	[dreg:$0x1] =	wrdreg $0xFFFFFFFF  }
0xc2: {  	[dreg:$0x0] =	wrdreg $0x60  }
0xc3: {  	[dreg:$0x2] =	wrdreg s18  }
0xc4: {  	[dreg:$0x3] =	wrdreg s17  }
0xc5: {  	[dreg:$0x4] =	wrdreg s24  }
0xc6: {  	[dreg:$0x5] =	wrdreg $0x9  }
0xc7: {  	_ =	task.clear_ibuf [dreg:s22], $0x6FFFF;
	_ =	strace $0x90000049  }
0xc8: {  	s29 =	simm.s32 $0x9;
	_ =	strace $0x8000004B  }
0xc9: {  	_ =	swait.ge [sflag:s29], $0x1  }
0xca: {  	[sflag:s29] =	ssyncadd.s32 $0xFFFFFFFF  }
0xcb: {  	_ =	strace $0x9000004B  }
0xcc: {  	_ =	sfence  }
0xcd: {  	s30 =	sld [smem:$0x0];
	_ =	sdelay $0x2  }
0xce: {  	s31 =	sshll.u32 s1, $0xD;
	s1 =	sshrl.u32 s1, $0x2  }
0xcf: {  	s4 =	sand.u32 $0x4000, s31;
	s1 =	sadd.s32 s1, s30  }
0xd0: {  	s0 =	sor.u32 s4, s0;
	s1 =	sshll.u32 s1, $0x11  }
0xd1: {  	s0 =	sor.u32 s1, s0  }
0xd2: {  	s0 =	sadd.s32 $0x8F2B, s0  }
0xd3: {  	[sflag:s0] =	ssyncadd.remote.s32 $0x1  }
0xd4: {  	_ =	sfence.sel $0xFFFF  }
0xd5: {  	[dreg:$0x0] =	wrdreg $0xFFFFFFFF;
	(pc) =	sbr.abs _section_cstart, $3  }
0xd6: {  	[dreg:$0x1] =	wrdreg $0xFFFFFFFF  }
0xd7: {  	_ =	task.clear_ibuf [dreg:s22], $0x2FFFF;
	_ =	strace $0x9FFFFFFF  }
0xd8: {  	(tm) =	ssettm $0x7FFFFFFF  }
0xd9: {  	_ =	shalt  }
tec
execute0_lowered:
.L_overlay_start_1:
0x0: {  	(tag) =	ssettag $0x1  }
0x1: {  	s1 =	rddreg [dreg:$0x0]  }
0x2: {  	s3 =	rddreg [dreg:$0x1]  }
0x3: {  	s0 =	rddreg [dreg:$0x2];
	s2 =	srdreg.scid  }
0x4: {  	s5 =	stileid.u32;
	s4 =	simm.s32 $0x0;
	s13 =	simm.s32 $0x28  }
0x5: {  	s30 =	simm.s32 $0x4;
	s31 =	simm.s32 $0xD;
	s29 =	simm.s32 $0xE  }
0x6: {  	s2 =	sand.u32 $0x1, s2;
	s5 =	sshll.u32 s5, $0x1;
	[smem:$0x7FF] =	sst s4  }
0x7: {  	s6 =	sadd.s32 $0xAA00, s0;
	s5 =	sor.u32 s2, s5;
	s2 =	ssub.s32 $0x2, s2  }
0x8: {  	s7 =	sadd.s32 $0x14A00, s0;
	s5 =	smul.u32 $0x1388, s5;
	s15 =	sshrl.u32 s2, $0x1  }
0x9: {  	s8 =	sadd.s32 $0x28AA00, s0;
	_ =	strace $0x8000004A;
	s0 =	ssub.s32 s2, s15  }
0xa: {  	s15 =	simm.s32 $0x80;
	s9 =	sshrl.u32 s5, $0x3;
	s10 =	sadd.s32 $0x28, s5  }
0xb: {  	s12 =	sadd.s32 $0x50, s5;
	s14 =	sadd.s32 $0x78, s5;
	s24 =	sadd.s32 $0x1360, s5  }
0xc: {  	s0 =	smax.u32 s0, $0x1;
	s28 =	sadd.s32 $0x118, s5;
	s16 =	sadd.s32 s6, s9  }
0xd: {  	s17 =	sadd.s32 s7, s9;
	s18 =	sshrl.u32 s10, $0x3;
	[dreg:$0xf] =	wrdreg s0  }
0xe: {  	s20 =	sshrl.u32 s12, $0x3;
	s22 =	sshrl.u32 s14, $0x3;
	[dreg:$0x4] =	wrdreg s16  }
0xf: {  	s25 =	sshrl.u32 s24, $0x3;
	[dreg:$0x5] =	wrdreg s17;
	s19 =	sadd.s32 s6, s18  }
0x10: {  	s2 =	sadd.s32 s7, s18;
	s21 =	sadd.s32 s6, s20;
	[dreg:$0x6] =	wrdreg s19  }
0x11: {  	s9 =	sadd.s32 s7, s20;
	s23 =	sadd.s32 s6, s22;
	[dreg:$0x7] =	wrdreg s2  }
0x12: {  	s20 =	sadd.s32 $0xA0, s5;
	s11 =	sadd.s32 s6, s25;
	[dreg:$0x8] =	wrdreg s21  }
0x13: {  	s17 =	simm.s32 $0xB;
	s18 =	simm.s32 $0xC;
	[dreg:$0x9] =	wrdreg s9  }
0x14: {  	[dreg:$0xa] =	wrdreg s23;
	s2 =	sadd.s32 s7, s22;
	s21 =	sadd.s32 $0xC8, s5  }
0x15: {  	[dreg:$0xc] =	wrdreg s11;
	s9 =	sshll.u32 s24, $0x4;
	s23 =	simm.s32 $0x1  }
0x16: {  	s22 =	simm.s32 $0x3;
	s24 =	simm.s32 $0x8;
	s11 =	simm.s32 $0x12  }
0x17: {  	s19 =	simm.s32 $0x13;
	[dreg:$0xb] =	wrdreg s2;
	s2 =	sadd.s32 s7, s25  }
0x18: {  	s26 =	sadd.s32 s8, s9;
	s25 =	simm.s32 $0x9;
	[dreg:$0xd] =	wrdreg s2  }
0x19: {  	s9 =	simm.s32 $0x0;
	[dreg:$0xe] =	wrdreg s26;
	s26 =	sadd.s32 $0xF0, s5  }
.LBB2_1:
0x1a: {  	[dreg:$0x10] =	wrdreg s9  }
0x1b: {  	s0 =	rddreg [dreg:$0x4]  }
0x1c: {  	[tilespmem:s4], [sflag:$0x1] =	stream.linear.gather [hbm4b:s0+s4], $0x28, $0x38;
	[tilespmem:$0xF400] =	vst v63  }
0x1d: {  	s2 =	rddreg [dreg:$0x5]  }
0x1e: {  	[tilespmem:s15], [sflag:$0x2] =	stream.linear.gather [hbm4b:s2+s4], $0x28, $0x38;
	[tilespmem:$0xF400] =	vst v63  }
0x1f: {  	s9 =	rddreg [dreg:$0x6];
	s2 =	simm.s32 $0x3D00  }
0x20: {  	[tilespmem:s2], [sflag:$0x6] =	stream.linear.gather [hbm4b:s9+s4], $0x28, $0x38;
	[tilespmem:$0xF400] =	vst v63  }
0x21: {  	s16 =	rddreg [dreg:$0x7];
	s9 =	simm.s32 $0x3D80  }
0x22: {  	[tilespmem:s9], [sflag:$0x7] =	stream.linear.gather [hbm4b:s16+s4], $0x28, $0x38;
	[tilespmem:$0xF400] =	vst v63  }
0x23: {  	s0 =	rddreg [dreg:$0x8];
	s16 =	simm.s32 $0x7A00  }
0x24: {  	[tilespmem:s16], [sflag:$0xB] =	stream.linear.gather [hbm4b:s0+s4], $0x28, $0x38;
	[tilespmem:$0xF400] =	vst v63  }
0x25: {  	s0 =	rddreg [dreg:$0x9];
	s16 =	simm.s32 $0x7A80  }
0x26: {  	[tilespmem:s16], [sflag:$0xC] =	stream.linear.gather [hbm4b:s0+s4], $0x28, $0x38;
	[tilespmem:$0xF400] =	vst v63  }
0x27: {  	s0 =	rddreg [dreg:$0xa];
	s16 =	simm.s32 $0xB700  }
0x28: {  	[tilespmem:s16], [sflag:$0x10] =	stream.linear.gather [hbm4b:s0+s4], $0x28, $0x38;
	[tilespmem:$0xF400] =	vst v63  }
0x29: {  	s0 =	rddreg [dreg:$0xb];
	s16 =	simm.s32 $0xB780  }
0x2a: {  	[tilespmem:s16], [sflag:$0x11] =	stream.linear.gather [hbm4b:s0+s4], $0x28, $0x38;
	[tilespmem:$0xF400] =	vst v63  }
0x2b: {  	_ =	swait.ge [sflag:s23], $0x28  }
0x2c: {  	[sflag:s23] =	ssyncset.done $0x0  }
0x2d: {  	s16 =	simm.s32 $0x2;
	[sflag:s23] =	ssyncadd.s32 $0xFFFFFFD8  }
0x2e: {  	_ =	swait.ge [sflag:s16], $0x28  }
0x2f: {  	[sflag:s16] =	ssyncset.done $0x0  }
0x30: {  	s23 =	simm.s32 $0x100;
	[sflag:s16] =	ssyncadd.s32 $0xFFFFFFD8  }
0x31: {  	[tilespmem:s23], [sflag:$0x3] =	stream.indirect.gather [hbm4b:s1+s13], $0x80, s4, s13, $0xb8;
	[tilespmem:$0xF400] =	vst v63  }
0x32: {  	s16 =	simm.s32 $0x1500;
	s23 =	simm.s32 $0x6  }
0x33: {  	[tilespmem:s16], [sflag:$0x4] =	stream.indirect.gather [hbm4b:s3+s13], $0x80, s15, s13, $0xb8;
	[tilespmem:$0xF400] =	vst v63  }
0x34: {  	_ =	swait.ge [sflag:s23], $0x28  }
0x35: {  	[sflag:s23] =	ssyncset.done $0x0  }
0x36: {  	s15 =	simm.s32 $0x7;
	[sflag:s23] =	ssyncadd.s32 $0xFFFFFFD8  }
0x37: {  	_ =	swait.ge [sflag:s15], $0x28  }
0x38: {  	[sflag:s15] =	ssyncset.done $0x0  }
0x39: {  	s16 =	simm.s32 $0x3E00;
	[sflag:s15] =	ssyncadd.s32 $0xFFFFFFD8  }
0x3a: {  	[tilespmem:s16], [sflag:$0x8] =	stream.indirect.gather [hbm4b:s1+s13], $0x80, s2, s13, $0xb8;
	[tilespmem:$0xF400] =	vst v63  }
0x3b: {  	s23 =	simm.s32 $0x5200;
	s16 =	simm.s32 $0x0  }
0x3c: {  	[tilespmem:s23], [sflag:$0x9] =	stream.indirect.gather [hbm4b:s3+s13], $0x80, s9, s13, $0xb8;
	[tilespmem:$0xF400] =	vst v63  }
.LBB2_2:
0x3d: {  	_ =	swait.ge [sflag:s17], $0x28  }
0x3e: {  	[sflag:s17] =	ssyncset.done $0x0  }
0x3f: {  	[sflag:s17] =	ssyncadd.s32 $0xFFFFFFD8  }
0x40: {  	p0 =	seq.s32 s16, $0x0;
	_ =	swait.ge [sflag:s18], $0x28  }
0x41: {  	s0 =	simm.s32 @p0 $0x28;
	[sflag:s18] =	ssyncset.done $0x0  }
0x42: {  	s2 =	simm.s32 @p0 $0x7A00;
	s9 =	simm.s32 @p0 $0x7B00;
	[sflag:s18] =	ssyncadd.s32 $0xFFFFFFD8  }
0x43: {  	[tilespmem:s9], [sflag:$0xD] =	stream.indirect.gather @p0 [hbm4b:s1+s0], $0x80, s2, s0, $0xb8;
	[tilespmem:$0xF400] =	vst v63  }
0x44: {  	s2 =	simm.s32 @p0 $0x7A80;
	s9 =	simm.s32 @p0 $0x8F00  }
0x45: {  	[tilespmem:s9], [sflag:$0xE] =	stream.indirect.gather @p0 [hbm4b:s3+s0], $0x80, s2, s0, $0xb8;
	[tilespmem:$0xF400] =	vst v63  }
0x46: {  	s0 =	simm.s32 @p0 $0x10  }
0x47: {  	_ =	swait.ge @p0 [sflag:s0], $0x28  }
0x48: {  	[sflag:s0] =	ssyncset.done @p0 $0x0  }
0x49: {  	[sflag:s0] =	ssyncadd.s32 @p0 $0xFFFFFFD8;
	s0 =	simm.s32 @p0 $0x11  }
0x4a: {  	_ =	swait.ge @p0 [sflag:s0], $0x28  }
0x4b: {  	[sflag:s0] =	ssyncset.done @p0 $0x0  }
0x4c: {  	[sflag:s0] =	ssyncadd.s32 @p0 $0xFFFFFFD8;
	s0 =	simm.s32 @!p0 $0xF  }
0x4d: {  	_ =	swait.ge @!p0 [sflag:s0], $0x1400  }
0x4e: {  	s2 =	simm.s32 @!p0 $0x7A00;
	[sflag:s0] =	ssyncset.done @!p0 $0x0  }
0x4f: {  	s9 =	simm.s32 @!p0 $0x7B00;
	[sflag:s0] =	ssyncadd.s32 @!p0 $0xFFFFEC00;
	s0 =	simm.s32 @!p0 $0x28  }
0x50: {  	[tilespmem:s9], [sflag:$0xD] =	stream.indirect.gather @!p0 [hbm4b:s1+s0], $0x80, s2, s0, $0xb8;
	[tilespmem:$0xF400] =	vst v63  }
0x51: {  	s2 =	simm.s32 @!p0 $0x7A80;
	s9 =	simm.s32 @!p0 $0x8F00  }
0x52: {  	[tilespmem:s9], [sflag:$0xE] =	stream.indirect.gather @!p0 [hbm4b:s3+s0], $0x80, s2, s0, $0xb8;
	[tilespmem:$0xF400] =	vst v63  }
0x53: {  	s0 =	simm.s32 @!p0 $0x10  }
0x54: {  	_ =	swait.ge @!p0 [sflag:s0], $0x28  }
0x55: {  	[sflag:s0] =	ssyncset.done @!p0 $0x0  }
0x56: {  	[sflag:s0] =	ssyncadd.s32 @!p0 $0xFFFFFFD8;
	s0 =	simm.s32 @!p0 $0x11  }
0x57: {  	_ =	swait.ge @!p0 [sflag:s0], $0x28  }
0x58: {  	[sflag:s0] =	ssyncset.done @!p0 $0x0  }
0x59: {  	[sflag:s0] =	ssyncadd.s32 @!p0 $0xFFFFFFD8;
	s0 =	simm.s32 @!p0 $0x14  }
0x5a: {  	_ =	swait.ge @!p0 [sflag:s0], $0x1400  }
0x5b: {  	[sflag:s0] =	ssyncset.done @!p0 $0x0  }
0x5c: {  	s2 =	simm.s32 $0xB700;
	s9 =	simm.s32 $0xB800;
	[sflag:s0] =	ssyncadd.s32 @!p0 $0xFFFFEC00  }
0x5d: {  	[tilespmem:s9], [sflag:$0x12] =	stream.indirect.gather [hbm4b:s1+s13], $0x80, s2, s13, $0xb8;
	[tilespmem:$0xF400] =	vst v63  }
0x5e: {  	s15 =	simm.s32 $0xB780;
	s23 =	simm.s32 $0xCC00  }
0x5f: {  	[tilespmem:s23], [sflag:$0x13] =	stream.indirect.gather [hbm4b:s3+s13], $0x80, s15, s13, $0xb8;
	[tilespmem:$0xF400] =	vst v63  }
0x60: {  	_ =	swait.ge [sflag:s22], $0x1400  }
0x61: {  	[sflag:s22] =	ssyncset.done $0x0  }
0x62: {  	[sflag:s22] =	ssyncadd.s32 $0xFFFFEC00  }
0x63: {  	_ =	swait.ge [sflag:s30], $0x1400  }
0x64: {  	[sflag:s30] =	ssyncset.done $0x0  }
0x65: {  	s9 =	simm.s32 $0x0;
	[sflag:s30] =	ssyncadd.s32 $0xFFFFEC00  }
0x66: {  	v0 =	vld [tilespmem:s9+$0x130]  }
0x67: {  	v1 =	vld [tilespmem:s9+$0x1530]  }
0x68: {  	v2 =	vld [tilespmem:s9+$0x170]  }
0x69: {  	v3 =	vld [tilespmem:s9+$0x1570]  }
0x6a: {  	v4 =	vld [tilespmem:s9+$0x100]  }
0x6b: {  	v5 =	vld [tilespmem:s9+$0x1500]  }
0x6c: {  	v6 =	vld [tilespmem:s9+$0x140]  }
0x6d: {  	v7 =	vld [tilespmem:s9+$0x1540]  }
0x6e: {  	v8 =	vld [tilespmem:s9+$0x110];
	v0 =	vadd.f32 v1, v0;
	v1 =	vadd.f32 v3, v2  }
0x6f: {  	v9 =	vld [tilespmem:s9+$0x150]  }
0x70: {  	v3 =	vld [tilespmem:s9+$0x1510];
	v0 =	vadd.s32 $0x8000, v0;
	v1 =	vadd.s32 $0x8000, v1  }
0x71: {  	v10 =	vld [tilespmem:s9+$0x1550];
	v0 =	vshrl.u32 v0, $0x10;
	v1 =	vand.u32 $0xFFFF0000, v1  }
0x72: {  	v11 =	vld [tilespmem:s9+$0x120];
	v0 =	vor.u32 v0, v1;
	v1 =	vadd.f32 v5, v4;
	v4 =	vadd.f32 v7, v6  }
0x73: {  	v12 =	vld [tilespmem:s9+$0x1520]  }
0x74: {  	v2 =	vld [tilespmem:s9+$0x160];
	[tilespmem:s9+$0x2930] =	vst v0;
	v0 =	vadd.s32 $0x8000, v1;
	v1 =	vadd.s32 $0x8000, v4  }
0x75: {  	s0 =	simm.s32 $0x80;
	v3 =	vadd.f32 v3, v8;
	v4 =	vld [tilespmem:s9+$0x1560];
	v5 =	vshrl.u32 v0, $0x10;
	v1 =	vand.u32 $0xFFFF0000, v1  }
0x76: {  	v6 =	vadd.f32 v10, v9;
	v0 =	vld [tilespmem:s0+$0x130];
	v5 =	vor.u32 v5, v1  }
0x77: {  	v3 =	vadd.s32 $0x8000, v3;
	v1 =	vld [tilespmem:s0+$0x1530];
	[tilespmem:s9+$0x2900] =	vst v5  }
0x78: {  	s2 =	simm.s32 $0x400;
	s15 =	sadd.s32 $0x1, s16;
	v7 =	vadd.s32 $0x8000, v6;
	v6 =	vadd.f32 v12, v11;
	v5 =	vshrl.u32 v3, $0x10;
	v3 =	vld [tilespmem:s0+$0x170]  }
.LBB2_3:
0x79: {  	p0 =	sne.s32 s2, $0x4E00;
	v8 =	vld [tilespmem:s0+$0x1570];
	v7 =	vand.u32 $0xFFFF0000, v7  }
0x7a: {  	v9 =	vld [tilespmem:s0+$0x100];
	v5 =	vor.u32 v5, v7;
	v2 =	vadd.f32 v4, v2;
	v4 =	vadd.s32 $0x8000, v6  }
0x7b: {  	v6 =	vld [tilespmem:s0+$0x1500];
	[tilespmem:s9+$0x2910] =	vst v5;
	v4 =	vshrl.u32 v4, $0x10  }
0x7c: {  	v5 =	vld [tilespmem:s0+$0x140];
	v2 =	vadd.s32 $0x8000, v2  }
0x7d: {  	v7 =	vld [tilespmem:s0+$0x1540];
	v2 =	vand.u32 $0xFFFF0000, v2  }
0x7e: {  	v0 =	vadd.f32 v1, v0;
	v10 =	vld [tilespmem:s0+$0x110];
	v1 =	vadd.f32 v8, v3;
	v2 =	vor.u32 v4, v2  }
0x7f: {  	v3 =	vld [tilespmem:s0+$0x1510];
	[tilespmem:s9+$0x2920] =	vst v2;
	s9 =	smov.u32 s0  }
0x80: {  	v0 =	vadd.s32 $0x8000, v0;
	v2 =	vadd.f32 v6, v9;
	v6 =	vld [tilespmem:s9+$0x150];
	v1 =	vadd.s32 $0x8000, v1  }
0x81: {  	v0 =	vshrl.u32 v0, $0x10;
	v8 =	vld [tilespmem:s9+$0x1550];
	v1 =	vand.u32 $0xFFFF0000, v1  }
0x82: {  	v4 =	vadd.f32 v7, v5;
	v2 =	vadd.s32 $0x8000, v2;
	v9 =	vld [tilespmem:s9+$0x120];
	v0 =	vor.u32 v0, v1  }
0x83: {  	v1 =	vshrl.u32 v2, $0x10;
	v11 =	vld [tilespmem:s9+$0x1520];
	[tilespmem:s9+$0x2930] =	vst v0  }
.Ltmp0:
0x84: {  	v0 =	vadd.s32 $0x8000, v4;
	v3 =	vadd.f32 v3, v10;
	v2 =	vld [tilespmem:s9+$0x160];
	(pc) =	sbr.rel @p0 .LBB2_3-.Ltmp0, $4  }
0x85: {  	s0 =	sshra.s32 s2, $0x2;
	v5 =	vand.u32 $0xFFFF0000, v0;
	v4 =	vld [tilespmem:s9+$0x1560]  }
0x86: {  	v0 =	vld [tilespmem:s0+$0x130];
	v5 =	vor.u32 v1, v5;
	v6 =	vadd.f32 v8, v6;
	v3 =	vadd.s32 $0x8000, v3  }
0x87: {  	v1 =	vld [tilespmem:s0+$0x1530];
	[tilespmem:s9+$0x2900] =	vst v5;
	v5 =	vshrl.u32 v3, $0x10  }
0x88: {  	s2 =	sadd.s32 $0x200, s2;
	v3 =	vld [tilespmem:s0+$0x170];
	v7 =	vadd.s32 $0x8000, v6;
	v6 =	vadd.f32 v11, v9  }
0x89: {  	v8 =	vld [tilespmem:s0+$0x1570];
	v7 =	vand.u32 $0xFFFF0000, v7  }
0x8a: {  	v9 =	vld [tilespmem:s0+$0x100];
	v5 =	vor.u32 v5, v7;
	v2 =	vadd.f32 v4, v2  }
0x8b: {  	v7 =	vld [tilespmem:s0+$0x1500];
	[tilespmem:s9+$0x2910] =	vst v5  }
0x8c: {  	v5 =	vadd.s32 $0x8000, v6;
	v4 =	vld [tilespmem:s0+$0x140];
	v2 =	vadd.s32 $0x8000, v2  }
0x8d: {  	v6 =	vld [tilespmem:s0+$0x1540];
	v5 =	vshrl.u32 v5, $0x10;
	v2 =	vand.u32 $0xFFFF0000, v2  }
0x8e: {  	v10 =	vld [tilespmem:s0+$0x110];
	v2 =	vor.u32 v5, v2  }
0x8f: {  	v5 =	vld [tilespmem:s0+$0x1510];
	[tilespmem:s9+$0x2920] =	vst v2  }
0x90: {  	v0 =	vadd.f32 v1, v0;
	v1 =	vadd.f32 v8, v3;
	v2 =	vld [tilespmem:s0+$0x150]  }
0x91: {  	v3 =	vld [tilespmem:s0+$0x1550]  }
0x92: {  	v0 =	vadd.s32 $0x8000, v0;
	v1 =	vadd.s32 $0x8000, v1;
	v8 =	vld [tilespmem:s0+$0x120]  }
0x93: {  	v0 =	vshrl.u32 v0, $0x10;
	v11 =	vld [tilespmem:s0+$0x1560];
	v1 =	vand.u32 $0xFFFF0000, v1  }
0x94: {  	v0 =	vor.u32 v0, v1;
	v1 =	vld [tilespmem:s0+$0x1520]  }
0x95: {  	[tilespmem:s0+$0x2930] =	vst v0;
	v0 =	vld [tilespmem:s0+$0x160]  }
0x96: {  	v7 =	vadd.f32 v7, v9;
	v4 =	vadd.f32 v6, v4;
	_ =	sdelay $0x1  }
0x97: {  	v6 =	vadd.s32 $0x8000, v7;
	v4 =	vadd.s32 $0x8000, v4;
	v5 =	vadd.f32 v5, v10  }
0x98: {  	v6 =	vshrl.u32 v6, $0x10;
	v4 =	vand.u32 $0xFFFF0000, v4;
	v2 =	vadd.f32 v3, v2  }
0x99: {  	v3 =	vadd.s32 $0x8000, v5;
	v1 =	vadd.f32 v1, v8;
	v0 =	vadd.f32 v11, v0  }
0x9a: {  	s9 =	smul.u32 $0xA0, s16;
	v4 =	vor.u32 v6, v4;
	v3 =	vshrl.u32 v3, $0x10;
	v2 =	vadd.s32 $0x8000, v2  }
0x9b: {  	v2 =	vand.u32 $0xFFFF0000, v2;
	v1 =	vadd.s32 $0x8000, v1;
	v0 =	vadd.s32 $0x8000, v0  }
0x9c: {  	s2 =	sadd.s32 s5, s9;
	[tilespmem:s0+$0x2900] =	vst v4;
	v2 =	vor.u32 v3, v2;
	v1 =	vshrl.u32 v1, $0x10;
	v0 =	vand.u32 $0xFFFF0000, v0  }
0x9d: {  	s2 =	sshll.u32 s2, $0x4;
	[tilespmem:s0+$0x2910] =	vst v2;
	v0 =	vor.u32 v1, v0  }
0x9e: {  	s23 =	simm.s32 $0x2900;
	[tilespmem:s0+$0x2920] =	vst v0;
	s0 =	sadd.s32 s8, s2;
	s2 =	simm.s32 $0x0  }
0x9f: {  	[hbm4b:s0+s2] =	stream.linear.scatter [tilespmem:s23], [sflag:$0x5], $0x1400, $0x38;
	[tilespmem:$0xF400] =	vst v63  }
0xa0: {  	_ =	swait.ge [sflag:s24], $0x1400  }
0xa1: {  	[sflag:s24] =	ssyncset.done $0x0  }
0xa2: {  	[sflag:s24] =	ssyncadd.s32 $0xFFFFEC00  }
0xa3: {  	_ =	swait.ge [sflag:s25], $0x1400  }
0xa4: {  	[sflag:s25] =	ssyncset.done $0x0  }
0xa5: {  	s0 =	simm.s32 $0x0;
	[sflag:s25] =	ssyncadd.s32 $0xFFFFEC00  }
0xa6: {  	v0 =	vld [tilespmem:s0+$0x3E30]  }
0xa7: {  	v1 =	vld [tilespmem:s0+$0x5230]  }
0xa8: {  	v2 =	vld [tilespmem:s0+$0x3E70]  }
0xa9: {  	v3 =	vld [tilespmem:s0+$0x5270]  }
0xaa: {  	v4 =	vld [tilespmem:s0+$0x3E00]  }
0xab: {  	v5 =	vld [tilespmem:s0+$0x5200]  }
0xac: {  	v6 =	vld [tilespmem:s0+$0x3E40]  }
0xad: {  	v7 =	vld [tilespmem:s0+$0x5240]  }
0xae: {  	v8 =	vld [tilespmem:s0+$0x3E10];
	v0 =	vadd.f32 v1, v0;
	v1 =	vadd.f32 v3, v2  }
0xaf: {  	v61 =	vld [tilespmem:s0+$0x3E50]  }
0xb0: {  	v3 =	vld [tilespmem:s0+$0x5210];
	v0 =	vadd.s32 $0x8000, v0;
	v1 =	vadd.s32 $0x8000, v1  }
0xb1: {  	v62 =	vld [tilespmem:s0+$0x5250];
	v0 =	vshrl.u32 v0, $0x10;
	v1 =	vand.u32 $0xFFFF0000, v1  }
0xb2: {  	v63 =	vld [tilespmem:s0+$0x3E20];
	v0 =	vor.u32 v0, v1;
	v1 =	vadd.f32 v5, v4;
	v4 =	vadd.f32 v7, v6  }
0xb3: {  	v12 =	vld [tilespmem:s0+$0x5220]  }
0xb4: {  	v2 =	vld [tilespmem:s0+$0x3E60];
	[tilespmem:s0+$0x6630] =	vst v0;
	v0 =	vadd.s32 $0x8000, v1;
	v1 =	vadd.s32 $0x8000, v4  }
0xb5: {  	s2 =	simm.s32 $0x80;
	v3 =	vadd.f32 v3, v8;
	v4 =	vld [tilespmem:s0+$0x5260];
	v5 =	vshrl.u32 v0, $0x10;
	v1 =	vand.u32 $0xFFFF0000, v1  }
0xb6: {  	v6 =	vadd.f32 v62, v61;
	v0 =	vld [tilespmem:s2+$0x3E30];
	v5 =	vor.u32 v5, v1  }
0xb7: {  	v3 =	vadd.s32 $0x8000, v3;
	v1 =	vld [tilespmem:s2+$0x5230];
	[tilespmem:s0+$0x6600] =	vst v5  }
0xb8: {  	s23 =	simm.s32 $0x400;
	v7 =	vadd.s32 $0x8000, v6;
	v6 =	vadd.f32 v12, v63;
	v5 =	vshrl.u32 v3, $0x10;
	v3 =	vld [tilespmem:s2+$0x3E70]  }
.LBB2_5:
0xb9: {  	p0 =	sne.s32 s23, $0x4E00;
	v8 =	vld [tilespmem:s2+$0x5270];
	v7 =	vand.u32 $0xFFFF0000, v7  }
0xba: {  	v9 =	vld [tilespmem:s2+$0x3E00];
	v5 =	vor.u32 v5, v7;
	v2 =	vadd.f32 v4, v2;
	v4 =	vadd.s32 $0x8000, v6  }
0xbb: {  	v6 =	vld [tilespmem:s2+$0x5200];
	[tilespmem:s0+$0x6610] =	vst v5;
	v4 =	vshrl.u32 v4, $0x10  }
0xbc: {  	v5 =	vld [tilespmem:s2+$0x3E40];
	v2 =	vadd.s32 $0x8000, v2  }
0xbd: {  	v7 =	vld [tilespmem:s2+$0x5240];
	v2 =	vand.u32 $0xFFFF0000, v2  }
0xbe: {  	v0 =	vadd.f32 v1, v0;
	v10 =	vld [tilespmem:s2+$0x3E10];
	v1 =	vadd.f32 v8, v3;
	v2 =	vor.u32 v4, v2  }
0xbf: {  	v3 =	vld [tilespmem:s2+$0x5210];
	[tilespmem:s0+$0x6620] =	vst v2;
	s0 =	smov.u32 s2  }
0xc0: {  	v0 =	vadd.s32 $0x8000, v0;
	v2 =	vadd.f32 v6, v9;
	v6 =	vld [tilespmem:s0+$0x3E50];
	v1 =	vadd.s32 $0x8000, v1  }
0xc1: {  	v0 =	vshrl.u32 v0, $0x10;
	v8 =	vld [tilespmem:s0+$0x5250];
	v1 =	vand.u32 $0xFFFF0000, v1  }
0xc2: {  	v4 =	vadd.f32 v7, v5;
	v2 =	vadd.s32 $0x8000, v2;
	v9 =	vld [tilespmem:s0+$0x3E20];
	v0 =	vor.u32 v0, v1  }
0xc3: {  	v1 =	vshrl.u32 v2, $0x10;
	v11 =	vld [tilespmem:s0+$0x5220];
	[tilespmem:s0+$0x6630] =	vst v0  }
.Ltmp1:
0xc4: {  	v0 =	vadd.s32 $0x8000, v4;
	v3 =	vadd.f32 v3, v10;
	v2 =	vld [tilespmem:s0+$0x3E60];
	(pc) =	sbr.rel @p0 .LBB2_5-.Ltmp1, $4  }
0xc5: {  	s2 =	sshra.s32 s23, $0x2;
	v5 =	vand.u32 $0xFFFF0000, v0;
	v4 =	vld [tilespmem:s0+$0x5260]  }
0xc6: {  	v0 =	vld [tilespmem:s2+$0x3E30];
	v5 =	vor.u32 v1, v5;
	v6 =	vadd.f32 v8, v6;
	v3 =	vadd.s32 $0x8000, v3  }
0xc7: {  	v1 =	vld [tilespmem:s2+$0x5230];
	[tilespmem:s0+$0x6600] =	vst v5;
	v5 =	vshrl.u32 v3, $0x10  }
0xc8: {  	s23 =	sadd.s32 $0x200, s23;
	v3 =	vld [tilespmem:s2+$0x3E70];
	v7 =	vadd.s32 $0x8000, v6;
	v6 =	vadd.f32 v11, v9  }
0xc9: {  	v8 =	vld [tilespmem:s2+$0x5270];
	v7 =	vand.u32 $0xFFFF0000, v7  }
0xca: {  	v9 =	vld [tilespmem:s2+$0x3E00];
	v5 =	vor.u32 v5, v7;
	v2 =	vadd.f32 v4, v2  }
0xcb: {  	v7 =	vld [tilespmem:s2+$0x5200];
	[tilespmem:s0+$0x6610] =	vst v5  }
0xcc: {  	v5 =	vadd.s32 $0x8000, v6;
	v4 =	vld [tilespmem:s2+$0x3E40];
	v2 =	vadd.s32 $0x8000, v2  }
0xcd: {  	v6 =	vld [tilespmem:s2+$0x5240];
	v5 =	vshrl.u32 v5, $0x10;
	v2 =	vand.u32 $0xFFFF0000, v2  }
0xce: {  	v10 =	vld [tilespmem:s2+$0x3E10];
	v2 =	vor.u32 v5, v2  }
0xcf: {  	v5 =	vld [tilespmem:s2+$0x5210];
	[tilespmem:s0+$0x6620] =	vst v2  }
0xd0: {  	v0 =	vadd.f32 v1, v0;
	v1 =	vadd.f32 v8, v3;
	v2 =	vld [tilespmem:s2+$0x3E50]  }
0xd1: {  	v3 =	vld [tilespmem:s2+$0x5250]  }
0xd2: {  	v0 =	vadd.s32 $0x8000, v0;
	v1 =	vadd.s32 $0x8000, v1;
	v8 =	vld [tilespmem:s2+$0x3E20]  }
0xd3: {  	v0 =	vshrl.u32 v0, $0x10;
	v11 =	vld [tilespmem:s2+$0x5260];
	v1 =	vand.u32 $0xFFFF0000, v1  }
0xd4: {  	v0 =	vor.u32 v0, v1;
	v1 =	vld [tilespmem:s2+$0x5220]  }
0xd5: {  	[tilespmem:s2+$0x6630] =	vst v0;
	v0 =	vld [tilespmem:s2+$0x3E60]  }
0xd6: {  	v7 =	vadd.f32 v7, v9;
	v4 =	vadd.f32 v6, v4;
	_ =	sdelay $0x1  }
0xd7: {  	v6 =	vadd.s32 $0x8000, v7;
	v4 =	vadd.s32 $0x8000, v4;
	v5 =	vadd.f32 v5, v10  }
0xd8: {  	v6 =	vshrl.u32 v6, $0x10;
	v4 =	vand.u32 $0xFFFF0000, v4;
	v2 =	vadd.f32 v3, v2  }
0xd9: {  	v3 =	vadd.s32 $0x8000, v5;
	v1 =	vadd.f32 v1, v8;
	v0 =	vadd.f32 v11, v0  }
0xda: {  	v4 =	vor.u32 v6, v4;
	v3 =	vshrl.u32 v3, $0x10;
	v2 =	vadd.s32 $0x8000, v2  }
0xdb: {  	v2 =	vand.u32 $0xFFFF0000, v2;
	v1 =	vadd.s32 $0x8000, v1;
	v0 =	vadd.s32 $0x8000, v0  }
0xdc: {  	s23 =	sadd.s32 s9, s10;
	[tilespmem:s2+$0x6600] =	vst v4;
	v2 =	vor.u32 v3, v2;
	v1 =	vshrl.u32 v1, $0x10;
	v0 =	vand.u32 $0xFFFF0000, v0  }
0xdd: {  	s0 =	sshll.u32 s23, $0x4;
	[tilespmem:s2+$0x6610] =	vst v2;
	v0 =	vor.u32 v1, v0  }
0xde: {  	p0 =	seq.s32 s16, $0x1E;
	s23 =	simm.s32 $0x6600;
	s0 =	sadd.s32 s8, s0;
	[tilespmem:s2+$0x6620] =	vst v0  }
0xdf: {  	[hbm4b:s0+s4] =	stream.linear.scatter [tilespmem:s23], [sflag:$0xA], $0x1400, $0x38;
	[tilespmem:$0xF400] =	vst v63  }
0xe0: {  	s0 =	sadd.s32 @!p0 s9, s20  }
0xe1: {  	s0 =	sshrl.u32 @!p0 s0, $0x3  }
0xe2: {  	s16 =	simm.s32 @!p0 $0x0;
	s2 =	sadd.s32 @!p0 s6, s0  }
0xe3: {  	[tilespmem:s16], [sflag:$0x1] =	stream.linear.gather @!p0 [hbm4b:s2+s16], $0x28, $0x38;
	[tilespmem:$0xF400] =	vst v63  }
0xe4: {  	s0 =	sadd.s32 @!p0 s7, s0;
	s2 =	simm.s32 @!p0 $0x80  }
0xe5: {  	[tilespmem:s2], [sflag:$0x2] =	stream.linear.gather @!p0 [hbm4b:s0+s16], $0x28, $0x38;
	[tilespmem:$0xF400] =	vst v63  }
0xe6: {  	s0 =	sadd.s32 @!p0 s9, s21  }
0xe7: {  	s0 =	sshrl.u32 @!p0 s0, $0x3  }
0xe8: {  	s23 =	simm.s32 @!p0 $0x3D00;
	s2 =	sadd.s32 @!p0 s6, s0  }
0xe9: {  	[tilespmem:s23], [sflag:$0x6] =	stream.linear.gather @!p0 [hbm4b:s2+s16], $0x28, $0x38;
	[tilespmem:$0xF400] =	vst v63  }
0xea: {  	s0 =	sadd.s32 @!p0 s7, s0;
	s2 =	simm.s32 @!p0 $0x3D80  }
0xeb: {  	[tilespmem:s2], [sflag:$0x7] =	stream.linear.gather @!p0 [hbm4b:s0+s16], $0x28, $0x38;
	[tilespmem:$0xF400] =	vst v63  }
0xec: {  	_ =	swait.ge [sflag:s31], $0x1400  }
0xed: {  	[sflag:s31] =	ssyncset.done $0x0  }
0xee: {  	[sflag:s31] =	ssyncadd.s32 $0xFFFFEC00  }
0xef: {  	_ =	swait.ge [sflag:s29], $0x1400  }
0xf0: {  	[sflag:s29] =	ssyncset.done $0x0  }
0xf1: {  	s0 =	simm.s32 $0x0;
	[sflag:s29] =	ssyncadd.s32 $0xFFFFEC00  }
0xf2: {  	v0 =	vld [tilespmem:s0+$0x7B30]  }
0xf3: {  	v1 =	vld [tilespmem:s0+$0x8F30]  }
0xf4: {  	v2 =	vld [tilespmem:s0+$0x7B70]  }
0xf5: {  	v3 =	vld [tilespmem:s0+$0x8F70]  }
0xf6: {  	v4 =	vld [tilespmem:s0+$0x7B00]  }
0xf7: {  	v5 =	vld [tilespmem:s0+$0x8F00]  }
0xf8: {  	v6 =	vld [tilespmem:s0+$0x7B40]  }
0xf9: {  	v7 =	vld [tilespmem:s0+$0x8F40]  }
0xfa: {  	v8 =	vld [tilespmem:s0+$0x7B10];
	v0 =	vadd.f32 v1, v0;
	v1 =	vadd.f32 v3, v2  }
0xfb: {  	v61 =	vld [tilespmem:s0+$0x7B50]  }
0xfc: {  	v3 =	vld [tilespmem:s0+$0x8F10];
	v0 =	vadd.s32 $0x8000, v0;
	v1 =	vadd.s32 $0x8000, v1  }
0xfd: {  	v62 =	vld [tilespmem:s0+$0x8F50];
	v0 =	vshrl.u32 v0, $0x10;
	v1 =	vand.u32 $0xFFFF0000, v1  }
0xfe: {  	v63 =	vld [tilespmem:s0+$0x7B20];
	v0 =	vor.u32 v0, v1;
	v1 =	vadd.f32 v5, v4;
	v4 =	vadd.f32 v7, v6  }
0xff: {  	v12 =	vld [tilespmem:s0+$0x8F20]  }
0x100: {  	v2 =	vld [tilespmem:s0+$0x7B60];
	[tilespmem:s0+$0xA330] =	vst v0;
	v0 =	vadd.s32 $0x8000, v1;
	v1 =	vadd.s32 $0x8000, v4  }
0x101: {  	s2 =	simm.s32 $0x80;
	v3 =	vadd.f32 v3, v8;
	v4 =	vld [tilespmem:s0+$0x8F60];
	v5 =	vshrl.u32 v0, $0x10;
	v1 =	vand.u32 $0xFFFF0000, v1  }
0x102: {  	v6 =	vadd.f32 v62, v61;
	v0 =	vld [tilespmem:s2+$0x7B30];
	v5 =	vor.u32 v5, v1  }
0x103: {  	v3 =	vadd.s32 $0x8000, v3;
	v1 =	vld [tilespmem:s2+$0x8F30];
	[tilespmem:s0+$0xA300] =	vst v5  }
0x104: {  	s16 =	simm.s32 $0x400;
	v7 =	vadd.s32 $0x8000, v6;
	v6 =	vadd.f32 v12, v63;
	v5 =	vshrl.u32 v3, $0x10;
	v3 =	vld [tilespmem:s2+$0x7B70]  }
.LBB2_7:
0x105: {  	p1 =	sne.s32 s16, $0x4E00;
	v8 =	vld [tilespmem:s2+$0x8F70];
	v7 =	vand.u32 $0xFFFF0000, v7  }
0x106: {  	v9 =	vld [tilespmem:s2+$0x7B00];
	v5 =	vor.u32 v5, v7;
	v2 =	vadd.f32 v4, v2;
	v4 =	vadd.s32 $0x8000, v6  }
0x107: {  	v6 =	vld [tilespmem:s2+$0x8F00];
	[tilespmem:s0+$0xA310] =	vst v5;
	v4 =	vshrl.u32 v4, $0x10  }
0x108: {  	v5 =	vld [tilespmem:s2+$0x7B40];
	v2 =	vadd.s32 $0x8000, v2  }
0x109: {  	v7 =	vld [tilespmem:s2+$0x8F40];
	v2 =	vand.u32 $0xFFFF0000, v2  }
0x10a: {  	v0 =	vadd.f32 v1, v0;
	v10 =	vld [tilespmem:s2+$0x7B10];
	v1 =	vadd.f32 v8, v3;
	v2 =	vor.u32 v4, v2  }
0x10b: {  	v3 =	vld [tilespmem:s2+$0x8F10];
	[tilespmem:s0+$0xA320] =	vst v2;
	s0 =	smov.u32 s2  }
0x10c: {  	v0 =	vadd.s32 $0x8000, v0;
	v2 =	vadd.f32 v6, v9;
	v6 =	vld [tilespmem:s0+$0x7B50];
	v1 =	vadd.s32 $0x8000, v1  }
0x10d: {  	v0 =	vshrl.u32 v0, $0x10;
	v8 =	vld [tilespmem:s0+$0x8F50];
	v1 =	vand.u32 $0xFFFF0000, v1  }
0x10e: {  	v4 =	vadd.f32 v7, v5;
	v2 =	vadd.s32 $0x8000, v2;
	v9 =	vld [tilespmem:s0+$0x7B20];
	v0 =	vor.u32 v0, v1  }
0x10f: {  	v1 =	vshrl.u32 v2, $0x10;
	v11 =	vld [tilespmem:s0+$0x8F20];
	[tilespmem:s0+$0xA330] =	vst v0  }
.Ltmp2:
0x110: {  	v0 =	vadd.s32 $0x8000, v4;
	v3 =	vadd.f32 v3, v10;
	v2 =	vld [tilespmem:s0+$0x7B60];
	(pc) =	sbr.rel @p1 .LBB2_7-.Ltmp2, $4  }
0x111: {  	s2 =	sshra.s32 s16, $0x2;
	v5 =	vand.u32 $0xFFFF0000, v0;
	v4 =	vld [tilespmem:s0+$0x8F60]  }
0x112: {  	v0 =	vld [tilespmem:s2+$0x7B30];
	v5 =	vor.u32 v1, v5;
	v6 =	vadd.f32 v8, v6;
	v3 =	vadd.s32 $0x8000, v3  }
0x113: {  	v1 =	vld [tilespmem:s2+$0x8F30];
	[tilespmem:s0+$0xA300] =	vst v5;
	v5 =	vshrl.u32 v3, $0x10  }
0x114: {  	s16 =	sadd.s32 $0x200, s16;
	v3 =	vld [tilespmem:s2+$0x7B70];
	v7 =	vadd.s32 $0x8000, v6;
	v6 =	vadd.f32 v11, v9  }
0x115: {  	v8 =	vld [tilespmem:s2+$0x8F70];
	v7 =	vand.u32 $0xFFFF0000, v7  }
0x116: {  	v9 =	vld [tilespmem:s2+$0x7B00];
	v5 =	vor.u32 v5, v7;
	v2 =	vadd.f32 v4, v2  }
0x117: {  	v7 =	vld [tilespmem:s2+$0x8F00];
	[tilespmem:s0+$0xA310] =	vst v5  }
0x118: {  	v5 =	vadd.s32 $0x8000, v6;
	v4 =	vld [tilespmem:s2+$0x7B40];
	v2 =	vadd.s32 $0x8000, v2  }
0x119: {  	v6 =	vld [tilespmem:s2+$0x8F40];
	v5 =	vshrl.u32 v5, $0x10;
	v2 =	vand.u32 $0xFFFF0000, v2  }
0x11a: {  	v10 =	vld [tilespmem:s2+$0x7B10];
	v2 =	vor.u32 v5, v2  }
0x11b: {  	v5 =	vld [tilespmem:s2+$0x8F10];
	[tilespmem:s0+$0xA320] =	vst v2  }
0x11c: {  	v0 =	vadd.f32 v1, v0;
	v1 =	vadd.f32 v8, v3;
	v2 =	vld [tilespmem:s2+$0x7B50]  }
0x11d: {  	v3 =	vld [tilespmem:s2+$0x8F50]  }
0x11e: {  	v0 =	vadd.s32 $0x8000, v0;
	v1 =	vadd.s32 $0x8000, v1;
	v8 =	vld [tilespmem:s2+$0x7B20]  }
0x11f: {  	v0 =	vshrl.u32 v0, $0x10;
	v11 =	vld [tilespmem:s2+$0x8F60];
	v1 =	vand.u32 $0xFFFF0000, v1  }
0x120: {  	v0 =	vor.u32 v0, v1;
	v1 =	vld [tilespmem:s2+$0x8F20]  }
0x121: {  	[tilespmem:s2+$0xA330] =	vst v0;
	v0 =	vld [tilespmem:s2+$0x7B60]  }
0x122: {  	v7 =	vadd.f32 v7, v9;
	v4 =	vadd.f32 v6, v4;
	_ =	sdelay $0x1  }
0x123: {  	v6 =	vadd.s32 $0x8000, v7;
	v4 =	vadd.s32 $0x8000, v4;
	v5 =	vadd.f32 v5, v10  }
0x124: {  	v6 =	vshrl.u32 v6, $0x10;
	v4 =	vand.u32 $0xFFFF0000, v4;
	v2 =	vadd.f32 v3, v2  }
0x125: {  	v3 =	vadd.s32 $0x8000, v5;
	v1 =	vadd.f32 v1, v8;
	v0 =	vadd.f32 v11, v0  }
0x126: {  	v4 =	vor.u32 v6, v4;
	v3 =	vshrl.u32 v3, $0x10;
	v2 =	vadd.s32 $0x8000, v2  }
0x127: {  	v2 =	vand.u32 $0xFFFF0000, v2;
	v1 =	vadd.s32 $0x8000, v1;
	v0 =	vadd.s32 $0x8000, v0  }
0x128: {  	s16 =	sadd.s32 s9, s12;
	[tilespmem:s2+$0xA300] =	vst v4;
	v2 =	vor.u32 v3, v2;
	v1 =	vshrl.u32 v1, $0x10;
	v0 =	vand.u32 $0xFFFF0000, v0  }
0x129: {  	s0 =	sshll.u32 s16, $0x4;
	[tilespmem:s2+$0xA310] =	vst v2;
	v0 =	vor.u32 v1, v0  }
0x12a: {  	s23 =	simm.s32 $0x0;
	s16 =	simm.s32 $0xA300;
	s0 =	sadd.s32 s8, s0;
	[tilespmem:s2+$0xA320] =	vst v0  }
0x12b: {  	[hbm4b:s0+s23] =	stream.linear.scatter [tilespmem:s16], [sflag:$0xF], $0x1400, $0x38;
	[tilespmem:$0xF400] =	vst v63  }
0x12c: {  	_ =	swait.ge [sflag:s11], $0x1400  }
0x12d: {  	[sflag:s11] =	ssyncset.done $0x0  }
0x12e: {  	[sflag:s11] =	ssyncadd.s32 $0xFFFFEC00  }
0x12f: {  	_ =	swait.ge [sflag:s19], $0x1400  }
0x130: {  	[sflag:s19] =	ssyncset.done $0x0  }
0x131: {  	s0 =	simm.s32 $0x0;
	[sflag:s19] =	ssyncadd.s32 $0xFFFFEC00  }
0x132: {  	v0 =	vld [tilespmem:s0+$0xB830]  }
0x133: {  	v1 =	vld [tilespmem:s0+$0xCC30]  }
0x134: {  	v2 =	vld [tilespmem:s0+$0xB870]  }
0x135: {  	v3 =	vld [tilespmem:s0+$0xCC70]  }
0x136: {  	v4 =	vld [tilespmem:s0+$0xB800]  }
0x137: {  	v5 =	vld [tilespmem:s0+$0xCC00]  }
0x138: {  	v6 =	vld [tilespmem:s0+$0xB840]  }
0x139: {  	v7 =	vld [tilespmem:s0+$0xCC40]  }
0x13a: {  	v8 =	vld [tilespmem:s0+$0xB810];
	v0 =	vadd.f32 v1, v0;
	v1 =	vadd.f32 v3, v2  }
0x13b: {  	v61 =	vld [tilespmem:s0+$0xB850]  }
0x13c: {  	v3 =	vld [tilespmem:s0+$0xCC10];
	v0 =	vadd.s32 $0x8000, v0;
	v1 =	vadd.s32 $0x8000, v1  }
0x13d: {  	v62 =	vld [tilespmem:s0+$0xCC50];
	v0 =	vshrl.u32 v0, $0x10;
	v1 =	vand.u32 $0xFFFF0000, v1  }
0x13e: {  	v63 =	vld [tilespmem:s0+$0xB820];
	v0 =	vor.u32 v0, v1;
	v1 =	vadd.f32 v5, v4;
	v4 =	vadd.f32 v7, v6  }
0x13f: {  	v12 =	vld [tilespmem:s0+$0xCC20]  }
0x140: {  	v2 =	vld [tilespmem:s0+$0xB860];
	[tilespmem:s0+$0xE030] =	vst v0;
	v0 =	vadd.s32 $0x8000, v1;
	v1 =	vadd.s32 $0x8000, v4  }
0x141: {  	s2 =	simm.s32 $0x80;
	v3 =	vadd.f32 v3, v8;
	v4 =	vld [tilespmem:s0+$0xCC60];
	v5 =	vshrl.u32 v0, $0x10;
	v1 =	vand.u32 $0xFFFF0000, v1  }
0x142: {  	v6 =	vadd.f32 v62, v61;
	v0 =	vld [tilespmem:s2+$0xB830];
	v5 =	vor.u32 v5, v1  }
0x143: {  	v3 =	vadd.s32 $0x8000, v3;
	v1 =	vld [tilespmem:s2+$0xCC30];
	[tilespmem:s0+$0xE000] =	vst v5  }
0x144: {  	s16 =	simm.s32 $0x400;
	v7 =	vadd.s32 $0x8000, v6;
	v6 =	vadd.f32 v12, v63;
	v5 =	vshrl.u32 v3, $0x10;
	v3 =	vld [tilespmem:s2+$0xB870]  }
.LBB2_9:
0x145: {  	p1 =	sne.s32 s16, $0x4E00;
	v8 =	vld [tilespmem:s2+$0xCC70];
	v7 =	vand.u32 $0xFFFF0000, v7  }
0x146: {  	v9 =	vld [tilespmem:s2+$0xB800];
	v5 =	vor.u32 v5, v7;
	v2 =	vadd.f32 v4, v2;
	v4 =	vadd.s32 $0x8000, v6  }
0x147: {  	v6 =	vld [tilespmem:s2+$0xCC00];
	[tilespmem:s0+$0xE010] =	vst v5;
	v4 =	vshrl.u32 v4, $0x10  }
0x148: {  	v5 =	vld [tilespmem:s2+$0xB840];
	v2 =	vadd.s32 $0x8000, v2  }
0x149: {  	v7 =	vld [tilespmem:s2+$0xCC40];
	v2 =	vand.u32 $0xFFFF0000, v2  }
0x14a: {  	v0 =	vadd.f32 v1, v0;
	v10 =	vld [tilespmem:s2+$0xB810];
	v1 =	vadd.f32 v8, v3;
	v2 =	vor.u32 v4, v2  }
0x14b: {  	v3 =	vld [tilespmem:s2+$0xCC10];
	[tilespmem:s0+$0xE020] =	vst v2;
	s0 =	smov.u32 s2  }
0x14c: {  	v0 =	vadd.s32 $0x8000, v0;
	v2 =	vadd.f32 v6, v9;
	v6 =	vld [tilespmem:s0+$0xB850];
	v1 =	vadd.s32 $0x8000, v1  }
0x14d: {  	v0 =	vshrl.u32 v0, $0x10;
	v8 =	vld [tilespmem:s0+$0xCC50];
	v1 =	vand.u32 $0xFFFF0000, v1  }
0x14e: {  	v4 =	vadd.f32 v7, v5;
	v2 =	vadd.s32 $0x8000, v2;
	v9 =	vld [tilespmem:s0+$0xB820];
	v0 =	vor.u32 v0, v1  }
0x14f: {  	v1 =	vshrl.u32 v2, $0x10;
	v11 =	vld [tilespmem:s0+$0xCC20];
	[tilespmem:s0+$0xE030] =	vst v0  }
.Ltmp3:
0x150: {  	v0 =	vadd.s32 $0x8000, v4;
	v3 =	vadd.f32 v3, v10;
	v2 =	vld [tilespmem:s0+$0xB860];
	(pc) =	sbr.rel @p1 .LBB2_9-.Ltmp3, $4  }
0x151: {  	s2 =	sshra.s32 s16, $0x2;
	v5 =	vand.u32 $0xFFFF0000, v0;
	v4 =	vld [tilespmem:s0+$0xCC60]  }
0x152: {  	v0 =	vld [tilespmem:s2+$0xB830];
	v5 =	vor.u32 v1, v5;
	v6 =	vadd.f32 v8, v6;
	v3 =	vadd.s32 $0x8000, v3  }
0x153: {  	v1 =	vld [tilespmem:s2+$0xCC30];
	[tilespmem:s0+$0xE000] =	vst v5;
	v5 =	vshrl.u32 v3, $0x10  }
0x154: {  	s16 =	sadd.s32 $0x200, s16;
	v3 =	vld [tilespmem:s2+$0xB870];
	v7 =	vadd.s32 $0x8000, v6;
	v6 =	vadd.f32 v11, v9  }
0x155: {  	v8 =	vld [tilespmem:s2+$0xCC70];
	v7 =	vand.u32 $0xFFFF0000, v7  }
0x156: {  	v9 =	vld [tilespmem:s2+$0xB800];
	v5 =	vor.u32 v5, v7;
	v2 =	vadd.f32 v4, v2  }
0x157: {  	v52 =	vld [tilespmem:s2+$0xCC00];
	[tilespmem:s0+$0xE010] =	vst v5  }
0x158: {  	v54 =	vadd.s32 $0x8000, v6;
	v53 =	vld [tilespmem:s2+$0xB840];
	v2 =	vadd.s32 $0x8000, v2  }
0x159: {  	v5 =	vshrl.u32 v54, $0x10;
	v55 =	vld [tilespmem:s2+$0xCC40];
	v2 =	vand.u32 $0xFFFF0000, v2  }
0x15a: {  	v10 =	vld [tilespmem:s2+$0xB810];
	v2 =	vor.u32 v5, v2  }
0x15b: {  	v56 =	vld [tilespmem:s2+$0xCC10];
	[tilespmem:s0+$0xE020] =	vst v2  }
0x15c: {  	v2 =	vld [tilespmem:s2+$0xB850]  }
0x15d: {  	v58 =	vld [tilespmem:s2+$0xCC50]  }
0x15e: {  	v59 =	vld [tilespmem:s2+$0xB820]  }
0x15f: {  	v0 =	vadd.f32 v1, v0;
	v60 =	vld [tilespmem:s2+$0xCC20]  }
0x160: {  	v57 =	vadd.f32 v8, v3;
	v7 =	vadd.f32 v52, v9;
	v61 =	vld [tilespmem:s2+$0xB860]  }
0x161: {  	v0 =	vadd.s32 $0x8000, v0;
	v11 =	vld [tilespmem:s2+$0xCC60]  }
0x162: {  	v0 =	vshrl.u32 v0, $0x10;
	v1 =	vadd.s32 $0x8000, v57;
	v62 =	vadd.s32 $0x8000, v7  }
0x163: {  	v1 =	vand.u32 $0xFFFF0000, v1;
	v4 =	vadd.f32 v55, v53;
	v5 =	vadd.f32 v56, v10  }
0x164: {  	v6 =	vshrl.u32 v62, $0x10;
	v0 =	vor.u32 v0, v1  }
0x165: {  	v4 =	vadd.s32 $0x8000, v4;
	v63 =	vadd.s32 $0x8000, v5;
	v2 =	vadd.f32 v58, v2  }
0x166: {  	[tilespmem:s2+$0xE030] =	vst v0;
	v4 =	vand.u32 $0xFFFF0000, v4;
	v1 =	vadd.f32 v60, v59;
	v0 =	vadd.f32 v11, v61  }
0x167: {  	v3 =	vshrl.u32 v63, $0x10;
	v4 =	vor.u32 v6, v4;
	v2 =	vadd.s32 $0x8000, v2  }
0x168: {  	v1 =	vadd.s32 $0x8000, v1;
	v0 =	vadd.s32 $0x8000, v0;
	v2 =	vand.u32 $0xFFFF0000, v2  }
0x169: {  	s16 =	sadd.s32 s9, s14;
	[tilespmem:s2+$0xE000] =	vst v4;
	v1 =	vshrl.u32 v1, $0x10;
	v0 =	vand.u32 $0xFFFF0000, v0;
	v2 =	vor.u32 v3, v2  }
0x16a: {  	s0 =	sshll.u32 s16, $0x4;
	v0 =	vor.u32 v1, v0;
	[tilespmem:s2+$0xE010] =	vst v2  }
0x16b: {  	s23 =	simm.s32 $0xE000;
	s0 =	sadd.s32 s8, s0;
	[tilespmem:s2+$0xE020] =	vst v0  }
0x16c: {  	[hbm4b:s0+s4] =	stream.linear.scatter [tilespmem:s23], [sflag:$0x14], $0x1400, $0x38;
	[tilespmem:$0xF400] =	vst v63  }
0x16d: {  	s0 =	simm.s32 @!p0 $0x1  }
0x16e: {  	_ =	swait.ge @!p0 [sflag:s0], $0x28  }
0x16f: {  	[sflag:s0] =	ssyncset.done @!p0 $0x0  }
0x170: {  	[sflag:s0] =	ssyncadd.s32 @!p0 $0xFFFFFFD8;
	s0 =	simm.s32 @!p0 $0x2  }
0x171: {  	_ =	swait.ge @!p0 [sflag:s0], $0x28  }
0x172: {  	[sflag:s0] =	ssyncset.done @!p0 $0x0  }
0x173: {  	[sflag:s0] =	ssyncadd.s32 @!p0 $0xFFFFFFD8;
	s0 =	simm.s32 @!p0 $0x5  }
0x174: {  	_ =	swait.ge @!p0 [sflag:s0], $0x1400  }
0x175: {  	s16 =	simm.s32 @!p0 $0x100;
	[sflag:s0] =	ssyncset.done @!p0 $0x0  }
0x176: {  	s2 =	simm.s32 @!p0 $0x0;
	[sflag:s0] =	ssyncadd.s32 @!p0 $0xFFFFEC00;
	s0 =	simm.s32 @!p0 $0x28  }
0x177: {  	[tilespmem:s16], [sflag:$0x3] =	stream.indirect.gather @!p0 [hbm4b:s1+s0], $0x80, s2, s0, $0xb8;
	[tilespmem:$0xF400] =	vst v63  }
0x178: {  	s23 =	simm.s32 @!p0 $0x1500;
	s16 =	simm.s32 @!p0 $0x80  }
0x179: {  	[tilespmem:s23], [sflag:$0x4] =	stream.indirect.gather @!p0 [hbm4b:s3+s0], $0x80, s16, s0, $0xb8;
	[tilespmem:$0xF400] =	vst v63  }
0x17a: {  	s16 =	simm.s32 @!p0 $0x6  }
0x17b: {  	_ =	swait.ge @!p0 [sflag:s16], $0x28  }
0x17c: {  	[sflag:s16] =	ssyncset.done @!p0 $0x0  }
0x17d: {  	[sflag:s16] =	ssyncadd.s32 @!p0 $0xFFFFFFD8;
	s16 =	simm.s32 @!p0 $0x7  }
0x17e: {  	_ =	swait.ge @!p0 [sflag:s16], $0x28  }
0x17f: {  	[sflag:s16] =	ssyncset.done @!p0 $0x0  }
0x180: {  	[sflag:s16] =	ssyncadd.s32 @!p0 $0xFFFFFFD8;
	s16 =	simm.s32 @!p0 $0xA  }
0x181: {  	_ =	swait.ge @!p0 [sflag:s16], $0x1400  }
0x182: {  	[sflag:s16] =	ssyncset.done @!p0 $0x0  }
0x183: {  	s23 =	simm.s32 @!p0 $0x3E00;
	[sflag:s16] =	ssyncadd.s32 @!p0 $0xFFFFEC00;
	s16 =	simm.s32 @!p0 $0x3D00  }
0x184: {  	[tilespmem:s23], [sflag:$0x8] =	stream.indirect.gather @!p0 [hbm4b:s1+s0], $0x80, s16, s0, $0xb8;
	[tilespmem:$0xF400] =	vst v63  }
0x185: {  	s16 =	simm.s32 @!p0 $0x3D80;
	s23 =	simm.s32 @!p0 $0x5200  }
0x186: {  	[tilespmem:s23], [sflag:$0x9] =	stream.indirect.gather @!p0 [hbm4b:s3+s0], $0x80, s16, s0, $0xb8;
	[tilespmem:$0xF400] =	vst v63  }
0x187: {  	s0 =	sadd.s32 @!p0 s9, s26  }
0x188: {  	s0 =	sshrl.u32 @!p0 s0, $0x3  }
0x189: {  	s23 =	simm.s32 @!p0 $0x7A00;
	s16 =	sadd.s32 @!p0 s6, s0  }
0x18a: {  	[tilespmem:s23], [sflag:$0xB] =	stream.linear.gather @!p0 [hbm4b:s16+s2], $0x28, $0x38;
	[tilespmem:$0xF400] =	vst v63  }
0x18b: {  	s0 =	sadd.s32 @!p0 s7, s0;
	s16 =	simm.s32 @!p0 $0x7A80  }
0x18c: {  	[tilespmem:s16], [sflag:$0xC] =	stream.linear.gather @!p0 [hbm4b:s0+s2], $0x28, $0x38;
	[tilespmem:$0xF400] =	vst v63  }
0x18d: {  	s0 =	sadd.s32 @!p0 s9, s28  }
0x18e: {  	s0 =	sshrl.u32 @!p0 s0, $0x3  }
0x18f: {  	s16 =	simm.s32 @!p0 $0xB700;
	s9 =	sadd.s32 @!p0 s6, s0  }
0x190: {  	[tilespmem:s16], [sflag:$0x10] =	stream.linear.gather @!p0 [hbm4b:s9+s2], $0x28, $0x38;
	[tilespmem:$0xF400] =	vst v63  }
0x191: {  	p1 =	sne.s32 @!p0 s15, $0x1F;
	s0 =	sadd.s32 @!p0 s7, s0;
	s9 =	simm.s32 @!p0 $0xB780  }
0x192: {  	[tilespmem:s9], [sflag:$0x11] =	stream.linear.gather @!p0 [hbm4b:s0+s2], $0x28, $0x38;
	[tilespmem:$0xF400] =	vst v63  }
0x193: {  	p0 =	por p0, !p1  }
.Ltmp4:
0x194: {  	_ = 	snop;
	(pc) =	sbr.rel @!p0 .LBB2_2-.Ltmp4, $2  }
0x195: {  	_ =	sdelay $0x2  }
0x196: {  	s16 =	smov.u32 s15  }
0x197: {  	s0 =	simm.s32 $0x0;
	s2 =	rddreg [dreg:$0xc]  }
0x198: {  	[tilespmem:s0], [sflag:$0x1] =	stream.linear.gather [hbm4b:s2+s0], $0x28, $0x38;
	[tilespmem:$0xF400] =	vst v63  }
0x199: {  	s9 =	rddreg [dreg:$0xd];
	s15 =	simm.s32 $0x80;
	s23 =	simm.s32 $0x1  }
0x19a: {  	[tilespmem:s15], [sflag:$0x2] =	stream.linear.gather [hbm4b:s9+s0], $0x28, $0x38;
	[tilespmem:$0xF400] =	vst v63  }
0x19b: {  	_ =	swait.ge [sflag:s23], $0x28  }
0x19c: {  	[sflag:s23] =	ssyncset.done $0x0  }
0x19d: {  	s16 =	simm.s32 $0x2;
	[sflag:s23] =	ssyncadd.s32 $0xFFFFFFD8  }
0x19e: {  	_ =	swait.ge [sflag:s16], $0x28  }
0x19f: {  	[sflag:s16] =	ssyncset.done $0x0  }
0x1a0: {  	[sflag:s16] =	ssyncadd.s32 $0xFFFFFFD8;
	s16 =	simm.s32 $0x5  }
0x1a1: {  	_ =	swait.ge [sflag:s16], $0x1400  }
0x1a2: {  	[sflag:s16] =	ssyncset.done $0x0  }
0x1a3: {  	s9 =	simm.s32 $0x100;
	[sflag:s16] =	ssyncadd.s32 $0xFFFFEC00  }
0x1a4: {  	[tilespmem:s9], [sflag:$0x3] =	stream.indirect.gather [hbm4b:s1+s13], $0x80, s0, s13, $0xb8;
	[tilespmem:$0xF400] =	vst v63  }
0x1a5: {  	s9 =	simm.s32 $0x1500  }
0x1a6: {  	[tilespmem:s9], [sflag:$0x4] =	stream.indirect.gather [hbm4b:s3+s13], $0x80, s15, s13, $0xb8;
	[tilespmem:$0xF400] =	vst v63  }
0x1a7: {  	_ =	swait.ge [sflag:s22], $0x1400  }
0x1a8: {  	[sflag:s22] =	ssyncset.done $0x0  }
0x1a9: {  	[sflag:s22] =	ssyncadd.s32 $0xFFFFEC00  }
0x1aa: {  	_ =	swait.ge [sflag:s30], $0x1400  }
0x1ab: {  	[sflag:s30] =	ssyncset.done $0x0  }
0x1ac: {  	s0 =	simm.s32 $0x0;
	[sflag:s30] =	ssyncadd.s32 $0xFFFFEC00  }
0x1ad: {  	v0 =	vld [tilespmem:s0+$0x130]  }
0x1ae: {  	v1 =	vld [tilespmem:s0+$0x1530]  }
0x1af: {  	v2 =	vld [tilespmem:s0+$0x170]  }
0x1b0: {  	v3 =	vld [tilespmem:s0+$0x1570]  }
0x1b1: {  	v4 =	vld [tilespmem:s0+$0x100]  }
0x1b2: {  	v5 =	vld [tilespmem:s0+$0x1500]  }
0x1b3: {  	v6 =	vld [tilespmem:s0+$0x140]  }
0x1b4: {  	v7 =	vld [tilespmem:s0+$0x1540]  }
0x1b5: {  	v8 =	vld [tilespmem:s0+$0x110];
	v0 =	vadd.f32 v1, v0;
	v1 =	vadd.f32 v3, v2  }
0x1b6: {  	v9 =	vld [tilespmem:s0+$0x150]  }
0x1b7: {  	v3 =	vld [tilespmem:s0+$0x1510];
	v0 =	vadd.s32 $0x8000, v0;
	v1 =	vadd.s32 $0x8000, v1  }
0x1b8: {  	v10 =	vld [tilespmem:s0+$0x1550];
	v0 =	vshrl.u32 v0, $0x10;
	v1 =	vand.u32 $0xFFFF0000, v1  }
0x1b9: {  	v11 =	vld [tilespmem:s0+$0x120];
	v0 =	vor.u32 v0, v1;
	v1 =	vadd.f32 v5, v4;
	v4 =	vadd.f32 v7, v6  }
0x1ba: {  	v12 =	vld [tilespmem:s0+$0x1520]  }
0x1bb: {  	v2 =	vld [tilespmem:s0+$0x160];
	[tilespmem:s0+$0x2930] =	vst v0;
	v0 =	vadd.s32 $0x8000, v1;
	v1 =	vadd.s32 $0x8000, v4  }
0x1bc: {  	s2 =	simm.s32 $0x80;
	v3 =	vadd.f32 v3, v8;
	v4 =	vld [tilespmem:s0+$0x1560];
	v5 =	vshrl.u32 v0, $0x10;
	v1 =	vand.u32 $0xFFFF0000, v1  }
0x1bd: {  	v6 =	vadd.f32 v10, v9;
	v0 =	vld [tilespmem:s2+$0x130];
	v5 =	vor.u32 v5, v1  }
0x1be: {  	v3 =	vadd.s32 $0x8000, v3;
	v1 =	vld [tilespmem:s2+$0x1530];
	[tilespmem:s0+$0x2900] =	vst v5  }
0x1bf: {  	s9 =	simm.s32 $0x400;
	v7 =	vadd.s32 $0x8000, v6;
	v6 =	vadd.f32 v12, v11;
	v5 =	vshrl.u32 v3, $0x10;
	v3 =	vld [tilespmem:s2+$0x170]  }
.LBB2_12:
0x1c0: {  	p0 =	sne.s32 s9, $0x4E00;
	v8 =	vld [tilespmem:s2+$0x1570];
	v7 =	vand.u32 $0xFFFF0000, v7  }
0x1c1: {  	v9 =	vld [tilespmem:s2+$0x100];
	v5 =	vor.u32 v5, v7;
	v2 =	vadd.f32 v4, v2;
	v4 =	vadd.s32 $0x8000, v6  }
0x1c2: {  	v6 =	vld [tilespmem:s2+$0x1500];
	[tilespmem:s0+$0x2910] =	vst v5;
	v4 =	vshrl.u32 v4, $0x10  }
0x1c3: {  	v5 =	vld [tilespmem:s2+$0x140];
	v2 =	vadd.s32 $0x8000, v2  }
0x1c4: {  	v7 =	vld [tilespmem:s2+$0x1540];
	v2 =	vand.u32 $0xFFFF0000, v2  }
0x1c5: {  	v0 =	vadd.f32 v1, v0;
	v10 =	vld [tilespmem:s2+$0x110];
	v1 =	vadd.f32 v8, v3;
	v2 =	vor.u32 v4, v2  }
0x1c6: {  	v3 =	vld [tilespmem:s2+$0x1510];
	[tilespmem:s0+$0x2920] =	vst v2;
	s0 =	smov.u32 s2  }
0x1c7: {  	v0 =	vadd.s32 $0x8000, v0;
	v2 =	vadd.f32 v6, v9;
	v6 =	vld [tilespmem:s0+$0x150];
	v1 =	vadd.s32 $0x8000, v1  }
0x1c8: {  	v0 =	vshrl.u32 v0, $0x10;
	v8 =	vld [tilespmem:s0+$0x1550];
	v1 =	vand.u32 $0xFFFF0000, v1  }
0x1c9: {  	v4 =	vadd.f32 v7, v5;
	v2 =	vadd.s32 $0x8000, v2;
	v9 =	vld [tilespmem:s0+$0x120];
	v0 =	vor.u32 v0, v1  }
0x1ca: {  	v1 =	vshrl.u32 v2, $0x10;
	v11 =	vld [tilespmem:s0+$0x1520];
	[tilespmem:s0+$0x2930] =	vst v0  }
.Ltmp5:
0x1cb: {  	v0 =	vadd.s32 $0x8000, v4;
	v3 =	vadd.f32 v3, v10;
	v2 =	vld [tilespmem:s0+$0x160];
	(pc) =	sbr.rel @p0 .LBB2_12-.Ltmp5, $4  }
0x1cc: {  	s2 =	sshra.s32 s9, $0x2;
	v5 =	vand.u32 $0xFFFF0000, v0;
	v4 =	vld [tilespmem:s0+$0x1560]  }
0x1cd: {  	v0 =	vld [tilespmem:s2+$0x130];
	v5 =	vor.u32 v1, v5;
	v6 =	vadd.f32 v8, v6;
	v3 =	vadd.s32 $0x8000, v3  }
0x1ce: {  	v1 =	vld [tilespmem:s2+$0x1530];
	[tilespmem:s0+$0x2900] =	vst v5;
	v5 =	vshrl.u32 v3, $0x10  }
0x1cf: {  	s9 =	sadd.s32 $0x200, s9;
	v3 =	vld [tilespmem:s2+$0x170];
	v7 =	vadd.s32 $0x8000, v6;
	v6 =	vadd.f32 v11, v9  }
0x1d0: {  	v8 =	vld [tilespmem:s2+$0x1570];
	v7 =	vand.u32 $0xFFFF0000, v7  }
0x1d1: {  	v9 =	vld [tilespmem:s2+$0x100];
	v5 =	vor.u32 v5, v7;
	v2 =	vadd.f32 v4, v2  }
0x1d2: {  	v52 =	vld [tilespmem:s2+$0x1500];
	[tilespmem:s0+$0x2910] =	vst v5  }
0x1d3: {  	v54 =	vadd.s32 $0x8000, v6;
	v53 =	vld [tilespmem:s2+$0x140];
	v2 =	vadd.s32 $0x8000, v2  }
0x1d4: {  	v5 =	vshrl.u32 v54, $0x10;
	v55 =	vld [tilespmem:s2+$0x1540];
	v2 =	vand.u32 $0xFFFF0000, v2  }
0x1d5: {  	v10 =	vld [tilespmem:s2+$0x110];
	v2 =	vor.u32 v5, v2  }
0x1d6: {  	v56 =	vld [tilespmem:s2+$0x1510];
	[tilespmem:s0+$0x2920] =	vst v2  }
0x1d7: {  	v2 =	vld [tilespmem:s2+$0x150]  }
0x1d8: {  	v58 =	vld [tilespmem:s2+$0x1550]  }
0x1d9: {  	v59 =	vld [tilespmem:s2+$0x120]  }
0x1da: {  	v0 =	vadd.f32 v1, v0;
	v60 =	vld [tilespmem:s2+$0x1520]  }
0x1db: {  	v57 =	vadd.f32 v8, v3;
	v7 =	vadd.f32 v52, v9;
	v61 =	vld [tilespmem:s2+$0x160]  }
0x1dc: {  	v0 =	vadd.s32 $0x8000, v0;
	v11 =	vld [tilespmem:s2+$0x1560]  }
0x1dd: {  	v0 =	vshrl.u32 v0, $0x10;
	v1 =	vadd.s32 $0x8000, v57;
	v62 =	vadd.s32 $0x8000, v7  }
0x1de: {  	v1 =	vand.u32 $0xFFFF0000, v1;
	v4 =	vadd.f32 v55, v53;
	v5 =	vadd.f32 v56, v10  }
0x1df: {  	v6 =	vshrl.u32 v62, $0x10;
	v0 =	vor.u32 v0, v1  }
0x1e0: {  	v4 =	vadd.s32 $0x8000, v4;
	v63 =	vadd.s32 $0x8000, v5;
	v2 =	vadd.f32 v58, v2  }
0x1e1: {  	[tilespmem:s2+$0x2930] =	vst v0;
	v4 =	vand.u32 $0xFFFF0000, v4;
	v1 =	vadd.f32 v60, v59;
	v0 =	vadd.f32 v11, v61  }
0x1e2: {  	v3 =	vshrl.u32 v63, $0x10;
	v4 =	vor.u32 v6, v4;
	v2 =	vadd.s32 $0x8000, v2  }
0x1e3: {  	v1 =	vadd.s32 $0x8000, v1;
	v0 =	vadd.s32 $0x8000, v0;
	v2 =	vand.u32 $0xFFFF0000, v2  }
0x1e4: {  	[tilespmem:s2+$0x2900] =	vst v4;
	v1 =	vshrl.u32 v1, $0x10;
	v0 =	vand.u32 $0xFFFF0000, v0;
	v2 =	vor.u32 v3, v2  }
0x1e5: {  	v0 =	vor.u32 v1, v0;
	[tilespmem:s2+$0x2910] =	vst v2  }
0x1e6: {  	s9 =	simm.s32 $0x2900;
	[tilespmem:s2+$0x2920] =	vst v0;
	s2 =	rddreg [dreg:$0xe]  }
0x1e7: {  	[hbm4b:s2+s4] =	stream.linear.scatter [tilespmem:s9], [sflag:$0x5], $0x1400, $0x38;
	[tilespmem:$0xF400] =	vst v63  }
0x1e8: {  	_ =	swait.ge [sflag:s16], $0x1400  }
0x1e9: {  	[sflag:s16] =	ssyncset.done $0x0  }
0x1ea: {  	s2 =	simm.s32 $0xA;
	[sflag:s16] =	ssyncadd.s32 $0xFFFFEC00  }
0x1eb: {  	_ =	swait.ge [sflag:s2], $0x1400  }
0x1ec: {  	[sflag:s2] =	ssyncset.done $0x0  }
0x1ed: {  	s9 =	simm.s32 $0xF;
	[sflag:s2] =	ssyncadd.s32 $0xFFFFEC00  }
0x1ee: {  	_ =	swait.ge [sflag:s9], $0x1400  }
0x1ef: {  	[sflag:s9] =	ssyncset.done $0x0  }
0x1f0: {  	s2 =	simm.s32 $0x14;
	[sflag:s9] =	ssyncadd.s32 $0xFFFFEC00  }
0x1f1: {  	_ =	swait.ge [sflag:s2], $0x1400  }
0x1f2: {  	s9 =	rddreg [dreg:$0x10]  }
0x1f3: {  	s16 =	rddreg [dreg:$0xf];
	s9 =	sadd.s32 $0x1, s9  }
0x1f4: {  	p0 =	sne.s32 s9, s16  }
.Ltmp6:
0x1f5: {  	_ = 	snop;
	(pc) =	sbr.rel @p0 .LBB2_1-.Ltmp6, $3  }
0x1f6: {  	_ =	sdelay $0x1  }
0x1f7: {  	[sflag:s2] =	ssyncset.done $0x0  }
0x1f8: {  	[sflag:s2] =	ssyncadd.s32 $0xFFFFEC00  }
0x1f9: {  	_ =	sfence.sel $0x180000  }
0x1fa: {  	[bflag:$0x0] =	sbarrier.arrive $0xFFFF  }
0x1fb: {  	_ =	strace $0x9000004A  }
0x1fc: {  	s0 =	stileid.u32;
	[bflag:$0x2] =	sbarrier.arrive $0xFFFF  }
0x1fd: {  	p0 =	sne.s32 s0, $0x0;
	s0 =	rddreg [dreg:$0x3]  }
0x1fe: {  	s0 =	sadd.s32 @!p0 $0x100000, s0  }
0x1ff: {  	[sflag:s0] =	ssyncadd.tile.s32 @!p0 $0x1;
	_ =	shalt  }
.Lfunc_end2:
_tile_overlayer_lowered:
.L_overlay_start_2:
0x200: {  	(tag) =	ssettag $0x2  }
0x201: {  	s0 =	rddreg [dreg:$0x0];
	s2 =	stileid.u32  }
0x202: {  	s1 =	rddreg [dreg:$0x1];
	p0 =	sne.s32 s2, $0x0  }
0x203: {  	s3 =	rddreg [dreg:$0x2];
	[bflag:$0x3] =	sbarrier.arrive $0xFFFF;
	s2 =	simm.s32 @!p0 $0x1C15  }
0x204: {  	[timem:s3], [sflag:s2] =	dma.local @!p0 [hbm:s0], s1  }
0x205: {  	s0 =	simm.s32 @!p0 $0x15  }
0x206: {  	_ =	swait.ge @!p0 [sflag:s0], s1  }
0x207: {  	s1 =	ssub.s32 @!p0 $0x0, s1;
	[sflag:s0] =	ssyncset.done @!p0 $0x0  }
0x208: {  	[sflag:s0] =	ssyncadd.s32 @!p0 s1  }
0x209: {  	[bflag:$0x3] =	sbarrier.arrive $0xFFFF  }
0x20a: {  	_ =	shalt  }

// kernel: kernel.14.cloned.1.call-start
scs
__scs_entry_jumppad:
0x0: {  	(pc) =	sbr.rel $0x88, $3  }
0x1: {  	(tag) =	ssettag $0x0;
	lr =	simm.s32 $0x1  }
0x2: {  	[smem:$0x3F8A] =	sst lr;
	_ =	strace $0xD0000000  }
0x3: {  	_ = 	snop  }
0x4: {  	_ = 	snop  }
0x5: {  	_ = 	snop  }
0x6: {  	_ = 	snop  }
0x7: {  	_ = 	snop  }
__scs_overlays_trampoline_lowered:
0x8: {  	[smem:$0x3F99] =	sst s0  }
0x9: {  	[smem:$0x3F9A] =	sst s1  }
0xa: {  	[smem:$0x3F9B] =	sst s2  }
0xb: {  	[smem:$0x3F9C] =	sst s3  }
0xc: {  	[smem:$0x3F9D] =	sst s4  }
0xd: {  	[smem:$0x3F9E] =	sst s5  }
0xe: {  	[smem:$0x3F9F] =	sst s6  }
0xf: {  	[smem:$0x3FA0] =	sst s7  }
0x10: {  	[smem:$0x3FA1] =	sst s8  }
0x11: {  	[smem:$0x3FA2] =	sst s9;
	s0 =	simm.s32 @!p0 $0x0  }
0x12: {  	s1 =	sld [smem:$0x3F88];
	s0 =	simm.s32 @p0 $0x1  }
0x13: {  	[smem:$0x3FA3] =	sst s0;
	s0 =	simm.s32 @!p1 $0x0  }
0x14: {  	s2 =	sld [smem:$0x3F87];
	s0 =	simm.s32 @p1 $0x1  }
0x15: {  	[smem:$0x3FA4] =	sst s0;
	s0 =	simm.s32 @!p2 $0x0  }
0x16: {  	s3 =	sld [smem:$0x3FDB];
	s0 =	simm.s32 @p2 $0x1  }
0x17: {  	s4 =	simm.s32 $0x1BF5;
	[smem:$0x3FA6] =	sst s0  }
0x18: {  	s0 =	sld [smem:$0x3F89];
	_ =	swait.ge [sflag:s4], $0x0  }
0x19: {  	s7 =	sld [smem:$0x3F8A]  }
0x1a: {  	s8 =	sadd.s32 $0xFFFFE003, lr  }
0x1b: {  	s9 =	sadd.s32 $0xFFFFFEF7, lr;
	s5 =	simm.s32 $0xFFFFFFFF;
	p2 =	slt.u32 s8, $0xFFFFF086  }
0x1c: {  	p1 =	slt.u32 s9, $0xF7A;
	s5 =	simm.s32 @!p2 $0x0  }
0x1d: {  	s5 =	simm.s32 @p1 $0x1;
	p0 =	seq.s32 s7, s2  }
0x1e: {  	s7 =	smul.u32 @!p0 $0xF7A, s2;
	p2 =	seq.s32 @!p0 s5, $0x0  }
0x1f: {  	s9 =	smul.u32 $0xF7A, s1;
	s8 =	simm.s32 @!p0 $0x1BF5;
	p2 =	por !p2, p0  }
0x20: {  	[sflag:s8] =	ssyncset.s32 @!p0 $0xFFFFF086;
	s6 =	sadd.s32 @!p0 s3, s7;
	s7 =	simm.s32 @!p0 $0x108  }
0x21: {  	s3 =	sadd.s32 s3, s9;
	s6 =	sadd.s32 @!p0 $0x88, s6;
	s7 =	simm.s32 @p2 $0x1082  }
0x22: {  	[simem:s7], [sflag:s8] =	dma.local @!p0 [hbm:s6], $0xF7A  }
0x23: {  	s9 =	sor.u32 $0xD0000000, s2;
	s6 =	simm.s32 $0x108;
	_ =	swait.ge @!p0 [sflag:s8], $0x0  }
0x24: {  	s3 =	sadd.s32 $0x88, s3;
	s6 =	simm.s32 @!p1 $0x1082;
	[sflag:s4] =	ssyncset.s32 $0xFFFFF086  }
0x25: {  	[simem:s6], [sflag:s4] =	dma.local [hbm:s3], $0xF7A  }
0x26: {  	[smem:$0x3F8A] =	sst s1;
	(tag) =	ssettag s2;
	_ =	strace s9  }
0x27: {  	s1 =	sld [smem:$0x3F9A]  }
0x28: {  	s2 =	sld [smem:$0x3F9B]  }
0x29: {  	s4 =	sld [smem:$0x3F9D]  }
0x2a: {  	p0 =	seq.s32 s5, $0x0;
	s5 =	sld [smem:$0x3F9E]  }
0x2b: {  	s6 =	sld [smem:$0x3F9F]  }
0x2c: {  	s7 =	sld [smem:$0x3FA0]  }
0x2d: {  	s3 =	simm.s32 $0x108;
	s8 =	sld [smem:$0x3FA1]  }
0x2e: {  	s3 =	simm.s32 @!p0 $0x1082;
	s9 =	sld [smem:$0x3FA2]  }
0x2f: {  	lr =	sadd.s32 s0, s3;
	s0 =	sld [smem:$0x3F99]  }
0x30: {  	s3 =	sld [smem:$0x3F9C]  }
0x31: {  	[smem:$0x3FA5] =	sst s10  }
0x32: {  	s10 =	sld [smem:$0x3FA3];
	_ =	sdelay $0x3  }
0x33: {  	p0 =	seq.s32 s10, $0x1;
	s10 =	sld [smem:$0x3FA5];
	_ =	sdelay $0x3  }
0x34: {  	[smem:$0x3FA5] =	sst s10  }
0x35: {  	s10 =	sld [smem:$0x3FA4];
	_ =	sdelay $0x3  }
0x36: {  	p1 =	seq.s32 s10, $0x1;
	s10 =	sld [smem:$0x3FA5];
	_ =	sdelay $0x3  }
0x37: {  	[smem:$0x3FA5] =	sst s10  }
0x38: {  	s10 =	sld [smem:$0x3FA6]  }
0x39: {  	_ = 	snop;
	(pc) =	sbr.ind lr, $3  }
0x3a: {  	_ = 	snop  }
0x3b: {  	_ = 	snop  }
0x3c: {  	p2 =	seq.s32 s10, $0x1;
	s10 =	sld [smem:$0x3FA5]  }
0x3d: {  	_ =	shalt  }
0x3e: {  	_ =	shalt  }
0x3f: {  	_ =	shalt  }
0x40: {  	_ =	shalt  }
0x41: {  	_ =	shalt  }
0x42: {  	_ =	shalt  }
0x43: {  	_ =	shalt  }
0x44: {  	_ =	shalt  }
0x45: {  	_ =	shalt  }
0x46: {  	_ =	shalt  }
0x47: {  	_ =	shalt  }
0x48: {  	_ =	shalt  }
0x49: {  	_ =	shalt  }
0x4a: {  	_ =	shalt  }
0x4b: {  	_ =	shalt  }
0x4c: {  	_ =	shalt  }
0x4d: {  	_ =	shalt  }
0x4e: {  	_ =	shalt  }
0x4f: {  	_ =	shalt  }
0x50: {  	_ =	shalt  }
0x51: {  	_ =	shalt  }
0x52: {  	_ =	shalt  }
0x53: {  	_ =	shalt  }
0x54: {  	_ =	shalt  }
0x55: {  	_ =	shalt  }
0x56: {  	_ =	shalt  }
0x57: {  	_ =	shalt  }
0x58: {  	_ =	shalt  }
0x59: {  	_ =	shalt  }
0x5a: {  	_ =	shalt  }
0x5b: {  	_ =	shalt  }
0x5c: {  	_ =	shalt  }
0x5d: {  	_ =	shalt  }
0x5e: {  	_ =	shalt  }
0x5f: {  	_ =	shalt  }
0x60: {  	_ =	shalt  }
0x61: {  	_ =	shalt  }
0x62: {  	_ =	shalt  }
0x63: {  	_ =	shalt  }
0x64: {  	_ =	shalt  }
0x65: {  	_ =	shalt  }
0x66: {  	_ =	shalt  }
0x67: {  	_ =	shalt  }
0x68: {  	_ =	shalt  }
0x69: {  	_ =	shalt  }
0x6a: {  	_ =	shalt  }
0x6b: {  	_ =	shalt  }
0x6c: {  	_ =	shalt  }
0x6d: {  	_ =	shalt  }
0x6e: {  	_ =	shalt  }
0x6f: {  	_ =	shalt  }
0x70: {  	_ =	shalt  }
0x71: {  	_ =	shalt  }
0x72: {  	_ =	shalt  }
0x73: {  	_ =	shalt  }
0x74: {  	_ =	shalt  }
0x75: {  	_ =	shalt  }
0x76: {  	_ =	shalt  }
0x77: {  	_ =	shalt  }
0x78: {  	_ =	shalt  }
0x79: {  	_ =	shalt  }
0x7a: {  	_ =	shalt  }
0x7b: {  	_ =	shalt  }
0x7c: {  	_ =	shalt  }
0x7d: {  	_ =	shalt  }
0x7e: {  	_ =	shalt  }
0x7f: {  	_ =	shalt  }
0x80: {  	_ =	shalt  }
0x81: {  	_ =	shalt  }
0x82: {  	_ =	shalt  }
0x83: {  	_ =	shalt  }
0x84: {  	_ =	shalt  }
0x85: {  	_ =	shalt  }
0x86: {  	_ =	shalt  }
0x87: {  	_ =	shalt  }
.Lfunc_end0:
.L_simem_size_0:
called_computation.1_lowered:
.L_overlay_start_0:
0x88: {  	s2 =	sld [smem:$0x3FD9]  }
0x89: {  	s3 =	sld [smem:$0x3FFE];
	_ =	sdelay $0x1  }
0x8a: {  	s1 =	srdreg.scid  }
0x8b: {  	s0 =	sand.u32 $0x1, s1  }
0x8c: {  	s14 =	sshll.u32 s0, $0xA;
	s2 =	sadd.s32 s3, s2  }
0x8d: {  	s2 =	sadd.s32 s2, s14  }
0x8e: {  	[smem:$0x3FB1] =	sst s2  }
0x8f: {  	_ = 	snop  }
0x90: {  	s2 =	sld [smem:$0x3FD0];
	_ =	sdelay $0x2  }
0x91: {  	s15 =	simm.s32 $0xB;
	s4 =	simm.s32 $0x10  }
0x92: {  	[smem:s4], [sflag:s15] =	dma.local [hbm:s2], $0x1  }
0x93: {  	_ =	swait.eq [sflag:s15], $0x1  }
0x94: {  	[sflag:s15] =	ssyncset.done $0x0  }
0x95: {  	s16 =	sld [smem:$0x10];
	[sflag:s15] =	ssyncadd.s32 $0xFFFFFFFF  }
0x96: {  	s17 =	sld [smem:$0x11];
	(tm) =	ssettm $0x1  }
0x97: {  	s18 =	sld [smem:$0x3FFB];
	_ =	sdelay $0x3  }
0x98: {  	_ =	strace s18  }
0x99: {  	s4 =	sld [smem:$0x3FFC];
	_ =	sdelay $0x3  }
0x9a: {  	_ =	strace s4  }
0x9b: {  	s4 =	sld [smem:$0x3FFD];
	_ =	sdelay $0x3  }
0x9c: {  	_ =	strace s4  }
0x9d: {  	_ =	strace $0x8FFFFFFF  }
0x9e: {  	s19 =	sld [smem:$0x3FDB];
	_ =	sdelay $0x1  }
0x9f: {  	s5 =	simm.s32 $_scs_section_size  }
0xa0: {  	s6 =	simm.s32 $_size__tile_overlayer_lowered;
	s7 =	simm.s32 $_tile_overlayer_lowered  }
0xa1: {  	s22 =	simm.s32 $0x1BFF;
	s21 =	sshll.u32 s7, $0x1;
	s4 =	sadd.s32 s5, s19  }
0xa2: {  	s8 =	simm.s32 $0x0;
	s20 =	sshll.u32 s6, $0x1;
	s6 =	sadd.s32 s21, s4  }
0xa3: {  	[timem:s8], [sflag:s22] =	dma.local [hbm:s6], s20  }
0xa4: {  	_ =	swait.ge [sflag:s22], s20  }
0xa5: {  	s5 =	ssub.s32 $0x0, s20;
	[sflag:s22] =	ssyncset.done $0x0  }
0xa6: {  	[sflag:s22] =	ssyncadd.s32 s5;
	_ =	sdelay $0x1  }
0xa7: {  	s23 =	simm.s32 $0x1B8B  }
0xa8: {  	_ =	swait.ge [sflag:s23], $0x1  }
0xa9: {  	[sflag:s23] =	ssyncset.done $0x0  }
0xaa: {  	s25 =	simm.s32 $0x1B8E;
	s24 =	sld [smem:$0x3FFE];
	[sflag:s23] =	ssyncadd.s32 $0xFFFFFFFF  }
0xab: {  	s26 =	simm.s32 $execute0_lowered;
	[smem:$0x3FD2] =	sst s25  }
0xac: {  	s6 =	sshll.u32 s26, $0x1;
	_ =	strace $0x80000046;
	[dreg:$0x1] =	wrdreg $0xFFFFFFFF  }
0xad: {  	s28 =	simm.s32 $_size_execute0_lowered;
	s4 =	sadd.s32 s4, s6;
	[dreg:$0x0] =	wrdreg $0x0  }
0xae: {  	s6 =	sshll.u32 s28, $0x1;
	[dreg:$0x2] =	wrdreg s4  }
0xaf: {  	[dreg:$0x3] =	wrdreg s6  }
0xb0: {  	[dreg:$0x4] =	wrdreg $0xC0  }
0xb1: {  	_ =	task [dreg:s8], $0x5FFFF  }
0xb2: {  	[dreg:$0x1] =	wrdreg $0xFFFFFFFF  }
0xb3: {  	[dreg:$0x0] =	wrdreg $0x60  }
0xb4: {  	[dreg:$0x2] =	wrdreg s17  }
0xb5: {  	[dreg:$0x3] =	wrdreg s16  }
0xb6: {  	[dreg:$0x4] =	wrdreg s24  }
0xb7: {  	[dreg:$0x5] =	wrdreg $0xA  }
0xb8: {  	_ =	task.clear_ibuf [dreg:s8], $0x6FFFF;
	_ =	strace $0x90000046  }
0xb9: {  	s29 =	simm.s32 $0xA;
	_ =	strace $0x80000048  }
0xba: {  	_ =	swait.ge [sflag:s29], $0x1  }
0xbb: {  	[sflag:s29] =	ssyncadd.s32 $0xFFFFFFFF  }
0xbc: {  	_ =	strace $0x90000048  }
0xbd: {  	_ =	sfence  }
0xbe: {  	s30 =	sld [smem:$0x0];
	_ =	sdelay $0x2  }
0xbf: {  	s31 =	sshll.u32 s1, $0xD;
	s1 =	sshrl.u32 s1, $0x2  }
0xc0: {  	s3 =	sand.u32 $0x4000, s31;
	s1 =	sadd.s32 s1, s30  }
0xc1: {  	s0 =	sor.u32 s3, s0;
	s1 =	sshll.u32 s1, $0x11  }
0xc2: {  	s0 =	sor.u32 s1, s0  }
0xc3: {  	s0 =	sadd.s32 $0x8F2B, s0  }
0xc4: {  	[sflag:s0] =	ssyncadd.remote.s32 $0x1  }
0xc5: {  	_ =	sfence.sel $0xFFFF  }
0xc6: {  	[dreg:$0x0] =	wrdreg $0xFFFFFFFF;
	(pc) =	sbr.abs _section_cstart, $3  }
0xc7: {  	[dreg:$0x1] =	wrdreg $0xFFFFFFFF  }
0xc8: {  	_ =	task.clear_ibuf [dreg:s8], $0x2FFFF;
	_ =	strace $0x9FFFFFFF  }
0xc9: {  	(tm) =	ssettm $0x7FFFFFFF  }
tec
execute0_lowered:
.L_overlay_start_1:
0x0: {  	(tag) =	ssettag $0x1  }
0x1: {  	s1 =	rddreg [dreg:$0x0]  }
0x2: {  	s3 =	rddreg [dreg:$0x1]  }
0x3: {  	s0 =	rddreg [dreg:$0x2];
	s2 =	srdreg.scid  }
0x4: {  	s5 =	stileid.u32;
	s4 =	simm.s32 $0x0;
	s13 =	simm.s32 $0x28  }
0x5: {  	s30 =	simm.s32 $0x4;
	s31 =	simm.s32 $0xD;
	s29 =	simm.s32 $0xE  }
0x6: {  	s2 =	sand.u32 $0x1, s2;
	s5 =	sshll.u32 s5, $0x1;
	[smem:$0x7FF] =	sst s4  }
0x7: {  	s6 =	sadd.s32 $0x5A00, s0;
	s5 =	sor.u32 s2, s5;
	s2 =	ssub.s32 $0x2, s2  }
0x8: {  	s7 =	sadd.s32 $0xFA00, s0;
	s5 =	smul.u32 $0x1388, s5;
	s15 =	sshrl.u32 s2, $0x1  }
0x9: {  	s8 =	sadd.s32 $0x19A00, s0;
	_ =	strace $0x80000047;
	s0 =	ssub.s32 s2, s15  }
0xa: {  	s15 =	simm.s32 $0x80;
	s9 =	sshrl.u32 s5, $0x3;
	s10 =	sadd.s32 $0x28, s5  }
0xb: {  	s12 =	sadd.s32 $0x50, s5;
	s14 =	sadd.s32 $0x78, s5;
	s24 =	sadd.s32 $0x1360, s5  }
0xc: {  	s0 =	smax.u32 s0, $0x1;
	s28 =	sadd.s32 $0x118, s5;
	s16 =	sadd.s32 s6, s9  }
0xd: {  	s17 =	sadd.s32 s7, s9;
	s18 =	sshrl.u32 s10, $0x3;
	[dreg:$0xf] =	wrdreg s0  }
0xe: {  	s20 =	sshrl.u32 s12, $0x3;
	s22 =	sshrl.u32 s14, $0x3;
	[dreg:$0x4] =	wrdreg s16  }
0xf: {  	s25 =	sshrl.u32 s24, $0x3;
	[dreg:$0x5] =	wrdreg s17;
	s19 =	sadd.s32 s6, s18  }
0x10: {  	s2 =	sadd.s32 s7, s18;
	s21 =	sadd.s32 s6, s20;
	[dreg:$0x6] =	wrdreg s19  }
0x11: {  	s9 =	sadd.s32 s7, s20;
	s23 =	sadd.s32 s6, s22;
	[dreg:$0x7] =	wrdreg s2  }
0x12: {  	s20 =	sadd.s32 $0xA0, s5;
	s11 =	sadd.s32 s6, s25;
	[dreg:$0x8] =	wrdreg s21  }
0x13: {  	s17 =	simm.s32 $0xB;
	s18 =	simm.s32 $0xC;
	[dreg:$0x9] =	wrdreg s9  }
0x14: {  	[dreg:$0xa] =	wrdreg s23;
	s2 =	sadd.s32 s7, s22;
	s21 =	sadd.s32 $0xC8, s5  }
0x15: {  	[dreg:$0xc] =	wrdreg s11;
	s9 =	sshll.u32 s24, $0x4;
	s23 =	simm.s32 $0x1  }
0x16: {  	s22 =	simm.s32 $0x3;
	s24 =	simm.s32 $0x8;
	s11 =	simm.s32 $0x12  }
0x17: {  	s19 =	simm.s32 $0x13;
	[dreg:$0xb] =	wrdreg s2;
	s2 =	sadd.s32 s7, s25  }
0x18: {  	s26 =	sadd.s32 s8, s9;
	s25 =	simm.s32 $0x9;
	[dreg:$0xd] =	wrdreg s2  }
0x19: {  	s9 =	simm.s32 $0x0;
	[dreg:$0xe] =	wrdreg s26;
	s26 =	sadd.s32 $0xF0, s5  }
.LBB2_1:
0x1a: {  	[dreg:$0x10] =	wrdreg s9  }
0x1b: {  	s0 =	rddreg [dreg:$0x4]  }
0x1c: {  	[tilespmem:s4], [sflag:$0x1] =	stream.linear.gather [hbm4b:s0+s4], $0x28, $0x38;
	[tilespmem:$0xF400] =	vst v63  }
0x1d: {  	s2 =	rddreg [dreg:$0x5]  }
0x1e: {  	[tilespmem:s15], [sflag:$0x2] =	stream.linear.gather [hbm4b:s2+s4], $0x28, $0x38;
	[tilespmem:$0xF400] =	vst v63  }
0x1f: {  	s9 =	rddreg [dreg:$0x6];
	s2 =	simm.s32 $0x3D00  }
0x20: {  	[tilespmem:s2], [sflag:$0x6] =	stream.linear.gather [hbm4b:s9+s4], $0x28, $0x38;
	[tilespmem:$0xF400] =	vst v63  }
0x21: {  	s16 =	rddreg [dreg:$0x7];
	s9 =	simm.s32 $0x3D80  }
0x22: {  	[tilespmem:s9], [sflag:$0x7] =	stream.linear.gather [hbm4b:s16+s4], $0x28, $0x38;
	[tilespmem:$0xF400] =	vst v63  }
0x23: {  	s0 =	rddreg [dreg:$0x8];
	s16 =	simm.s32 $0x7A00  }
0x24: {  	[tilespmem:s16], [sflag:$0xB] =	stream.linear.gather [hbm4b:s0+s4], $0x28, $0x38;
	[tilespmem:$0xF400] =	vst v63  }
0x25: {  	s0 =	rddreg [dreg:$0x9];
	s16 =	simm.s32 $0x7A80  }
0x26: {  	[tilespmem:s16], [sflag:$0xC] =	stream.linear.gather [hbm4b:s0+s4], $0x28, $0x38;
	[tilespmem:$0xF400] =	vst v63  }
0x27: {  	s0 =	rddreg [dreg:$0xa];
	s16 =	simm.s32 $0xB700  }
0x28: {  	[tilespmem:s16], [sflag:$0x10] =	stream.linear.gather [hbm4b:s0+s4], $0x28, $0x38;
	[tilespmem:$0xF400] =	vst v63  }
0x29: {  	s0 =	rddreg [dreg:$0xb];
	s16 =	simm.s32 $0xB780  }
0x2a: {  	[tilespmem:s16], [sflag:$0x11] =	stream.linear.gather [hbm4b:s0+s4], $0x28, $0x38;
	[tilespmem:$0xF400] =	vst v63  }
0x2b: {  	_ =	swait.ge [sflag:s23], $0x28  }
0x2c: {  	[sflag:s23] =	ssyncset.done $0x0  }
0x2d: {  	s16 =	simm.s32 $0x2;
	[sflag:s23] =	ssyncadd.s32 $0xFFFFFFD8  }
0x2e: {  	_ =	swait.ge [sflag:s16], $0x28  }
0x2f: {  	[sflag:s16] =	ssyncset.done $0x0  }
0x30: {  	s23 =	simm.s32 $0x100;
	[sflag:s16] =	ssyncadd.s32 $0xFFFFFFD8  }
0x31: {  	[tilespmem:s23], [sflag:$0x3] =	stream.indirect.gather [hbm4b:s1+s13], $0x80, s4, s13, $0xb8;
	[tilespmem:$0xF400] =	vst v63  }
0x32: {  	s16 =	simm.s32 $0x1500;
	s23 =	simm.s32 $0x6  }
0x33: {  	[tilespmem:s16], [sflag:$0x4] =	stream.indirect.gather [hbm4b:s3+s13], $0x80, s15, s13, $0xb8;
	[tilespmem:$0xF400] =	vst v63  }
0x34: {  	_ =	swait.ge [sflag:s23], $0x28  }
0x35: {  	[sflag:s23] =	ssyncset.done $0x0  }
0x36: {  	s15 =	simm.s32 $0x7;
	[sflag:s23] =	ssyncadd.s32 $0xFFFFFFD8  }
0x37: {  	_ =	swait.ge [sflag:s15], $0x28  }
0x38: {  	[sflag:s15] =	ssyncset.done $0x0  }
0x39: {  	s16 =	simm.s32 $0x3E00;
	[sflag:s15] =	ssyncadd.s32 $0xFFFFFFD8  }
0x3a: {  	[tilespmem:s16], [sflag:$0x8] =	stream.indirect.gather [hbm4b:s1+s13], $0x80, s2, s13, $0xb8;
	[tilespmem:$0xF400] =	vst v63  }
0x3b: {  	s23 =	simm.s32 $0x5200;
	s16 =	simm.s32 $0x0  }
0x3c: {  	[tilespmem:s23], [sflag:$0x9] =	stream.indirect.gather [hbm4b:s3+s13], $0x80, s9, s13, $0xb8;
	[tilespmem:$0xF400] =	vst v63  }
.LBB2_2:
0x3d: {  	_ =	swait.ge [sflag:s17], $0x28  }
0x3e: {  	[sflag:s17] =	ssyncset.done $0x0  }
0x3f: {  	[sflag:s17] =	ssyncadd.s32 $0xFFFFFFD8  }
0x40: {  	p0 =	seq.s32 s16, $0x0;
	_ =	swait.ge [sflag:s18], $0x28  }
0x41: {  	s0 =	simm.s32 @p0 $0x28;
	[sflag:s18] =	ssyncset.done $0x0  }
0x42: {  	s2 =	simm.s32 @p0 $0x7A00;
	s9 =	simm.s32 @p0 $0x7B00;
	[sflag:s18] =	ssyncadd.s32 $0xFFFFFFD8  }
0x43: {  	[tilespmem:s9], [sflag:$0xD] =	stream.indirect.gather @p0 [hbm4b:s1+s0], $0x80, s2, s0, $0xb8;
	[tilespmem:$0xF400] =	vst v63  }
0x44: {  	s2 =	simm.s32 @p0 $0x7A80;
	s9 =	simm.s32 @p0 $0x8F00  }
0x45: {  	[tilespmem:s9], [sflag:$0xE] =	stream.indirect.gather @p0 [hbm4b:s3+s0], $0x80, s2, s0, $0xb8;
	[tilespmem:$0xF400] =	vst v63  }
0x46: {  	s0 =	simm.s32 @p0 $0x10  }
0x47: {  	_ =	swait.ge @p0 [sflag:s0], $0x28  }
0x48: {  	[sflag:s0] =	ssyncset.done @p0 $0x0  }
0x49: {  	[sflag:s0] =	ssyncadd.s32 @p0 $0xFFFFFFD8;
	s0 =	simm.s32 @p0 $0x11  }
0x4a: {  	_ =	swait.ge @p0 [sflag:s0], $0x28  }
0x4b: {  	[sflag:s0] =	ssyncset.done @p0 $0x0  }
0x4c: {  	[sflag:s0] =	ssyncadd.s32 @p0 $0xFFFFFFD8;
	s0 =	simm.s32 @!p0 $0xF  }
0x4d: {  	_ =	swait.ge @!p0 [sflag:s0], $0x1400  }
0x4e: {  	s2 =	simm.s32 @!p0 $0x7A00;
	[sflag:s0] =	ssyncset.done @!p0 $0x0  }
0x4f: {  	s9 =	simm.s32 @!p0 $0x7B00;
	[sflag:s0] =	ssyncadd.s32 @!p0 $0xFFFFEC00;
	s0 =	simm.s32 @!p0 $0x28  }
0x50: {  	[tilespmem:s9], [sflag:$0xD] =	stream.indirect.gather @!p0 [hbm4b:s1+s0], $0x80, s2, s0, $0xb8;
	[tilespmem:$0xF400] =	vst v63  }
0x51: {  	s2 =	simm.s32 @!p0 $0x7A80;
	s9 =	simm.s32 @!p0 $0x8F00  }
0x52: {  	[tilespmem:s9], [sflag:$0xE] =	stream.indirect.gather @!p0 [hbm4b:s3+s0], $0x80, s2, s0, $0xb8;
	[tilespmem:$0xF400] =	vst v63  }
0x53: {  	s0 =	simm.s32 @!p0 $0x10  }
0x54: {  	_ =	swait.ge @!p0 [sflag:s0], $0x28  }
0x55: {  	[sflag:s0] =	ssyncset.done @!p0 $0x0  }
0x56: {  	[sflag:s0] =	ssyncadd.s32 @!p0 $0xFFFFFFD8;
	s0 =	simm.s32 @!p0 $0x11  }
0x57: {  	_ =	swait.ge @!p0 [sflag:s0], $0x28  }
0x58: {  	[sflag:s0] =	ssyncset.done @!p0 $0x0  }
0x59: {  	[sflag:s0] =	ssyncadd.s32 @!p0 $0xFFFFFFD8;
	s0 =	simm.s32 @!p0 $0x14  }
0x5a: {  	_ =	swait.ge @!p0 [sflag:s0], $0x1400  }
0x5b: {  	[sflag:s0] =	ssyncset.done @!p0 $0x0  }
0x5c: {  	s2 =	simm.s32 $0xB700;
	s9 =	simm.s32 $0xB800;
	[sflag:s0] =	ssyncadd.s32 @!p0 $0xFFFFEC00  }
0x5d: {  	[tilespmem:s9], [sflag:$0x12] =	stream.indirect.gather [hbm4b:s1+s13], $0x80, s2, s13, $0xb8;
	[tilespmem:$0xF400] =	vst v63  }
0x5e: {  	s15 =	simm.s32 $0xB780;
	s23 =	simm.s32 $0xCC00  }
0x5f: {  	[tilespmem:s23], [sflag:$0x13] =	stream.indirect.gather [hbm4b:s3+s13], $0x80, s15, s13, $0xb8;
	[tilespmem:$0xF400] =	vst v63  }
0x60: {  	_ =	swait.ge [sflag:s22], $0x1400  }
0x61: {  	[sflag:s22] =	ssyncset.done $0x0  }
0x62: {  	[sflag:s22] =	ssyncadd.s32 $0xFFFFEC00  }
0x63: {  	_ =	swait.ge [sflag:s30], $0x1400  }
0x64: {  	[sflag:s30] =	ssyncset.done $0x0  }
0x65: {  	s9 =	simm.s32 $0x0;
	[sflag:s30] =	ssyncadd.s32 $0xFFFFEC00  }
0x66: {  	v0 =	vld [tilespmem:s9+$0x130]  }
0x67: {  	v1 =	vld [tilespmem:s9+$0x1530]  }
0x68: {  	v2 =	vld [tilespmem:s9+$0x170]  }
0x69: {  	v3 =	vld [tilespmem:s9+$0x1570]  }
0x6a: {  	v4 =	vld [tilespmem:s9+$0x100]  }
0x6b: {  	v5 =	vld [tilespmem:s9+$0x1500]  }
0x6c: {  	v6 =	vld [tilespmem:s9+$0x140]  }
0x6d: {  	v7 =	vld [tilespmem:s9+$0x1540]  }
0x6e: {  	v8 =	vld [tilespmem:s9+$0x110];
	v0 =	vadd.f32 v1, v0;
	v1 =	vadd.f32 v3, v2  }
0x6f: {  	v9 =	vld [tilespmem:s9+$0x150]  }
0x70: {  	v3 =	vld [tilespmem:s9+$0x1510];
	v0 =	vadd.s32 $0x8000, v0;
	v1 =	vadd.s32 $0x8000, v1  }
0x71: {  	v10 =	vld [tilespmem:s9+$0x1550];
	v0 =	vshrl.u32 v0, $0x10;
	v1 =	vand.u32 $0xFFFF0000, v1  }
0x72: {  	v11 =	vld [tilespmem:s9+$0x120];
	v0 =	vor.u32 v0, v1;
	v1 =	vadd.f32 v5, v4;
	v4 =	vadd.f32 v7, v6  }
0x73: {  	v12 =	vld [tilespmem:s9+$0x1520]  }
0x74: {  	v2 =	vld [tilespmem:s9+$0x160];
	[tilespmem:s9+$0x2930] =	vst v0;
	v0 =	vadd.s32 $0x8000, v1;
	v1 =	vadd.s32 $0x8000, v4  }
0x75: {  	s0 =	simm.s32 $0x80;
	v3 =	vadd.f32 v3, v8;
	v4 =	vld [tilespmem:s9+$0x1560];
	v5 =	vshrl.u32 v0, $0x10;
	v1 =	vand.u32 $0xFFFF0000, v1  }
0x76: {  	v6 =	vadd.f32 v10, v9;
	v0 =	vld [tilespmem:s0+$0x130];
	v5 =	vor.u32 v5, v1  }
0x77: {  	v3 =	vadd.s32 $0x8000, v3;
	v1 =	vld [tilespmem:s0+$0x1530];
	[tilespmem:s9+$0x2900] =	vst v5  }
0x78: {  	s2 =	simm.s32 $0x400;
	s15 =	sadd.s32 $0x1, s16;
	v7 =	vadd.s32 $0x8000, v6;
	v6 =	vadd.f32 v12, v11;
	v5 =	vshrl.u32 v3, $0x10;
	v3 =	vld [tilespmem:s0+$0x170]  }
.LBB2_3:
0x79: {  	p0 =	sne.s32 s2, $0x4E00;
	v8 =	vld [tilespmem:s0+$0x1570];
	v7 =	vand.u32 $0xFFFF0000, v7  }
0x7a: {  	v9 =	vld [tilespmem:s0+$0x100];
	v5 =	vor.u32 v5, v7;
	v2 =	vadd.f32 v4, v2;
	v4 =	vadd.s32 $0x8000, v6  }
0x7b: {  	v6 =	vld [tilespmem:s0+$0x1500];
	[tilespmem:s9+$0x2910] =	vst v5;
	v4 =	vshrl.u32 v4, $0x10  }
0x7c: {  	v5 =	vld [tilespmem:s0+$0x140];
	v2 =	vadd.s32 $0x8000, v2  }
0x7d: {  	v7 =	vld [tilespmem:s0+$0x1540];
	v2 =	vand.u32 $0xFFFF0000, v2  }
0x7e: {  	v0 =	vadd.f32 v1, v0;
	v10 =	vld [tilespmem:s0+$0x110];
	v1 =	vadd.f32 v8, v3;
	v2 =	vor.u32 v4, v2  }
0x7f: {  	v3 =	vld [tilespmem:s0+$0x1510];
	[tilespmem:s9+$0x2920] =	vst v2;
	s9 =	smov.u32 s0  }
0x80: {  	v0 =	vadd.s32 $0x8000, v0;
	v2 =	vadd.f32 v6, v9;
	v6 =	vld [tilespmem:s9+$0x150];
	v1 =	vadd.s32 $0x8000, v1  }
0x81: {  	v0 =	vshrl.u32 v0, $0x10;
	v8 =	vld [tilespmem:s9+$0x1550];
	v1 =	vand.u32 $0xFFFF0000, v1  }
0x82: {  	v4 =	vadd.f32 v7, v5;
	v2 =	vadd.s32 $0x8000, v2;
	v9 =	vld [tilespmem:s9+$0x120];
	v0 =	vor.u32 v0, v1  }
0x83: {  	v1 =	vshrl.u32 v2, $0x10;
	v11 =	vld [tilespmem:s9+$0x1520];
	[tilespmem:s9+$0x2930] =	vst v0  }
.Ltmp0:
0x84: {  	v0 =	vadd.s32 $0x8000, v4;
	v3 =	vadd.f32 v3, v10;
	v2 =	vld [tilespmem:s9+$0x160];
	(pc) =	sbr.rel @p0 .LBB2_3-.Ltmp0, $4  }
0x85: {  	s0 =	sshra.s32 s2, $0x2;
	v5 =	vand.u32 $0xFFFF0000, v0;
	v4 =	vld [tilespmem:s9+$0x1560]  }
0x86: {  	v0 =	vld [tilespmem:s0+$0x130];
	v5 =	vor.u32 v1, v5;
	v6 =	vadd.f32 v8, v6;
	v3 =	vadd.s32 $0x8000, v3  }
0x87: {  	v1 =	vld [tilespmem:s0+$0x1530];
	[tilespmem:s9+$0x2900] =	vst v5;
	v5 =	vshrl.u32 v3, $0x10  }
0x88: {  	s2 =	sadd.s32 $0x200, s2;
	v3 =	vld [tilespmem:s0+$0x170];
	v7 =	vadd.s32 $0x8000, v6;
	v6 =	vadd.f32 v11, v9  }
0x89: {  	v8 =	vld [tilespmem:s0+$0x1570];
	v7 =	vand.u32 $0xFFFF0000, v7  }
0x8a: {  	v9 =	vld [tilespmem:s0+$0x100];
	v5 =	vor.u32 v5, v7;
	v2 =	vadd.f32 v4, v2  }
0x8b: {  	v7 =	vld [tilespmem:s0+$0x1500];
	[tilespmem:s9+$0x2910] =	vst v5  }
0x8c: {  	v5 =	vadd.s32 $0x8000, v6;
	v4 =	vld [tilespmem:s0+$0x140];
	v2 =	vadd.s32 $0x8000, v2  }
0x8d: {  	v6 =	vld [tilespmem:s0+$0x1540];
	v5 =	vshrl.u32 v5, $0x10;
	v2 =	vand.u32 $0xFFFF0000, v2  }
0x8e: {  	v10 =	vld [tilespmem:s0+$0x110];
	v2 =	vor.u32 v5, v2  }
0x8f: {  	v5 =	vld [tilespmem:s0+$0x1510];
	[tilespmem:s9+$0x2920] =	vst v2  }
0x90: {  	v0 =	vadd.f32 v1, v0;
	v1 =	vadd.f32 v8, v3;
	v2 =	vld [tilespmem:s0+$0x150]  }
0x91: {  	v3 =	vld [tilespmem:s0+$0x1550]  }
0x92: {  	v0 =	vadd.s32 $0x8000, v0;
	v1 =	vadd.s32 $0x8000, v1;
	v8 =	vld [tilespmem:s0+$0x120]  }
0x93: {  	v0 =	vshrl.u32 v0, $0x10;
	v11 =	vld [tilespmem:s0+$0x1560];
	v1 =	vand.u32 $0xFFFF0000, v1  }
0x94: {  	v0 =	vor.u32 v0, v1;
	v1 =	vld [tilespmem:s0+$0x1520]  }
0x95: {  	[tilespmem:s0+$0x2930] =	vst v0;
	v0 =	vld [tilespmem:s0+$0x160]  }
0x96: {  	v7 =	vadd.f32 v7, v9;
	v4 =	vadd.f32 v6, v4;
	_ =	sdelay $0x1  }
0x97: {  	v6 =	vadd.s32 $0x8000, v7;
	v4 =	vadd.s32 $0x8000, v4;
	v5 =	vadd.f32 v5, v10  }
0x98: {  	v6 =	vshrl.u32 v6, $0x10;
	v4 =	vand.u32 $0xFFFF0000, v4;
	v2 =	vadd.f32 v3, v2  }
0x99: {  	v3 =	vadd.s32 $0x8000, v5;
	v1 =	vadd.f32 v1, v8;
	v0 =	vadd.f32 v11, v0  }
0x9a: {  	s9 =	smul.u32 $0xA0, s16;
	v4 =	vor.u32 v6, v4;
	v3 =	vshrl.u32 v3, $0x10;
	v2 =	vadd.s32 $0x8000, v2  }
0x9b: {  	v2 =	vand.u32 $0xFFFF0000, v2;
	v1 =	vadd.s32 $0x8000, v1;
	v0 =	vadd.s32 $0x8000, v0  }
0x9c: {  	s2 =	sadd.s32 s5, s9;
	[tilespmem:s0+$0x2900] =	vst v4;
	v2 =	vor.u32 v3, v2;
	v1 =	vshrl.u32 v1, $0x10;
	v0 =	vand.u32 $0xFFFF0000, v0  }
0x9d: {  	s2 =	sshll.u32 s2, $0x4;
	[tilespmem:s0+$0x2910] =	vst v2;
	v0 =	vor.u32 v1, v0  }
0x9e: {  	s23 =	simm.s32 $0x2900;
	[tilespmem:s0+$0x2920] =	vst v0;
	s0 =	sadd.s32 s8, s2;
	s2 =	simm.s32 $0x0  }
0x9f: {  	[hbm4b:s0+s2] =	stream.linear.scatter [tilespmem:s23], [sflag:$0x5], $0x1400, $0x38;
	[tilespmem:$0xF400] =	vst v63  }
0xa0: {  	_ =	swait.ge [sflag:s24], $0x1400  }
0xa1: {  	[sflag:s24] =	ssyncset.done $0x0  }
0xa2: {  	[sflag:s24] =	ssyncadd.s32 $0xFFFFEC00  }
0xa3: {  	_ =	swait.ge [sflag:s25], $0x1400  }
0xa4: {  	[sflag:s25] =	ssyncset.done $0x0  }
0xa5: {  	s0 =	simm.s32 $0x0;
	[sflag:s25] =	ssyncadd.s32 $0xFFFFEC00  }
0xa6: {  	v0 =	vld [tilespmem:s0+$0x3E30]  }
0xa7: {  	v1 =	vld [tilespmem:s0+$0x5230]  }
0xa8: {  	v2 =	vld [tilespmem:s0+$0x3E70]  }
0xa9: {  	v3 =	vld [tilespmem:s0+$0x5270]  }
0xaa: {  	v4 =	vld [tilespmem:s0+$0x3E00]  }
0xab: {  	v5 =	vld [tilespmem:s0+$0x5200]  }
0xac: {  	v6 =	vld [tilespmem:s0+$0x3E40]  }
0xad: {  	v7 =	vld [tilespmem:s0+$0x5240]  }
0xae: {  	v8 =	vld [tilespmem:s0+$0x3E10];
	v0 =	vadd.f32 v1, v0;
	v1 =	vadd.f32 v3, v2  }
0xaf: {  	v61 =	vld [tilespmem:s0+$0x3E50]  }
0xb0: {  	v3 =	vld [tilespmem:s0+$0x5210];
	v0 =	vadd.s32 $0x8000, v0;
	v1 =	vadd.s32 $0x8000, v1  }
0xb1: {  	v62 =	vld [tilespmem:s0+$0x5250];
	v0 =	vshrl.u32 v0, $0x10;
	v1 =	vand.u32 $0xFFFF0000, v1  }
0xb2: {  	v63 =	vld [tilespmem:s0+$0x3E20];
	v0 =	vor.u32 v0, v1;
	v1 =	vadd.f32 v5, v4;
	v4 =	vadd.f32 v7, v6  }
0xb3: {  	v12 =	vld [tilespmem:s0+$0x5220]  }
0xb4: {  	v2 =	vld [tilespmem:s0+$0x3E60];
	[tilespmem:s0+$0x6630] =	vst v0;
	v0 =	vadd.s32 $0x8000, v1;
	v1 =	vadd.s32 $0x8000, v4  }
0xb5: {  	s2 =	simm.s32 $0x80;
	v3 =	vadd.f32 v3, v8;
	v4 =	vld [tilespmem:s0+$0x5260];
	v5 =	vshrl.u32 v0, $0x10;
	v1 =	vand.u32 $0xFFFF0000, v1  }
0xb6: {  	v6 =	vadd.f32 v62, v61;
	v0 =	vld [tilespmem:s2+$0x3E30];
	v5 =	vor.u32 v5, v1  }
0xb7: {  	v3 =	vadd.s32 $0x8000, v3;
	v1 =	vld [tilespmem:s2+$0x5230];
	[tilespmem:s0+$0x6600] =	vst v5  }
0xb8: {  	s23 =	simm.s32 $0x400;
	v7 =	vadd.s32 $0x8000, v6;
	v6 =	vadd.f32 v12, v63;
	v5 =	vshrl.u32 v3, $0x10;
	v3 =	vld [tilespmem:s2+$0x3E70]  }
.LBB2_5:
0xb9: {  	p0 =	sne.s32 s23, $0x4E00;
	v8 =	vld [tilespmem:s2+$0x5270];
	v7 =	vand.u32 $0xFFFF0000, v7  }
0xba: {  	v9 =	vld [tilespmem:s2+$0x3E00];
	v5 =	vor.u32 v5, v7;
	v2 =	vadd.f32 v4, v2;
	v4 =	vadd.s32 $0x8000, v6  }
0xbb: {  	v6 =	vld [tilespmem:s2+$0x5200];
	[tilespmem:s0+$0x6610] =	vst v5;
	v4 =	vshrl.u32 v4, $0x10  }
0xbc: {  	v5 =	vld [tilespmem:s2+$0x3E40];
	v2 =	vadd.s32 $0x8000, v2  }
0xbd: {  	v7 =	vld [tilespmem:s2+$0x5240];
	v2 =	vand.u32 $0xFFFF0000, v2  }
0xbe: {  	v0 =	vadd.f32 v1, v0;
	v10 =	vld [tilespmem:s2+$0x3E10];
	v1 =	vadd.f32 v8, v3;
	v2 =	vor.u32 v4, v2  }
0xbf: {  	v3 =	vld [tilespmem:s2+$0x5210];
	[tilespmem:s0+$0x6620] =	vst v2;
	s0 =	smov.u32 s2  }
0xc0: {  	v0 =	vadd.s32 $0x8000, v0;
	v2 =	vadd.f32 v6, v9;
	v6 =	vld [tilespmem:s0+$0x3E50];
	v1 =	vadd.s32 $0x8000, v1  }
0xc1: {  	v0 =	vshrl.u32 v0, $0x10;
	v8 =	vld [tilespmem:s0+$0x5250];
	v1 =	vand.u32 $0xFFFF0000, v1  }
0xc2: {  	v4 =	vadd.f32 v7, v5;
	v2 =	vadd.s32 $0x8000, v2;
	v9 =	vld [tilespmem:s0+$0x3E20];
	v0 =	vor.u32 v0, v1  }
0xc3: {  	v1 =	vshrl.u32 v2, $0x10;
	v11 =	vld [tilespmem:s0+$0x5220];
	[tilespmem:s0+$0x6630] =	vst v0  }
.Ltmp1:
0xc4: {  	v0 =	vadd.s32 $0x8000, v4;
	v3 =	vadd.f32 v3, v10;
	v2 =	vld [tilespmem:s0+$0x3E60];
	(pc) =	sbr.rel @p0 .LBB2_5-.Ltmp1, $4  }
0xc5: {  	s2 =	sshra.s32 s23, $0x2;
	v5 =	vand.u32 $0xFFFF0000, v0;
	v4 =	vld [tilespmem:s0+$0x5260]  }
0xc6: {  	v0 =	vld [tilespmem:s2+$0x3E30];
	v5 =	vor.u32 v1, v5;
	v6 =	vadd.f32 v8, v6;
	v3 =	vadd.s32 $0x8000, v3  }
0xc7: {  	v1 =	vld [tilespmem:s2+$0x5230];
	[tilespmem:s0+$0x6600] =	vst v5;
	v5 =	vshrl.u32 v3, $0x10  }
0xc8: {  	s23 =	sadd.s32 $0x200, s23;
	v3 =	vld [tilespmem:s2+$0x3E70];
	v7 =	vadd.s32 $0x8000, v6;
	v6 =	vadd.f32 v11, v9  }
0xc9: {  	v8 =	vld [tilespmem:s2+$0x5270];
	v7 =	vand.u32 $0xFFFF0000, v7  }
0xca: {  	v9 =	vld [tilespmem:s2+$0x3E00];
	v5 =	vor.u32 v5, v7;
	v2 =	vadd.f32 v4, v2  }
0xcb: {  	v7 =	vld [tilespmem:s2+$0x5200];
	[tilespmem:s0+$0x6610] =	vst v5  }
0xcc: {  	v5 =	vadd.s32 $0x8000, v6;
	v4 =	vld [tilespmem:s2+$0x3E40];
	v2 =	vadd.s32 $0x8000, v2  }
0xcd: {  	v6 =	vld [tilespmem:s2+$0x5240];
	v5 =	vshrl.u32 v5, $0x10;
	v2 =	vand.u32 $0xFFFF0000, v2  }
0xce: {  	v10 =	vld [tilespmem:s2+$0x3E10];
	v2 =	vor.u32 v5, v2  }
0xcf: {  	v5 =	vld [tilespmem:s2+$0x5210];
	[tilespmem:s0+$0x6620] =	vst v2  }
0xd0: {  	v0 =	vadd.f32 v1, v0;
	v1 =	vadd.f32 v8, v3;
	v2 =	vld [tilespmem:s2+$0x3E50]  }
0xd1: {  	v3 =	vld [tilespmem:s2+$0x5250]  }
0xd2: {  	v0 =	vadd.s32 $0x8000, v0;
	v1 =	vadd.s32 $0x8000, v1;
	v8 =	vld [tilespmem:s2+$0x3E20]  }
0xd3: {  	v0 =	vshrl.u32 v0, $0x10;
	v11 =	vld [tilespmem:s2+$0x5260];
	v1 =	vand.u32 $0xFFFF0000, v1  }
0xd4: {  	v0 =	vor.u32 v0, v1;
	v1 =	vld [tilespmem:s2+$0x5220]  }
0xd5: {  	[tilespmem:s2+$0x6630] =	vst v0;
	v0 =	vld [tilespmem:s2+$0x3E60]  }
0xd6: {  	v7 =	vadd.f32 v7, v9;
	v4 =	vadd.f32 v6, v4;
	_ =	sdelay $0x1  }
0xd7: {  	v6 =	vadd.s32 $0x8000, v7;
	v4 =	vadd.s32 $0x8000, v4;
	v5 =	vadd.f32 v5, v10  }
0xd8: {  	v6 =	vshrl.u32 v6, $0x10;
	v4 =	vand.u32 $0xFFFF0000, v4;
	v2 =	vadd.f32 v3, v2  }
0xd9: {  	v3 =	vadd.s32 $0x8000, v5;
	v1 =	vadd.f32 v1, v8;
	v0 =	vadd.f32 v11, v0  }
0xda: {  	v4 =	vor.u32 v6, v4;
	v3 =	vshrl.u32 v3, $0x10;
	v2 =	vadd.s32 $0x8000, v2  }
0xdb: {  	v2 =	vand.u32 $0xFFFF0000, v2;
	v1 =	vadd.s32 $0x8000, v1;
	v0 =	vadd.s32 $0x8000, v0  }
0xdc: {  	s23 =	sadd.s32 s9, s10;
	[tilespmem:s2+$0x6600] =	vst v4;
	v2 =	vor.u32 v3, v2;
	v1 =	vshrl.u32 v1, $0x10;
	v0 =	vand.u32 $0xFFFF0000, v0  }
0xdd: {  	s0 =	sshll.u32 s23, $0x4;
	[tilespmem:s2+$0x6610] =	vst v2;
	v0 =	vor.u32 v1, v0  }
0xde: {  	p0 =	seq.s32 s16, $0x1E;
	s23 =	simm.s32 $0x6600;
	s0 =	sadd.s32 s8, s0;
	[tilespmem:s2+$0x6620] =	vst v0  }
0xdf: {  	[hbm4b:s0+s4] =	stream.linear.scatter [tilespmem:s23], [sflag:$0xA], $0x1400, $0x38;
	[tilespmem:$0xF400] =	vst v63  }
0xe0: {  	s0 =	sadd.s32 @!p0 s9, s20  }
0xe1: {  	s0 =	sshrl.u32 @!p0 s0, $0x3  }
0xe2: {  	s16 =	simm.s32 @!p0 $0x0;
	s2 =	sadd.s32 @!p0 s6, s0  }
0xe3: {  	[tilespmem:s16], [sflag:$0x1] =	stream.linear.gather @!p0 [hbm4b:s2+s16], $0x28, $0x38;
	[tilespmem:$0xF400] =	vst v63  }
0xe4: {  	s0 =	sadd.s32 @!p0 s7, s0;
	s2 =	simm.s32 @!p0 $0x80  }
0xe5: {  	[tilespmem:s2], [sflag:$0x2] =	stream.linear.gather @!p0 [hbm4b:s0+s16], $0x28, $0x38;
	[tilespmem:$0xF400] =	vst v63  }
0xe6: {  	s0 =	sadd.s32 @!p0 s9, s21  }
0xe7: {  	s0 =	sshrl.u32 @!p0 s0, $0x3  }
0xe8: {  	s23 =	simm.s32 @!p0 $0x3D00;
	s2 =	sadd.s32 @!p0 s6, s0  }
0xe9: {  	[tilespmem:s23], [sflag:$0x6] =	stream.linear.gather @!p0 [hbm4b:s2+s16], $0x28, $0x38;
	[tilespmem:$0xF400] =	vst v63  }
0xea: {  	s0 =	sadd.s32 @!p0 s7, s0;
	s2 =	simm.s32 @!p0 $0x3D80  }
0xeb: {  	[tilespmem:s2], [sflag:$0x7] =	stream.linear.gather @!p0 [hbm4b:s0+s16], $0x28, $0x38;
	[tilespmem:$0xF400] =	vst v63  }
0xec: {  	_ =	swait.ge [sflag:s31], $0x1400  }
0xed: {  	[sflag:s31] =	ssyncset.done $0x0  }
0xee: {  	[sflag:s31] =	ssyncadd.s32 $0xFFFFEC00  }
0xef: {  	_ =	swait.ge [sflag:s29], $0x1400  }
0xf0: {  	[sflag:s29] =	ssyncset.done $0x0  }
0xf1: {  	s0 =	simm.s32 $0x0;
	[sflag:s29] =	ssyncadd.s32 $0xFFFFEC00  }
0xf2: {  	v0 =	vld [tilespmem:s0+$0x7B30]  }
0xf3: {  	v1 =	vld [tilespmem:s0+$0x8F30]  }
0xf4: {  	v2 =	vld [tilespmem:s0+$0x7B70]  }
0xf5: {  	v3 =	vld [tilespmem:s0+$0x8F70]  }
0xf6: {  	v4 =	vld [tilespmem:s0+$0x7B00]  }
0xf7: {  	v5 =	vld [tilespmem:s0+$0x8F00]  }
0xf8: {  	v6 =	vld [tilespmem:s0+$0x7B40]  }
0xf9: {  	v7 =	vld [tilespmem:s0+$0x8F40]  }
0xfa: {  	v8 =	vld [tilespmem:s0+$0x7B10];
	v0 =	vadd.f32 v1, v0;
	v1 =	vadd.f32 v3, v2  }
0xfb: {  	v61 =	vld [tilespmem:s0+$0x7B50]  }
0xfc: {  	v3 =	vld [tilespmem:s0+$0x8F10];
	v0 =	vadd.s32 $0x8000, v0;
	v1 =	vadd.s32 $0x8000, v1  }
0xfd: {  	v62 =	vld [tilespmem:s0+$0x8F50];
	v0 =	vshrl.u32 v0, $0x10;
	v1 =	vand.u32 $0xFFFF0000, v1  }
0xfe: {  	v63 =	vld [tilespmem:s0+$0x7B20];
	v0 =	vor.u32 v0, v1;
	v1 =	vadd.f32 v5, v4;
	v4 =	vadd.f32 v7, v6  }
0xff: {  	v12 =	vld [tilespmem:s0+$0x8F20]  }
0x100: {  	v2 =	vld [tilespmem:s0+$0x7B60];
	[tilespmem:s0+$0xA330] =	vst v0;
	v0 =	vadd.s32 $0x8000, v1;
	v1 =	vadd.s32 $0x8000, v4  }
0x101: {  	s2 =	simm.s32 $0x80;
	v3 =	vadd.f32 v3, v8;
	v4 =	vld [tilespmem:s0+$0x8F60];
	v5 =	vshrl.u32 v0, $0x10;
	v1 =	vand.u32 $0xFFFF0000, v1  }
0x102: {  	v6 =	vadd.f32 v62, v61;
	v0 =	vld [tilespmem:s2+$0x7B30];
	v5 =	vor.u32 v5, v1  }
0x103: {  	v3 =	vadd.s32 $0x8000, v3;
	v1 =	vld [tilespmem:s2+$0x8F30];
	[tilespmem:s0+$0xA300] =	vst v5  }
0x104: {  	s16 =	simm.s32 $0x400;
	v7 =	vadd.s32 $0x8000, v6;
	v6 =	vadd.f32 v12, v63;
	v5 =	vshrl.u32 v3, $0x10;
	v3 =	vld [tilespmem:s2+$0x7B70]  }
.LBB2_7:
0x105: {  	p1 =	sne.s32 s16, $0x4E00;
	v8 =	vld [tilespmem:s2+$0x8F70];
	v7 =	vand.u32 $0xFFFF0000, v7  }
0x106: {  	v9 =	vld [tilespmem:s2+$0x7B00];
	v5 =	vor.u32 v5, v7;
	v2 =	vadd.f32 v4, v2;
	v4 =	vadd.s32 $0x8000, v6  }
0x107: {  	v6 =	vld [tilespmem:s2+$0x8F00];
	[tilespmem:s0+$0xA310] =	vst v5;
	v4 =	vshrl.u32 v4, $0x10  }
0x108: {  	v5 =	vld [tilespmem:s2+$0x7B40];
	v2 =	vadd.s32 $0x8000, v2  }
0x109: {  	v7 =	vld [tilespmem:s2+$0x8F40];
	v2 =	vand.u32 $0xFFFF0000, v2  }
0x10a: {  	v0 =	vadd.f32 v1, v0;
	v10 =	vld [tilespmem:s2+$0x7B10];
	v1 =	vadd.f32 v8, v3;
	v2 =	vor.u32 v4, v2  }
0x10b: {  	v3 =	vld [tilespmem:s2+$0x8F10];
	[tilespmem:s0+$0xA320] =	vst v2;
	s0 =	smov.u32 s2  }
0x10c: {  	v0 =	vadd.s32 $0x8000, v0;
	v2 =	vadd.f32 v6, v9;
	v6 =	vld [tilespmem:s0+$0x7B50];
	v1 =	vadd.s32 $0x8000, v1  }
0x10d: {  	v0 =	vshrl.u32 v0, $0x10;
	v8 =	vld [tilespmem:s0+$0x8F50];
	v1 =	vand.u32 $0xFFFF0000, v1  }
0x10e: {  	v4 =	vadd.f32 v7, v5;
	v2 =	vadd.s32 $0x8000, v2;
	v9 =	vld [tilespmem:s0+$0x7B20];
	v0 =	vor.u32 v0, v1  }
0x10f: {  	v1 =	vshrl.u32 v2, $0x10;
	v11 =	vld [tilespmem:s0+$0x8F20];
	[tilespmem:s0+$0xA330] =	vst v0  }
.Ltmp2:
0x110: {  	v0 =	vadd.s32 $0x8000, v4;
	v3 =	vadd.f32 v3, v10;
	v2 =	vld [tilespmem:s0+$0x7B60];
	(pc) =	sbr.rel @p1 .LBB2_7-.Ltmp2, $4  }
0x111: {  	s2 =	sshra.s32 s16, $0x2;
	v5 =	vand.u32 $0xFFFF0000, v0;
	v4 =	vld [tilespmem:s0+$0x8F60]  }
0x112: {  	v0 =	vld [tilespmem:s2+$0x7B30];
	v5 =	vor.u32 v1, v5;
	v6 =	vadd.f32 v8, v6;
	v3 =	vadd.s32 $0x8000, v3  }
0x113: {  	v1 =	vld [tilespmem:s2+$0x8F30];
	[tilespmem:s0+$0xA300] =	vst v5;
	v5 =	vshrl.u32 v3, $0x10  }
0x114: {  	s16 =	sadd.s32 $0x200, s16;
	v3 =	vld [tilespmem:s2+$0x7B70];
	v7 =	vadd.s32 $0x8000, v6;
	v6 =	vadd.f32 v11, v9  }
0x115: {  	v8 =	vld [tilespmem:s2+$0x8F70];
	v7 =	vand.u32 $0xFFFF0000, v7  }
0x116: {  	v9 =	vld [tilespmem:s2+$0x7B00];
	v5 =	vor.u32 v5, v7;
	v2 =	vadd.f32 v4, v2  }
0x117: {  	v7 =	vld [tilespmem:s2+$0x8F00];
	[tilespmem:s0+$0xA310] =	vst v5  }
0x118: {  	v5 =	vadd.s32 $0x8000, v6;
	v4 =	vld [tilespmem:s2+$0x7B40];
	v2 =	vadd.s32 $0x8000, v2  }
0x119: {  	v6 =	vld [tilespmem:s2+$0x8F40];
	v5 =	vshrl.u32 v5, $0x10;
	v2 =	vand.u32 $0xFFFF0000, v2  }
0x11a: {  	v10 =	vld [tilespmem:s2+$0x7B10];
	v2 =	vor.u32 v5, v2  }
0x11b: {  	v5 =	vld [tilespmem:s2+$0x8F10];
	[tilespmem:s0+$0xA320] =	vst v2  }
0x11c: {  	v0 =	vadd.f32 v1, v0;
	v1 =	vadd.f32 v8, v3;
	v2 =	vld [tilespmem:s2+$0x7B50]  }
0x11d: {  	v3 =	vld [tilespmem:s2+$0x8F50]  }
0x11e: {  	v0 =	vadd.s32 $0x8000, v0;
	v1 =	vadd.s32 $0x8000, v1;
	v8 =	vld [tilespmem:s2+$0x7B20]  }
0x11f: {  	v0 =	vshrl.u32 v0, $0x10;
	v11 =	vld [tilespmem:s2+$0x8F60];
	v1 =	vand.u32 $0xFFFF0000, v1  }
0x120: {  	v0 =	vor.u32 v0, v1;
	v1 =	vld [tilespmem:s2+$0x8F20]  }
0x121: {  	[tilespmem:s2+$0xA330] =	vst v0;
	v0 =	vld [tilespmem:s2+$0x7B60]  }
0x122: {  	v7 =	vadd.f32 v7, v9;
	v4 =	vadd.f32 v6, v4;
	_ =	sdelay $0x1  }
0x123: {  	v6 =	vadd.s32 $0x8000, v7;
	v4 =	vadd.s32 $0x8000, v4;
	v5 =	vadd.f32 v5, v10  }
0x124: {  	v6 =	vshrl.u32 v6, $0x10;
	v4 =	vand.u32 $0xFFFF0000, v4;
	v2 =	vadd.f32 v3, v2  }
0x125: {  	v3 =	vadd.s32 $0x8000, v5;
	v1 =	vadd.f32 v1, v8;
	v0 =	vadd.f32 v11, v0  }
0x126: {  	v4 =	vor.u32 v6, v4;
	v3 =	vshrl.u32 v3, $0x10;
	v2 =	vadd.s32 $0x8000, v2  }
0x127: {  	v2 =	vand.u32 $0xFFFF0000, v2;
	v1 =	vadd.s32 $0x8000, v1;
	v0 =	vadd.s32 $0x8000, v0  }
0x128: {  	s16 =	sadd.s32 s9, s12;
	[tilespmem:s2+$0xA300] =	vst v4;
	v2 =	vor.u32 v3, v2;
	v1 =	vshrl.u32 v1, $0x10;
	v0 =	vand.u32 $0xFFFF0000, v0  }
0x129: {  	s0 =	sshll.u32 s16, $0x4;
	[tilespmem:s2+$0xA310] =	vst v2;
	v0 =	vor.u32 v1, v0  }
0x12a: {  	s23 =	simm.s32 $0x0;
	s16 =	simm.s32 $0xA300;
	s0 =	sadd.s32 s8, s0;
	[tilespmem:s2+$0xA320] =	vst v0  }
0x12b: {  	[hbm4b:s0+s23] =	stream.linear.scatter [tilespmem:s16], [sflag:$0xF], $0x1400, $0x38;
	[tilespmem:$0xF400] =	vst v63  }
0x12c: {  	_ =	swait.ge [sflag:s11], $0x1400  }
0x12d: {  	[sflag:s11] =	ssyncset.done $0x0  }
0x12e: {  	[sflag:s11] =	ssyncadd.s32 $0xFFFFEC00  }
0x12f: {  	_ =	swait.ge [sflag:s19], $0x1400  }
0x130: {  	[sflag:s19] =	ssyncset.done $0x0  }
0x131: {  	s0 =	simm.s32 $0x0;
	[sflag:s19] =	ssyncadd.s32 $0xFFFFEC00  }
0x132: {  	v0 =	vld [tilespmem:s0+$0xB830]  }
0x133: {  	v1 =	vld [tilespmem:s0+$0xCC30]  }
0x134: {  	v2 =	vld [tilespmem:s0+$0xB870]  }
0x135: {  	v3 =	vld [tilespmem:s0+$0xCC70]  }
0x136: {  	v4 =	vld [tilespmem:s0+$0xB800]  }
0x137: {  	v5 =	vld [tilespmem:s0+$0xCC00]  }
0x138: {  	v6 =	vld [tilespmem:s0+$0xB840]  }
0x139: {  	v7 =	vld [tilespmem:s0+$0xCC40]  }
0x13a: {  	v8 =	vld [tilespmem:s0+$0xB810];
	v0 =	vadd.f32 v1, v0;
	v1 =	vadd.f32 v3, v2  }
0x13b: {  	v61 =	vld [tilespmem:s0+$0xB850]  }
0x13c: {  	v3 =	vld [tilespmem:s0+$0xCC10];
	v0 =	vadd.s32 $0x8000, v0;
	v1 =	vadd.s32 $0x8000, v1  }
0x13d: {  	v62 =	vld [tilespmem:s0+$0xCC50];
	v0 =	vshrl.u32 v0, $0x10;
	v1 =	vand.u32 $0xFFFF0000, v1  }
0x13e: {  	v63 =	vld [tilespmem:s0+$0xB820];
	v0 =	vor.u32 v0, v1;
	v1 =	vadd.f32 v5, v4;
	v4 =	vadd.f32 v7, v6  }
0x13f: {  	v12 =	vld [tilespmem:s0+$0xCC20]  }
0x140: {  	v2 =	vld [tilespmem:s0+$0xB860];
	[tilespmem:s0+$0xE030] =	vst v0;
	v0 =	vadd.s32 $0x8000, v1;
	v1 =	vadd.s32 $0x8000, v4  }
0x141: {  	s2 =	simm.s32 $0x80;
	v3 =	vadd.f32 v3, v8;
	v4 =	vld [tilespmem:s0+$0xCC60];
	v5 =	vshrl.u32 v0, $0x10;
	v1 =	vand.u32 $0xFFFF0000, v1  }
0x142: {  	v6 =	vadd.f32 v62, v61;
	v0 =	vld [tilespmem:s2+$0xB830];
	v5 =	vor.u32 v5, v1  }
0x143: {  	v3 =	vadd.s32 $0x8000, v3;
	v1 =	vld [tilespmem:s2+$0xCC30];
	[tilespmem:s0+$0xE000] =	vst v5  }
0x144: {  	s16 =	simm.s32 $0x400;
	v7 =	vadd.s32 $0x8000, v6;
	v6 =	vadd.f32 v12, v63;
	v5 =	vshrl.u32 v3, $0x10;
	v3 =	vld [tilespmem:s2+$0xB870]  }
.LBB2_9:
0x145: {  	p1 =	sne.s32 s16, $0x4E00;
	v8 =	vld [tilespmem:s2+$0xCC70];
	v7 =	vand.u32 $0xFFFF0000, v7  }
0x146: {  	v9 =	vld [tilespmem:s2+$0xB800];
	v5 =	vor.u32 v5, v7;
	v2 =	vadd.f32 v4, v2;
	v4 =	vadd.s32 $0x8000, v6  }
0x147: {  	v6 =	vld [tilespmem:s2+$0xCC00];
	[tilespmem:s0+$0xE010] =	vst v5;
	v4 =	vshrl.u32 v4, $0x10  }
0x148: {  	v5 =	vld [tilespmem:s2+$0xB840];
	v2 =	vadd.s32 $0x8000, v2  }
0x149: {  	v7 =	vld [tilespmem:s2+$0xCC40];
	v2 =	vand.u32 $0xFFFF0000, v2  }
0x14a: {  	v0 =	vadd.f32 v1, v0;
	v10 =	vld [tilespmem:s2+$0xB810];
	v1 =	vadd.f32 v8, v3;
	v2 =	vor.u32 v4, v2  }
0x14b: {  	v3 =	vld [tilespmem:s2+$0xCC10];
	[tilespmem:s0+$0xE020] =	vst v2;
	s0 =	smov.u32 s2  }
0x14c: {  	v0 =	vadd.s32 $0x8000, v0;
	v2 =	vadd.f32 v6, v9;
	v6 =	vld [tilespmem:s0+$0xB850];
	v1 =	vadd.s32 $0x8000, v1  }
0x14d: {  	v0 =	vshrl.u32 v0, $0x10;
	v8 =	vld [tilespmem:s0+$0xCC50];
	v1 =	vand.u32 $0xFFFF0000, v1  }
0x14e: {  	v4 =	vadd.f32 v7, v5;
	v2 =	vadd.s32 $0x8000, v2;
	v9 =	vld [tilespmem:s0+$0xB820];
	v0 =	vor.u32 v0, v1  }
0x14f: {  	v1 =	vshrl.u32 v2, $0x10;
	v11 =	vld [tilespmem:s0+$0xCC20];
	[tilespmem:s0+$0xE030] =	vst v0  }
.Ltmp3:
0x150: {  	v0 =	vadd.s32 $0x8000, v4;
	v3 =	vadd.f32 v3, v10;
	v2 =	vld [tilespmem:s0+$0xB860];
	(pc) =	sbr.rel @p1 .LBB2_9-.Ltmp3, $4  }
0x151: {  	s2 =	sshra.s32 s16, $0x2;
	v5 =	vand.u32 $0xFFFF0000, v0;
	v4 =	vld [tilespmem:s0+$0xCC60]  }
0x152: {  	v0 =	vld [tilespmem:s2+$0xB830];
	v5 =	vor.u32 v1, v5;
	v6 =	vadd.f32 v8, v6;
	v3 =	vadd.s32 $0x8000, v3  }
0x153: {  	v1 =	vld [tilespmem:s2+$0xCC30];
	[tilespmem:s0+$0xE000] =	vst v5;
	v5 =	vshrl.u32 v3, $0x10  }
0x154: {  	s16 =	sadd.s32 $0x200, s16;
	v3 =	vld [tilespmem:s2+$0xB870];
	v7 =	vadd.s32 $0x8000, v6;
	v6 =	vadd.f32 v11, v9  }
0x155: {  	v8 =	vld [tilespmem:s2+$0xCC70];
	v7 =	vand.u32 $0xFFFF0000, v7  }
0x156: {  	v9 =	vld [tilespmem:s2+$0xB800];
	v5 =	vor.u32 v5, v7;
	v2 =	vadd.f32 v4, v2  }
0x157: {  	v52 =	vld [tilespmem:s2+$0xCC00];
	[tilespmem:s0+$0xE010] =	vst v5  }
0x158: {  	v54 =	vadd.s32 $0x8000, v6;
	v53 =	vld [tilespmem:s2+$0xB840];
	v2 =	vadd.s32 $0x8000, v2  }
0x159: {  	v5 =	vshrl.u32 v54, $0x10;
	v55 =	vld [tilespmem:s2+$0xCC40];
	v2 =	vand.u32 $0xFFFF0000, v2  }
0x15a: {  	v10 =	vld [tilespmem:s2+$0xB810];
	v2 =	vor.u32 v5, v2  }
0x15b: {  	v56 =	vld [tilespmem:s2+$0xCC10];
	[tilespmem:s0+$0xE020] =	vst v2  }
0x15c: {  	v2 =	vld [tilespmem:s2+$0xB850]  }
0x15d: {  	v58 =	vld [tilespmem:s2+$0xCC50]  }
0x15e: {  	v59 =	vld [tilespmem:s2+$0xB820]  }
0x15f: {  	v0 =	vadd.f32 v1, v0;
	v60 =	vld [tilespmem:s2+$0xCC20]  }
0x160: {  	v57 =	vadd.f32 v8, v3;
	v7 =	vadd.f32 v52, v9;
	v61 =	vld [tilespmem:s2+$0xB860]  }
0x161: {  	v0 =	vadd.s32 $0x8000, v0;
	v11 =	vld [tilespmem:s2+$0xCC60]  }
0x162: {  	v0 =	vshrl.u32 v0, $0x10;
	v1 =	vadd.s32 $0x8000, v57;
	v62 =	vadd.s32 $0x8000, v7  }
0x163: {  	v1 =	vand.u32 $0xFFFF0000, v1;
	v4 =	vadd.f32 v55, v53;
	v5 =	vadd.f32 v56, v10  }
0x164: {  	v6 =	vshrl.u32 v62, $0x10;
	v0 =	vor.u32 v0, v1  }
0x165: {  	v4 =	vadd.s32 $0x8000, v4;
	v63 =	vadd.s32 $0x8000, v5;
	v2 =	vadd.f32 v58, v2  }
0x166: {  	[tilespmem:s2+$0xE030] =	vst v0;
	v4 =	vand.u32 $0xFFFF0000, v4;
	v1 =	vadd.f32 v60, v59;
	v0 =	vadd.f32 v11, v61  }
0x167: {  	v3 =	vshrl.u32 v63, $0x10;
	v4 =	vor.u32 v6, v4;
	v2 =	vadd.s32 $0x8000, v2  }
0x168: {  	v1 =	vadd.s32 $0x8000, v1;
	v0 =	vadd.s32 $0x8000, v0;
	v2 =	vand.u32 $0xFFFF0000, v2  }
0x169: {  	s16 =	sadd.s32 s9, s14;
	[tilespmem:s2+$0xE000] =	vst v4;
	v1 =	vshrl.u32 v1, $0x10;
	v0 =	vand.u32 $0xFFFF0000, v0;
	v2 =	vor.u32 v3, v2  }
0x16a: {  	s0 =	sshll.u32 s16, $0x4;
	v0 =	vor.u32 v1, v0;
	[tilespmem:s2+$0xE010] =	vst v2  }
0x16b: {  	s23 =	simm.s32 $0xE000;
	s0 =	sadd.s32 s8, s0;
	[tilespmem:s2+$0xE020] =	vst v0  }
0x16c: {  	[hbm4b:s0+s4] =	stream.linear.scatter [tilespmem:s23], [sflag:$0x14], $0x1400, $0x38;
	[tilespmem:$0xF400] =	vst v63  }
0x16d: {  	s0 =	simm.s32 @!p0 $0x1  }
0x16e: {  	_ =	swait.ge @!p0 [sflag:s0], $0x28  }
0x16f: {  	[sflag:s0] =	ssyncset.done @!p0 $0x0  }
0x170: {  	[sflag:s0] =	ssyncadd.s32 @!p0 $0xFFFFFFD8;
	s0 =	simm.s32 @!p0 $0x2  }
0x171: {  	_ =	swait.ge @!p0 [sflag:s0], $0x28  }
0x172: {  	[sflag:s0] =	ssyncset.done @!p0 $0x0  }
0x173: {  	[sflag:s0] =	ssyncadd.s32 @!p0 $0xFFFFFFD8;
	s0 =	simm.s32 @!p0 $0x5  }
0x174: {  	_ =	swait.ge @!p0 [sflag:s0], $0x1400  }
0x175: {  	s16 =	simm.s32 @!p0 $0x100;
	[sflag:s0] =	ssyncset.done @!p0 $0x0  }
0x176: {  	s2 =	simm.s32 @!p0 $0x0;
	[sflag:s0] =	ssyncadd.s32 @!p0 $0xFFFFEC00;
	s0 =	simm.s32 @!p0 $0x28  }
0x177: {  	[tilespmem:s16], [sflag:$0x3] =	stream.indirect.gather @!p0 [hbm4b:s1+s0], $0x80, s2, s0, $0xb8;
	[tilespmem:$0xF400] =	vst v63  }
0x178: {  	s23 =	simm.s32 @!p0 $0x1500;
	s16 =	simm.s32 @!p0 $0x80  }
0x179: {  	[tilespmem:s23], [sflag:$0x4] =	stream.indirect.gather @!p0 [hbm4b:s3+s0], $0x80, s16, s0, $0xb8;
	[tilespmem:$0xF400] =	vst v63  }
0x17a: {  	s16 =	simm.s32 @!p0 $0x6  }
0x17b: {  	_ =	swait.ge @!p0 [sflag:s16], $0x28  }
0x17c: {  	[sflag:s16] =	ssyncset.done @!p0 $0x0  }
0x17d: {  	[sflag:s16] =	ssyncadd.s32 @!p0 $0xFFFFFFD8;
	s16 =	simm.s32 @!p0 $0x7  }
0x17e: {  	_ =	swait.ge @!p0 [sflag:s16], $0x28  }
0x17f: {  	[sflag:s16] =	ssyncset.done @!p0 $0x0  }
0x180: {  	[sflag:s16] =	ssyncadd.s32 @!p0 $0xFFFFFFD8;
	s16 =	simm.s32 @!p0 $0xA  }
0x181: {  	_ =	swait.ge @!p0 [sflag:s16], $0x1400  }
0x182: {  	[sflag:s16] =	ssyncset.done @!p0 $0x0  }
0x183: {  	s23 =	simm.s32 @!p0 $0x3E00;
	[sflag:s16] =	ssyncadd.s32 @!p0 $0xFFFFEC00;
	s16 =	simm.s32 @!p0 $0x3D00  }
0x184: {  	[tilespmem:s23], [sflag:$0x8] =	stream.indirect.gather @!p0 [hbm4b:s1+s0], $0x80, s16, s0, $0xb8;
	[tilespmem:$0xF400] =	vst v63  }
0x185: {  	s16 =	simm.s32 @!p0 $0x3D80;
	s23 =	simm.s32 @!p0 $0x5200  }
0x186: {  	[tilespmem:s23], [sflag:$0x9] =	stream.indirect.gather @!p0 [hbm4b:s3+s0], $0x80, s16, s0, $0xb8;
	[tilespmem:$0xF400] =	vst v63  }
0x187: {  	s0 =	sadd.s32 @!p0 s9, s26  }
0x188: {  	s0 =	sshrl.u32 @!p0 s0, $0x3  }
0x189: {  	s23 =	simm.s32 @!p0 $0x7A00;
	s16 =	sadd.s32 @!p0 s6, s0  }
0x18a: {  	[tilespmem:s23], [sflag:$0xB] =	stream.linear.gather @!p0 [hbm4b:s16+s2], $0x28, $0x38;
	[tilespmem:$0xF400] =	vst v63  }
0x18b: {  	s0 =	sadd.s32 @!p0 s7, s0;
	s16 =	simm.s32 @!p0 $0x7A80  }
0x18c: {  	[tilespmem:s16], [sflag:$0xC] =	stream.linear.gather @!p0 [hbm4b:s0+s2], $0x28, $0x38;
	[tilespmem:$0xF400] =	vst v63  }
0x18d: {  	s0 =	sadd.s32 @!p0 s9, s28  }
0x18e: {  	s0 =	sshrl.u32 @!p0 s0, $0x3  }
0x18f: {  	s16 =	simm.s32 @!p0 $0xB700;
	s9 =	sadd.s32 @!p0 s6, s0  }
0x190: {  	[tilespmem:s16], [sflag:$0x10] =	stream.linear.gather @!p0 [hbm4b:s9+s2], $0x28, $0x38;
	[tilespmem:$0xF400] =	vst v63  }
0x191: {  	p1 =	sne.s32 @!p0 s15, $0x1F;
	s0 =	sadd.s32 @!p0 s7, s0;
	s9 =	simm.s32 @!p0 $0xB780  }
0x192: {  	[tilespmem:s9], [sflag:$0x11] =	stream.linear.gather @!p0 [hbm4b:s0+s2], $0x28, $0x38;
	[tilespmem:$0xF400] =	vst v63  }
0x193: {  	p0 =	por p0, !p1  }
.Ltmp4:
0x194: {  	_ = 	snop;
	(pc) =	sbr.rel @!p0 .LBB2_2-.Ltmp4, $2  }
0x195: {  	_ =	sdelay $0x2  }
0x196: {  	s16 =	smov.u32 s15  }
0x197: {  	s0 =	simm.s32 $0x0;
	s2 =	rddreg [dreg:$0xc]  }
0x198: {  	[tilespmem:s0], [sflag:$0x1] =	stream.linear.gather [hbm4b:s2+s0], $0x28, $0x38;
	[tilespmem:$0xF400] =	vst v63  }
0x199: {  	s9 =	rddreg [dreg:$0xd];
	s15 =	simm.s32 $0x80;
	s23 =	simm.s32 $0x1  }
0x19a: {  	[tilespmem:s15], [sflag:$0x2] =	stream.linear.gather [hbm4b:s9+s0], $0x28, $0x38;
	[tilespmem:$0xF400] =	vst v63  }
0x19b: {  	_ =	swait.ge [sflag:s23], $0x28  }
0x19c: {  	[sflag:s23] =	ssyncset.done $0x0  }
0x19d: {  	s16 =	simm.s32 $0x2;
	[sflag:s23] =	ssyncadd.s32 $0xFFFFFFD8  }
0x19e: {  	_ =	swait.ge [sflag:s16], $0x28  }
0x19f: {  	[sflag:s16] =	ssyncset.done $0x0  }
0x1a0: {  	[sflag:s16] =	ssyncadd.s32 $0xFFFFFFD8;
	s16 =	simm.s32 $0x5  }
0x1a1: {  	_ =	swait.ge [sflag:s16], $0x1400  }
0x1a2: {  	[sflag:s16] =	ssyncset.done $0x0  }
0x1a3: {  	s9 =	simm.s32 $0x100;
	[sflag:s16] =	ssyncadd.s32 $0xFFFFEC00  }
0x1a4: {  	[tilespmem:s9], [sflag:$0x3] =	stream.indirect.gather [hbm4b:s1+s13], $0x80, s0, s13, $0xb8;
	[tilespmem:$0xF400] =	vst v63  }
0x1a5: {  	s9 =	simm.s32 $0x1500  }
0x1a6: {  	[tilespmem:s9], [sflag:$0x4] =	stream.indirect.gather [hbm4b:s3+s13], $0x80, s15, s13, $0xb8;
	[tilespmem:$0xF400] =	vst v63  }
0x1a7: {  	_ =	swait.ge [sflag:s22], $0x1400  }
0x1a8: {  	[sflag:s22] =	ssyncset.done $0x0  }
0x1a9: {  	[sflag:s22] =	ssyncadd.s32 $0xFFFFEC00  }
0x1aa: {  	_ =	swait.ge [sflag:s30], $0x1400  }
0x1ab: {  	[sflag:s30] =	ssyncset.done $0x0  }
0x1ac: {  	s0 =	simm.s32 $0x0;
	[sflag:s30] =	ssyncadd.s32 $0xFFFFEC00  }
0x1ad: {  	v0 =	vld [tilespmem:s0+$0x130]  }
0x1ae: {  	v1 =	vld [tilespmem:s0+$0x1530]  }
0x1af: {  	v2 =	vld [tilespmem:s0+$0x170]  }
0x1b0: {  	v3 =	vld [tilespmem:s0+$0x1570]  }
0x1b1: {  	v4 =	vld [tilespmem:s0+$0x100]  }
0x1b2: {  	v5 =	vld [tilespmem:s0+$0x1500]  }
0x1b3: {  	v6 =	vld [tilespmem:s0+$0x140]  }
0x1b4: {  	v7 =	vld [tilespmem:s0+$0x1540]  }
0x1b5: {  	v8 =	vld [tilespmem:s0+$0x110];
	v0 =	vadd.f32 v1, v0;
	v1 =	vadd.f32 v3, v2  }
0x1b6: {  	v9 =	vld [tilespmem:s0+$0x150]  }
0x1b7: {  	v3 =	vld [tilespmem:s0+$0x1510];
	v0 =	vadd.s32 $0x8000, v0;
	v1 =	vadd.s32 $0x8000, v1  }
0x1b8: {  	v10 =	vld [tilespmem:s0+$0x1550];
	v0 =	vshrl.u32 v0, $0x10;
	v1 =	vand.u32 $0xFFFF0000, v1  }
0x1b9: {  	v11 =	vld [tilespmem:s0+$0x120];
	v0 =	vor.u32 v0, v1;
	v1 =	vadd.f32 v5, v4;
	v4 =	vadd.f32 v7, v6  }
0x1ba: {  	v12 =	vld [tilespmem:s0+$0x1520]  }
0x1bb: {  	v2 =	vld [tilespmem:s0+$0x160];
	[tilespmem:s0+$0x2930] =	vst v0;
	v0 =	vadd.s32 $0x8000, v1;
	v1 =	vadd.s32 $0x8000, v4  }
0x1bc: {  	s2 =	simm.s32 $0x80;
	v3 =	vadd.f32 v3, v8;
	v4 =	vld [tilespmem:s0+$0x1560];
	v5 =	vshrl.u32 v0, $0x10;
	v1 =	vand.u32 $0xFFFF0000, v1  }
0x1bd: {  	v6 =	vadd.f32 v10, v9;
	v0 =	vld [tilespmem:s2+$0x130];
	v5 =	vor.u32 v5, v1  }
0x1be: {  	v3 =	vadd.s32 $0x8000, v3;
	v1 =	vld [tilespmem:s2+$0x1530];
	[tilespmem:s0+$0x2900] =	vst v5  }
0x1bf: {  	s9 =	simm.s32 $0x400;
	v7 =	vadd.s32 $0x8000, v6;
	v6 =	vadd.f32 v12, v11;
	v5 =	vshrl.u32 v3, $0x10;
	v3 =	vld [tilespmem:s2+$0x170]  }
.LBB2_12:
0x1c0: {  	p0 =	sne.s32 s9, $0x4E00;
	v8 =	vld [tilespmem:s2+$0x1570];
	v7 =	vand.u32 $0xFFFF0000, v7  }
0x1c1: {  	v9 =	vld [tilespmem:s2+$0x100];
	v5 =	vor.u32 v5, v7;
	v2 =	vadd.f32 v4, v2;
	v4 =	vadd.s32 $0x8000, v6  }
0x1c2: {  	v6 =	vld [tilespmem:s2+$0x1500];
	[tilespmem:s0+$0x2910] =	vst v5;
	v4 =	vshrl.u32 v4, $0x10  }
0x1c3: {  	v5 =	vld [tilespmem:s2+$0x140];
	v2 =	vadd.s32 $0x8000, v2  }
0x1c4: {  	v7 =	vld [tilespmem:s2+$0x1540];
	v2 =	vand.u32 $0xFFFF0000, v2  }
0x1c5: {  	v0 =	vadd.f32 v1, v0;
	v10 =	vld [tilespmem:s2+$0x110];
	v1 =	vadd.f32 v8, v3;
	v2 =	vor.u32 v4, v2  }
0x1c6: {  	v3 =	vld [tilespmem:s2+$0x1510];
	[tilespmem:s0+$0x2920] =	vst v2;
	s0 =	smov.u32 s2  }
0x1c7: {  	v0 =	vadd.s32 $0x8000, v0;
	v2 =	vadd.f32 v6, v9;
	v6 =	vld [tilespmem:s0+$0x150];
	v1 =	vadd.s32 $0x8000, v1  }
0x1c8: {  	v0 =	vshrl.u32 v0, $0x10;
	v8 =	vld [tilespmem:s0+$0x1550];
	v1 =	vand.u32 $0xFFFF0000, v1  }
0x1c9: {  	v4 =	vadd.f32 v7, v5;
	v2 =	vadd.s32 $0x8000, v2;
	v9 =	vld [tilespmem:s0+$0x120];
	v0 =	vor.u32 v0, v1  }
0x1ca: {  	v1 =	vshrl.u32 v2, $0x10;
	v11 =	vld [tilespmem:s0+$0x1520];
	[tilespmem:s0+$0x2930] =	vst v0  }
.Ltmp5:
0x1cb: {  	v0 =	vadd.s32 $0x8000, v4;
	v3 =	vadd.f32 v3, v10;
	v2 =	vld [tilespmem:s0+$0x160];
	(pc) =	sbr.rel @p0 .LBB2_12-.Ltmp5, $4  }
0x1cc: {  	s2 =	sshra.s32 s9, $0x2;
	v5 =	vand.u32 $0xFFFF0000, v0;
	v4 =	vld [tilespmem:s0+$0x1560]  }
0x1cd: {  	v0 =	vld [tilespmem:s2+$0x130];
	v5 =	vor.u32 v1, v5;
	v6 =	vadd.f32 v8, v6;
	v3 =	vadd.s32 $0x8000, v3  }
0x1ce: {  	v1 =	vld [tilespmem:s2+$0x1530];
	[tilespmem:s0+$0x2900] =	vst v5;
	v5 =	vshrl.u32 v3, $0x10  }
0x1cf: {  	s9 =	sadd.s32 $0x200, s9;
	v3 =	vld [tilespmem:s2+$0x170];
	v7 =	vadd.s32 $0x8000, v6;
	v6 =	vadd.f32 v11, v9  }
0x1d0: {  	v8 =	vld [tilespmem:s2+$0x1570];
	v7 =	vand.u32 $0xFFFF0000, v7  }
0x1d1: {  	v9 =	vld [tilespmem:s2+$0x100];
	v5 =	vor.u32 v5, v7;
	v2 =	vadd.f32 v4, v2  }
0x1d2: {  	v52 =	vld [tilespmem:s2+$0x1500];
	[tilespmem:s0+$0x2910] =	vst v5  }
0x1d3: {  	v54 =	vadd.s32 $0x8000, v6;
	v53 =	vld [tilespmem:s2+$0x140];
	v2 =	vadd.s32 $0x8000, v2  }
0x1d4: {  	v5 =	vshrl.u32 v54, $0x10;
	v55 =	vld [tilespmem:s2+$0x1540];
	v2 =	vand.u32 $0xFFFF0000, v2  }
0x1d5: {  	v10 =	vld [tilespmem:s2+$0x110];
	v2 =	vor.u32 v5, v2  }
0x1d6: {  	v56 =	vld [tilespmem:s2+$0x1510];
	[tilespmem:s0+$0x2920] =	vst v2  }
0x1d7: {  	v2 =	vld [tilespmem:s2+$0x150]  }
0x1d8: {  	v58 =	vld [tilespmem:s2+$0x1550]  }
0x1d9: {  	v59 =	vld [tilespmem:s2+$0x120]  }
0x1da: {  	v0 =	vadd.f32 v1, v0;
	v60 =	vld [tilespmem:s2+$0x1520]  }
0x1db: {  	v57 =	vadd.f32 v8, v3;
	v7 =	vadd.f32 v52, v9;
	v61 =	vld [tilespmem:s2+$0x160]  }
0x1dc: {  	v0 =	vadd.s32 $0x8000, v0;
	v11 =	vld [tilespmem:s2+$0x1560]  }
0x1dd: {  	v0 =	vshrl.u32 v0, $0x10;
	v1 =	vadd.s32 $0x8000, v57;
	v62 =	vadd.s32 $0x8000, v7  }
0x1de: {  	v1 =	vand.u32 $0xFFFF0000, v1;
	v4 =	vadd.f32 v55, v53;
	v5 =	vadd.f32 v56, v10  }
0x1df: {  	v6 =	vshrl.u32 v62, $0x10;
	v0 =	vor.u32 v0, v1  }
0x1e0: {  	v4 =	vadd.s32 $0x8000, v4;
	v63 =	vadd.s32 $0x8000, v5;
	v2 =	vadd.f32 v58, v2  }
0x1e1: {  	[tilespmem:s2+$0x2930] =	vst v0;
	v4 =	vand.u32 $0xFFFF0000, v4;
	v1 =	vadd.f32 v60, v59;
	v0 =	vadd.f32 v11, v61  }
0x1e2: {  	v3 =	vshrl.u32 v63, $0x10;
	v4 =	vor.u32 v6, v4;
	v2 =	vadd.s32 $0x8000, v2  }
0x1e3: {  	v1 =	vadd.s32 $0x8000, v1;
	v0 =	vadd.s32 $0x8000, v0;
	v2 =	vand.u32 $0xFFFF0000, v2  }
0x1e4: {  	[tilespmem:s2+$0x2900] =	vst v4;
	v1 =	vshrl.u32 v1, $0x10;
	v0 =	vand.u32 $0xFFFF0000, v0;
	v2 =	vor.u32 v3, v2  }
0x1e5: {  	v0 =	vor.u32 v1, v0;
	[tilespmem:s2+$0x2910] =	vst v2  }
0x1e6: {  	s9 =	simm.s32 $0x2900;
	[tilespmem:s2+$0x2920] =	vst v0;
	s2 =	rddreg [dreg:$0xe]  }
0x1e7: {  	[hbm4b:s2+s4] =	stream.linear.scatter [tilespmem:s9], [sflag:$0x5], $0x1400, $0x38;
	[tilespmem:$0xF400] =	vst v63  }
0x1e8: {  	_ =	swait.ge [sflag:s16], $0x1400  }
0x1e9: {  	[sflag:s16] =	ssyncset.done $0x0  }
0x1ea: {  	s2 =	simm.s32 $0xA;
	[sflag:s16] =	ssyncadd.s32 $0xFFFFEC00  }
0x1eb: {  	_ =	swait.ge [sflag:s2], $0x1400  }
0x1ec: {  	[sflag:s2] =	ssyncset.done $0x0  }
0x1ed: {  	s9 =	simm.s32 $0xF;
	[sflag:s2] =	ssyncadd.s32 $0xFFFFEC00  }
0x1ee: {  	_ =	swait.ge [sflag:s9], $0x1400  }
0x1ef: {  	[sflag:s9] =	ssyncset.done $0x0  }
0x1f0: {  	s2 =	simm.s32 $0x14;
	[sflag:s9] =	ssyncadd.s32 $0xFFFFEC00  }
0x1f1: {  	_ =	swait.ge [sflag:s2], $0x1400  }
0x1f2: {  	s9 =	rddreg [dreg:$0x10]  }
0x1f3: {  	s16 =	rddreg [dreg:$0xf];
	s9 =	sadd.s32 $0x1, s9  }
0x1f4: {  	p0 =	sne.s32 s9, s16  }
.Ltmp6:
0x1f5: {  	_ = 	snop;
	(pc) =	sbr.rel @p0 .LBB2_1-.Ltmp6, $3  }
0x1f6: {  	_ =	sdelay $0x1  }
0x1f7: {  	[sflag:s2] =	ssyncset.done $0x0  }
0x1f8: {  	[sflag:s2] =	ssyncadd.s32 $0xFFFFEC00  }
0x1f9: {  	_ =	sfence.sel $0x180000  }
0x1fa: {  	[bflag:$0x0] =	sbarrier.arrive $0xFFFF  }
0x1fb: {  	_ =	strace $0x90000047  }
0x1fc: {  	s0 =	stileid.u32;
	[bflag:$0x2] =	sbarrier.arrive $0xFFFF  }
0x1fd: {  	p0 =	sne.s32 s0, $0x0;
	s0 =	rddreg [dreg:$0x3]  }
0x1fe: {  	s0 =	sadd.s32 @!p0 $0x100000, s0  }
0x1ff: {  	[sflag:s0] =	ssyncadd.tile.s32 @!p0 $0x1;
	_ =	shalt  }
.Lfunc_end2:
_tile_overlayer_lowered:
.L_overlay_start_2:
0x200: {  	(tag) =	ssettag $0x2  }
0x201: {  	s0 =	rddreg [dreg:$0x0];
	s2 =	stileid.u32  }
0x202: {  	s1 =	rddreg [dreg:$0x1];
	p0 =	sne.s32 s2, $0x0  }
0x203: {  	s3 =	rddreg [dreg:$0x2];
	[bflag:$0x3] =	sbarrier.arrive $0xFFFF;
	s2 =	simm.s32 @!p0 $0x1C15  }
0x204: {  	[timem:s3], [sflag:s2] =	dma.local @!p0 [hbm:s0], s1  }
0x205: {  	s0 =	simm.s32 @!p0 $0x15  }
0x206: {  	_ =	swait.ge @!p0 [sflag:s0], s1  }
0x207: {  	s1 =	ssub.s32 @!p0 $0x0, s1;
	[sflag:s0] =	ssyncset.done @!p0 $0x0  }
0x208: {  	[sflag:s0] =	ssyncadd.s32 @!p0 s1  }
0x209: {  	[bflag:$0x3] =	sbarrier.arrive $0xFFFF  }
0x20a: {  	_ =	shalt  }

// kernel: kernel.17.cloned.1.call-start
scs
__scs_entry_jumppad:
0x0: {  	(pc) =	sbr.rel $0x88, $3  }
0x1: {  	(tag) =	ssettag $0x0;
	lr =	simm.s32 $0x1  }
0x2: {  	[smem:$0x3F8A] =	sst lr;
	_ =	strace $0xD0000000  }
0x3: {  	_ = 	snop  }
0x4: {  	_ = 	snop  }
0x5: {  	_ = 	snop  }
0x6: {  	_ = 	snop  }
0x7: {  	_ = 	snop  }
__scs_overlays_trampoline_lowered:
0x8: {  	[smem:$0x3F99] =	sst s0  }
0x9: {  	[smem:$0x3F9A] =	sst s1  }
0xa: {  	[smem:$0x3F9B] =	sst s2  }
0xb: {  	[smem:$0x3F9C] =	sst s3  }
0xc: {  	[smem:$0x3F9D] =	sst s4  }
0xd: {  	[smem:$0x3F9E] =	sst s5  }
0xe: {  	[smem:$0x3F9F] =	sst s6  }
0xf: {  	[smem:$0x3FA0] =	sst s7  }
0x10: {  	[smem:$0x3FA1] =	sst s8  }
0x11: {  	[smem:$0x3FA2] =	sst s9;
	s0 =	simm.s32 @!p0 $0x0  }
0x12: {  	s1 =	sld [smem:$0x3F88];
	s0 =	simm.s32 @p0 $0x1  }
0x13: {  	[smem:$0x3FA3] =	sst s0;
	s0 =	simm.s32 @!p1 $0x0  }
0x14: {  	s2 =	sld [smem:$0x3F87];
	s0 =	simm.s32 @p1 $0x1  }
0x15: {  	[smem:$0x3FA4] =	sst s0;
	s0 =	simm.s32 @!p2 $0x0  }
0x16: {  	s3 =	sld [smem:$0x3FDB];
	s0 =	simm.s32 @p2 $0x1  }
0x17: {  	s4 =	simm.s32 $0x1BF5;
	[smem:$0x3FA6] =	sst s0  }
0x18: {  	s0 =	sld [smem:$0x3F89];
	_ =	swait.ge [sflag:s4], $0x0  }
0x19: {  	s7 =	sld [smem:$0x3F8A]  }
0x1a: {  	s8 =	sadd.s32 $0xFFFFE003, lr  }
0x1b: {  	s9 =	sadd.s32 $0xFFFFFEF7, lr;
	s5 =	simm.s32 $0xFFFFFFFF;
	p2 =	slt.u32 s8, $0xFFFFF086  }
0x1c: {  	p1 =	slt.u32 s9, $0xF7A;
	s5 =	simm.s32 @!p2 $0x0  }
0x1d: {  	s5 =	simm.s32 @p1 $0x1;
	p0 =	seq.s32 s7, s2  }
0x1e: {  	s7 =	smul.u32 @!p0 $0xF7A, s2;
	p2 =	seq.s32 @!p0 s5, $0x0  }
0x1f: {  	s9 =	smul.u32 $0xF7A, s1;
	s8 =	simm.s32 @!p0 $0x1BF5;
	p2 =	por !p2, p0  }
0x20: {  	[sflag:s8] =	ssyncset.s32 @!p0 $0xFFFFF086;
	s6 =	sadd.s32 @!p0 s3, s7;
	s7 =	simm.s32 @!p0 $0x108  }
0x21: {  	s3 =	sadd.s32 s3, s9;
	s6 =	sadd.s32 @!p0 $0x88, s6;
	s7 =	simm.s32 @p2 $0x1082  }
0x22: {  	[simem:s7], [sflag:s8] =	dma.local @!p0 [hbm:s6], $0xF7A  }
0x23: {  	s9 =	sor.u32 $0xD0000000, s2;
	s6 =	simm.s32 $0x108;
	_ =	swait.ge @!p0 [sflag:s8], $0x0  }
0x24: {  	s3 =	sadd.s32 $0x88, s3;
	s6 =	simm.s32 @!p1 $0x1082;
	[sflag:s4] =	ssyncset.s32 $0xFFFFF086  }
0x25: {  	[simem:s6], [sflag:s4] =	dma.local [hbm:s3], $0xF7A  }
0x26: {  	[smem:$0x3F8A] =	sst s1;
	(tag) =	ssettag s2;
	_ =	strace s9  }
0x27: {  	s1 =	sld [smem:$0x3F9A]  }
0x28: {  	s2 =	sld [smem:$0x3F9B]  }
0x29: {  	s4 =	sld [smem:$0x3F9D]  }
0x2a: {  	p0 =	seq.s32 s5, $0x0;
	s5 =	sld [smem:$0x3F9E]  }
0x2b: {  	s6 =	sld [smem:$0x3F9F]  }
0x2c: {  	s7 =	sld [smem:$0x3FA0]  }
0x2d: {  	s3 =	simm.s32 $0x108;
	s8 =	sld [smem:$0x3FA1]  }
0x2e: {  	s3 =	simm.s32 @!p0 $0x1082;
	s9 =	sld [smem:$0x3FA2]  }
0x2f: {  	lr =	sadd.s32 s0, s3;
	s0 =	sld [smem:$0x3F99]  }
0x30: {  	s3 =	sld [smem:$0x3F9C]  }
0x31: {  	[smem:$0x3FA5] =	sst s10  }
0x32: {  	s10 =	sld [smem:$0x3FA3];
	_ =	sdelay $0x3  }
0x33: {  	p0 =	seq.s32 s10, $0x1;
	s10 =	sld [smem:$0x3FA5];
	_ =	sdelay $0x3  }
0x34: {  	[smem:$0x3FA5] =	sst s10  }
0x35: {  	s10 =	sld [smem:$0x3FA4];
	_ =	sdelay $0x3  }
0x36: {  	p1 =	seq.s32 s10, $0x1;
	s10 =	sld [smem:$0x3FA5];
	_ =	sdelay $0x3  }
0x37: {  	[smem:$0x3FA5] =	sst s10  }
0x38: {  	s10 =	sld [smem:$0x3FA6]  }
0x39: {  	_ = 	snop;
	(pc) =	sbr.ind lr, $3  }
0x3a: {  	_ = 	snop  }
0x3b: {  	_ = 	snop  }
0x3c: {  	p2 =	seq.s32 s10, $0x1;
	s10 =	sld [smem:$0x3FA5]  }
0x3d: {  	_ =	shalt  }
0x3e: {  	_ =	shalt  }
0x3f: {  	_ =	shalt  }
0x40: {  	_ =	shalt  }
0x41: {  	_ =	shalt  }
0x42: {  	_ =	shalt  }
0x43: {  	_ =	shalt  }
0x44: {  	_ =	shalt  }
0x45: {  	_ =	shalt  }
0x46: {  	_ =	shalt  }
0x47: {  	_ =	shalt  }
0x48: {  	_ =	shalt  }
0x49: {  	_ =	shalt  }
0x4a: {  	_ =	shalt  }
0x4b: {  	_ =	shalt  }
0x4c: {  	_ =	shalt  }
0x4d: {  	_ =	shalt  }
0x4e: {  	_ =	shalt  }
0x4f: {  	_ =	shalt  }
0x50: {  	_ =	shalt  }
0x51: {  	_ =	shalt  }
0x52: {  	_ =	shalt  }
0x53: {  	_ =	shalt  }
0x54: {  	_ =	shalt  }
0x55: {  	_ =	shalt  }
0x56: {  	_ =	shalt  }
0x57: {  	_ =	shalt  }
0x58: {  	_ =	shalt  }
0x59: {  	_ =	shalt  }
0x5a: {  	_ =	shalt  }
0x5b: {  	_ =	shalt  }
0x5c: {  	_ =	shalt  }
0x5d: {  	_ =	shalt  }
0x5e: {  	_ =	shalt  }
0x5f: {  	_ =	shalt  }
0x60: {  	_ =	shalt  }
0x61: {  	_ =	shalt  }
0x62: {  	_ =	shalt  }
0x63: {  	_ =	shalt  }
0x64: {  	_ =	shalt  }
0x65: {  	_ =	shalt  }
0x66: {  	_ =	shalt  }
0x67: {  	_ =	shalt  }
0x68: {  	_ =	shalt  }
0x69: {  	_ =	shalt  }
0x6a: {  	_ =	shalt  }
0x6b: {  	_ =	shalt  }
0x6c: {  	_ =	shalt  }
0x6d: {  	_ =	shalt  }
0x6e: {  	_ =	shalt  }
0x6f: {  	_ =	shalt  }
0x70: {  	_ =	shalt  }
0x71: {  	_ =	shalt  }
0x72: {  	_ =	shalt  }
0x73: {  	_ =	shalt  }
0x74: {  	_ =	shalt  }
0x75: {  	_ =	shalt  }
0x76: {  	_ =	shalt  }
0x77: {  	_ =	shalt  }
0x78: {  	_ =	shalt  }
0x79: {  	_ =	shalt  }
0x7a: {  	_ =	shalt  }
0x7b: {  	_ =	shalt  }
0x7c: {  	_ =	shalt  }
0x7d: {  	_ =	shalt  }
0x7e: {  	_ =	shalt  }
0x7f: {  	_ =	shalt  }
0x80: {  	_ =	shalt  }
0x81: {  	_ =	shalt  }
0x82: {  	_ =	shalt  }
0x83: {  	_ =	shalt  }
0x84: {  	_ =	shalt  }
0x85: {  	_ =	shalt  }
0x86: {  	_ =	shalt  }
0x87: {  	_ =	shalt  }
.Lfunc_end0:
.L_simem_size_0:
called_computation.2_lowered:
.L_overlay_start_0:
0x88: {  	s2 =	sld [smem:$0x3FD9]  }
0x89: {  	s3 =	sld [smem:$0x3FFE];
	_ =	sdelay $0x1  }
0x8a: {  	s1 =	srdreg.scid  }
0x8b: {  	s0 =	sand.u32 $0x1, s1  }
0x8c: {  	s17 =	sshll.u32 s0, $0xA;
	s2 =	sadd.s32 s3, s2  }
0x8d: {  	s2 =	sadd.s32 s2, s17  }
0x8e: {  	[smem:$0x3FB1] =	sst s2  }
0x8f: {  	_ = 	snop  }
0x90: {  	(tm) =	ssettm $0x1  }
0x91: {  	s18 =	sld [smem:$0x3FFB];
	_ =	sdelay $0x3  }
0x92: {  	_ =	strace s18  }
0x93: {  	s2 =	sld [smem:$0x3FFC];
	_ =	sdelay $0x3  }
0x94: {  	_ =	strace s2  }
0x95: {  	s2 =	sld [smem:$0x3FFD];
	_ =	sdelay $0x3  }
0x96: {  	_ =	strace s2  }
0x97: {  	_ =	strace $0x8FFFFFFF  }
0x98: {  	s19 =	sld [smem:$0x3FDB];
	_ =	sdelay $0x1  }
0x99: {  	s20 =	simm.s32 $_scs_section_size  }
0x9a: {  	s4 =	simm.s32 $_size__tile_overlayer_lowered;
	s5 =	simm.s32 $_tile_overlayer_lowered  }
0x9b: {  	s6 =	simm.s32 $0x1BFF;
	s21 =	sshll.u32 s5, $0x1;
	s3 =	sadd.s32 s20, s19  }
0x9c: {  	s22 =	simm.s32 $0x0;
	s4 =	sshll.u32 s4, $0x1;
	s5 =	sadd.s32 s21, s3  }
0x9d: {  	[timem:s22], [sflag:s6] =	dma.local [hbm:s5], s4  }
0x9e: {  	_ =	swait.ge [sflag:s6], s4  }
0x9f: {  	s4 =	ssub.s32 $0x0, s4;
	[sflag:s6] =	ssyncset.done $0x0  }
0xa0: {  	[sflag:s6] =	ssyncadd.s32 s4;
	_ =	sdelay $0x1  }
0xa1: {  	s23 =	simm.s32 $0x1B8B  }
0xa2: {  	_ =	swait.ge [sflag:s23], $0x1  }
0xa3: {  	[sflag:s23] =	ssyncset.done $0x0  }
0xa4: {  	[sflag:s23] =	ssyncadd.s32 $0xFFFFFFFF  }
0xa5: {  	s4 =	sld [smem:$0x0]  }
0xa6: {  	s5 =	sand.u32 $0xFFFFFFFE, s1  }
0xa7: {  	p0 =	sne.s32 s1, s5  }
0xa8: {  	s5 =	sshll.u32 @p0 s5, $0xE  }
0xa9: {  	s5 =	sadd.s32 @p0 $0x11B8D, s5;
	s6 =	sshll.u32 @p0 s4, $0x11  }
0xaa: {  	s5 =	sor.u32 @p0 s6, s5  }
0xab: {  	[sflag:s5] =	ssyncadd.remote.s32 @p0 $0x1;
	_ =	sdelay $0x1  }
0xac: {  	s5 =	simm.s32 @p0 $0x1B8D  }
0xad: {  	_ =	swait.eq @p0 [sflag:s5], $0x1  }
0xae: {  	[sflag:s5] =	ssyncadd.s32 @p0 $0xFFFFFFFF  }
0xaf: {  	s6 =	sshll.u32 @!p0 s1, $0xE  }
0xb0: {  	s6 =	sor.u32 @!p0 $0x4000, s6;
	s5 =	simm.s32 @!p0 $0x1B8D  }
0xb1: {  	s4 =	sshll.u32 @!p0 s4, $0x11;
	s6 =	sadd.s32 @!p0 $0x11B8D, s6;
	_ =	swait.eq @!p0 [sflag:s5], $0x1  }
0xb2: {  	s4 =	sor.u32 @!p0 s4, s6;
	[sflag:s5] =	ssyncadd.s32 @!p0 $0xFFFFFFFF  }
0xb3: {  	s25 =	simm.s32 $0x1B8E;
	s24 =	sld [smem:$0x3FFE];
	[sflag:s4] =	ssyncadd.remote.s32 @!p0 $0x1  }
0xb4: {  	s26 =	simm.s32 $execute0_lowered;
	[smem:$0x3FD2] =	sst s25  }
0xb5: {  	s5 =	sshll.u32 s26, $0x1;
	_ =	strace $0x8000004F;
	[dreg:$0x1] =	wrdreg $0xFFFFFFFF  }
0xb6: {  	s28 =	simm.s32 $_size_execute0_lowered;
	s3 =	sadd.s32 s3, s5;
	[dreg:$0x0] =	wrdreg $0x0  }
0xb7: {  	s5 =	sshll.u32 s28, $0x1;
	[dreg:$0x2] =	wrdreg s3  }
0xb8: {  	[dreg:$0x3] =	wrdreg s5  }
0xb9: {  	[dreg:$0x4] =	wrdreg $0xC0  }
0xba: {  	_ =	task [dreg:s22], $0x5FFFF  }
0xbb: {  	[dreg:$0x1] =	wrdreg $0xFFFFFFFF  }
0xbc: {  	[dreg:$0x0] =	wrdreg $0x60  }
0xbd: {  	[dreg:$0x2] =	wrdreg s24  }
0xbe: {  	[dreg:$0x3] =	wrdreg $0x29000  }
0xbf: {  	[dreg:$0x4] =	wrdreg $0x9  }
0xc0: {  	_ =	task.clear_ibuf [dreg:s22], $0x5FFFF;
	_ =	strace $0x9000004F  }
0xc1: {  	s29 =	simm.s32 $0x9;
	_ =	strace $0x80000051  }
0xc2: {  	_ =	swait.ge [sflag:s29], $0x1  }
0xc3: {  	[sflag:s29] =	ssyncadd.s32 $0xFFFFFFFF  }
0xc4: {  	_ =	strace $0x90000051  }
0xc5: {  	_ =	sfence  }
0xc6: {  	s30 =	sld [smem:$0x0];
	_ =	sdelay $0x2  }
0xc7: {  	s31 =	sshll.u32 s1, $0xD;
	s1 =	sshrl.u32 s1, $0x2  }
0xc8: {  	s4 =	sand.u32 $0x4000, s31;
	s1 =	sadd.s32 s1, s30  }
0xc9: {  	s0 =	sor.u32 s4, s0;
	s1 =	sshll.u32 s1, $0x11  }
0xca: {  	s0 =	sor.u32 s1, s0  }
0xcb: {  	s0 =	sadd.s32 $0x8F2B, s0  }
0xcc: {  	[sflag:s0] =	ssyncadd.remote.s32 $0x1  }
0xcd: {  	_ =	sfence.sel $0xFFFF  }
0xce: {  	[dreg:$0x0] =	wrdreg $0xFFFFFFFF;
	(pc) =	sbr.abs _section_cstart, $3  }
0xcf: {  	[dreg:$0x1] =	wrdreg $0xFFFFFFFF  }
0xd0: {  	_ =	task.clear_ibuf [dreg:s22], $0x2FFFF;
	_ =	strace $0x9FFFFFFF  }
0xd1: {  	(tm) =	ssettm $0x7FFFFFFF  }
tec
execute0_lowered:
.L_overlay_start_1:
0x0: {  	(tag) =	ssettag $0x1  }
0x1: {  	s0 =	rddreg [dreg:$0x0]  }
0x2: {  	s1 =	rddreg [dreg:$0x1];
	s2 =	simm.s32 $0x0;
	s14 =	stileid.u32  }
0x3: {  	s5 =	srdreg.scid;
	s28 =	simm.s32 $0x3;
	s29 =	simm.s32 $0x6  }
0x4: {  	s30 =	simm.s32 $0x0;
	[smem:$0x7FF] =	sst s2;
	s4 =	smul.u32 $0x2700, s14  }
0x5: {  	s12 =	sadd.s32 $0x4FBA00, s0;
	s3 =	sadd.s32 $0x14A00, s0;
	s7 =	smul.u32 $0x4E000, s14  }
0x6: {  	s11 =	sand.u32 $0x1, s5;
	s13 =	sadd.s32 $0x76CA00, s0;
	s24 =	smul.u32 $0x27100, s14  }
0x7: {  	s9 =	sshll.u32 s14, $0x1;
	s20 =	sshll.u32 s14, $0x6;
	s17 =	smul.u32 $0x27100, s11  }
0x8: {  	p0 =	sne.s32 s14, $0x0;
	_ =	strace $0x80000050;
	s23 =	smul.u32 $0x138800, s11  }
0x9: {  	s6 =	ssub.s32 $0x2, s11;
	s19 =	sor.u32 s11, s9;
	s25 =	smul.u32 $0x13880, s11  }
0xa: {  	s18 =	sadd.s32 s4, s0;
	s8 =	sshrl.u32 s6, $0x1;
	s9 =	smul.u32 $0x1388, s19  }
0xb: {  	s7 =	sshrl.u32 s7, $0x2;
	s21 =	smul.u32 $0x13880, s19;
	s0 =	sadd.s32 $0x40A00, s0  }
0xc: {  	s19 =	smul.u32 $0x2710, s14;
	s26 =	sadd.s32 s24, s12;
	s24 =	simm.s32 $0x28  }
0xd: {  	s15 =	ssub.s32 s6, s8;
	s16 =	sadd.s32 s7, s1;
	s5 =	sadd.s32 $0x19A00, s18  }
0xe: {  	s18 =	sadd.s32 $0x138000, s1;
	[dreg:$0x4] =	wrdreg s0;
	s4 =	sadd.s32 s4, s17  }
0xf: {  	s0 =	sshrl.u32 s23, $0x3;
	s17 =	sadd.s32 s25, s26;
	s23 =	simm.s32 $0x2  }
0x10: {  	s25 =	simm.s32 $0x4;
	s26 =	simm.s32 $0x5;
	[dreg:$0x3] =	wrdreg s5  }
0x11: {  	s5 =	sor.u32 $0x1C07, s20;
	s22 =	sshrl.u32 s9, $0x3;
	s8 =	sadd.s32 s12, s21  }
0x12: {  	s9 =	sadd.s32 $0x1360, s9;
	s21 =	smul.u32 $0x1388, s11;
	s11 =	sadd.s32 s13, s4  }
0x13: {  	s0 =	sadd.s32 s13, s0;
	s13 =	smax.u32 s15, $0x1;
	s16 =	sshrl.u32 s16, $0x3  }
0x14: {  	s18 =	sshrl.u32 @!p0 s18, $0x3;
	s7 =	sadd.s32 s3, s22;
	s10 =	sshrl.u32 s9, $0x3  }
0x15: {  	s20 =	sshll.u32 s9, $0x4;
	s22 =	simm.s32 $0x1;
	s9 =	sadd.s32 s3, s10  }
0x16: {  	s10 =	sadd.s32 s12, s20;
	s12 =	sadd.s32 $0x27000, s0;
	s31 =	sadd.s32 s21, s19  }
0x17: {  	s0 =	sadd.s32 $0x280, s17;
	s17 =	simm.s32 $0x7;
	s19 =	simm.s32 $0x80  }
0x18: {  	s20 =	simm.s32 $0x1480;
	s21 =	simm.s32 $0x1500;
	s4 =	sadd.s32 $0x28, s31  }
.LBB2_1:
0x19: {  	s6 =	rddreg [dreg:$0x3]  }
0x1a: {  	[spmem:s16], [sflag:s5] =	dma.local [hbm:s6], $0x2700  }
0x1b: {  	_ =	swait.ge [sflag:s17], $0x2700  }
0x1c: {  	[sflag:s17] =	ssyncset.done $0x0  }
0x1d: {  	s14 =	simm.s32 @!p0 $0x7;
	s6 =	rddreg [dreg:$0x4];
	[sflag:s17] =	ssyncadd.s32 $0xFFFFD900  }
0x1e: {  	[spmem:s18], [sflag:s5] =	dma.local @!p0 [hbm:s6], $0x100  }
0x1f: {  	_ =	swait.ge @!p0 [sflag:s14], $0x100  }
0x20: {  	[sflag:s14] =	ssyncset.done @!p0 $0x0  }
.Ltmp0:
0x21: {  	[sflag:s14] =	ssyncadd.s32 @!p0 $0xFFFFFF00;
	(pc) =	sbr.rel .LBB2_2-.Ltmp0, $4  }
0x22: {  	[bflag:$0x0] =	sbarrier.arrive $0xFFFF  }
0x23: {  	[tilespmem:s2], [sflag:$0x1] =	stream.linear.gather [hbm4b:s7+s2], $0x28, $0x38;
	[tilespmem:$0x16180] =	vst v63  }
0x24: {  	s31 =	simm.s32 $0x3D;
	s15 =	smov.u32 s0;
	s14 =	smov.u32 s4  }
0x25: {  	[tilespmem:s19], [sflag:$0x2] =	stream.linear.gather [hbm4b:s8+s2], $0x1400, $0x38;
	[tilespmem:$0x16180] =	vst v63  }
.LBB2_3:
0x26: {  	[spmem:s1] =	stream.indirect.scatter.add.f32 [tilespmem:s19], [sflag:$0x3], $0x80, s2, s24, $0xb8;
	[tilespmem:$0x16180] =	vst v63  }
0x27: {  	_ =	swait.ge [sflag:s25], $0x28  }
0x28: {  	[sflag:s25] =	ssyncset.done $0x0  }
0x29: {  	[sflag:s25] =	ssyncadd.s32 $0xFFFFFFD8  }
0x2a: {  	_ =	swait.ge [sflag:s26], $0x1400  }
0x2b: {  	[sflag:s26] =	ssyncset.done $0x0  }
0x2c: {  	[sflag:s26] =	ssyncadd.s32 $0xFFFFEC00  }
0x2d: {  	[spmem:s1] =	stream.indirect.scatter.add.f32 [tilespmem:s21], [sflag:$0x6], $0x80, s20, s24, $0xb8;
	[tilespmem:$0x16180] =	vst v63  }
.LBB2_5:
0x2e: {  	s6 =	sadd.s32 $0x28, s14  }
0x2f: {  	s6 =	sshrl.u32 s6, $0x3  }
0x30: {  	s14 =	sadd.s32 $0x50, s14;
	s6 =	sadd.s32 s3, s6  }
0x31: {  	[tilespmem:s2], [sflag:$0x1] =	stream.linear.gather [hbm4b:s6+s2], $0x28, $0x38;
	[tilespmem:$0x16180] =	vst v63  }
0x32: {  	s31 =	sadd.s32 $0xFFFFFFFF, s31;
	s6 =	sadd.s32 $0x280, s15;
	s15 =	sadd.s32 $0x500, s15  }
0x33: {  	[tilespmem:s19], [sflag:$0x2] =	stream.linear.gather [hbm4b:s6+s2], $0x1400, $0x38;
	[tilespmem:$0x16180] =	vst v63  }
.LBB2_2:
0x34: {  	s6 =	sshrl.u32 s14, $0x3  }
0x35: {  	s6 =	sadd.s32 s3, s6  }
0x36: {  	[tilespmem:s20], [sflag:$0x4] =	stream.linear.gather [hbm4b:s6+s2], $0x28, $0x38;
	[tilespmem:$0x16180] =	vst v63  }
0x37: {  	_ = 	snop  }
0x38: {  	[tilespmem:s21], [sflag:$0x5] =	stream.linear.gather [hbm4b:s15+s2], $0x1400, $0x38;
	[tilespmem:$0x16180] =	vst v63  }
0x39: {  	p1 =	sne.s32 s31, $0x3D;
	_ =	swait.ge [sflag:s22], $0x28  }
.Ltmp1:
0x3a: {  	[sflag:s22] =	ssyncset.done $0x0;
	(pc) =	sbr.rel @!p1 .LBB2_3-.Ltmp1, $4  }
0x3b: {  	[sflag:s22] =	ssyncadd.s32 $0xFFFFFFD8  }
0x3c: {  	_ =	swait.ge [sflag:s23], $0x1400  }
0x3d: {  	[sflag:s23] =	ssyncset.done $0x0  }
0x3e: {  	[sflag:s23] =	ssyncadd.s32 $0xFFFFEC00  }
0x3f: {  	_ =	swait.ge [sflag:s28], $0x1400  }
0x40: {  	[sflag:s28] =	ssyncset.done $0x0  }
0x41: {  	[sflag:s28] =	ssyncadd.s32 $0xFFFFEC00  }
0x42: {  	[spmem:s1] =	stream.indirect.scatter.add.f32 [tilespmem:s19], [sflag:$0x3], $0x80, s2, s24, $0xb8;
	[tilespmem:$0x16180] =	vst v63  }
0x43: {  	_ =	swait.ge [sflag:s25], $0x28  }
0x44: {  	[sflag:s25] =	ssyncset.done $0x0  }
0x45: {  	[sflag:s25] =	ssyncadd.s32 $0xFFFFFFD8  }
0x46: {  	_ =	swait.ge [sflag:s26], $0x1400  }
0x47: {  	p1 =	seq.s32 s31, $0x0;
	[sflag:s26] =	ssyncset.done $0x0  }
.Ltmp2:
0x48: {  	[sflag:s26] =	ssyncadd.s32 $0xFFFFEC00;
	(pc) =	sbr.rel @!p1 .LBB2_5-.Ltmp2, $4  }
0x49: {  	_ =	swait.ge [sflag:s29], $0x1400  }
0x4a: {  	[sflag:s29] =	ssyncset.done $0x0  }
0x4b: {  	[sflag:s29] =	ssyncadd.s32 $0xFFFFEC00  }
0x4c: {  	[spmem:s1] =	stream.indirect.scatter.add.f32 [tilespmem:s21], [sflag:$0x6], $0x80, s20, s24, $0xb8;
	[tilespmem:$0x16180] =	vst v63  }
0x4d: {  	[tilespmem:s2], [sflag:$0x1] =	stream.linear.gather [hbm4b:s9+s2], $0x28, $0x38;
	[tilespmem:$0x16180] =	vst v63  }
0x4e: {  	_ = 	snop  }
0x4f: {  	[tilespmem:s19], [sflag:$0x2] =	stream.linear.gather [hbm4b:s10+s2], $0x1400, $0x38;
	[tilespmem:$0x16180] =	vst v63  }
0x50: {  	_ =	swait.ge [sflag:s22], $0x28  }
0x51: {  	[sflag:s22] =	ssyncset.done $0x0  }
0x52: {  	[sflag:s22] =	ssyncadd.s32 $0xFFFFFFD8  }
0x53: {  	_ =	swait.ge [sflag:s23], $0x1400  }
0x54: {  	[sflag:s23] =	ssyncset.done $0x0  }
0x55: {  	[sflag:s23] =	ssyncadd.s32 $0xFFFFEC00  }
0x56: {  	_ =	swait.ge [sflag:s28], $0x1400  }
0x57: {  	[sflag:s28] =	ssyncset.done $0x0  }
0x58: {  	[sflag:s28] =	ssyncadd.s32 $0xFFFFEC00  }
0x59: {  	[spmem:s1] =	stream.indirect.scatter.add.f32 [tilespmem:s19], [sflag:$0x3], $0x80, s2, s24, $0xb8;
	[tilespmem:$0x16180] =	vst v63  }
0x5a: {  	_ =	swait.ge [sflag:s28], $0x1400  }
0x5b: {  	[sflag:s28] =	ssyncset.done $0x0  }
0x5c: {  	[sflag:s28] =	ssyncadd.s32 $0xFFFFEC00  }
0x5d: {  	_ =	swait.ge [sflag:s29], $0x1400  }
0x5e: {  	[sflag:s29] =	ssyncset.done $0x0  }
0x5f: {  	[sflag:s29] =	ssyncadd.s32 $0xFFFFEC00  }
0x60: {  	[bflag:$0x0] =	sbarrier.arrive $0xFFFF  }
0x61: {  	[hbm:s11], [sflag:s5] =	dma.local [spmem:s16], $0x2700  }
0x62: {  	s30 =	sadd.s32 $0x1, s30;
	_ =	swait.ge [sflag:s17], $0x2700  }
0x63: {  	p1 =	sne.s32 s30, s13;
	[sflag:s17] =	ssyncset.done $0x0  }
.Ltmp3:
0x64: {  	s6 =	simm.s32 @!p0 $0x7;
	[sflag:s17] =	ssyncadd.s32 $0xFFFFD900;
	(pc) =	sbr.rel @p1 .LBB2_1-.Ltmp3, $4  }
0x65: {  	[hbm:s12], [sflag:s5] =	dma.local @!p0 [spmem:s18], $0x100  }
0x66: {  	_ =	swait.ge @!p0 [sflag:s6], $0x100  }
0x67: {  	[sflag:s6] =	ssyncset.done @!p0 $0x0  }
0x68: {  	[sflag:s6] =	ssyncadd.s32 @!p0 $0xFFFFFF00  }
0x69: {  	_ =	sfence.sel $0x180000  }
0x6a: {  	[bflag:$0x0] =	sbarrier.arrive $0xFFFF  }
0x6b: {  	_ =	strace $0x90000050  }
0x6c: {  	[bflag:$0x2] =	sbarrier.arrive $0xFFFF  }
0x6d: {  	s0 =	rddreg [dreg:$0x2]  }
0x6e: {  	s0 =	sadd.s32 @!p0 $0x100000, s0  }
0x6f: {  	[sflag:s0] =	ssyncadd.tile.s32 @!p0 $0x1;
	_ =	shalt  }
.Lfunc_end2:
_tile_overlayer_lowered:
.L_overlay_start_2:
0x70: {  	(tag) =	ssettag $0x2  }
0x71: {  	s0 =	rddreg [dreg:$0x0];
	s2 =	stileid.u32  }
0x72: {  	s1 =	rddreg [dreg:$0x1];
	p0 =	sne.s32 s2, $0x0  }
0x73: {  	s3 =	rddreg [dreg:$0x2];
	[bflag:$0x3] =	sbarrier.arrive $0xFFFF;
	s2 =	simm.s32 @!p0 $0x1C07  }
0x74: {  	[timem:s3], [sflag:s2] =	dma.local @!p0 [hbm:s0], s1  }
0x75: {  	s0 =	simm.s32 @!p0 $0x7  }
0x76: {  	_ =	swait.ge @!p0 [sflag:s0], s1  }
0x77: {  	s1 =	ssub.s32 @!p0 $0x0, s1;
	[sflag:s0] =	ssyncset.done @!p0 $0x0  }
0x78: {  	[sflag:s0] =	ssyncadd.s32 @!p0 s1  }
0x79: {  	[bflag:$0x3] =	sbarrier.arrive $0xFFFF  }
0x7a: {  	_ =	shalt  }

// kernel: kernel.20.cloned.1.call-start
scs
__scs_entry_jumppad:
0x0: {  	(pc) =	sbr.rel $0x88, $3  }
0x1: {  	(tag) =	ssettag $0x0;
	lr =	simm.s32 $0x1  }
0x2: {  	[smem:$0x3F8A] =	sst lr;
	_ =	strace $0xD0000000  }
0x3: {  	_ = 	snop  }
0x4: {  	_ = 	snop  }
0x5: {  	_ = 	snop  }
0x6: {  	_ = 	snop  }
0x7: {  	_ = 	snop  }
__scs_overlays_trampoline_lowered:
0x8: {  	[smem:$0x3F99] =	sst s0  }
0x9: {  	[smem:$0x3F9A] =	sst s1  }
0xa: {  	[smem:$0x3F9B] =	sst s2  }
0xb: {  	[smem:$0x3F9C] =	sst s3  }
0xc: {  	[smem:$0x3F9D] =	sst s4  }
0xd: {  	[smem:$0x3F9E] =	sst s5  }
0xe: {  	[smem:$0x3F9F] =	sst s6  }
0xf: {  	[smem:$0x3FA0] =	sst s7  }
0x10: {  	[smem:$0x3FA1] =	sst s8  }
0x11: {  	[smem:$0x3FA2] =	sst s9;
	s0 =	simm.s32 @!p0 $0x0  }
0x12: {  	s1 =	sld [smem:$0x3F88];
	s0 =	simm.s32 @p0 $0x1  }
0x13: {  	[smem:$0x3FA3] =	sst s0;
	s0 =	simm.s32 @!p1 $0x0  }
0x14: {  	s2 =	sld [smem:$0x3F87];
	s0 =	simm.s32 @p1 $0x1  }
0x15: {  	[smem:$0x3FA4] =	sst s0;
	s0 =	simm.s32 @!p2 $0x0  }
0x16: {  	s3 =	sld [smem:$0x3FDB];
	s0 =	simm.s32 @p2 $0x1  }
0x17: {  	s4 =	simm.s32 $0x1BF5;
	[smem:$0x3FA6] =	sst s0  }
0x18: {  	s0 =	sld [smem:$0x3F89];
	_ =	swait.ge [sflag:s4], $0x0  }
0x19: {  	s7 =	sld [smem:$0x3F8A]  }
0x1a: {  	s8 =	sadd.s32 $0xFFFFE003, lr  }
0x1b: {  	s9 =	sadd.s32 $0xFFFFFEF7, lr;
	s5 =	simm.s32 $0xFFFFFFFF;
	p2 =	slt.u32 s8, $0xFFFFF086  }
0x1c: {  	p1 =	slt.u32 s9, $0xF7A;
	s5 =	simm.s32 @!p2 $0x0  }
0x1d: {  	s5 =	simm.s32 @p1 $0x1;
	p0 =	seq.s32 s7, s2  }
0x1e: {  	s7 =	smul.u32 @!p0 $0xF7A, s2;
	p2 =	seq.s32 @!p0 s5, $0x0  }
0x1f: {  	s9 =	smul.u32 $0xF7A, s1;
	s8 =	simm.s32 @!p0 $0x1BF5;
	p2 =	por !p2, p0  }
0x20: {  	[sflag:s8] =	ssyncset.s32 @!p0 $0xFFFFF086;
	s6 =	sadd.s32 @!p0 s3, s7;
	s7 =	simm.s32 @!p0 $0x108  }
0x21: {  	s3 =	sadd.s32 s3, s9;
	s6 =	sadd.s32 @!p0 $0x88, s6;
	s7 =	simm.s32 @p2 $0x1082  }
0x22: {  	[simem:s7], [sflag:s8] =	dma.local @!p0 [hbm:s6], $0xF7A  }
0x23: {  	s9 =	sor.u32 $0xD0000000, s2;
	s6 =	simm.s32 $0x108;
	_ =	swait.ge @!p0 [sflag:s8], $0x0  }
0x24: {  	s3 =	sadd.s32 $0x88, s3;
	s6 =	simm.s32 @!p1 $0x1082;
	[sflag:s4] =	ssyncset.s32 $0xFFFFF086  }
0x25: {  	[simem:s6], [sflag:s4] =	dma.local [hbm:s3], $0xF7A  }
0x26: {  	[smem:$0x3F8A] =	sst s1;
	(tag) =	ssettag s2;
	_ =	strace s9  }
0x27: {  	s1 =	sld [smem:$0x3F9A]  }
0x28: {  	s2 =	sld [smem:$0x3F9B]  }
0x29: {  	s4 =	sld [smem:$0x3F9D]  }
0x2a: {  	p0 =	seq.s32 s5, $0x0;
	s5 =	sld [smem:$0x3F9E]  }
0x2b: {  	s6 =	sld [smem:$0x3F9F]  }
0x2c: {  	s7 =	sld [smem:$0x3FA0]  }
0x2d: {  	s3 =	simm.s32 $0x108;
	s8 =	sld [smem:$0x3FA1]  }
0x2e: {  	s3 =	simm.s32 @!p0 $0x1082;
	s9 =	sld [smem:$0x3FA2]  }
0x2f: {  	lr =	sadd.s32 s0, s3;
	s0 =	sld [smem:$0x3F99]  }
0x30: {  	s3 =	sld [smem:$0x3F9C]  }
0x31: {  	[smem:$0x3FA5] =	sst s10  }
0x32: {  	s10 =	sld [smem:$0x3FA3];
	_ =	sdelay $0x3  }
0x33: {  	p0 =	seq.s32 s10, $0x1;
	s10 =	sld [smem:$0x3FA5];
	_ =	sdelay $0x3  }
0x34: {  	[smem:$0x3FA5] =	sst s10  }
0x35: {  	s10 =	sld [smem:$0x3FA4];
	_ =	sdelay $0x3  }
0x36: {  	p1 =	seq.s32 s10, $0x1;
	s10 =	sld [smem:$0x3FA5];
	_ =	sdelay $0x3  }
0x37: {  	[smem:$0x3FA5] =	sst s10  }
0x38: {  	s10 =	sld [smem:$0x3FA6]  }
0x39: {  	_ = 	snop;
	(pc) =	sbr.ind lr, $3  }
0x3a: {  	_ = 	snop  }
0x3b: {  	_ = 	snop  }
0x3c: {  	p2 =	seq.s32 s10, $0x1;
	s10 =	sld [smem:$0x3FA5]  }
0x3d: {  	_ =	shalt  }
0x3e: {  	_ =	shalt  }
0x3f: {  	_ =	shalt  }
0x40: {  	_ =	shalt  }
0x41: {  	_ =	shalt  }
0x42: {  	_ =	shalt  }
0x43: {  	_ =	shalt  }
0x44: {  	_ =	shalt  }
0x45: {  	_ =	shalt  }
0x46: {  	_ =	shalt  }
0x47: {  	_ =	shalt  }
0x48: {  	_ =	shalt  }
0x49: {  	_ =	shalt  }
0x4a: {  	_ =	shalt  }
0x4b: {  	_ =	shalt  }
0x4c: {  	_ =	shalt  }
0x4d: {  	_ =	shalt  }
0x4e: {  	_ =	shalt  }
0x4f: {  	_ =	shalt  }
0x50: {  	_ =	shalt  }
0x51: {  	_ =	shalt  }
0x52: {  	_ =	shalt  }
0x53: {  	_ =	shalt  }
0x54: {  	_ =	shalt  }
0x55: {  	_ =	shalt  }
0x56: {  	_ =	shalt  }
0x57: {  	_ =	shalt  }
0x58: {  	_ =	shalt  }
0x59: {  	_ =	shalt  }
0x5a: {  	_ =	shalt  }
0x5b: {  	_ =	shalt  }
0x5c: {  	_ =	shalt  }
0x5d: {  	_ =	shalt  }
0x5e: {  	_ =	shalt  }
0x5f: {  	_ =	shalt  }
0x60: {  	_ =	shalt  }
0x61: {  	_ =	shalt  }
0x62: {  	_ =	shalt  }
0x63: {  	_ =	shalt  }
0x64: {  	_ =	shalt  }
0x65: {  	_ =	shalt  }
0x66: {  	_ =	shalt  }
0x67: {  	_ =	shalt  }
0x68: {  	_ =	shalt  }
0x69: {  	_ =	shalt  }
0x6a: {  	_ =	shalt  }
0x6b: {  	_ =	shalt  }
0x6c: {  	_ =	shalt  }
0x6d: {  	_ =	shalt  }
0x6e: {  	_ =	shalt  }
0x6f: {  	_ =	shalt  }
0x70: {  	_ =	shalt  }
0x71: {  	_ =	shalt  }
0x72: {  	_ =	shalt  }
0x73: {  	_ =	shalt  }
0x74: {  	_ =	shalt  }
0x75: {  	_ =	shalt  }
0x76: {  	_ =	shalt  }
0x77: {  	_ =	shalt  }
0x78: {  	_ =	shalt  }
0x79: {  	_ =	shalt  }
0x7a: {  	_ =	shalt  }
0x7b: {  	_ =	shalt  }
0x7c: {  	_ =	shalt  }
0x7d: {  	_ =	shalt  }
0x7e: {  	_ =	shalt  }
0x7f: {  	_ =	shalt  }
0x80: {  	_ =	shalt  }
0x81: {  	_ =	shalt  }
0x82: {  	_ =	shalt  }
0x83: {  	_ =	shalt  }
0x84: {  	_ =	shalt  }
0x85: {  	_ =	shalt  }
0x86: {  	_ =	shalt  }
0x87: {  	_ =	shalt  }
.Lfunc_end0:
.L_simem_size_0:
called_computation.3_lowered:
.L_overlay_start_0:
0x88: {  	s2 =	sld [smem:$0x3FD9]  }
0x89: {  	s3 =	sld [smem:$0x3FFE];
	_ =	sdelay $0x1  }
0x8a: {  	s1 =	srdreg.scid  }
0x8b: {  	s0 =	sand.u32 $0x1, s1  }
0x8c: {  	s17 =	sshll.u32 s0, $0xA;
	s2 =	sadd.s32 s3, s2  }
0x8d: {  	s2 =	sadd.s32 s2, s17  }
0x8e: {  	[smem:$0x3FB1] =	sst s2  }
0x8f: {  	_ = 	snop  }
0x90: {  	(tm) =	ssettm $0x1  }
0x91: {  	s18 =	sld [smem:$0x3FFB];
	_ =	sdelay $0x3  }
0x92: {  	_ =	strace s18  }
0x93: {  	s2 =	sld [smem:$0x3FFC];
	_ =	sdelay $0x3  }
0x94: {  	_ =	strace s2  }
0x95: {  	s2 =	sld [smem:$0x3FFD];
	_ =	sdelay $0x3  }
0x96: {  	_ =	strace s2  }
0x97: {  	_ =	strace $0x8FFFFFFF  }
0x98: {  	s19 =	sld [smem:$0x3FDB];
	_ =	sdelay $0x1  }
0x99: {  	s20 =	simm.s32 $_scs_section_size  }
0x9a: {  	s4 =	simm.s32 $_size__tile_overlayer_lowered;
	s5 =	simm.s32 $_tile_overlayer_lowered  }
0x9b: {  	s6 =	simm.s32 $0x1BFF;
	s21 =	sshll.u32 s5, $0x1;
	s3 =	sadd.s32 s20, s19  }
0x9c: {  	s22 =	simm.s32 $0x0;
	s4 =	sshll.u32 s4, $0x1;
	s5 =	sadd.s32 s21, s3  }
0x9d: {  	[timem:s22], [sflag:s6] =	dma.local [hbm:s5], s4  }
0x9e: {  	_ =	swait.ge [sflag:s6], s4  }
0x9f: {  	s4 =	ssub.s32 $0x0, s4;
	[sflag:s6] =	ssyncset.done $0x0  }
0xa0: {  	[sflag:s6] =	ssyncadd.s32 s4;
	_ =	sdelay $0x1  }
0xa1: {  	s23 =	simm.s32 $0x1B8B  }
0xa2: {  	_ =	swait.ge [sflag:s23], $0x1  }
0xa3: {  	[sflag:s23] =	ssyncset.done $0x0  }
0xa4: {  	[sflag:s23] =	ssyncadd.s32 $0xFFFFFFFF  }
0xa5: {  	s4 =	sld [smem:$0x0]  }
0xa6: {  	s5 =	sand.u32 $0xFFFFFFFE, s1  }
0xa7: {  	p0 =	sne.s32 s1, s5  }
0xa8: {  	s5 =	sshll.u32 @p0 s5, $0xE  }
0xa9: {  	s5 =	sadd.s32 @p0 $0x11B8D, s5;
	s6 =	sshll.u32 @p0 s4, $0x11  }
0xaa: {  	s5 =	sor.u32 @p0 s6, s5  }
0xab: {  	[sflag:s5] =	ssyncadd.remote.s32 @p0 $0x1;
	_ =	sdelay $0x1  }
0xac: {  	s5 =	simm.s32 @p0 $0x1B8D  }
0xad: {  	_ =	swait.eq @p0 [sflag:s5], $0x1  }
0xae: {  	[sflag:s5] =	ssyncadd.s32 @p0 $0xFFFFFFFF  }
0xaf: {  	s6 =	sshll.u32 @!p0 s1, $0xE  }
0xb0: {  	s6 =	sor.u32 @!p0 $0x4000, s6;
	s5 =	simm.s32 @!p0 $0x1B8D  }
0xb1: {  	s4 =	sshll.u32 @!p0 s4, $0x11;
	s6 =	sadd.s32 @!p0 $0x11B8D, s6;
	_ =	swait.eq @!p0 [sflag:s5], $0x1  }
0xb2: {  	s4 =	sor.u32 @!p0 s4, s6;
	[sflag:s5] =	ssyncadd.s32 @!p0 $0xFFFFFFFF  }
0xb3: {  	s25 =	simm.s32 $0x1B8E;
	s24 =	sld [smem:$0x3FFE];
	[sflag:s4] =	ssyncadd.remote.s32 @!p0 $0x1  }
0xb4: {  	s26 =	simm.s32 $execute0_lowered;
	[smem:$0x3FD2] =	sst s25  }
0xb5: {  	s5 =	sshll.u32 s26, $0x1;
	_ =	strace $0x8000004C;
	[dreg:$0x1] =	wrdreg $0xFFFFFFFF  }
0xb6: {  	s28 =	simm.s32 $_size_execute0_lowered;
	s3 =	sadd.s32 s3, s5;
	[dreg:$0x0] =	wrdreg $0x0  }
0xb7: {  	s5 =	sshll.u32 s28, $0x1;
	[dreg:$0x2] =	wrdreg s3  }
0xb8: {  	[dreg:$0x3] =	wrdreg s5  }
0xb9: {  	[dreg:$0x4] =	wrdreg $0xC0  }
0xba: {  	_ =	task [dreg:s22], $0x5FFFF  }
0xbb: {  	[dreg:$0x1] =	wrdreg $0xFFFFFFFF  }
0xbc: {  	[dreg:$0x0] =	wrdreg $0x60  }
0xbd: {  	[dreg:$0x2] =	wrdreg s24  }
0xbe: {  	[dreg:$0x3] =	wrdreg $0x29000  }
0xbf: {  	[dreg:$0x4] =	wrdreg $0xA  }
0xc0: {  	_ =	task.clear_ibuf [dreg:s22], $0x5FFFF;
	_ =	strace $0x9000004C  }
0xc1: {  	s29 =	simm.s32 $0xA;
	_ =	strace $0x8000004E  }
0xc2: {  	_ =	swait.ge [sflag:s29], $0x1  }
0xc3: {  	[sflag:s29] =	ssyncadd.s32 $0xFFFFFFFF  }
0xc4: {  	_ =	strace $0x9000004E  }
0xc5: {  	_ =	sfence  }
0xc6: {  	s30 =	sld [smem:$0x0];
	_ =	sdelay $0x2  }
0xc7: {  	s31 =	sshll.u32 s1, $0xD;
	s1 =	sshrl.u32 s1, $0x2  }
0xc8: {  	s4 =	sand.u32 $0x4000, s31;
	s1 =	sadd.s32 s1, s30  }
0xc9: {  	s0 =	sor.u32 s4, s0;
	s1 =	sshll.u32 s1, $0x11  }
0xca: {  	s0 =	sor.u32 s1, s0  }
0xcb: {  	s0 =	sadd.s32 $0x8F2B, s0  }
0xcc: {  	[sflag:s0] =	ssyncadd.remote.s32 $0x1  }
0xcd: {  	_ =	sfence.sel $0xFFFF  }
0xce: {  	[dreg:$0x0] =	wrdreg $0xFFFFFFFF;
	(pc) =	sbr.abs _section_cstart, $3  }
0xcf: {  	[dreg:$0x1] =	wrdreg $0xFFFFFFFF  }
0xd0: {  	_ =	task.clear_ibuf [dreg:s22], $0x2FFFF;
	_ =	strace $0x9FFFFFFF  }
0xd1: {  	(tm) =	ssettm $0x7FFFFFFF  }
tec
execute0_lowered:
.L_overlay_start_1:
0x0: {  	(tag) =	ssettag $0x1  }
0x1: {  	s0 =	rddreg [dreg:$0x0]  }
0x2: {  	s1 =	rddreg [dreg:$0x1];
	s2 =	simm.s32 $0x0;
	s14 =	stileid.u32  }
0x3: {  	s5 =	srdreg.scid;
	s28 =	simm.s32 $0x3;
	s29 =	simm.s32 $0x6  }
0x4: {  	s30 =	simm.s32 $0x0;
	[smem:$0x7FF] =	sst s2;
	s4 =	smul.u32 $0x2700, s14  }
0x5: {  	s12 =	sadd.s32 $0x9DDA00, s0;
	s3 =	sadd.s32 $0xFA00, s0;
	s7 =	smul.u32 $0x4E000, s14  }
0x6: {  	s11 =	sand.u32 $0x1, s5;
	s13 =	sadd.s32 $0x40C00, s0;
	s24 =	smul.u32 $0x27100, s14  }
0x7: {  	s9 =	sshll.u32 s14, $0x1;
	s20 =	sshll.u32 s14, $0x6;
	s17 =	smul.u32 $0x27100, s11  }
0x8: {  	p0 =	sne.s32 s14, $0x0;
	_ =	strace $0x8000004D;
	s23 =	smul.u32 $0x138800, s11  }
0x9: {  	s6 =	ssub.s32 $0x2, s11;
	s19 =	sor.u32 s11, s9;
	s25 =	smul.u32 $0x13880, s11  }
0xa: {  	s18 =	sadd.s32 s4, s0;
	s8 =	sshrl.u32 s6, $0x1;
	s9 =	smul.u32 $0x1388, s19  }
0xb: {  	s7 =	sshrl.u32 s7, $0x2;
	s21 =	smul.u32 $0x13880, s19;
	s0 =	sadd.s32 $0x40A00, s0  }
0xc: {  	s19 =	smul.u32 $0x2710, s14;
	s26 =	sadd.s32 s24, s12;
	s24 =	simm.s32 $0x28  }
0xd: {  	s15 =	ssub.s32 s6, s8;
	s16 =	sadd.s32 s7, s1;
	s5 =	sadd.s32 $0x19A00, s18  }
0xe: {  	s18 =	sadd.s32 $0x138000, s1;
	[dreg:$0x4] =	wrdreg s0;
	s4 =	sadd.s32 s4, s17  }
0xf: {  	s0 =	sshrl.u32 s23, $0x3;
	s17 =	sadd.s32 s25, s26;
	s23 =	simm.s32 $0x2  }
0x10: {  	s25 =	simm.s32 $0x4;
	s26 =	simm.s32 $0x5;
	[dreg:$0x3] =	wrdreg s5  }
0x11: {  	s5 =	sor.u32 $0x1C07, s20;
	s22 =	sshrl.u32 s9, $0x3;
	s8 =	sadd.s32 s12, s21  }
0x12: {  	s9 =	sadd.s32 $0x1360, s9;
	s21 =	smul.u32 $0x1388, s11;
	s11 =	sadd.s32 s13, s4  }
0x13: {  	s0 =	sadd.s32 s13, s0;
	s13 =	smax.u32 s15, $0x1;
	s16 =	sshrl.u32 s16, $0x3  }
0x14: {  	s18 =	sshrl.u32 @!p0 s18, $0x3;
	s7 =	sadd.s32 s3, s22;
	s10 =	sshrl.u32 s9, $0x3  }
0x15: {  	s20 =	sshll.u32 s9, $0x4;
	s22 =	simm.s32 $0x1;
	s9 =	sadd.s32 s3, s10  }
0x16: {  	s10 =	sadd.s32 s12, s20;
	s12 =	sadd.s32 $0x27000, s0;
	s31 =	sadd.s32 s21, s19  }
0x17: {  	s0 =	sadd.s32 $0x280, s17;
	s17 =	simm.s32 $0x7;
	s19 =	simm.s32 $0x80  }
0x18: {  	s20 =	simm.s32 $0x1480;
	s21 =	simm.s32 $0x1500;
	s4 =	sadd.s32 $0x28, s31  }
.LBB2_1:
0x19: {  	s6 =	rddreg [dreg:$0x3]  }
0x1a: {  	[spmem:s16], [sflag:s5] =	dma.local [hbm:s6], $0x2700  }
0x1b: {  	_ =	swait.ge [sflag:s17], $0x2700  }
0x1c: {  	[sflag:s17] =	ssyncset.done $0x0  }
0x1d: {  	s14 =	simm.s32 @!p0 $0x7;
	s6 =	rddreg [dreg:$0x4];
	[sflag:s17] =	ssyncadd.s32 $0xFFFFD900  }
0x1e: {  	[spmem:s18], [sflag:s5] =	dma.local @!p0 [hbm:s6], $0x100  }
0x1f: {  	_ =	swait.ge @!p0 [sflag:s14], $0x100  }
0x20: {  	[sflag:s14] =	ssyncset.done @!p0 $0x0  }
.Ltmp0:
0x21: {  	[sflag:s14] =	ssyncadd.s32 @!p0 $0xFFFFFF00;
	(pc) =	sbr.rel .LBB2_2-.Ltmp0, $4  }
0x22: {  	[bflag:$0x0] =	sbarrier.arrive $0xFFFF  }
0x23: {  	[tilespmem:s2], [sflag:$0x1] =	stream.linear.gather [hbm4b:s7+s2], $0x28, $0x38;
	[tilespmem:$0x16180] =	vst v63  }
0x24: {  	s31 =	simm.s32 $0x3D;
	s15 =	smov.u32 s0;
	s14 =	smov.u32 s4  }
0x25: {  	[tilespmem:s19], [sflag:$0x2] =	stream.linear.gather [hbm4b:s8+s2], $0x1400, $0x38;
	[tilespmem:$0x16180] =	vst v63  }
.LBB2_3:
0x26: {  	[spmem:s1] =	stream.indirect.scatter.add.f32 [tilespmem:s19], [sflag:$0x3], $0x80, s2, s24, $0xb8;
	[tilespmem:$0x16180] =	vst v63  }
0x27: {  	_ =	swait.ge [sflag:s25], $0x28  }
0x28: {  	[sflag:s25] =	ssyncset.done $0x0  }
0x29: {  	[sflag:s25] =	ssyncadd.s32 $0xFFFFFFD8  }
0x2a: {  	_ =	swait.ge [sflag:s26], $0x1400  }
0x2b: {  	[sflag:s26] =	ssyncset.done $0x0  }
0x2c: {  	[sflag:s26] =	ssyncadd.s32 $0xFFFFEC00  }
0x2d: {  	[spmem:s1] =	stream.indirect.scatter.add.f32 [tilespmem:s21], [sflag:$0x6], $0x80, s20, s24, $0xb8;
	[tilespmem:$0x16180] =	vst v63  }
.LBB2_5:
0x2e: {  	s6 =	sadd.s32 $0x28, s14  }
0x2f: {  	s6 =	sshrl.u32 s6, $0x3  }
0x30: {  	s14 =	sadd.s32 $0x50, s14;
	s6 =	sadd.s32 s3, s6  }
0x31: {  	[tilespmem:s2], [sflag:$0x1] =	stream.linear.gather [hbm4b:s6+s2], $0x28, $0x38;
	[tilespmem:$0x16180] =	vst v63  }
0x32: {  	s31 =	sadd.s32 $0xFFFFFFFF, s31;
	s6 =	sadd.s32 $0x280, s15;
	s15 =	sadd.s32 $0x500, s15  }
0x33: {  	[tilespmem:s19], [sflag:$0x2] =	stream.linear.gather [hbm4b:s6+s2], $0x1400, $0x38;
	[tilespmem:$0x16180] =	vst v63  }
.LBB2_2:
0x34: {  	s6 =	sshrl.u32 s14, $0x3  }
0x35: {  	s6 =	sadd.s32 s3, s6  }
0x36: {  	[tilespmem:s20], [sflag:$0x4] =	stream.linear.gather [hbm4b:s6+s2], $0x28, $0x38;
	[tilespmem:$0x16180] =	vst v63  }
0x37: {  	_ = 	snop  }
0x38: {  	[tilespmem:s21], [sflag:$0x5] =	stream.linear.gather [hbm4b:s15+s2], $0x1400, $0x38;
	[tilespmem:$0x16180] =	vst v63  }
0x39: {  	p1 =	sne.s32 s31, $0x3D;
	_ =	swait.ge [sflag:s22], $0x28  }
.Ltmp1:
0x3a: {  	[sflag:s22] =	ssyncset.done $0x0;
	(pc) =	sbr.rel @!p1 .LBB2_3-.Ltmp1, $4  }
0x3b: {  	[sflag:s22] =	ssyncadd.s32 $0xFFFFFFD8  }
0x3c: {  	_ =	swait.ge [sflag:s23], $0x1400  }
0x3d: {  	[sflag:s23] =	ssyncset.done $0x0  }
0x3e: {  	[sflag:s23] =	ssyncadd.s32 $0xFFFFEC00  }
0x3f: {  	_ =	swait.ge [sflag:s28], $0x1400  }
0x40: {  	[sflag:s28] =	ssyncset.done $0x0  }
0x41: {  	[sflag:s28] =	ssyncadd.s32 $0xFFFFEC00  }
0x42: {  	[spmem:s1] =	stream.indirect.scatter.add.f32 [tilespmem:s19], [sflag:$0x3], $0x80, s2, s24, $0xb8;
	[tilespmem:$0x16180] =	vst v63  }
0x43: {  	_ =	swait.ge [sflag:s25], $0x28  }
0x44: {  	[sflag:s25] =	ssyncset.done $0x0  }
0x45: {  	[sflag:s25] =	ssyncadd.s32 $0xFFFFFFD8  }
0x46: {  	_ =	swait.ge [sflag:s26], $0x1400  }
0x47: {  	p1 =	seq.s32 s31, $0x0;
	[sflag:s26] =	ssyncset.done $0x0  }
.Ltmp2:
0x48: {  	[sflag:s26] =	ssyncadd.s32 $0xFFFFEC00;
	(pc) =	sbr.rel @!p1 .LBB2_5-.Ltmp2, $4  }
0x49: {  	_ =	swait.ge [sflag:s29], $0x1400  }
0x4a: {  	[sflag:s29] =	ssyncset.done $0x0  }
0x4b: {  	[sflag:s29] =	ssyncadd.s32 $0xFFFFEC00  }
0x4c: {  	[spmem:s1] =	stream.indirect.scatter.add.f32 [tilespmem:s21], [sflag:$0x6], $0x80, s20, s24, $0xb8;
	[tilespmem:$0x16180] =	vst v63  }
0x4d: {  	[tilespmem:s2], [sflag:$0x1] =	stream.linear.gather [hbm4b:s9+s2], $0x28, $0x38;
	[tilespmem:$0x16180] =	vst v63  }
0x4e: {  	_ = 	snop  }
0x4f: {  	[tilespmem:s19], [sflag:$0x2] =	stream.linear.gather [hbm4b:s10+s2], $0x1400, $0x38;
	[tilespmem:$0x16180] =	vst v63  }
0x50: {  	_ =	swait.ge [sflag:s22], $0x28  }
0x51: {  	[sflag:s22] =	ssyncset.done $0x0  }
0x52: {  	[sflag:s22] =	ssyncadd.s32 $0xFFFFFFD8  }
0x53: {  	_ =	swait.ge [sflag:s23], $0x1400  }
0x54: {  	[sflag:s23] =	ssyncset.done $0x0  }
0x55: {  	[sflag:s23] =	ssyncadd.s32 $0xFFFFEC00  }
0x56: {  	_ =	swait.ge [sflag:s28], $0x1400  }
0x57: {  	[sflag:s28] =	ssyncset.done $0x0  }
0x58: {  	[sflag:s28] =	ssyncadd.s32 $0xFFFFEC00  }
0x59: {  	[spmem:s1] =	stream.indirect.scatter.add.f32 [tilespmem:s19], [sflag:$0x3], $0x80, s2, s24, $0xb8;
	[tilespmem:$0x16180] =	vst v63  }
0x5a: {  	_ =	swait.ge [sflag:s28], $0x1400  }
0x5b: {  	[sflag:s28] =	ssyncset.done $0x0  }
0x5c: {  	[sflag:s28] =	ssyncadd.s32 $0xFFFFEC00  }
0x5d: {  	_ =	swait.ge [sflag:s29], $0x1400  }
0x5e: {  	[sflag:s29] =	ssyncset.done $0x0  }
0x5f: {  	[sflag:s29] =	ssyncadd.s32 $0xFFFFEC00  }
0x60: {  	[bflag:$0x0] =	sbarrier.arrive $0xFFFF  }
0x61: {  	[hbm:s11], [sflag:s5] =	dma.local [spmem:s16], $0x2700  }
0x62: {  	s30 =	sadd.s32 $0x1, s30;
	_ =	swait.ge [sflag:s17], $0x2700  }
0x63: {  	p1 =	sne.s32 s30, s13;
	[sflag:s17] =	ssyncset.done $0x0  }
.Ltmp3:
0x64: {  	s6 =	simm.s32 @!p0 $0x7;
	[sflag:s17] =	ssyncadd.s32 $0xFFFFD900;
	(pc) =	sbr.rel @p1 .LBB2_1-.Ltmp3, $4  }
0x65: {  	[hbm:s12], [sflag:s5] =	dma.local @!p0 [spmem:s18], $0x100  }
0x66: {  	_ =	swait.ge @!p0 [sflag:s6], $0x100  }
0x67: {  	[sflag:s6] =	ssyncset.done @!p0 $0x0  }
0x68: {  	[sflag:s6] =	ssyncadd.s32 @!p0 $0xFFFFFF00  }
0x69: {  	_ =	sfence.sel $0x180000  }
0x6a: {  	[bflag:$0x0] =	sbarrier.arrive $0xFFFF  }
0x6b: {  	_ =	strace $0x9000004D  }
0x6c: {  	[bflag:$0x2] =	sbarrier.arrive $0xFFFF  }
0x6d: {  	s0 =	rddreg [dreg:$0x2]  }
0x6e: {  	s0 =	sadd.s32 @!p0 $0x100000, s0  }
0x6f: {  	[sflag:s0] =	ssyncadd.tile.s32 @!p0 $0x1;
	_ =	shalt  }
.Lfunc_end2:
_tile_overlayer_lowered:
.L_overlay_start_2:
0x70: {  	(tag) =	ssettag $0x2  }
0x71: {  	s0 =	rddreg [dreg:$0x0];
	s2 =	stileid.u32  }
0x72: {  	s1 =	rddreg [dreg:$0x1];
	p0 =	sne.s32 s2, $0x0  }
0x73: {  	s3 =	rddreg [dreg:$0x2];
	[bflag:$0x3] =	sbarrier.arrive $0xFFFF;
	s2 =	simm.s32 @!p0 $0x1C07  }
0x74: {  	[timem:s3], [sflag:s2] =	dma.local @!p0 [hbm:s0], s1  }
0x75: {  	s0 =	simm.s32 @!p0 $0x7  }
0x76: {  	_ =	swait.ge @!p0 [sflag:s0], s1  }
0x77: {  	s1 =	ssub.s32 @!p0 $0x0, s1;
	[sflag:s0] =	ssyncset.done @!p0 $0x0  }
0x78: {  	[sflag:s0] =	ssyncadd.s32 @!p0 s1  }
0x79: {  	[bflag:$0x3] =	sbarrier.arrive $0xFFFF  }
0x7a: {  	_ =	shalt  }

</sc_bundles>
